<compile_context>
chip_gen: v7x
topology: tpu7x:2x2x1
jax: 0.10.2.dev20260603
libtpu: 0.0.44.dev20260713+nightly
codegen_flags: <defaults>
</compile_context>

<pallas_src>
import functools

import jax
import jax.numpy as jnp
from jax import lax
from jax.experimental import pallas as pl
from jax.experimental.pallas import tpu as pltpu
from jax.experimental.pallas import tpu_sc as plsc

_N = 10000
_D = 128
_E = 320000

_NC = 2
_NS = 16
_NW = _NC * _NS

_N_TAB = 10016
_N_PAD = 10112
_EPW = 10240
_E_PAD = _EPW * _NW
_CHUNK = 64
_NCHUNK = _EPW // _CHUNK
_IBLK = 16
_NBLK = _NCHUNK // _IBLK
_ROWS_OUT = 624
_ZROWS = _N_PAD // _NS



def _mlp_body(x_ref, w_ref, b_ref, a_ref, c_ref):
    xb = x_ref[...]
    w = w_ref[...]
    a_ref[...] = jnp.dot(xb, w[:_D, :], preferred_element_type=jnp.float32) + b_ref[...]
    c_ref[...] = jnp.dot(xb, w[_D:, :], preferred_element_type=jnp.float32)


def _mlp(x, W, b2d):
    blk = 1000
    return pl.pallas_call(
        _mlp_body,
        grid=(_N // blk,),
        in_specs=[pl.BlockSpec((blk, _D), lambda i: (i, 0)),
                  pl.BlockSpec((2 * _D, _D), lambda i: (0, 0)),
                  pl.BlockSpec((1, _D), lambda i: (0, 0))],
        out_specs=[pl.BlockSpec((blk, _D), lambda i: (i, 0)),
                   pl.BlockSpec((blk, _D), lambda i: (i, 0))],
        out_shape=[jax.ShapeDtypeStruct((_N, _D), jnp.float32),
                   jax.ShapeDtypeStruct((_N, _D), jnp.float32)],
    )(x, W, b2d)


def _writeback(src_sh, dst_hbm, c, s):
    obase = s * _ROWS_OUT

    @pl.when(s < _NS - 1)
    def _():
        pltpu.sync_copy(src_sh.at[pl.ds(obase, _ROWS_OUT)],
                        dst_hbm.at[c, pl.ds(obase, _ROWS_OUT)])

    @pl.when(s == _NS - 1)
    def _():
        last = _N - (_NS - 1) * _ROWS_OUT
        lbase = (_NS - 1) * _ROWS_OUT
        pltpu.sync_copy(src_sh.at[pl.ds(lbase, last)],
                        dst_hbm.at[c, pl.ds(lbase, last)])



def _edge_body(a_hbm, b_hbm, src_hbm, dst_hbm, vals_out,
               sidx, didx, rows, rowsb, semi, sema, semb, acc):
    c = lax.axis_index("c")
    s = lax.axis_index("s")
    wid = s * _NC + c

    zero16 = jnp.zeros((16,), jnp.float32)

    def zrow(r, carry):
        for j in range(_D // 16):
            rows[0, r, pl.ds(j * 16, 16)] = zero16
        return carry
    lax.fori_loop(0, _CHUNK, zrow, 0)

    zbase = s * _ZROWS
    for z in range(_ZROWS // _CHUNK):
        pltpu.sync_copy(rows.at[0, pl.ds(0, _CHUNK)],
                        acc.at[pl.ds(zbase + z * _CHUNK, _CHUNK)])
    ztail = _ZROWS % _CHUNK
    if ztail:
        zoff = zbase + (_ZROWS // _CHUNK) * _CHUNK
        pltpu.sync_copy(rows.at[0, pl.ds(0, ztail)], acc.at[pl.ds(zoff, ztail)])
    plsc.subcore_barrier()

    erow = wid * _EPW

    _IB = _IBLK * _CHUNK

    def start_idx(bb, ibs):
        e0 = erow + bb * _IB
        pltpu.async_copy(src_hbm.at[pl.ds(e0, _IB)], sidx.at[ibs], semi.at[ibs])
        for j in range(_IBLK):
            pltpu.async_copy(dst_hbm.at[pl.ds(e0 + j * _CHUNK, _CHUNK)],
                             didx.at[ibs * _IBLK + j], semi.at[ibs])

    def wait_idx(bb, ibs):
        e0 = erow + bb * _IB
        pltpu.make_async_copy(src_hbm.at[pl.ds(e0, _IB)], sidx.at[ibs],
                              semi.at[ibs]).wait()
        for j in range(_IBLK):
            pltpu.make_async_copy(dst_hbm.at[pl.ds(e0 + j * _CHUNK, _CHUNK)],
                                  didx.at[ibs * _IBLK + j], semi.at[ibs]).wait()

    def start_gather(ibs, j, slot):
        pltpu.async_copy(a_hbm.at[sidx.at[ibs, pl.ds(j * _CHUNK, _CHUNK)]],
                         rows.at[slot], sema.at[slot])
        pltpu.async_copy(b_hbm.at[didx.at[ibs * _IBLK + j]],
                         rowsb.at[slot], semb.at[slot])

    def wait_gather(ibs, j, slot):
        pltpu.make_async_copy(a_hbm.at[sidx.at[ibs, pl.ds(j * _CHUNK, _CHUNK)]],
                              rows.at[slot], sema.at[slot]).wait()
        pltpu.make_async_copy(b_hbm.at[didx.at[ibs * _IBLK + j]],
                              rowsb.at[slot], semb.at[slot]).wait()

    start_idx(0, 0)

    def block(bb, carry):
        ibs = lax.rem(bb, 2)
        wait_idx(bb, ibs)

        @pl.when(bb < _NBLK - 1)
        def _():
            start_idx(bb + 1, 1 - ibs)
        start_gather(ibs, 0, 0)

        def chunk(j, inner):
            slot = lax.rem(j, 2)

            @pl.when(j < _IBLK - 1)
            def _():
                start_gather(ibs, j + 1, 1 - slot)
            wait_gather(ibs, j, slot)

            def relu_row(r, rin):
                for jj in range(_D // 16):
                    sl = pl.ds(jj * 16, 16)
                    rows[slot, r, sl] = jnp.maximum(
                        rows[slot, r, sl] + rowsb[slot, r, sl], 0.0)
                return rin
            lax.fori_loop(0, _CHUNK, relu_row, 0)

            pltpu.sync_copy(rows.at[slot], acc.at[didx.at[ibs * _IBLK + j]],
                            add=True)
            return inner
        lax.fori_loop(0, _IBLK, chunk, 0)
        return carry
    lax.fori_loop(0, _NBLK, block, 0)

    plsc.subcore_barrier()
    _writeback(acc, vals_out, c, s)


_edge_call = functools.partial(
    pl.kernel,
    out_type=jax.ShapeDtypeStruct((_NC, _N, _D), jnp.float32),
    mesh=plsc.VectorSubcoreMesh(core_axis_name="c", subcore_axis_name="s"),
    scratch_types=[
        pltpu.VMEM((2, _IBLK * _CHUNK), jnp.int32),
        pltpu.VMEM((2 * _IBLK, _CHUNK), jnp.int32),
        pltpu.VMEM((2, _CHUNK, _D), jnp.float32),
        pltpu.VMEM((2, _CHUNK, _D), jnp.float32),
        pltpu.SemaphoreType.DMA((2,)),
        pltpu.SemaphoreType.DMA((2,)),
        pltpu.SemaphoreType.DMA((2,)),
        pltpu.VMEM_SHARED((_N_PAD, _D), jnp.float32),
    ],
)(_edge_body)



def _cnt_body(dst_hbm, cnt_out, didx, ones, semi, cacc):
    c = lax.axis_index("c")
    s = lax.axis_index("s")
    wid = s * _NC + c

    zero16 = jnp.zeros((16,), jnp.float32)
    ones16 = jnp.ones((16,), jnp.float32)

    def zone(r, carry):
        for j in range(_D // 16):
            ones[r, pl.ds(j * 16, 16)] = zero16
        return carry
    lax.fori_loop(0, _CHUNK, zone, 0)

    zbase = s * _ZROWS
    for z in range(_ZROWS // _CHUNK):
        pltpu.sync_copy(ones.at[pl.ds(0, _CHUNK)],
                        cacc.at[pl.ds(zbase + z * _CHUNK, _CHUNK)])
    ztail = _ZROWS % _CHUNK
    if ztail:
        zoff = zbase + (_ZROWS // _CHUNK) * _CHUNK
        pltpu.sync_copy(ones.at[pl.ds(0, ztail)], cacc.at[pl.ds(zoff, ztail)])

    def fone(r, carry):
        ones[r, pl.ds(0, 16)] = ones16
        return carry
    lax.fori_loop(0, _CHUNK, fone, 0)
    plsc.subcore_barrier()

    erow = wid * _EPW
    _IB = _IBLK * _CHUNK

    def start_idx(bb, ibs):
        e0 = erow + bb * _IB
        for j in range(_IBLK):
            pltpu.async_copy(dst_hbm.at[pl.ds(e0 + j * _CHUNK, _CHUNK)],
                             didx.at[ibs * _IBLK + j], semi.at[ibs])

    def wait_idx(bb, ibs):
        e0 = erow + bb * _IB
        for j in range(_IBLK):
            pltpu.make_async_copy(dst_hbm.at[pl.ds(e0 + j * _CHUNK, _CHUNK)],
                                  didx.at[ibs * _IBLK + j], semi.at[ibs]).wait()

    start_idx(0, 0)

    def block(bb, carry):
        ibs = lax.rem(bb, 2)
        wait_idx(bb, ibs)

        @pl.when(bb < _NBLK - 1)
        def _():
            start_idx(bb + 1, 1 - ibs)

        def chunk(j, inner):
            pltpu.sync_copy(ones, cacc.at[didx.at[ibs * _IBLK + j]], add=True)
            return inner
        lax.fori_loop(0, _IBLK, chunk, 0)
        return carry
    lax.fori_loop(0, _NBLK, block, 0)

    plsc.subcore_barrier()
    _writeback(cacc, cnt_out, c, s)


_cnt_call = functools.partial(
    pl.kernel,
    out_type=jax.ShapeDtypeStruct((_NC, _N, _D), jnp.float32),
    mesh=plsc.VectorSubcoreMesh(core_axis_name="c", subcore_axis_name="s"),
    scratch_types=[
        pltpu.VMEM((2 * _IBLK, _CHUNK), jnp.int32),
        pltpu.VMEM((_CHUNK, _D), jnp.float32),
        pltpu.SemaphoreType.DMA((2,)),
        pltpu.VMEM_SHARED((_N_PAD, _D), jnp.float32),
    ],
)(_cnt_body)



def _comb_body(pv_ref, pc_ref, out_ref):
    vals = pv_ref[0] + pv_ref[1]
    cnt = pc_ref[0, :, 0:1] + pc_ref[1, :, 0:1]
    out_ref[...] = vals / jnp.maximum(cnt, 1.0)


def _combine(pvals, pcnt):
    blk = 1000
    return pl.pallas_call(
        _comb_body,
        grid=(_N // blk,),
        in_specs=[pl.BlockSpec((_NC, blk, _D), lambda i: (0, i, 0)),
                  pl.BlockSpec((_NC, blk, _D), lambda i: (0, i, 0))],
        out_specs=pl.BlockSpec((blk, _D), lambda i: (i, 0)),
        out_shape=jax.ShapeDtypeStruct((_N, _D), jnp.float32),
    )(pvals, pcnt)


def kernel(x, edge_index, W, b):
    A, B = _mlp(x, W, b.reshape(1, _D))
    A = jnp.pad(A, ((0, _N_TAB - _N), (0, 0)))
    B = jnp.pad(B, ((0, _N_TAB - _N), (0, 0)))
    src = edge_index[0].astype(jnp.int32)
    dst = edge_index[1].astype(jnp.int32)
    pad = _E_PAD - _E
    src2 = jnp.concatenate([src, jnp.zeros((pad,), jnp.int32)])
    dst2 = jnp.concatenate([dst, jnp.full((pad,), _N, jnp.int32)])
    pvals = _edge_call(A, B, src2, dst2)
    pcnt = _cnt_call(dst2)
    return _combine(pvals, pcnt)

# --- scband reference (transcript-rebuilt; emitter-appended) ---
"""Pipeline reference for scband-edge-conv-8229157339586 (READ-ONLY COPY).

The authoritative reference and input builder live on the scoring server;
editing this copy changes nothing except your own understanding.
"""

import jax, jax.numpy as jnp
import numpy as np

N = 10000
E = 320000
D = 128

def setup_inputs(seed: int = 0) -> dict:
    key = jax.random.key(seed)
    k1, k2, k3, k4 = jax.random.split(key, 4)
    x = jax.random.normal(k1, (N, D), dtype=jnp.float32)
    edge_index = jax.random.randint(k2, (2, E), 0, N)
    # MLP params: Seq(Lin(2*D -> D), ReLU)
    W = jax.random.normal(k3, (2 * D, D), dtype=jnp.float32) * 0.05
    b = jnp.zeros((D,), dtype=jnp.float32)
    return {"x": x, "edge_index": edge_index, "W": W, "b": b}

def reference(x, edge_index, W, b):
    src = edge_index[0]
    dst = edge_index[1]
    # apply_edges: concat src and dst hidden features per edge
    msg = jnp.concatenate([x[src], x[dst]], axis=1)  # [E, 2*D] gather
    # edata['out'] = mlp(edata['out'])
    out = jax.nn.relu(msg @ W + b)  # [E, D]
    # update_all(copy_e, mean): mean of incoming edge messages per dst node
    summed = jax.ops.segment_sum(out, dst, num_segments=N)  # scatter-add
    cnt = jax.ops.segment_sum(jnp.ones((E,), dtype=out.dtype), dst, num_segments=N)
    hid = summed / jnp.maximum(cnt, 1.0)[:, None]
    return hid

if __name__ == "__main__":
    import jax
    _d = setup_inputs()
    print(jax.jit(kernel)(*tuple(_d.values())))

</pallas_src>

<mosaic_0001>
#map = affine_map<(d0, d1) -> (0)>
#map1 = affine_map<(d0, d1) -> (0, 0, 0)>
module attributes {stable_mosaic.version = 14 : i64} {
  func.func @_cnt_body(%arg0: i32, %arg1: i32, %arg2: memref<327680xi32, #tpu.memory_space<hbm>>, %arg3: memref<2x10000x128xf32, #tpu.memory_space<hbm>>, %arg4: memref<32x64xi32, #tpu.memory_space<vmem>>, %arg5: memref<64x128xf32, #tpu.memory_space<vmem>>, %arg6: memref<2x!tpu.dma_semaphore, #tpu.memory_space<semaphore_mem>>, %arg7: memref<10112x128xf32, #tpu.memory_space<vmem_shared>>) attributes {dimension_semantics = [#tpu.dimension_semantics<core_parallel>, #tpu.dimension_semantics<subcore_parallel>], iteration_bounds = array<i64: 2, 16>, scalar_prefetch = 0 : i64, scratch_operands = 4 : i64, tpu.core_type = #tpu.core_type<sc_vector_subcore>, window_params = [{transform_indices = #map}, {transform_indices = #map1}]} {
    %mul3A = arith.constant 2 : i32
    %mul3A_0 = arith.muli %arg1, %mul3A : i32
    %add3A = arith.addi %mul3A_0, %arg0 : i32
    %broadcast_in_dim3A = arith.constant 0.000000e+00 : f32
    %broadcast_in_dim3A_1 = vector.broadcast %broadcast_in_dim3A : f32 to vector<16xf32>
    %broadcast_in_dim3A_2 = arith.constant 1.000000e+00 : f32
    %broadcast_in_dim3A_3 = vector.broadcast %broadcast_in_dim3A_2 : f32 to vector<16xf32>
    %scan3A = arith.constant 0 : i32
    %scan3A_4 = arith.constant 0 : i32
    %scan3A_5 = arith.constant 64 : i32
    %scan3A_6 = arith.addi %scan3A_4, %scan3A_5 : i32
    %scan3A_7 = arith.constant 1 : i32
    scf.for %scan3A_279 = %scan3A_4 to %scan3A_6 step %scan3A_7  : i32 {
      %swap3A = arith.index_cast %scan3A_279 : i32 to index
      %swap3A_280 = arith.constant 0 : index
      %swap3A_281 = tpu.vector_load %arg5[%swap3A, %swap3A_280] {strides = array<i32>} : memref<64x128xf32, #tpu.memory_space<vmem>>, vector<1x16xf32>,
      %swap3A_282 = vector.shape_cast %swap3A_281 : vector<1x16xf32> to vector<16xf32>
      %swap3A_283 = vector.shape_cast %broadcast_in_dim3A_1 : vector<16xf32> to vector<1x16xf32>
      tpu.vector_store %arg5[%swap3A, %swap3A_280], %swap3A_283 {strides = array<i32>} : memref<64x128xf32, #tpu.memory_space<vmem>>, vector<1x16xf32>,
      %swap3A_284 = arith.index_cast %scan3A_279 : i32 to index
      %swap3A_285 = arith.constant 16 : index
      %swap3A_286 = tpu.vector_load %arg5[%swap3A_284, %swap3A_285] {strides = array<i32>} : memref<64x128xf32, #tpu.memory_space<vmem>>, vector<1x16xf32>,
      %swap3A_287 = vector.shape_cast %swap3A_286 : vector<1x16xf32> to vector<16xf32>
      %swap3A_288 = vector.shape_cast %broadcast_in_dim3A_1 : vector<16xf32> to vector<1x16xf32>
      tpu.vector_store %arg5[%swap3A_284, %swap3A_285], %swap3A_288 {strides = array<i32>} : memref<64x128xf32, #tpu.memory_space<vmem>>, vector<1x16xf32>,
      %swap3A_289 = arith.index_cast %scan3A_279 : i32 to index
      %swap3A_290 = arith.constant 32 : index
      %swap3A_291 = tpu.vector_load %arg5[%swap3A_289, %swap3A_290] {strides = array<i32>} : memref<64x128xf32, #tpu.memory_space<vmem>>, vector<1x16xf32>,
      %swap3A_292 = vector.shape_cast %swap3A_291 : vector<1x16xf32> to vector<16xf32>
      %swap3A_293 = vector.shape_cast %broadcast_in_dim3A_1 : vector<16xf32> to vector<1x16xf32>
      tpu.vector_store %arg5[%swap3A_289, %swap3A_290], %swap3A_293 {strides = array<i32>} : memref<64x128xf32, #tpu.memory_space<vmem>>, vector<1x16xf32>,
      %swap3A_294 = arith.index_cast %scan3A_279 : i32 to index
      %swap3A_295 = arith.constant 48 : index
      %swap3A_296 = tpu.vector_load %arg5[%swap3A_294, %swap3A_295] {strides = array<i32>} : memref<64x128xf32, #tpu.memory_space<vmem>>, vector<1x16xf32>,
      %swap3A_297 = vector.shape_cast %swap3A_296 : vector<1x16xf32> to vector<16xf32>
      %swap3A_298 = vector.shape_cast %broadcast_in_dim3A_1 : vector<16xf32> to vector<1x16xf32>
      tpu.vector_store %arg5[%swap3A_294, %swap3A_295], %swap3A_298 {strides = array<i32>} : memref<64x128xf32, #tpu.memory_space<vmem>>, vector<1x16xf32>,
      %swap3A_299 = arith.index_cast %scan3A_279 : i32 to index
      %swap3A_300 = arith.constant 64 : index
      %swap3A_301 = tpu.vector_load %arg5[%swap3A_299, %swap3A_300] {strides = array<i32>} : memref<64x128xf32, #tpu.memory_space<vmem>>, vector<1x16xf32>,
      %swap3A_302 = vector.shape_cast %swap3A_301 : vector<1x16xf32> to vector<16xf32>
      %swap3A_303 = vector.shape_cast %broadcast_in_dim3A_1 : vector<16xf32> to vector<1x16xf32>
      tpu.vector_store %arg5[%swap3A_299, %swap3A_300], %swap3A_303 {strides = array<i32>} : memref<64x128xf32, #tpu.memory_space<vmem>>, vector<1x16xf32>,
      %swap3A_304 = arith.index_cast %scan3A_279 : i32 to index
      %swap3A_305 = arith.constant 80 : index
      %swap3A_306 = tpu.vector_load %arg5[%swap3A_304, %swap3A_305] {strides = array<i32>} : memref<64x128xf32, #tpu.memory_space<vmem>>, vector<1x16xf32>,
      %swap3A_307 = vector.shape_cast %swap3A_306 : vector<1x16xf32> to vector<16xf32>
      %swap3A_308 = vector.shape_cast %broadcast_in_dim3A_1 : vector<16xf32> to vector<1x16xf32>
      tpu.vector_store %arg5[%swap3A_304, %swap3A_305], %swap3A_308 {strides = array<i32>} : memref<64x128xf32, #tpu.memory_space<vmem>>, vector<1x16xf32>,
      %swap3A_309 = arith.index_cast %scan3A_279 : i32 to index
      %swap3A_310 = arith.constant 96 : index
      %swap3A_311 = tpu.vector_load %arg5[%swap3A_309, %swap3A_310] {strides = array<i32>} : memref<64x128xf32, #tpu.memory_space<vmem>>, vector<1x16xf32>,
      %swap3A_312 = vector.shape_cast %swap3A_311 : vector<1x16xf32> to vector<16xf32>
      %swap3A_313 = vector.shape_cast %broadcast_in_dim3A_1 : vector<16xf32> to vector<1x16xf32>
      tpu.vector_store %arg5[%swap3A_309, %swap3A_310], %swap3A_313 {strides = array<i32>} : memref<64x128xf32, #tpu.memory_space<vmem>>, vector<1x16xf32>,
      %swap3A_314 = arith.index_cast %scan3A_279 : i32 to index
      %swap3A_315 = arith.constant 112 : index
      %swap3A_316 = tpu.vector_load %arg5[%swap3A_314, %swap3A_315] {strides = array<i32>} : memref<64x128xf32, #tpu.memory_space<vmem>>, vector<1x16xf32>,
      %swap3A_317 = vector.shape_cast %swap3A_316 : vector<1x16xf32> to vector<16xf32>
      %swap3A_318 = vector.shape_cast %broadcast_in_dim3A_1 : vector<16xf32> to vector<1x16xf32>
      tpu.vector_store %arg5[%swap3A_314, %swap3A_315], %swap3A_318 {strides = array<i32>} : memref<64x128xf32, #tpu.memory_space<vmem>>, vector<1x16xf32>,
    }
    %scan3A_8 = arith.constant 64 : i32
    %mul3A_9 = arith.constant 632 : i32
    %mul3A_10 = arith.muli %arg1, %mul3A_9 : i32
    %add3A_11 = arith.constant 0 : i32
    %add3A_12 = arith.addi %mul3A_10, %add3A_11 : i32
    "tpu.region"() ({
      %run_scoped3A = tpu.sem_alloc : memref<!tpu.dma_semaphore, #tpu.memory_space<semaphore_mem>>
      %dma_start3A_279 = arith.constant 0 : i32
      %dma_start3A_280 = arith.constant 0 : i32
      %dma_start3A_281 = tpu.memref_slice %arg5[%dma_start3A_279, %dma_start3A_280] : memref<64x128xf32, #tpu.memory_space<vmem>> -> memref<64x128xf32, #tpu.memory_space<vmem>>
      %dma_start3A_282 = arith.constant 0 : i32
      %dma_start3A_283 = tpu.memref_slice %arg7[%add3A_12, %dma_start3A_282] : memref<10112x128xf32, #tpu.memory_space<vmem_shared>> -> memref<64x128xf32, #tpu.memory_space<vmem_shared>>
      %dma_start3A_284 = arith.constant 0 : i32
      %dma_start3A_285 = tpu.memref_slice %arg7[%add3A_12, %dma_start3A_284] : memref<10112x128xf32, #tpu.memory_space<vmem_shared>> -> memref<64x128xf32, #tpu.memory_space<vmem_shared>>
      %dma_start3A_286 = arith.constant 0 : i32
      %dma_start3A_287 = arith.constant 0 : i32
      %dma_start3A_288 = tpu.memref_slice %arg5[%dma_start3A_286, %dma_start3A_287] : memref<64x128xf32, #tpu.memory_space<vmem>> -> memref<64x128xf32, #tpu.memory_space<vmem>>
      tpu.enqueue_dma source(%dma_start3A_288 : memref<64x128xf32, #tpu.memory_space<vmem>>) target(%dma_start3A_285 : memref<64x128xf32, #tpu.memory_space<vmem_shared>>) target_semaphore(%run_scoped3A : memref<!tpu.dma_semaphore, #tpu.memory_space<semaphore_mem>>)
      %dma_wait3A = arith.constant 0 : i32
      %dma_wait3A_289 = arith.constant 0 : i32
      %dma_wait3A_290 = tpu.memref_slice %arg5[%dma_wait3A, %dma_wait3A_289] : memref<64x128xf32, #tpu.memory_space<vmem>> -> memref<64x128xf32, #tpu.memory_space<vmem>>
      %dma_wait3A_291 = arith.constant 0 : i32
      %dma_wait3A_292 = tpu.memref_slice %arg7[%add3A_12, %dma_wait3A_291] : memref<10112x128xf32, #tpu.memory_space<vmem_shared>> -> memref<64x128xf32, #tpu.memory_space<vmem_shared>>
      %dma_wait3A_293 = arith.constant 0 : i32
      %dma_wait3A_294 = tpu.memref_slice %arg7[%add3A_12, %dma_wait3A_293] : memref<10112x128xf32, #tpu.memory_space<vmem_shared>> -> memref<64x128xf32, #tpu.memory_space<vmem_shared>>
      %dma_wait3A_295 = arith.constant 0 : i32
      %dma_wait3A_296 = arith.constant 0 : i32
      %dma_wait3A_297 = tpu.memref_slice %arg5[%dma_wait3A_295, %dma_wait3A_296] : memref<64x128xf32, #tpu.memory_space<vmem>> -> memref<64x128xf32, #tpu.memory_space<vmem>>
      tpu.wait_dma2 semaphore(%run_scoped3A : memref<!tpu.dma_semaphore, #tpu.memory_space<semaphore_mem>>) src(%dma_wait3A_297 : memref<64x128xf32, #tpu.memory_space<vmem>>) dst(%dma_wait3A_294 : memref<64x128xf32, #tpu.memory_space<vmem_shared>>)
      tpu.yield
    }) : () -> ()
    %add3A_13 = arith.constant 64 : i32
    %add3A_14 = arith.addi %mul3A_10, %add3A_13 : i32
    "tpu.region"() ({
      %run_scoped3A = tpu.sem_alloc : memref<!tpu.dma_semaphore, #tpu.memory_space<semaphore_mem>>
      %dma_start3A_279 = arith.constant 0 : i32
      %dma_start3A_280 = arith.constant 0 : i32
      %dma_start3A_281 = tpu.memref_slice %arg5[%dma_start3A_279, %dma_start3A_280] : memref<64x128xf32, #tpu.memory_space<vmem>> -> memref<64x128xf32, #tpu.memory_space<vmem>>
      %dma_start3A_282 = arith.constant 0 : i32
      %dma_start3A_283 = tpu.memref_slice %arg7[%add3A_14, %dma_start3A_282] : memref<10112x128xf32, #tpu.memory_space<vmem_shared>> -> memref<64x128xf32, #tpu.memory_space<vmem_shared>>
      %dma_start3A_284 = arith.constant 0 : i32
      %dma_start3A_285 = tpu.memref_slice %arg7[%add3A_14, %dma_start3A_284] : memref<10112x128xf32, #tpu.memory_space<vmem_shared>> -> memref<64x128xf32, #tpu.memory_space<vmem_shared>>
      %dma_start3A_286 = arith.constant 0 : i32
      %dma_start3A_287 = arith.constant 0 : i32
      %dma_start3A_288 = tpu.memref_slice %arg5[%dma_start3A_286, %dma_start3A_287] : memref<64x128xf32, #tpu.memory_space<vmem>> -> memref<64x128xf32, #tpu.memory_space<vmem>>
      tpu.enqueue_dma source(%dma_start3A_288 : memref<64x128xf32, #tpu.memory_space<vmem>>) target(%dma_start3A_285 : memref<64x128xf32, #tpu.memory_space<vmem_shared>>) target_semaphore(%run_scoped3A : memref<!tpu.dma_semaphore, #tpu.memory_space<semaphore_mem>>)
      %dma_wait3A = arith.constant 0 : i32
      %dma_wait3A_289 = arith.constant 0 : i32
      %dma_wait3A_290 = tpu.memref_slice %arg5[%dma_wait3A, %dma_wait3A_289] : memref<64x128xf32, #tpu.memory_space<vmem>> -> memref<64x128xf32, #tpu.memory_space<vmem>>
      %dma_wait3A_291 = arith.constant 0 : i32
      %dma_wait3A_292 = tpu.memref_slice %arg7[%add3A_14, %dma_wait3A_291] : memref<10112x128xf32, #tpu.memory_space<vmem_shared>> -> memref<64x128xf32, #tpu.memory_space<vmem_shared>>
      %dma_wait3A_293 = arith.constant 0 : i32
      %dma_wait3A_294 = tpu.memref_slice %arg7[%add3A_14, %dma_wait3A_293] : memref<10112x128xf32, #tpu.memory_space<vmem_shared>> -> memref<64x128xf32, #tpu.memory_space<vmem_shared>>
      %dma_wait3A_295 = arith.constant 0 : i32
      %dma_wait3A_296 = arith.constant 0 : i32
      %dma_wait3A_297 = tpu.memref_slice %arg5[%dma_wait3A_295, %dma_wait3A_296] : memref<64x128xf32, #tpu.memory_space<vmem>> -> memref<64x128xf32, #tpu.memory_space<vmem>>
      tpu.wait_dma2 semaphore(%run_scoped3A : memref<!tpu.dma_semaphore, #tpu.memory_space<semaphore_mem>>) src(%dma_wait3A_297 : memref<64x128xf32, #tpu.memory_space<vmem>>) dst(%dma_wait3A_294 : memref<64x128xf32, #tpu.memory_space<vmem_shared>>)
      tpu.yield
    }) : () -> ()
    %add3A_15 = arith.constant 128 : i32
    %add3A_16 = arith.addi %mul3A_10, %add3A_15 : i32
    "tpu.region"() ({
      %run_scoped3A = tpu.sem_alloc : memref<!tpu.dma_semaphore, #tpu.memory_space<semaphore_mem>>
      %dma_start3A_279 = arith.constant 0 : i32
      %dma_start3A_280 = arith.constant 0 : i32
      %dma_start3A_281 = tpu.memref_slice %arg5[%dma_start3A_279, %dma_start3A_280] : memref<64x128xf32, #tpu.memory_space<vmem>> -> memref<64x128xf32, #tpu.memory_space<vmem>>
      %dma_start3A_282 = arith.constant 0 : i32
      %dma_start3A_283 = tpu.memref_slice %arg7[%add3A_16, %dma_start3A_282] : memref<10112x128xf32, #tpu.memory_space<vmem_shared>> -> memref<64x128xf32, #tpu.memory_space<vmem_shared>>
      %dma_start3A_284 = arith.constant 0 : i32
      %dma_start3A_285 = tpu.memref_slice %arg7[%add3A_16, %dma_start3A_284] : memref<10112x128xf32, #tpu.memory_space<vmem_shared>> -> memref<64x128xf32, #tpu.memory_space<vmem_shared>>
      %dma_start3A_286 = arith.constant 0 : i32
      %dma_start3A_287 = arith.constant 0 : i32
      %dma_start3A_288 = tpu.memref_slice %arg5[%dma_start3A_286, %dma_start3A_287] : memref<64x128xf32, #tpu.memory_space<vmem>> -> memref<64x128xf32, #tpu.memory_space<vmem>>
      tpu.enqueue_dma source(%dma_start3A_288 : memref<64x128xf32, #tpu.memory_space<vmem>>) target(%dma_start3A_285 : memref<64x128xf32, #tpu.memory_space<vmem_shared>>) target_semaphore(%run_scoped3A : memref<!tpu.dma_semaphore, #tpu.memory_space<semaphore_mem>>)
      %dma_wait3A = arith.constant 0 : i32
      %dma_wait3A_289 = arith.constant 0 : i32
      %dma_wait3A_290 = tpu.memref_slice %arg5[%dma_wait3A, %dma_wait3A_289] : memref<64x128xf32, #tpu.memory_space<vmem>> -> memref<64x128xf32, #tpu.memory_space<vmem>>
      %dma_wait3A_291 = arith.constant 0 : i32
      %dma_wait3A_292 = tpu.memref_slice %arg7[%add3A_16, %dma_wait3A_291] : memref<10112x128xf32, #tpu.memory_space<vmem_shared>> -> memref<64x128xf32, #tpu.memory_space<vmem_shared>>
      %dma_wait3A_293 = arith.constant 0 : i32
      %dma_wait3A_294 = tpu.memref_slice %arg7[%add3A_16, %dma_wait3A_293] : memref<10112x128xf32, #tpu.memory_space<vmem_shared>> -> memref<64x128xf32, #tpu.memory_space<vmem_shared>>
      %dma_wait3A_295 = arith.constant 0 : i32
      %dma_wait3A_296 = arith.constant 0 : i32
      %dma_wait3A_297 = tpu.memref_slice %arg5[%dma_wait3A_295, %dma_wait3A_296] : memref<64x128xf32, #tpu.memory_space<vmem>> -> memref<64x128xf32, #tpu.memory_space<vmem>>
      tpu.wait_dma2 semaphore(%run_scoped3A : memref<!tpu.dma_semaphore, #tpu.memory_space<semaphore_mem>>) src(%dma_wait3A_297 : memref<64x128xf32, #tpu.memory_space<vmem>>) dst(%dma_wait3A_294 : memref<64x128xf32, #tpu.memory_space<vmem_shared>>)
      tpu.yield
    }) : () -> ()
    %add3A_17 = arith.constant 192 : i32
    %add3A_18 = arith.addi %mul3A_10, %add3A_17 : i32
    "tpu.region"() ({
      %run_scoped3A = tpu.sem_alloc : memref<!tpu.dma_semaphore, #tpu.memory_space<semaphore_mem>>
      %dma_start3A_279 = arith.constant 0 : i32
      %dma_start3A_280 = arith.constant 0 : i32
      %dma_start3A_281 = tpu.memref_slice %arg5[%dma_start3A_279, %dma_start3A_280] : memref<64x128xf32, #tpu.memory_space<vmem>> -> memref<64x128xf32, #tpu.memory_space<vmem>>
      %dma_start3A_282 = arith.constant 0 : i32
      %dma_start3A_283 = tpu.memref_slice %arg7[%add3A_18, %dma_start3A_282] : memref<10112x128xf32, #tpu.memory_space<vmem_shared>> -> memref<64x128xf32, #tpu.memory_space<vmem_shared>>
      %dma_start3A_284 = arith.constant 0 : i32
      %dma_start3A_285 = tpu.memref_slice %arg7[%add3A_18, %dma_start3A_284] : memref<10112x128xf32, #tpu.memory_space<vmem_shared>> -> memref<64x128xf32, #tpu.memory_space<vmem_shared>>
      %dma_start3A_286 = arith.constant 0 : i32
      %dma_start3A_287 = arith.constant 0 : i32
      %dma_start3A_288 = tpu.memref_slice %arg5[%dma_start3A_286, %dma_start3A_287] : memref<64x128xf32, #tpu.memory_space<vmem>> -> memref<64x128xf32, #tpu.memory_space<vmem>>
      tpu.enqueue_dma source(%dma_start3A_288 : memref<64x128xf32, #tpu.memory_space<vmem>>) target(%dma_start3A_285 : memref<64x128xf32, #tpu.memory_space<vmem_shared>>) target_semaphore(%run_scoped3A : memref<!tpu.dma_semaphore, #tpu.memory_space<semaphore_mem>>)
      %dma_wait3A = arith.constant 0 : i32
      %dma_wait3A_289 = arith.constant 0 : i32
      %dma_wait3A_290 = tpu.memref_slice %arg5[%dma_wait3A, %dma_wait3A_289] : memref<64x128xf32, #tpu.memory_space<vmem>> -> memref<64x128xf32, #tpu.memory_space<vmem>>
      %dma_wait3A_291 = arith.constant 0 : i32
      %dma_wait3A_292 = tpu.memref_slice %arg7[%add3A_18, %dma_wait3A_291] : memref<10112x128xf32, #tpu.memory_space<vmem_shared>> -> memref<64x128xf32, #tpu.memory_space<vmem_shared>>
      %dma_wait3A_293 = arith.constant 0 : i32
      %dma_wait3A_294 = tpu.memref_slice %arg7[%add3A_18, %dma_wait3A_293] : memref<10112x128xf32, #tpu.memory_space<vmem_shared>> -> memref<64x128xf32, #tpu.memory_space<vmem_shared>>
      %dma_wait3A_295 = arith.constant 0 : i32
      %dma_wait3A_296 = arith.constant 0 : i32
      %dma_wait3A_297 = tpu.memref_slice %arg5[%dma_wait3A_295, %dma_wait3A_296] : memref<64x128xf32, #tpu.memory_space<vmem>> -> memref<64x128xf32, #tpu.memory_space<vmem>>
      tpu.wait_dma2 semaphore(%run_scoped3A : memref<!tpu.dma_semaphore, #tpu.memory_space<semaphore_mem>>) src(%dma_wait3A_297 : memref<64x128xf32, #tpu.memory_space<vmem>>) dst(%dma_wait3A_294 : memref<64x128xf32, #tpu.memory_space<vmem_shared>>)
      tpu.yield
    }) : () -> ()
    %add3A_19 = arith.constant 256 : i32
    %add3A_20 = arith.addi %mul3A_10, %add3A_19 : i32
    "tpu.region"() ({
      %run_scoped3A = tpu.sem_alloc : memref<!tpu.dma_semaphore, #tpu.memory_space<semaphore_mem>>
      %dma_start3A_279 = arith.constant 0 : i32
      %dma_start3A_280 = arith.constant 0 : i32
      %dma_start3A_281 = tpu.memref_slice %arg5[%dma_start3A_279, %dma_start3A_280] : memref<64x128xf32, #tpu.memory_space<vmem>> -> memref<64x128xf32, #tpu.memory_space<vmem>>
      %dma_start3A_282 = arith.constant 0 : i32
      %dma_start3A_283 = tpu.memref_slice %arg7[%add3A_20, %dma_start3A_282] : memref<10112x128xf32, #tpu.memory_space<vmem_shared>> -> memref<64x128xf32, #tpu.memory_space<vmem_shared>>
      %dma_start3A_284 = arith.constant 0 : i32
      %dma_start3A_285 = tpu.memref_slice %arg7[%add3A_20, %dma_start3A_284] : memref<10112x128xf32, #tpu.memory_space<vmem_shared>> -> memref<64x128xf32, #tpu.memory_space<vmem_shared>>
      %dma_start3A_286 = arith.constant 0 : i32
      %dma_start3A_287 = arith.constant 0 : i32
      %dma_start3A_288 = tpu.memref_slice %arg5[%dma_start3A_286, %dma_start3A_287] : memref<64x128xf32, #tpu.memory_space<vmem>> -> memref<64x128xf32, #tpu.memory_space<vmem>>
      tpu.enqueue_dma source(%dma_start3A_288 : memref<64x128xf32, #tpu.memory_space<vmem>>) target(%dma_start3A_285 : memref<64x128xf32, #tpu.memory_space<vmem_shared>>) target_semaphore(%run_scoped3A : memref<!tpu.dma_semaphore, #tpu.memory_space<semaphore_mem>>)
      %dma_wait3A = arith.constant 0 : i32
      %dma_wait3A_289 = arith.constant 0 : i32
      %dma_wait3A_290 = tpu.memref_slice %arg5[%dma_wait3A, %dma_wait3A_289] : memref<64x128xf32, #tpu.memory_space<vmem>> -> memref<64x128xf32, #tpu.memory_space<vmem>>
      %dma_wait3A_291 = arith.constant 0 : i32
      %dma_wait3A_292 = tpu.memref_slice %arg7[%add3A_20, %dma_wait3A_291] : memref<10112x128xf32, #tpu.memory_space<vmem_shared>> -> memref<64x128xf32, #tpu.memory_space<vmem_shared>>
      %dma_wait3A_293 = arith.constant 0 : i32
      %dma_wait3A_294 = tpu.memref_slice %arg7[%add3A_20, %dma_wait3A_293] : memref<10112x128xf32, #tpu.memory_space<vmem_shared>> -> memref<64x128xf32, #tpu.memory_space<vmem_shared>>
      %dma_wait3A_295 = arith.constant 0 : i32
      %dma_wait3A_296 = arith.constant 0 : i32
      %dma_wait3A_297 = tpu.memref_slice %arg5[%dma_wait3A_295, %dma_wait3A_296] : memref<64x128xf32, #tpu.memory_space<vmem>> -> memref<64x128xf32, #tpu.memory_space<vmem>>
      tpu.wait_dma2 semaphore(%run_scoped3A : memref<!tpu.dma_semaphore, #tpu.memory_space<semaphore_mem>>) src(%dma_wait3A_297 : memref<64x128xf32, #tpu.memory_space<vmem>>) dst(%dma_wait3A_294 : memref<64x128xf32, #tpu.memory_space<vmem_shared>>)
      tpu.yield
    }) : () -> ()
    %add3A_21 = arith.constant 320 : i32
    %add3A_22 = arith.addi %mul3A_10, %add3A_21 : i32
    "tpu.region"() ({
      %run_scoped3A = tpu.sem_alloc : memref<!tpu.dma_semaphore, #tpu.memory_space<semaphore_mem>>
      %dma_start3A_279 = arith.constant 0 : i32
      %dma_start3A_280 = arith.constant 0 : i32
      %dma_start3A_281 = tpu.memref_slice %arg5[%dma_start3A_279, %dma_start3A_280] : memref<64x128xf32, #tpu.memory_space<vmem>> -> memref<64x128xf32, #tpu.memory_space<vmem>>
      %dma_start3A_282 = arith.constant 0 : i32
      %dma_start3A_283 = tpu.memref_slice %arg7[%add3A_22, %dma_start3A_282] : memref<10112x128xf32, #tpu.memory_space<vmem_shared>> -> memref<64x128xf32, #tpu.memory_space<vmem_shared>>
      %dma_start3A_284 = arith.constant 0 : i32
      %dma_start3A_285 = tpu.memref_slice %arg7[%add3A_22, %dma_start3A_284] : memref<10112x128xf32, #tpu.memory_space<vmem_shared>> -> memref<64x128xf32, #tpu.memory_space<vmem_shared>>
      %dma_start3A_286 = arith.constant 0 : i32
      %dma_start3A_287 = arith.constant 0 : i32
      %dma_start3A_288 = tpu.memref_slice %arg5[%dma_start3A_286, %dma_start3A_287] : memref<64x128xf32, #tpu.memory_space<vmem>> -> memref<64x128xf32, #tpu.memory_space<vmem>>
      tpu.enqueue_dma source(%dma_start3A_288 : memref<64x128xf32, #tpu.memory_space<vmem>>) target(%dma_start3A_285 : memref<64x128xf32, #tpu.memory_space<vmem_shared>>) target_semaphore(%run_scoped3A : memref<!tpu.dma_semaphore, #tpu.memory_space<semaphore_mem>>)
      %dma_wait3A = arith.constant 0 : i32
      %dma_wait3A_289 = arith.constant 0 : i32
      %dma_wait3A_290 = tpu.memref_slice %arg5[%dma_wait3A, %dma_wait3A_289] : memref<64x128xf32, #tpu.memory_space<vmem>> -> memref<64x128xf32, #tpu.memory_space<vmem>>
      %dma_wait3A_291 = arith.constant 0 : i32
      %dma_wait3A_292 = tpu.memref_slice %arg7[%add3A_22, %dma_wait3A_291] : memref<10112x128xf32, #tpu.memory_space<vmem_shared>> -> memref<64x128xf32, #tpu.memory_space<vmem_shared>>
      %dma_wait3A_293 = arith.constant 0 : i32
      %dma_wait3A_294 = tpu.memref_slice %arg7[%add3A_22, %dma_wait3A_293] : memref<10112x128xf32, #tpu.memory_space<vmem_shared>> -> memref<64x128xf32, #tpu.memory_space<vmem_shared>>
      %dma_wait3A_295 = arith.constant 0 : i32
      %dma_wait3A_296 = arith.constant 0 : i32
      %dma_wait3A_297 = tpu.memref_slice %arg5[%dma_wait3A_295, %dma_wait3A_296] : memref<64x128xf32, #tpu.memory_space<vmem>> -> memref<64x128xf32, #tpu.memory_space<vmem>>
      tpu.wait_dma2 semaphore(%run_scoped3A : memref<!tpu.dma_semaphore, #tpu.memory_space<semaphore_mem>>) src(%dma_wait3A_297 : memref<64x128xf32, #tpu.memory_space<vmem>>) dst(%dma_wait3A_294 : memref<64x128xf32, #tpu.memory_space<vmem_shared>>)
      tpu.yield
    }) : () -> ()
    %add3A_23 = arith.constant 384 : i32
    %add3A_24 = arith.addi %mul3A_10, %add3A_23 : i32
    "tpu.region"() ({
      %run_scoped3A = tpu.sem_alloc : memref<!tpu.dma_semaphore, #tpu.memory_space<semaphore_mem>>
      %dma_start3A_279 = arith.constant 0 : i32
      %dma_start3A_280 = arith.constant 0 : i32
      %dma_start3A_281 = tpu.memref_slice %arg5[%dma_start3A_279, %dma_start3A_280] : memref<64x128xf32, #tpu.memory_space<vmem>> -> memref<64x128xf32, #tpu.memory_space<vmem>>
      %dma_start3A_282 = arith.constant 0 : i32
      %dma_start3A_283 = tpu.memref_slice %arg7[%add3A_24, %dma_start3A_282] : memref<10112x128xf32, #tpu.memory_space<vmem_shared>> -> memref<64x128xf32, #tpu.memory_space<vmem_shared>>
      %dma_start3A_284 = arith.constant 0 : i32
      %dma_start3A_285 = tpu.memref_slice %arg7[%add3A_24, %dma_start3A_284] : memref<10112x128xf32, #tpu.memory_space<vmem_shared>> -> memref<64x128xf32, #tpu.memory_space<vmem_shared>>
      %dma_start3A_286 = arith.constant 0 : i32
      %dma_start3A_287 = arith.constant 0 : i32
      %dma_start3A_288 = tpu.memref_slice %arg5[%dma_start3A_286, %dma_start3A_287] : memref<64x128xf32, #tpu.memory_space<vmem>> -> memref<64x128xf32, #tpu.memory_space<vmem>>
      tpu.enqueue_dma source(%dma_start3A_288 : memref<64x128xf32, #tpu.memory_space<vmem>>) target(%dma_start3A_285 : memref<64x128xf32, #tpu.memory_space<vmem_shared>>) target_semaphore(%run_scoped3A : memref<!tpu.dma_semaphore, #tpu.memory_space<semaphore_mem>>)
      %dma_wait3A = arith.constant 0 : i32
      %dma_wait3A_289 = arith.constant 0 : i32
      %dma_wait3A_290 = tpu.memref_slice %arg5[%dma_wait3A, %dma_wait3A_289] : memref<64x128xf32, #tpu.memory_space<vmem>> -> memref<64x128xf32, #tpu.memory_space<vmem>>
      %dma_wait3A_291 = arith.constant 0 : i32
      %dma_wait3A_292 = tpu.memref_slice %arg7[%add3A_24, %dma_wait3A_291] : memref<10112x128xf32, #tpu.memory_space<vmem_shared>> -> memref<64x128xf32, #tpu.memory_space<vmem_shared>>
      %dma_wait3A_293 = arith.constant 0 : i32
      %dma_wait3A_294 = tpu.memref_slice %arg7[%add3A_24, %dma_wait3A_293] : memref<10112x128xf32, #tpu.memory_space<vmem_shared>> -> memref<64x128xf32, #tpu.memory_space<vmem_shared>>
      %dma_wait3A_295 = arith.constant 0 : i32
      %dma_wait3A_296 = arith.constant 0 : i32
      %dma_wait3A_297 = tpu.memref_slice %arg5[%dma_wait3A_295, %dma_wait3A_296] : memref<64x128xf32, #tpu.memory_space<vmem>> -> memref<64x128xf32, #tpu.memory_space<vmem>>
      tpu.wait_dma2 semaphore(%run_scoped3A : memref<!tpu.dma_semaphore, #tpu.memory_space<semaphore_mem>>) src(%dma_wait3A_297 : memref<64x128xf32, #tpu.memory_space<vmem>>) dst(%dma_wait3A_294 : memref<64x128xf32, #tpu.memory_space<vmem_shared>>)
      tpu.yield
    }) : () -> ()
    %add3A_25 = arith.constant 448 : i32
    %add3A_26 = arith.addi %mul3A_10, %add3A_25 : i32
    "tpu.region"() ({
      %run_scoped3A = tpu.sem_alloc : memref<!tpu.dma_semaphore, #tpu.memory_space<semaphore_mem>>
      %dma_start3A_279 = arith.constant 0 : i32
      %dma_start3A_280 = arith.constant 0 : i32
      %dma_start3A_281 = tpu.memref_slice %arg5[%dma_start3A_279, %dma_start3A_280] : memref<64x128xf32, #tpu.memory_space<vmem>> -> memref<64x128xf32, #tpu.memory_space<vmem>>
      %dma_start3A_282 = arith.constant 0 : i32
      %dma_start3A_283 = tpu.memref_slice %arg7[%add3A_26, %dma_start3A_282] : memref<10112x128xf32, #tpu.memory_space<vmem_shared>> -> memref<64x128xf32, #tpu.memory_space<vmem_shared>>
      %dma_start3A_284 = arith.constant 0 : i32
      %dma_start3A_285 = tpu.memref_slice %arg7[%add3A_26, %dma_start3A_284] : memref<10112x128xf32, #tpu.memory_space<vmem_shared>> -> memref<64x128xf32, #tpu.memory_space<vmem_shared>>
      %dma_start3A_286 = arith.constant 0 : i32
      %dma_start3A_287 = arith.constant 0 : i32
      %dma_start3A_288 = tpu.memref_slice %arg5[%dma_start3A_286, %dma_start3A_287] : memref<64x128xf32, #tpu.memory_space<vmem>> -> memref<64x128xf32, #tpu.memory_space<vmem>>
      tpu.enqueue_dma source(%dma_start3A_288 : memref<64x128xf32, #tpu.memory_space<vmem>>) target(%dma_start3A_285 : memref<64x128xf32, #tpu.memory_space<vmem_shared>>) target_semaphore(%run_scoped3A : memref<!tpu.dma_semaphore, #tpu.memory_space<semaphore_mem>>)
      %dma_wait3A = arith.constant 0 : i32
      %dma_wait3A_289 = arith.constant 0 : i32
      %dma_wait3A_290 = tpu.memref_slice %arg5[%dma_wait3A, %dma_wait3A_289] : memref<64x128xf32, #tpu.memory_space<vmem>> -> memref<64x128xf32, #tpu.memory_space<vmem>>
      %dma_wait3A_291 = arith.constant 0 : i32
      %dma_wait3A_292 = tpu.memref_slice %arg7[%add3A_26, %dma_wait3A_291] : memref<10112x128xf32, #tpu.memory_space<vmem_shared>> -> memref<64x128xf32, #tpu.memory_space<vmem_shared>>
      %dma_wait3A_293 = arith.constant 0 : i32
      %dma_wait3A_294 = tpu.memref_slice %arg7[%add3A_26, %dma_wait3A_293] : memref<10112x128xf32, #tpu.memory_space<vmem_shared>> -> memref<64x128xf32, #tpu.memory_space<vmem_shared>>
      %dma_wait3A_295 = arith.constant 0 : i32
      %dma_wait3A_296 = arith.constant 0 : i32
      %dma_wait3A_297 = tpu.memref_slice %arg5[%dma_wait3A_295, %dma_wait3A_296] : memref<64x128xf32, #tpu.memory_space<vmem>> -> memref<64x128xf32, #tpu.memory_space<vmem>>
      tpu.wait_dma2 semaphore(%run_scoped3A : memref<!tpu.dma_semaphore, #tpu.memory_space<semaphore_mem>>) src(%dma_wait3A_297 : memref<64x128xf32, #tpu.memory_space<vmem>>) dst(%dma_wait3A_294 : memref<64x128xf32, #tpu.memory_space<vmem_shared>>)
      tpu.yield
    }) : () -> ()
    %add3A_27 = arith.constant 512 : i32
    %add3A_28 = arith.addi %mul3A_10, %add3A_27 : i32
    "tpu.region"() ({
      %run_scoped3A = tpu.sem_alloc : memref<!tpu.dma_semaphore, #tpu.memory_space<semaphore_mem>>
      %dma_start3A_279 = arith.constant 0 : i32
      %dma_start3A_280 = arith.constant 0 : i32
      %dma_start3A_281 = tpu.memref_slice %arg5[%dma_start3A_279, %dma_start3A_280] : memref<64x128xf32, #tpu.memory_space<vmem>> -> memref<64x128xf32, #tpu.memory_space<vmem>>
      %dma_start3A_282 = arith.constant 0 : i32
      %dma_start3A_283 = tpu.memref_slice %arg7[%add3A_28, %dma_start3A_282] : memref<10112x128xf32, #tpu.memory_space<vmem_shared>> -> memref<64x128xf32, #tpu.memory_space<vmem_shared>>
      %dma_start3A_284 = arith.constant 0 : i32
      %dma_start3A_285 = tpu.memref_slice %arg7[%add3A_28, %dma_start3A_284] : memref<10112x128xf32, #tpu.memory_space<vmem_shared>> -> memref<64x128xf32, #tpu.memory_space<vmem_shared>>
      %dma_start3A_286 = arith.constant 0 : i32
      %dma_start3A_287 = arith.constant 0 : i32
      %dma_start3A_288 = tpu.memref_slice %arg5[%dma_start3A_286, %dma_start3A_287] : memref<64x128xf32, #tpu.memory_space<vmem>> -> memref<64x128xf32, #tpu.memory_space<vmem>>
      tpu.enqueue_dma source(%dma_start3A_288 : memref<64x128xf32, #tpu.memory_space<vmem>>) target(%dma_start3A_285 : memref<64x128xf32, #tpu.memory_space<vmem_shared>>) target_semaphore(%run_scoped3A : memref<!tpu.dma_semaphore, #tpu.memory_space<semaphore_mem>>)
      %dma_wait3A = arith.constant 0 : i32
      %dma_wait3A_289 = arith.constant 0 : i32
      %dma_wait3A_290 = tpu.memref_slice %arg5[%dma_wait3A, %dma_wait3A_289] : memref<64x128xf32, #tpu.memory_space<vmem>> -> memref<64x128xf32, #tpu.memory_space<vmem>>
      %dma_wait3A_291 = arith.constant 0 : i32
      %dma_wait3A_292 = tpu.memref_slice %arg7[%add3A_28, %dma_wait3A_291] : memref<10112x128xf32, #tpu.memory_space<vmem_shared>> -> memref<64x128xf32, #tpu.memory_space<vmem_shared>>
      %dma_wait3A_293 = arith.constant 0 : i32
      %dma_wait3A_294 = tpu.memref_slice %arg7[%add3A_28, %dma_wait3A_293] : memref<10112x128xf32, #tpu.memory_space<vmem_shared>> -> memref<64x128xf32, #tpu.memory_space<vmem_shared>>
      %dma_wait3A_295 = arith.constant 0 : i32
      %dma_wait3A_296 = arith.constant 0 : i32
      %dma_wait3A_297 = tpu.memref_slice %arg5[%dma_wait3A_295, %dma_wait3A_296] : memref<64x128xf32, #tpu.memory_space<vmem>> -> memref<64x128xf32, #tpu.memory_space<vmem>>
      tpu.wait_dma2 semaphore(%run_scoped3A : memref<!tpu.dma_semaphore, #tpu.memory_space<semaphore_mem>>) src(%dma_wait3A_297 : memref<64x128xf32, #tpu.memory_space<vmem>>) dst(%dma_wait3A_294 : memref<64x128xf32, #tpu.memory_space<vmem_shared>>)
      tpu.yield
    }) : () -> ()
    %add3A_29 = arith.constant 576 : i32
    %add3A_30 = arith.addi %mul3A_10, %add3A_29 : i32
    "tpu.region"() ({
      %run_scoped3A = tpu.sem_alloc : memref<!tpu.dma_semaphore, #tpu.memory_space<semaphore_mem>>
      %dma_start3A_279 = arith.constant 0 : i32
      %dma_start3A_280 = arith.constant 0 : i32
      %dma_start3A_281 = tpu.memref_slice %arg5[%dma_start3A_279, %dma_start3A_280] : memref<64x128xf32, #tpu.memory_space<vmem>> -> memref<56x128xf32, #tpu.memory_space<vmem>>
      %dma_start3A_282 = arith.constant 0 : i32
      %dma_start3A_283 = tpu.memref_slice %arg7[%add3A_30, %dma_start3A_282] : memref<10112x128xf32, #tpu.memory_space<vmem_shared>> -> memref<56x128xf32, #tpu.memory_space<vmem_shared>>
      %dma_start3A_284 = arith.constant 0 : i32
      %dma_start3A_285 = tpu.memref_slice %arg7[%add3A_30, %dma_start3A_284] : memref<10112x128xf32, #tpu.memory_space<vmem_shared>> -> memref<56x128xf32, #tpu.memory_space<vmem_shared>>
      %dma_start3A_286 = arith.constant 0 : i32
      %dma_start3A_287 = arith.constant 0 : i32
      %dma_start3A_288 = tpu.memref_slice %arg5[%dma_start3A_286, %dma_start3A_287] : memref<64x128xf32, #tpu.memory_space<vmem>> -> memref<56x128xf32, #tpu.memory_space<vmem>>
      tpu.enqueue_dma source(%dma_start3A_288 : memref<56x128xf32, #tpu.memory_space<vmem>>) target(%dma_start3A_285 : memref<56x128xf32, #tpu.memory_space<vmem_shared>>) target_semaphore(%run_scoped3A : memref<!tpu.dma_semaphore, #tpu.memory_space<semaphore_mem>>)
      %dma_wait3A = arith.constant 0 : i32
      %dma_wait3A_289 = arith.constant 0 : i32
      %dma_wait3A_290 = tpu.memref_slice %arg5[%dma_wait3A, %dma_wait3A_289] : memref<64x128xf32, #tpu.memory_space<vmem>> -> memref<56x128xf32, #tpu.memory_space<vmem>>
      %dma_wait3A_291 = arith.constant 0 : i32
      %dma_wait3A_292 = tpu.memref_slice %arg7[%add3A_30, %dma_wait3A_291] : memref<10112x128xf32, #tpu.memory_space<vmem_shared>> -> memref<56x128xf32, #tpu.memory_space<vmem_shared>>
      %dma_wait3A_293 = arith.constant 0 : i32
      %dma_wait3A_294 = tpu.memref_slice %arg7[%add3A_30, %dma_wait3A_293] : memref<10112x128xf32, #tpu.memory_space<vmem_shared>> -> memref<56x128xf32, #tpu.memory_space<vmem_shared>>
      %dma_wait3A_295 = arith.constant 0 : i32
      %dma_wait3A_296 = arith.constant 0 : i32
      %dma_wait3A_297 = tpu.memref_slice %arg5[%dma_wait3A_295, %dma_wait3A_296] : memref<64x128xf32, #tpu.memory_space<vmem>> -> memref<56x128xf32, #tpu.memory_space<vmem>>
      tpu.wait_dma2 semaphore(%run_scoped3A : memref<!tpu.dma_semaphore, #tpu.memory_space<semaphore_mem>>) src(%dma_wait3A_297 : memref<56x128xf32, #tpu.memory_space<vmem>>) dst(%dma_wait3A_294 : memref<56x128xf32, #tpu.memory_space<vmem_shared>>)
      tpu.yield
    }) : () -> ()
    %scan3A_31 = arith.constant 0 : i32
    %scan3A_32 = arith.constant 0 : i32
    %scan3A_33 = arith.constant 64 : i32
    %scan3A_34 = arith.addi %scan3A_32, %scan3A_33 : i32
    %scan3A_35 = arith.constant 1 : i32
    scf.for %scan3A_279 = %scan3A_32 to %scan3A_34 step %scan3A_35  : i32 {
      %swap3A = arith.index_cast %scan3A_279 : i32 to index
      %swap3A_280 = arith.constant 0 : index
      %swap3A_281 = tpu.vector_load %arg5[%swap3A, %swap3A_280] {strides = array<i32>} : memref<64x128xf32, #tpu.memory_space<vmem>>, vector<1x16xf32>,
      %swap3A_282 = vector.shape_cast %swap3A_281 : vector<1x16xf32> to vector<16xf32>
      %swap3A_283 = vector.shape_cast %broadcast_in_dim3A_3 : vector<16xf32> to vector<1x16xf32>
      tpu.vector_store %arg5[%swap3A, %swap3A_280], %swap3A_283 {strides = array<i32>} : memref<64x128xf32, #tpu.memory_space<vmem>>, vector<1x16xf32>,
    }
    %scan3A_36 = arith.constant 64 : i32
    %barrier3A = arith.constant 0 : index
    tpu.barrier barrier_id(%barrier3A)
    %mul3A_37 = arith.constant 10240 : i32
    %mul3A_38 = arith.muli %add3A, %mul3A_37 : i32
    %add3A_39 = arith.constant 0 : i32
    %add3A_40 = arith.addi %mul3A_38, %add3A_39 : i32
    %add3A_41 = arith.constant 0 : i32
    %add3A_42 = arith.addi %add3A_40, %add3A_41 : i32
    %dma_start3A = arith.constant 0 : i32
    %dma_start3A_43 = arith.constant 0 : i32
    %dma_start3A_44 = arith.constant 0 : i32
    %dma_start3A_45 = tpu.memref_slice %arg4[%dma_start3A, %dma_start3A_44] : memref<32x64xi32, #tpu.memory_space<vmem>> -> memref<1x64xi32, #tpu.memory_space<vmem>>
    %dma_start3A_46 = tpu.memref_squeeze %dma_start3A_45 : memref<1x64xi32, #tpu.memory_space<vmem>> -> memref<64xi32, #tpu.memory_space<vmem>>
    %dma_start3A_47 = tpu.memref_slice %arg2[%add3A_42] : memref<327680xi32, #tpu.memory_space<hbm>> -> memref<64xi32, #tpu.memory_space<hbm>>
    %dma_start3A_48 = tpu.memref_slice %arg6[%dma_start3A_43] : memref<2x!tpu.dma_semaphore, #tpu.memory_space<semaphore_mem>> -> memref<1x!tpu.dma_semaphore, #tpu.memory_space<semaphore_mem>>
    %dma_start3A_49 = tpu.memref_squeeze %dma_start3A_48 : memref<1x!tpu.dma_semaphore, #tpu.memory_space<semaphore_mem>> -> memref<!tpu.dma_semaphore, #tpu.memory_space<semaphore_mem>>
    %dma_start3A_50 = arith.constant 0 : i32
    %dma_start3A_51 = tpu.memref_slice %arg4[%dma_start3A, %dma_start3A_50] : memref<32x64xi32, #tpu.memory_space<vmem>> -> memref<1x64xi32, #tpu.memory_space<vmem>>
    %dma_start3A_52 = tpu.memref_squeeze %dma_start3A_51 : memref<1x64xi32, #tpu.memory_space<vmem>> -> memref<64xi32, #tpu.memory_space<vmem>>
    %dma_start3A_53 = tpu.memref_slice %arg2[%add3A_42] : memref<327680xi32, #tpu.memory_space<hbm>> -> memref<64xi32, #tpu.memory_space<hbm>>
    tpu.enqueue_dma source(%dma_start3A_53 : memref<64xi32, #tpu.memory_space<hbm>>) target(%dma_start3A_52 : memref<64xi32, #tpu.memory_space<vmem>>) target_semaphore(%dma_start3A_49 : memref<!tpu.dma_semaphore, #tpu.memory_space<semaphore_mem>>)
    %add3A_54 = arith.constant 64 : i32
    %add3A_55 = arith.addi %add3A_40, %add3A_54 : i32
    %dma_start3A_56 = arith.constant 1 : i32
    %dma_start3A_57 = arith.constant 0 : i32
    %dma_start3A_58 = arith.constant 0 : i32
    %dma_start3A_59 = tpu.memref_slice %arg4[%dma_start3A_56, %dma_start3A_58] : memref<32x64xi32, #tpu.memory_space<vmem>> -> memref<1x64xi32, #tpu.memory_space<vmem>>
    %dma_start3A_60 = tpu.memref_squeeze %dma_start3A_59 : memref<1x64xi32, #tpu.memory_space<vmem>> -> memref<64xi32, #tpu.memory_space<vmem>>
    %dma_start3A_61 = tpu.memref_slice %arg2[%add3A_55] : memref<327680xi32, #tpu.memory_space<hbm>> -> memref<64xi32, #tpu.memory_space<hbm>>
    %dma_start3A_62 = tpu.memref_slice %arg6[%dma_start3A_57] : memref<2x!tpu.dma_semaphore, #tpu.memory_space<semaphore_mem>> -> memref<1x!tpu.dma_semaphore, #tpu.memory_space<semaphore_mem>>
    %dma_start3A_63 = tpu.memref_squeeze %dma_start3A_62 : memref<1x!tpu.dma_semaphore, #tpu.memory_space<semaphore_mem>> -> memref<!tpu.dma_semaphore, #tpu.memory_space<semaphore_mem>>
    %dma_start3A_64 = arith.constant 0 : i32
    %dma_start3A_65 = tpu.memref_slice %arg4[%dma_start3A_56, %dma_start3A_64] : memref<32x64xi32, #tpu.memory_space<vmem>> -> memref<1x64xi32, #tpu.memory_space<vmem>>
    %dma_start3A_66 = tpu.memref_squeeze %dma_start3A_65 : memref<1x64xi32, #tpu.memory_space<vmem>> -> memref<64xi32, #tpu.memory_space<vmem>>
    %dma_start3A_67 = tpu.memref_slice %arg2[%add3A_55] : memref<327680xi32, #tpu.memory_space<hbm>> -> memref<64xi32, #tpu.memory_space<hbm>>
    tpu.enqueue_dma source(%dma_start3A_67 : memref<64xi32, #tpu.memory_space<hbm>>) target(%dma_start3A_66 : memref<64xi32, #tpu.memory_space<vmem>>) target_semaphore(%dma_start3A_63 : memref<!tpu.dma_semaphore, #tpu.memory_space<semaphore_mem>>)
    %add3A_68 = arith.constant 128 : i32
    %add3A_69 = arith.addi %add3A_40, %add3A_68 : i32
    %dma_start3A_70 = arith.constant 2 : i32
    %dma_start3A_71 = arith.constant 0 : i32
    %dma_start3A_72 = arith.constant 0 : i32
    %dma_start3A_73 = tpu.memref_slice %arg4[%dma_start3A_70, %dma_start3A_72] : memref<32x64xi32, #tpu.memory_space<vmem>> -> memref<1x64xi32, #tpu.memory_space<vmem>>
    %dma_start3A_74 = tpu.memref_squeeze %dma_start3A_73 : memref<1x64xi32, #tpu.memory_space<vmem>> -> memref<64xi32, #tpu.memory_space<vmem>>
    %dma_start3A_75 = tpu.memref_slice %arg2[%add3A_69] : memref<327680xi32, #tpu.memory_space<hbm>> -> memref<64xi32, #tpu.memory_space<hbm>>
    %dma_start3A_76 = tpu.memref_slice %arg6[%dma_start3A_71] : memref<2x!tpu.dma_semaphore, #tpu.memory_space<semaphore_mem>> -> memref<1x!tpu.dma_semaphore, #tpu.memory_space<semaphore_mem>>
    %dma_start3A_77 = tpu.memref_squeeze %dma_start3A_76 : memref<1x!tpu.dma_semaphore, #tpu.memory_space<semaphore_mem>> -> memref<!tpu.dma_semaphore, #tpu.memory_space<semaphore_mem>>
    %dma_start3A_78 = arith.constant 0 : i32
    %dma_start3A_79 = tpu.memref_slice %arg4[%dma_start3A_70, %dma_start3A_78] : memref<32x64xi32, #tpu.memory_space<vmem>> -> memref<1x64xi32, #tpu.memory_space<vmem>>
    %dma_start3A_80 = tpu.memref_squeeze %dma_start3A_79 : memref<1x64xi32, #tpu.memory_space<vmem>> -> memref<64xi32, #tpu.memory_space<vmem>>
    %dma_start3A_81 = tpu.memref_slice %arg2[%add3A_69] : memref<327680xi32, #tpu.memory_space<hbm>> -> memref<64xi32, #tpu.memory_space<hbm>>
    tpu.enqueue_dma source(%dma_start3A_81 : memref<64xi32, #tpu.memory_space<hbm>>) target(%dma_start3A_80 : memref<64xi32, #tpu.memory_space<vmem>>) target_semaphore(%dma_start3A_77 : memref<!tpu.dma_semaphore, #tpu.memory_space<semaphore_mem>>)
    %add3A_82 = arith.constant 192 : i32
    %add3A_83 = arith.addi %add3A_40, %add3A_82 : i32
    %dma_start3A_84 = arith.constant 3 : i32
    %dma_start3A_85 = arith.constant 0 : i32
    %dma_start3A_86 = arith.constant 0 : i32
    %dma_start3A_87 = tpu.memref_slice %arg4[%dma_start3A_84, %dma_start3A_86] : memref<32x64xi32, #tpu.memory_space<vmem>> -> memref<1x64xi32, #tpu.memory_space<vmem>>
    %dma_start3A_88 = tpu.memref_squeeze %dma_start3A_87 : memref<1x64xi32, #tpu.memory_space<vmem>> -> memref<64xi32, #tpu.memory_space<vmem>>
    %dma_start3A_89 = tpu.memref_slice %arg2[%add3A_83] : memref<327680xi32, #tpu.memory_space<hbm>> -> memref<64xi32, #tpu.memory_space<hbm>>
    %dma_start3A_90 = tpu.memref_slice %arg6[%dma_start3A_85] : memref<2x!tpu.dma_semaphore, #tpu.memory_space<semaphore_mem>> -> memref<1x!tpu.dma_semaphore, #tpu.memory_space<semaphore_mem>>
    %dma_start3A_91 = tpu.memref_squeeze %dma_start3A_90 : memref<1x!tpu.dma_semaphore, #tpu.memory_space<semaphore_mem>> -> memref<!tpu.dma_semaphore, #tpu.memory_space<semaphore_mem>>
    %dma_start3A_92 = arith.constant 0 : i32
    %dma_start3A_93 = tpu.memref_slice %arg4[%dma_start3A_84, %dma_start3A_92] : memref<32x64xi32, #tpu.memory_space<vmem>> -> memref<1x64xi32, #tpu.memory_space<vmem>>
    %dma_start3A_94 = tpu.memref_squeeze %dma_start3A_93 : memref<1x64xi32, #tpu.memory_space<vmem>> -> memref<64xi32, #tpu.memory_space<vmem>>
    %dma_start3A_95 = tpu.memref_slice %arg2[%add3A_83] : memref<327680xi32, #tpu.memory_space<hbm>> -> memref<64xi32, #tpu.memory_space<hbm>>
    tpu.enqueue_dma source(%dma_start3A_95 : memref<64xi32, #tpu.memory_space<hbm>>) target(%dma_start3A_94 : memref<64xi32, #tpu.memory_space<vmem>>) target_semaphore(%dma_start3A_91 : memref<!tpu.dma_semaphore, #tpu.memory_space<semaphore_mem>>)
    %add3A_96 = arith.constant 256 : i32
    %add3A_97 = arith.addi %add3A_40, %add3A_96 : i32
    %dma_start3A_98 = arith.constant 4 : i32
    %dma_start3A_99 = arith.constant 0 : i32
    %dma_start3A_100 = arith.constant 0 : i32
    %dma_start3A_101 = tpu.memref_slice %arg4[%dma_start3A_98, %dma_start3A_100] : memref<32x64xi32, #tpu.memory_space<vmem>> -> memref<1x64xi32, #tpu.memory_space<vmem>>
    %dma_start3A_102 = tpu.memref_squeeze %dma_start3A_101 : memref<1x64xi32, #tpu.memory_space<vmem>> -> memref<64xi32, #tpu.memory_space<vmem>>
    %dma_start3A_103 = tpu.memref_slice %arg2[%add3A_97] : memref<327680xi32, #tpu.memory_space<hbm>> -> memref<64xi32, #tpu.memory_space<hbm>>
    %dma_start3A_104 = tpu.memref_slice %arg6[%dma_start3A_99] : memref<2x!tpu.dma_semaphore, #tpu.memory_space<semaphore_mem>> -> memref<1x!tpu.dma_semaphore, #tpu.memory_space<semaphore_mem>>
    %dma_start3A_105 = tpu.memref_squeeze %dma_start3A_104 : memref<1x!tpu.dma_semaphore, #tpu.memory_space<semaphore_mem>> -> memref<!tpu.dma_semaphore, #tpu.memory_space<semaphore_mem>>
    %dma_start3A_106 = arith.constant 0 : i32
    %dma_start3A_107 = tpu.memref_slice %arg4[%dma_start3A_98, %dma_start3A_106] : memref<32x64xi32, #tpu.memory_space<vmem>> -> memref<1x64xi32, #tpu.memory_space<vmem>>
    %dma_start3A_108 = tpu.memref_squeeze %dma_start3A_107 : memref<1x64xi32, #tpu.memory_space<vmem>> -> memref<64xi32, #tpu.memory_space<vmem>>
    %dma_start3A_109 = tpu.memref_slice %arg2[%add3A_97] : memref<327680xi32, #tpu.memory_space<hbm>> -> memref<64xi32, #tpu.memory_space<hbm>>
    tpu.enqueue_dma source(%dma_start3A_109 : memref<64xi32, #tpu.memory_space<hbm>>) target(%dma_start3A_108 : memref<64xi32, #tpu.memory_space<vmem>>) target_semaphore(%dma_start3A_105 : memref<!tpu.dma_semaphore, #tpu.memory_space<semaphore_mem>>)
    %add3A_110 = arith.constant 320 : i32
    %add3A_111 = arith.addi %add3A_40, %add3A_110 : i32
    %dma_start3A_112 = arith.constant 5 : i32
    %dma_start3A_113 = arith.constant 0 : i32
    %dma_start3A_114 = arith.constant 0 : i32
    %dma_start3A_115 = tpu.memref_slice %arg4[%dma_start3A_112, %dma_start3A_114] : memref<32x64xi32, #tpu.memory_space<vmem>> -> memref<1x64xi32, #tpu.memory_space<vmem>>
    %dma_start3A_116 = tpu.memref_squeeze %dma_start3A_115 : memref<1x64xi32, #tpu.memory_space<vmem>> -> memref<64xi32, #tpu.memory_space<vmem>>
    %dma_start3A_117 = tpu.memref_slice %arg2[%add3A_111] : memref<327680xi32, #tpu.memory_space<hbm>> -> memref<64xi32, #tpu.memory_space<hbm>>
    %dma_start3A_118 = tpu.memref_slice %arg6[%dma_start3A_113] : memref<2x!tpu.dma_semaphore, #tpu.memory_space<semaphore_mem>> -> memref<1x!tpu.dma_semaphore, #tpu.memory_space<semaphore_mem>>
    %dma_start3A_119 = tpu.memref_squeeze %dma_start3A_118 : memref<1x!tpu.dma_semaphore, #tpu.memory_space<semaphore_mem>> -> memref<!tpu.dma_semaphore, #tpu.memory_space<semaphore_mem>>
    %dma_start3A_120 = arith.constant 0 : i32
    %dma_start3A_121 = tpu.memref_slice %arg4[%dma_start3A_112, %dma_start3A_120] : memref<32x64xi32, #tpu.memory_space<vmem>> -> memref<1x64xi32, #tpu.memory_space<vmem>>
    %dma_start3A_122 = tpu.memref_squeeze %dma_start3A_121 : memref<1x64xi32, #tpu.memory_space<vmem>> -> memref<64xi32, #tpu.memory_space<vmem>>
    %dma_start3A_123 = tpu.memref_slice %arg2[%add3A_111] : memref<327680xi32, #tpu.memory_space<hbm>> -> memref<64xi32, #tpu.memory_space<hbm>>
    tpu.enqueue_dma source(%dma_start3A_123 : memref<64xi32, #tpu.memory_space<hbm>>) target(%dma_start3A_122 : memref<64xi32, #tpu.memory_space<vmem>>) target_semaphore(%dma_start3A_119 : memref<!tpu.dma_semaphore, #tpu.memory_space<semaphore_mem>>)
    %add3A_124 = arith.constant 384 : i32
    %add3A_125 = arith.addi %add3A_40, %add3A_124 : i32
    %dma_start3A_126 = arith.constant 6 : i32
    %dma_start3A_127 = arith.constant 0 : i32
    %dma_start3A_128 = arith.constant 0 : i32
    %dma_start3A_129 = tpu.memref_slice %arg4[%dma_start3A_126, %dma_start3A_128] : memref<32x64xi32, #tpu.memory_space<vmem>> -> memref<1x64xi32, #tpu.memory_space<vmem>>
    %dma_start3A_130 = tpu.memref_squeeze %dma_start3A_129 : memref<1x64xi32, #tpu.memory_space<vmem>> -> memref<64xi32, #tpu.memory_space<vmem>>
    %dma_start3A_131 = tpu.memref_slice %arg2[%add3A_125] : memref<327680xi32, #tpu.memory_space<hbm>> -> memref<64xi32, #tpu.memory_space<hbm>>
    %dma_start3A_132 = tpu.memref_slice %arg6[%dma_start3A_127] : memref<2x!tpu.dma_semaphore, #tpu.memory_space<semaphore_mem>> -> memref<1x!tpu.dma_semaphore, #tpu.memory_space<semaphore_mem>>
    %dma_start3A_133 = tpu.memref_squeeze %dma_start3A_132 : memref<1x!tpu.dma_semaphore, #tpu.memory_space<semaphore_mem>> -> memref<!tpu.dma_semaphore, #tpu.memory_space<semaphore_mem>>
    %dma_start3A_134 = arith.constant 0 : i32
    %dma_start3A_135 = tpu.memref_slice %arg4[%dma_start3A_126, %dma_start3A_134] : memref<32x64xi32, #tpu.memory_space<vmem>> -> memref<1x64xi32, #tpu.memory_space<vmem>>
    %dma_start3A_136 = tpu.memref_squeeze %dma_start3A_135 : memref<1x64xi32, #tpu.memory_space<vmem>> -> memref<64xi32, #tpu.memory_space<vmem>>
    %dma_start3A_137 = tpu.memref_slice %arg2[%add3A_125] : memref<327680xi32, #tpu.memory_space<hbm>> -> memref<64xi32, #tpu.memory_space<hbm>>
    tpu.enqueue_dma source(%dma_start3A_137 : memref<64xi32, #tpu.memory_space<hbm>>) target(%dma_start3A_136 : memref<64xi32, #tpu.memory_space<vmem>>) target_semaphore(%dma_start3A_133 : memref<!tpu.dma_semaphore, #tpu.memory_space<semaphore_mem>>)
    %add3A_138 = arith.constant 448 : i32
    %add3A_139 = arith.addi %add3A_40, %add3A_138 : i32
    %dma_start3A_140 = arith.constant 7 : i32
    %dma_start3A_141 = arith.constant 0 : i32
    %dma_start3A_142 = arith.constant 0 : i32
    %dma_start3A_143 = tpu.memref_slice %arg4[%dma_start3A_140, %dma_start3A_142] : memref<32x64xi32, #tpu.memory_space<vmem>> -> memref<1x64xi32, #tpu.memory_space<vmem>>
    %dma_start3A_144 = tpu.memref_squeeze %dma_start3A_143 : memref<1x64xi32, #tpu.memory_space<vmem>> -> memref<64xi32, #tpu.memory_space<vmem>>
    %dma_start3A_145 = tpu.memref_slice %arg2[%add3A_139] : memref<327680xi32, #tpu.memory_space<hbm>> -> memref<64xi32, #tpu.memory_space<hbm>>
    %dma_start3A_146 = tpu.memref_slice %arg6[%dma_start3A_141] : memref<2x!tpu.dma_semaphore, #tpu.memory_space<semaphore_mem>> -> memref<1x!tpu.dma_semaphore, #tpu.memory_space<semaphore_mem>>
    %dma_start3A_147 = tpu.memref_squeeze %dma_start3A_146 : memref<1x!tpu.dma_semaphore, #tpu.memory_space<semaphore_mem>> -> memref<!tpu.dma_semaphore, #tpu.memory_space<semaphore_mem>>
    %dma_start3A_148 = arith.constant 0 : i32
    %dma_start3A_149 = tpu.memref_slice %arg4[%dma_start3A_140, %dma_start3A_148] : memref<32x64xi32, #tpu.memory_space<vmem>> -> memref<1x64xi32, #tpu.memory_space<vmem>>
    %dma_start3A_150 = tpu.memref_squeeze %dma_start3A_149 : memref<1x64xi32, #tpu.memory_space<vmem>> -> memref<64xi32, #tpu.memory_space<vmem>>
    %dma_start3A_151 = tpu.memref_slice %arg2[%add3A_139] : memref<327680xi32, #tpu.memory_space<hbm>> -> memref<64xi32, #tpu.memory_space<hbm>>
    tpu.enqueue_dma source(%dma_start3A_151 : memref<64xi32, #tpu.memory_space<hbm>>) target(%dma_start3A_150 : memref<64xi32, #tpu.memory_space<vmem>>) target_semaphore(%dma_start3A_147 : memref<!tpu.dma_semaphore, #tpu.memory_space<semaphore_mem>>)
    %add3A_152 = arith.constant 512 : i32
    %add3A_153 = arith.addi %add3A_40, %add3A_152 : i32
    %dma_start3A_154 = arith.constant 8 : i32
    %dma_start3A_155 = arith.constant 0 : i32
    %dma_start3A_156 = arith.constant 0 : i32
    %dma_start3A_157 = tpu.memref_slice %arg4[%dma_start3A_154, %dma_start3A_156] : memref<32x64xi32, #tpu.memory_space<vmem>> -> memref<1x64xi32, #tpu.memory_space<vmem>>
    %dma_start3A_158 = tpu.memref_squeeze %dma_start3A_157 : memref<1x64xi32, #tpu.memory_space<vmem>> -> memref<64xi32, #tpu.memory_space<vmem>>
    %dma_start3A_159 = tpu.memref_slice %arg2[%add3A_153] : memref<327680xi32, #tpu.memory_space<hbm>> -> memref<64xi32, #tpu.memory_space<hbm>>
    %dma_start3A_160 = tpu.memref_slice %arg6[%dma_start3A_155] : memref<2x!tpu.dma_semaphore, #tpu.memory_space<semaphore_mem>> -> memref<1x!tpu.dma_semaphore, #tpu.memory_space<semaphore_mem>>
    %dma_start3A_161 = tpu.memref_squeeze %dma_start3A_160 : memref<1x!tpu.dma_semaphore, #tpu.memory_space<semaphore_mem>> -> memref<!tpu.dma_semaphore, #tpu.memory_space<semaphore_mem>>
    %dma_start3A_162 = arith.constant 0 : i32
    %dma_start3A_163 = tpu.memref_slice %arg4[%dma_start3A_154, %dma_start3A_162] : memref<32x64xi32, #tpu.memory_space<vmem>> -> memref<1x64xi32, #tpu.memory_space<vmem>>
    %dma_start3A_164 = tpu.memref_squeeze %dma_start3A_163 : memref<1x64xi32, #tpu.memory_space<vmem>> -> memref<64xi32, #tpu.memory_space<vmem>>
    %dma_start3A_165 = tpu.memref_slice %arg2[%add3A_153] : memref<327680xi32, #tpu.memory_space<hbm>> -> memref<64xi32, #tpu.memory_space<hbm>>
    tpu.enqueue_dma source(%dma_start3A_165 : memref<64xi32, #tpu.memory_space<hbm>>) target(%dma_start3A_164 : memref<64xi32, #tpu.memory_space<vmem>>) target_semaphore(%dma_start3A_161 : memref<!tpu.dma_semaphore, #tpu.memory_space<semaphore_mem>>)
    %add3A_166 = arith.constant 576 : i32
    %add3A_167 = arith.addi %add3A_40, %add3A_166 : i32
    %dma_start3A_168 = arith.constant 9 : i32
    %dma_start3A_169 = arith.constant 0 : i32
    %dma_start3A_170 = arith.constant 0 : i32
    %dma_start3A_171 = tpu.memref_slice %arg4[%dma_start3A_168, %dma_start3A_170] : memref<32x64xi32, #tpu.memory_space<vmem>> -> memref<1x64xi32, #tpu.memory_space<vmem>>
    %dma_start3A_172 = tpu.memref_squeeze %dma_start3A_171 : memref<1x64xi32, #tpu.memory_space<vmem>> -> memref<64xi32, #tpu.memory_space<vmem>>
    %dma_start3A_173 = tpu.memref_slice %arg2[%add3A_167] : memref<327680xi32, #tpu.memory_space<hbm>> -> memref<64xi32, #tpu.memory_space<hbm>>
    %dma_start3A_174 = tpu.memref_slice %arg6[%dma_start3A_169] : memref<2x!tpu.dma_semaphore, #tpu.memory_space<semaphore_mem>> -> memref<1x!tpu.dma_semaphore, #tpu.memory_space<semaphore_mem>>
    %dma_start3A_175 = tpu.memref_squeeze %dma_start3A_174 : memref<1x!tpu.dma_semaphore, #tpu.memory_space<semaphore_mem>> -> memref<!tpu.dma_semaphore, #tpu.memory_space<semaphore_mem>>
    %dma_start3A_176 = arith.constant 0 : i32
    %dma_start3A_177 = tpu.memref_slice %arg4[%dma_start3A_168, %dma_start3A_176] : memref<32x64xi32, #tpu.memory_space<vmem>> -> memref<1x64xi32, #tpu.memory_space<vmem>>
    %dma_start3A_178 = tpu.memref_squeeze %dma_start3A_177 : memref<1x64xi32, #tpu.memory_space<vmem>> -> memref<64xi32, #tpu.memory_space<vmem>>
    %dma_start3A_179 = tpu.memref_slice %arg2[%add3A_167] : memref<327680xi32, #tpu.memory_space<hbm>> -> memref<64xi32, #tpu.memory_space<hbm>>
    tpu.enqueue_dma source(%dma_start3A_179 : memref<64xi32, #tpu.memory_space<hbm>>) target(%dma_start3A_178 : memref<64xi32, #tpu.memory_space<vmem>>) target_semaphore(%dma_start3A_175 : memref<!tpu.dma_semaphore, #tpu.memory_space<semaphore_mem>>)
    %add3A_180 = arith.constant 640 : i32
    %add3A_181 = arith.addi %add3A_40, %add3A_180 : i32
    %dma_start3A_182 = arith.constant 10 : i32
    %dma_start3A_183 = arith.constant 0 : i32
    %dma_start3A_184 = arith.constant 0 : i32
    %dma_start3A_185 = tpu.memref_slice %arg4[%dma_start3A_182, %dma_start3A_184] : memref<32x64xi32, #tpu.memory_space<vmem>> -> memref<1x64xi32, #tpu.memory_space<vmem>>
    %dma_start3A_186 = tpu.memref_squeeze %dma_start3A_185 : memref<1x64xi32, #tpu.memory_space<vmem>> -> memref<64xi32, #tpu.memory_space<vmem>>
    %dma_start3A_187 = tpu.memref_slice %arg2[%add3A_181] : memref<327680xi32, #tpu.memory_space<hbm>> -> memref<64xi32, #tpu.memory_space<hbm>>
    %dma_start3A_188 = tpu.memref_slice %arg6[%dma_start3A_183] : memref<2x!tpu.dma_semaphore, #tpu.memory_space<semaphore_mem>> -> memref<1x!tpu.dma_semaphore, #tpu.memory_space<semaphore_mem>>
    %dma_start3A_189 = tpu.memref_squeeze %dma_start3A_188 : memref<1x!tpu.dma_semaphore, #tpu.memory_space<semaphore_mem>> -> memref<!tpu.dma_semaphore, #tpu.memory_space<semaphore_mem>>
    %dma_start3A_190 = arith.constant 0 : i32
    %dma_start3A_191 = tpu.memref_slice %arg4[%dma_start3A_182, %dma_start3A_190] : memref<32x64xi32, #tpu.memory_space<vmem>> -> memref<1x64xi32, #tpu.memory_space<vmem>>
    %dma_start3A_192 = tpu.memref_squeeze %dma_start3A_191 : memref<1x64xi32, #tpu.memory_space<vmem>> -> memref<64xi32, #tpu.memory_space<vmem>>
    %dma_start3A_193 = tpu.memref_slice %arg2[%add3A_181] : memref<327680xi32, #tpu.memory_space<hbm>> -> memref<64xi32, #tpu.memory_space<hbm>>
    tpu.enqueue_dma source(%dma_start3A_193 : memref<64xi32, #tpu.memory_space<hbm>>) target(%dma_start3A_192 : memref<64xi32, #tpu.memory_space<vmem>>) target_semaphore(%dma_start3A_189 : memref<!tpu.dma_semaphore, #tpu.memory_space<semaphore_mem>>)
    %add3A_194 = arith.constant 704 : i32
    %add3A_195 = arith.addi %add3A_40, %add3A_194 : i32
    %dma_start3A_196 = arith.constant 11 : i32
    %dma_start3A_197 = arith.constant 0 : i32
    %dma_start3A_198 = arith.constant 0 : i32
    %dma_start3A_199 = tpu.memref_slice %arg4[%dma_start3A_196, %dma_start3A_198] : memref<32x64xi32, #tpu.memory_space<vmem>> -> memref<1x64xi32, #tpu.memory_space<vmem>>
    %dma_start3A_200 = tpu.memref_squeeze %dma_start3A_199 : memref<1x64xi32, #tpu.memory_space<vmem>> -> memref<64xi32, #tpu.memory_space<vmem>>
    %dma_start3A_201 = tpu.memref_slice %arg2[%add3A_195] : memref<327680xi32, #tpu.memory_space<hbm>> -> memref<64xi32, #tpu.memory_space<hbm>>
    %dma_start3A_202 = tpu.memref_slice %arg6[%dma_start3A_197] : memref<2x!tpu.dma_semaphore, #tpu.memory_space<semaphore_mem>> -> memref<1x!tpu.dma_semaphore, #tpu.memory_space<semaphore_mem>>
    %dma_start3A_203 = tpu.memref_squeeze %dma_start3A_202 : memref<1x!tpu.dma_semaphore, #tpu.memory_space<semaphore_mem>> -> memref<!tpu.dma_semaphore, #tpu.memory_space<semaphore_mem>>
    %dma_start3A_204 = arith.constant 0 : i32
    %dma_start3A_205 = tpu.memref_slice %arg4[%dma_start3A_196, %dma_start3A_204] : memref<32x64xi32, #tpu.memory_space<vmem>> -> memref<1x64xi32, #tpu.memory_space<vmem>>
    %dma_start3A_206 = tpu.memref_squeeze %dma_start3A_205 : memref<1x64xi32, #tpu.memory_space<vmem>> -> memref<64xi32, #tpu.memory_space<vmem>>
    %dma_start3A_207 = tpu.memref_slice %arg2[%add3A_195] : memref<327680xi32, #tpu.memory_space<hbm>> -> memref<64xi32, #tpu.memory_space<hbm>>
    tpu.enqueue_dma source(%dma_start3A_207 : memref<64xi32, #tpu.memory_space<hbm>>) target(%dma_start3A_206 : memref<64xi32, #tpu.memory_space<vmem>>) target_semaphore(%dma_start3A_203 : memref<!tpu.dma_semaphore, #tpu.memory_space<semaphore_mem>>)
    %add3A_208 = arith.constant 768 : i32
    %add3A_209 = arith.addi %add3A_40, %add3A_208 : i32
    %dma_start3A_210 = arith.constant 12 : i32
    %dma_start3A_211 = arith.constant 0 : i32
    %dma_start3A_212 = arith.constant 0 : i32
    %dma_start3A_213 = tpu.memref_slice %arg4[%dma_start3A_210, %dma_start3A_212] : memref<32x64xi32, #tpu.memory_space<vmem>> -> memref<1x64xi32, #tpu.memory_space<vmem>>
    %dma_start3A_214 = tpu.memref_squeeze %dma_start3A_213 : memref<1x64xi32, #tpu.memory_space<vmem>> -> memref<64xi32, #tpu.memory_space<vmem>>
    %dma_start3A_215 = tpu.memref_slice %arg2[%add3A_209] : memref<327680xi32, #tpu.memory_space<hbm>> -> memref<64xi32, #tpu.memory_space<hbm>>
    %dma_start3A_216 = tpu.memref_slice %arg6[%dma_start3A_211] : memref<2x!tpu.dma_semaphore, #tpu.memory_space<semaphore_mem>> -> memref<1x!tpu.dma_semaphore, #tpu.memory_space<semaphore_mem>>
    %dma_start3A_217 = tpu.memref_squeeze %dma_start3A_216 : memref<1x!tpu.dma_semaphore, #tpu.memory_space<semaphore_mem>> -> memref<!tpu.dma_semaphore, #tpu.memory_space<semaphore_mem>>
    %dma_start3A_218 = arith.constant 0 : i32
    %dma_start3A_219 = tpu.memref_slice %arg4[%dma_start3A_210, %dma_start3A_218] : memref<32x64xi32, #tpu.memory_space<vmem>> -> memref<1x64xi32, #tpu.memory_space<vmem>>
    %dma_start3A_220 = tpu.memref_squeeze %dma_start3A_219 : memref<1x64xi32, #tpu.memory_space<vmem>> -> memref<64xi32, #tpu.memory_space<vmem>>
    %dma_start3A_221 = tpu.memref_slice %arg2[%add3A_209] : memref<327680xi32, #tpu.memory_space<hbm>> -> memref<64xi32, #tpu.memory_space<hbm>>
    tpu.enqueue_dma source(%dma_start3A_221 : memref<64xi32, #tpu.memory_space<hbm>>) target(%dma_start3A_220 : memref<64xi32, #tpu.memory_space<vmem>>) target_semaphore(%dma_start3A_217 : memref<!tpu.dma_semaphore, #tpu.memory_space<semaphore_mem>>)
    %add3A_222 = arith.constant 832 : i32
    %add3A_223 = arith.addi %add3A_40, %add3A_222 : i32
    %dma_start3A_224 = arith.constant 13 : i32
    %dma_start3A_225 = arith.constant 0 : i32
    %dma_start3A_226 = arith.constant 0 : i32
    %dma_start3A_227 = tpu.memref_slice %arg4[%dma_start3A_224, %dma_start3A_226] : memref<32x64xi32, #tpu.memory_space<vmem>> -> memref<1x64xi32, #tpu.memory_space<vmem>>
    %dma_start3A_228 = tpu.memref_squeeze %dma_start3A_227 : memref<1x64xi32, #tpu.memory_space<vmem>> -> memref<64xi32, #tpu.memory_space<vmem>>
    %dma_start3A_229 = tpu.memref_slice %arg2[%add3A_223] : memref<327680xi32, #tpu.memory_space<hbm>> -> memref<64xi32, #tpu.memory_space<hbm>>
    %dma_start3A_230 = tpu.memref_slice %arg6[%dma_start3A_225] : memref<2x!tpu.dma_semaphore, #tpu.memory_space<semaphore_mem>> -> memref<1x!tpu.dma_semaphore, #tpu.memory_space<semaphore_mem>>
    %dma_start3A_231 = tpu.memref_squeeze %dma_start3A_230 : memref<1x!tpu.dma_semaphore, #tpu.memory_space<semaphore_mem>> -> memref<!tpu.dma_semaphore, #tpu.memory_space<semaphore_mem>>
    %dma_start3A_232 = arith.constant 0 : i32
    %dma_start3A_233 = tpu.memref_slice %arg4[%dma_start3A_224, %dma_start3A_232] : memref<32x64xi32, #tpu.memory_space<vmem>> -> memref<1x64xi32, #tpu.memory_space<vmem>>
    %dma_start3A_234 = tpu.memref_squeeze %dma_start3A_233 : memref<1x64xi32, #tpu.memory_space<vmem>> -> memref<64xi32, #tpu.memory_space<vmem>>
    %dma_start3A_235 = tpu.memref_slice %arg2[%add3A_223] : memref<327680xi32, #tpu.memory_space<hbm>> -> memref<64xi32, #tpu.memory_space<hbm>>
    tpu.enqueue_dma source(%dma_start3A_235 : memref<64xi32, #tpu.memory_space<hbm>>) target(%dma_start3A_234 : memref<64xi32, #tpu.memory_space<vmem>>) target_semaphore(%dma_start3A_231 : memref<!tpu.dma_semaphore, #tpu.memory_space<semaphore_mem>>)
    %add3A_236 = arith.constant 896 : i32
    %add3A_237 = arith.addi %add3A_40, %add3A_236 : i32
    %dma_start3A_238 = arith.constant 14 : i32
    %dma_start3A_239 = arith.constant 0 : i32
    %dma_start3A_240 = arith.constant 0 : i32
    %dma_start3A_241 = tpu.memref_slice %arg4[%dma_start3A_238, %dma_start3A_240] : memref<32x64xi32, #tpu.memory_space<vmem>> -> memref<1x64xi32, #tpu.memory_space<vmem>>
    %dma_start3A_242 = tpu.memref_squeeze %dma_start3A_241 : memref<1x64xi32, #tpu.memory_space<vmem>> -> memref<64xi32, #tpu.memory_space<vmem>>
    %dma_start3A_243 = tpu.memref_slice %arg2[%add3A_237] : memref<327680xi32, #tpu.memory_space<hbm>> -> memref<64xi32, #tpu.memory_space<hbm>>
    %dma_start3A_244 = tpu.memref_slice %arg6[%dma_start3A_239] : memref<2x!tpu.dma_semaphore, #tpu.memory_space<semaphore_mem>> -> memref<1x!tpu.dma_semaphore, #tpu.memory_space<semaphore_mem>>
    %dma_start3A_245 = tpu.memref_squeeze %dma_start3A_244 : memref<1x!tpu.dma_semaphore, #tpu.memory_space<semaphore_mem>> -> memref<!tpu.dma_semaphore, #tpu.memory_space<semaphore_mem>>
    %dma_start3A_246 = arith.constant 0 : i32
    %dma_start3A_247 = tpu.memref_slice %arg4[%dma_start3A_238, %dma_start3A_246] : memref<32x64xi32, #tpu.memory_space<vmem>> -> memref<1x64xi32, #tpu.memory_space<vmem>>
    %dma_start3A_248 = tpu.memref_squeeze %dma_start3A_247 : memref<1x64xi32, #tpu.memory_space<vmem>> -> memref<64xi32, #tpu.memory_space<vmem>>
    %dma_start3A_249 = tpu.memref_slice %arg2[%add3A_237] : memref<327680xi32, #tpu.memory_space<hbm>> -> memref<64xi32, #tpu.memory_space<hbm>>
    tpu.enqueue_dma source(%dma_start3A_249 : memref<64xi32, #tpu.memory_space<hbm>>) target(%dma_start3A_248 : memref<64xi32, #tpu.memory_space<vmem>>) target_semaphore(%dma_start3A_245 : memref<!tpu.dma_semaphore, #tpu.memory_space<semaphore_mem>>)
    %add3A_250 = arith.constant 960 : i32
    %add3A_251 = arith.addi %add3A_40, %add3A_250 : i32
    %dma_start3A_252 = arith.constant 15 : i32
    %dma_start3A_253 = arith.constant 0 : i32
    %dma_start3A_254 = arith.constant 0 : i32
    %dma_start3A_255 = tpu.memref_slice %arg4[%dma_start3A_252, %dma_start3A_254] : memref<32x64xi32, #tpu.memory_space<vmem>> -> memref<1x64xi32, #tpu.memory_space<vmem>>
    %dma_start3A_256 = tpu.memref_squeeze %dma_start3A_255 : memref<1x64xi32, #tpu.memory_space<vmem>> -> memref<64xi32, #tpu.memory_space<vmem>>
    %dma_start3A_257 = tpu.memref_slice %arg2[%add3A_251] : memref<327680xi32, #tpu.memory_space<hbm>> -> memref<64xi32, #tpu.memory_space<hbm>>
    %dma_start3A_258 = tpu.memref_slice %arg6[%dma_start3A_253] : memref<2x!tpu.dma_semaphore, #tpu.memory_space<semaphore_mem>> -> memref<1x!tpu.dma_semaphore, #tpu.memory_space<semaphore_mem>>
    %dma_start3A_259 = tpu.memref_squeeze %dma_start3A_258 : memref<1x!tpu.dma_semaphore, #tpu.memory_space<semaphore_mem>> -> memref<!tpu.dma_semaphore, #tpu.memory_space<semaphore_mem>>
    %dma_start3A_260 = arith.constant 0 : i32
    %dma_start3A_261 = tpu.memref_slice %arg4[%dma_start3A_252, %dma_start3A_260] : memref<32x64xi32, #tpu.memory_space<vmem>> -> memref<1x64xi32, #tpu.memory_space<vmem>>
    %dma_start3A_262 = tpu.memref_squeeze %dma_start3A_261 : memref<1x64xi32, #tpu.memory_space<vmem>> -> memref<64xi32, #tpu.memory_space<vmem>>
    %dma_start3A_263 = tpu.memref_slice %arg2[%add3A_251] : memref<327680xi32, #tpu.memory_space<hbm>> -> memref<64xi32, #tpu.memory_space<hbm>>
    tpu.enqueue_dma source(%dma_start3A_263 : memref<64xi32, #tpu.memory_space<hbm>>) target(%dma_start3A_262 : memref<64xi32, #tpu.memory_space<vmem>>) target_semaphore(%dma_start3A_259 : memref<!tpu.dma_semaphore, #tpu.memory_space<semaphore_mem>>)
    %scan3A_264 = arith.constant 0 : i32
    %scan3A_265 = arith.constant 0 : i32
    %scan3A_266 = arith.constant 10 : i32
    %scan3A_267 = arith.addi %scan3A_265, %scan3A_266 : i32
    %scan3A_268 = arith.constant 1 : i32
    scf.for %scan3A_279 = %scan3A_265 to %scan3A_267 step %scan3A_268  : i32 {
      %rem3A = arith.constant 2 : i32
      %rem3A_280 = arith.remsi %scan3A_279, %rem3A : i32
      %mul3A_281 = arith.constant 1024 : i32
      %mul3A_282 = arith.muli %scan3A_279, %mul3A_281 : i32
      %add3A_283 = arith.addi %mul3A_38, %mul3A_282 : i32
      %add3A_284 = arith.constant 0 : i32
      %add3A_285 = arith.addi %add3A_283, %add3A_284 : i32
      %mul3A_286 = arith.constant 16 : i32
      %mul3A_287 = arith.muli %rem3A_280, %mul3A_286 : i32
      %add3A_288 = arith.constant 0 : i32
      %add3A_289 = arith.addi %mul3A_287, %add3A_288 : i32
      %dma_wait3A = arith.constant 0 : i32
      %dma_wait3A_290 = tpu.memref_slice %arg4[%add3A_289, %dma_wait3A] : memref<32x64xi32, #tpu.memory_space<vmem>> -> memref<1x64xi32, #tpu.memory_space<vmem>>
      %dma_wait3A_291 = tpu.memref_squeeze %dma_wait3A_290 : memref<1x64xi32, #tpu.memory_space<vmem>> -> memref<64xi32, #tpu.memory_space<vmem>>
      %dma_wait3A_292 = tpu.memref_slice %arg2[%add3A_285] : memref<327680xi32, #tpu.memory_space<hbm>> -> memref<64xi32, #tpu.memory_space<hbm>>
      %dma_wait3A_293 = tpu.memref_slice %arg6[%rem3A_280] : memref<2x!tpu.dma_semaphore, #tpu.memory_space<semaphore_mem>> -> memref<1x!tpu.dma_semaphore, #tpu.memory_space<semaphore_mem>>
      %dma_wait3A_294 = tpu.memref_squeeze %dma_wait3A_293 : memref<1x!tpu.dma_semaphore, #tpu.memory_space<semaphore_mem>> -> memref<!tpu.dma_semaphore, #tpu.memory_space<semaphore_mem>>
      %dma_wait3A_295 = arith.constant 0 : i32
      %dma_wait3A_296 = tpu.memref_slice %arg4[%add3A_289, %dma_wait3A_295] : memref<32x64xi32, #tpu.memory_space<vmem>> -> memref<1x64xi32, #tpu.memory_space<vmem>>
      %dma_wait3A_297 = tpu.memref_squeeze %dma_wait3A_296 : memref<1x64xi32, #tpu.memory_space<vmem>> -> memref<64xi32, #tpu.memory_space<vmem>>
      %dma_wait3A_298 = tpu.memref_slice %arg2[%add3A_285] : memref<327680xi32, #tpu.memory_space<hbm>> -> memref<64xi32, #tpu.memory_space<hbm>>
      tpu.wait_dma2 semaphore(%dma_wait3A_294 : memref<!tpu.dma_semaphore, #tpu.memory_space<semaphore_mem>>) src(%dma_wait3A_298 : memref<64xi32, #tpu.memory_space<hbm>>) dst(%dma_wait3A_297 : memref<64xi32, #tpu.memory_space<vmem>>)
      %add3A_299 = arith.constant 64 : i32
      %add3A_300 = arith.addi %add3A_283, %add3A_299 : i32
      %mul3A_301 = arith.constant 16 : i32
      %mul3A_302 = arith.muli %rem3A_280, %mul3A_301 : i32
      %add3A_303 = arith.constant 1 : i32
      %add3A_304 = arith.addi %mul3A_302, %add3A_303 : i32
      %dma_wait3A_305 = arith.constant 0 : i32
      %dma_wait3A_306 = tpu.memref_slice %arg4[%add3A_304, %dma_wait3A_305] : memref<32x64xi32, #tpu.memory_space<vmem>> -> memref<1x64xi32, #tpu.memory_space<vmem>>
      %dma_wait3A_307 = tpu.memref_squeeze %dma_wait3A_306 : memref<1x64xi32, #tpu.memory_space<vmem>> -> memref<64xi32, #tpu.memory_space<vmem>>
      %dma_wait3A_308 = tpu.memref_slice %arg2[%add3A_300] : memref<327680xi32, #tpu.memory_space<hbm>> -> memref<64xi32, #tpu.memory_space<hbm>>
      %dma_wait3A_309 = tpu.memref_slice %arg6[%rem3A_280] : memref<2x!tpu.dma_semaphore, #tpu.memory_space<semaphore_mem>> -> memref<1x!tpu.dma_semaphore, #tpu.memory_space<semaphore_mem>>
      %dma_wait3A_310 = tpu.memref_squeeze %dma_wait3A_309 : memref<1x!tpu.dma_semaphore, #tpu.memory_space<semaphore_mem>> -> memref<!tpu.dma_semaphore, #tpu.memory_space<semaphore_mem>>
      %dma_wait3A_311 = arith.constant 0 : i32
      %dma_wait3A_312 = tpu.memref_slice %arg4[%add3A_304, %dma_wait3A_311] : memref<32x64xi32, #tpu.memory_space<vmem>> -> memref<1x64xi32, #tpu.memory_space<vmem>>
      %dma_wait3A_313 = tpu.memref_squeeze %dma_wait3A_312 : memref<1x64xi32, #tpu.memory_space<vmem>> -> memref<64xi32, #tpu.memory_space<vmem>>
      %dma_wait3A_314 = tpu.memref_slice %arg2[%add3A_300] : memref<327680xi32, #tpu.memory_space<hbm>> -> memref<64xi32, #tpu.memory_space<hbm>>
      tpu.wait_dma2 semaphore(%dma_wait3A_310 : memref<!tpu.dma_semaphore, #tpu.memory_space<semaphore_mem>>) src(%dma_wait3A_314 : memref<64xi32, #tpu.memory_space<hbm>>) dst(%dma_wait3A_313 : memref<64xi32, #tpu.memory_space<vmem>>)
      %add3A_315 = arith.constant 128 : i32
      %add3A_316 = arith.addi %add3A_283, %add3A_315 : i32
      %mul3A_317 = arith.constant 16 : i32
      %mul3A_318 = arith.muli %rem3A_280, %mul3A_317 : i32
      %add3A_319 = arith.constant 2 : i32
      %add3A_320 = arith.addi %mul3A_318, %add3A_319 : i32
      %dma_wait3A_321 = arith.constant 0 : i32
      %dma_wait3A_322 = tpu.memref_slice %arg4[%add3A_320, %dma_wait3A_321] : memref<32x64xi32, #tpu.memory_space<vmem>> -> memref<1x64xi32, #tpu.memory_space<vmem>>
      %dma_wait3A_323 = tpu.memref_squeeze %dma_wait3A_322 : memref<1x64xi32, #tpu.memory_space<vmem>> -> memref<64xi32, #tpu.memory_space<vmem>>
      %dma_wait3A_324 = tpu.memref_slice %arg2[%add3A_316] : memref<327680xi32, #tpu.memory_space<hbm>> -> memref<64xi32, #tpu.memory_space<hbm>>
      %dma_wait3A_325 = tpu.memref_slice %arg6[%rem3A_280] : memref<2x!tpu.dma_semaphore, #tpu.memory_space<semaphore_mem>> -> memref<1x!tpu.dma_semaphore, #tpu.memory_space<semaphore_mem>>
      %dma_wait3A_326 = tpu.memref_squeeze %dma_wait3A_325 : memref<1x!tpu.dma_semaphore, #tpu.memory_space<semaphore_mem>> -> memref<!tpu.dma_semaphore, #tpu.memory_space<semaphore_mem>>
      %dma_wait3A_327 = arith.constant 0 : i32
      %dma_wait3A_328 = tpu.memref_slice %arg4[%add3A_320, %dma_wait3A_327] : memref<32x64xi32, #tpu.memory_space<vmem>> -> memref<1x64xi32, #tpu.memory_space<vmem>>
      %dma_wait3A_329 = tpu.memref_squeeze %dma_wait3A_328 : memref<1x64xi32, #tpu.memory_space<vmem>> -> memref<64xi32, #tpu.memory_space<vmem>>
      %dma_wait3A_330 = tpu.memref_slice %arg2[%add3A_316] : memref<327680xi32, #tpu.memory_space<hbm>> -> memref<64xi32, #tpu.memory_space<hbm>>
      tpu.wait_dma2 semaphore(%dma_wait3A_326 : memref<!tpu.dma_semaphore, #tpu.memory_space<semaphore_mem>>) src(%dma_wait3A_330 : memref<64xi32, #tpu.memory_space<hbm>>) dst(%dma_wait3A_329 : memref<64xi32, #tpu.memory_space<vmem>>)
      %add3A_331 = arith.constant 192 : i32
      %add3A_332 = arith.addi %add3A_283, %add3A_331 : i32
      %mul3A_333 = arith.constant 16 : i32
      %mul3A_334 = arith.muli %rem3A_280, %mul3A_333 : i32
      %add3A_335 = arith.constant 3 : i32
      %add3A_336 = arith.addi %mul3A_334, %add3A_335 : i32
      %dma_wait3A_337 = arith.constant 0 : i32
      %dma_wait3A_338 = tpu.memref_slice %arg4[%add3A_336, %dma_wait3A_337] : memref<32x64xi32, #tpu.memory_space<vmem>> -> memref<1x64xi32, #tpu.memory_space<vmem>>
      %dma_wait3A_339 = tpu.memref_squeeze %dma_wait3A_338 : memref<1x64xi32, #tpu.memory_space<vmem>> -> memref<64xi32, #tpu.memory_space<vmem>>
      %dma_wait3A_340 = tpu.memref_slice %arg2[%add3A_332] : memref<327680xi32, #tpu.memory_space<hbm>> -> memref<64xi32, #tpu.memory_space<hbm>>
      %dma_wait3A_341 = tpu.memref_slice %arg6[%rem3A_280] : memref<2x!tpu.dma_semaphore, #tpu.memory_space<semaphore_mem>> -> memref<1x!tpu.dma_semaphore, #tpu.memory_space<semaphore_mem>>
      %dma_wait3A_342 = tpu.memref_squeeze %dma_wait3A_341 : memref<1x!tpu.dma_semaphore, #tpu.memory_space<semaphore_mem>> -> memref<!tpu.dma_semaphore, #tpu.memory_space<semaphore_mem>>
      %dma_wait3A_343 = arith.constant 0 : i32
      %dma_wait3A_344 = tpu.memref_slice %arg4[%add3A_336, %dma_wait3A_343] : memref<32x64xi32, #tpu.memory_space<vmem>> -> memref<1x64xi32, #tpu.memory_space<vmem>>
      %dma_wait3A_345 = tpu.memref_squeeze %dma_wait3A_344 : memref<1x64xi32, #tpu.memory_space<vmem>> -> memref<64xi32, #tpu.memory_space<vmem>>
      %dma_wait3A_346 = tpu.memref_slice %arg2[%add3A_332] : memref<327680xi32, #tpu.memory_space<hbm>> -> memref<64xi32, #tpu.memory_space<hbm>>
      tpu.wait_dma2 semaphore(%dma_wait3A_342 : memref<!tpu.dma_semaphore, #tpu.memory_space<semaphore_mem>>) src(%dma_wait3A_346 : memref<64xi32, #tpu.memory_space<hbm>>) dst(%dma_wait3A_345 : memref<64xi32, #tpu.memory_space<vmem>>)
      %add3A_347 = arith.constant 256 : i32
      %add3A_348 = arith.addi %add3A_283, %add3A_347 : i32
      %mul3A_349 = arith.constant 16 : i32
      %mul3A_350 = arith.muli %rem3A_280, %mul3A_349 : i32
      %add3A_351 = arith.constant 4 : i32
      %add3A_352 = arith.addi %mul3A_350, %add3A_351 : i32
      %dma_wait3A_353 = arith.constant 0 : i32
      %dma_wait3A_354 = tpu.memref_slice %arg4[%add3A_352, %dma_wait3A_353] : memref<32x64xi32, #tpu.memory_space<vmem>> -> memref<1x64xi32, #tpu.memory_space<vmem>>
      %dma_wait3A_355 = tpu.memref_squeeze %dma_wait3A_354 : memref<1x64xi32, #tpu.memory_space<vmem>> -> memref<64xi32, #tpu.memory_space<vmem>>
      %dma_wait3A_356 = tpu.memref_slice %arg2[%add3A_348] : memref<327680xi32, #tpu.memory_space<hbm>> -> memref<64xi32, #tpu.memory_space<hbm>>
      %dma_wait3A_357 = tpu.memref_slice %arg6[%rem3A_280] : memref<2x!tpu.dma_semaphore, #tpu.memory_space<semaphore_mem>> -> memref<1x!tpu.dma_semaphore, #tpu.memory_space<semaphore_mem>>
      %dma_wait3A_358 = tpu.memref_squeeze %dma_wait3A_357 : memref<1x!tpu.dma_semaphore, #tpu.memory_space<semaphore_mem>> -> memref<!tpu.dma_semaphore, #tpu.memory_space<semaphore_mem>>
      %dma_wait3A_359 = arith.constant 0 : i32
      %dma_wait3A_360 = tpu.memref_slice %arg4[%add3A_352, %dma_wait3A_359] : memref<32x64xi32, #tpu.memory_space<vmem>> -> memref<1x64xi32, #tpu.memory_space<vmem>>
      %dma_wait3A_361 = tpu.memref_squeeze %dma_wait3A_360 : memref<1x64xi32, #tpu.memory_space<vmem>> -> memref<64xi32, #tpu.memory_space<vmem>>
      %dma_wait3A_362 = tpu.memref_slice %arg2[%add3A_348] : memref<327680xi32, #tpu.memory_space<hbm>> -> memref<64xi32, #tpu.memory_space<hbm>>
      tpu.wait_dma2 semaphore(%dma_wait3A_358 : memref<!tpu.dma_semaphore, #tpu.memory_space<semaphore_mem>>) src(%dma_wait3A_362 : memref<64xi32, #tpu.memory_space<hbm>>) dst(%dma_wait3A_361 : memref<64xi32, #tpu.memory_space<vmem>>)
      %add3A_363 = arith.constant 320 : i32
      %add3A_364 = arith.addi %add3A_283, %add3A_363 : i32
      %mul3A_365 = arith.constant 16 : i32
      %mul3A_366 = arith.muli %rem3A_280, %mul3A_365 : i32
      %add3A_367 = arith.constant 5 : i32
      %add3A_368 = arith.addi %mul3A_366, %add3A_367 : i32
      %dma_wait3A_369 = arith.constant 0 : i32
      %dma_wait3A_370 = tpu.memref_slice %arg4[%add3A_368, %dma_wait3A_369] : memref<32x64xi32, #tpu.memory_space<vmem>> -> memref<1x64xi32, #tpu.memory_space<vmem>>
      %dma_wait3A_371 = tpu.memref_squeeze %dma_wait3A_370 : memref<1x64xi32, #tpu.memory_space<vmem>> -> memref<64xi32, #tpu.memory_space<vmem>>
      %dma_wait3A_372 = tpu.memref_slice %arg2[%add3A_364] : memref<327680xi32, #tpu.memory_space<hbm>> -> memref<64xi32, #tpu.memory_space<hbm>>
      %dma_wait3A_373 = tpu.memref_slice %arg6[%rem3A_280] : memref<2x!tpu.dma_semaphore, #tpu.memory_space<semaphore_mem>> -> memref<1x!tpu.dma_semaphore, #tpu.memory_space<semaphore_mem>>
      %dma_wait3A_374 = tpu.memref_squeeze %dma_wait3A_373 : memref<1x!tpu.dma_semaphore, #tpu.memory_space<semaphore_mem>> -> memref<!tpu.dma_semaphore, #tpu.memory_space<semaphore_mem>>
      %dma_wait3A_375 = arith.constant 0 : i32
      %dma_wait3A_376 = tpu.memref_slice %arg4[%add3A_368, %dma_wait3A_375] : memref<32x64xi32, #tpu.memory_space<vmem>> -> memref<1x64xi32, #tpu.memory_space<vmem>>
      %dma_wait3A_377 = tpu.memref_squeeze %dma_wait3A_376 : memref<1x64xi32, #tpu.memory_space<vmem>> -> memref<64xi32, #tpu.memory_space<vmem>>
      %dma_wait3A_378 = tpu.memref_slice %arg2[%add3A_364] : memref<327680xi32, #tpu.memory_space<hbm>> -> memref<64xi32, #tpu.memory_space<hbm>>
      tpu.wait_dma2 semaphore(%dma_wait3A_374 : memref<!tpu.dma_semaphore, #tpu.memory_space<semaphore_mem>>) src(%dma_wait3A_378 : memref<64xi32, #tpu.memory_space<hbm>>) dst(%dma_wait3A_377 : memref<64xi32, #tpu.memory_space<vmem>>)
      %add3A_379 = arith.constant 384 : i32
      %add3A_380 = arith.addi %add3A_283, %add3A_379 : i32
      %mul3A_381 = arith.constant 16 : i32
      %mul3A_382 = arith.muli %rem3A_280, %mul3A_381 : i32
      %add3A_383 = arith.constant 6 : i32
      %add3A_384 = arith.addi %mul3A_382, %add3A_383 : i32
      %dma_wait3A_385 = arith.constant 0 : i32
      %dma_wait3A_386 = tpu.memref_slice %arg4[%add3A_384, %dma_wait3A_385] : memref<32x64xi32, #tpu.memory_space<vmem>> -> memref<1x64xi32, #tpu.memory_space<vmem>>
      %dma_wait3A_387 = tpu.memref_squeeze %dma_wait3A_386 : memref<1x64xi32, #tpu.memory_space<vmem>> -> memref<64xi32, #tpu.memory_space<vmem>>
      %dma_wait3A_388 = tpu.memref_slice %arg2[%add3A_380] : memref<327680xi32, #tpu.memory_space<hbm>> -> memref<64xi32, #tpu.memory_space<hbm>>
      %dma_wait3A_389 = tpu.memref_slice %arg6[%rem3A_280] : memref<2x!tpu.dma_semaphore, #tpu.memory_space<semaphore_mem>> -> memref<1x!tpu.dma_semaphore, #tpu.memory_space<semaphore_mem>>
      %dma_wait3A_390 = tpu.memref_squeeze %dma_wait3A_389 : memref<1x!tpu.dma_semaphore, #tpu.memory_space<semaphore_mem>> -> memref<!tpu.dma_semaphore, #tpu.memory_space<semaphore_mem>>
      %dma_wait3A_391 = arith.constant 0 : i32
      %dma_wait3A_392 = tpu.memref_slice %arg4[%add3A_384, %dma_wait3A_391] : memref<32x64xi32, #tpu.memory_space<vmem>> -> memref<1x64xi32, #tpu.memory_space<vmem>>
      %dma_wait3A_393 = tpu.memref_squeeze %dma_wait3A_392 : memref<1x64xi32, #tpu.memory_space<vmem>> -> memref<64xi32, #tpu.memory_space<vmem>>
      %dma_wait3A_394 = tpu.memref_slice %arg2[%add3A_380] : memref<327680xi32, #tpu.memory_space<hbm>> -> memref<64xi32, #tpu.memory_space<hbm>>
      tpu.wait_dma2 semaphore(%dma_wait3A_390 : memref<!tpu.dma_semaphore, #tpu.memory_space<semaphore_mem>>) src(%dma_wait3A_394 : memref<64xi32, #tpu.memory_space<hbm>>) dst(%dma_wait3A_393 : memref<64xi32, #tpu.memory_space<vmem>>)
      %add3A_395 = arith.constant 448 : i32
      %add3A_396 = arith.addi %add3A_283, %add3A_395 : i32
      %mul3A_397 = arith.constant 16 : i32
      %mul3A_398 = arith.muli %rem3A_280, %mul3A_397 : i32
      %add3A_399 = arith.constant 7 : i32
      %add3A_400 = arith.addi %mul3A_398, %add3A_399 : i32
      %dma_wait3A_401 = arith.constant 0 : i32
      %dma_wait3A_402 = tpu.memref_slice %arg4[%add3A_400, %dma_wait3A_401] : memref<32x64xi32, #tpu.memory_space<vmem>> -> memref<1x64xi32, #tpu.memory_space<vmem>>
      %dma_wait3A_403 = tpu.memref_squeeze %dma_wait3A_402 : memref<1x64xi32, #tpu.memory_space<vmem>> -> memref<64xi32, #tpu.memory_space<vmem>>
      %dma_wait3A_404 = tpu.memref_slice %arg2[%add3A_396] : memref<327680xi32, #tpu.memory_space<hbm>> -> memref<64xi32, #tpu.memory_space<hbm>>
      %dma_wait3A_405 = tpu.memref_slice %arg6[%rem3A_280] : memref<2x!tpu.dma_semaphore, #tpu.memory_space<semaphore_mem>> -> memref<1x!tpu.dma_semaphore, #tpu.memory_space<semaphore_mem>>
      %dma_wait3A_406 = tpu.memref_squeeze %dma_wait3A_405 : memref<1x!tpu.dma_semaphore, #tpu.memory_space<semaphore_mem>> -> memref<!tpu.dma_semaphore, #tpu.memory_space<semaphore_mem>>
      %dma_wait3A_407 = arith.constant 0 : i32
      %dma_wait3A_408 = tpu.memref_slice %arg4[%add3A_400, %dma_wait3A_407] : memref<32x64xi32, #tpu.memory_space<vmem>> -> memref<1x64xi32, #tpu.memory_space<vmem>>
      %dma_wait3A_409 = tpu.memref_squeeze %dma_wait3A_408 : memref<1x64xi32, #tpu.memory_space<vmem>> -> memref<64xi32, #tpu.memory_space<vmem>>
      %dma_wait3A_410 = tpu.memref_slice %arg2[%add3A_396] : memref<327680xi32, #tpu.memory_space<hbm>> -> memref<64xi32, #tpu.memory_space<hbm>>
      tpu.wait_dma2 semaphore(%dma_wait3A_406 : memref<!tpu.dma_semaphore, #tpu.memory_space<semaphore_mem>>) src(%dma_wait3A_410 : memref<64xi32, #tpu.memory_space<hbm>>) dst(%dma_wait3A_409 : memref<64xi32, #tpu.memory_space<vmem>>)
      %add3A_411 = arith.constant 512 : i32
      %add3A_412 = arith.addi %add3A_283, %add3A_411 : i32
      %mul3A_413 = arith.constant 16 : i32
      %mul3A_414 = arith.muli %rem3A_280, %mul3A_413 : i32
      %add3A_415 = arith.constant 8 : i32
      %add3A_416 = arith.addi %mul3A_414, %add3A_415 : i32
      %dma_wait3A_417 = arith.constant 0 : i32
      %dma_wait3A_418 = tpu.memref_slice %arg4[%add3A_416, %dma_wait3A_417] : memref<32x64xi32, #tpu.memory_space<vmem>> -> memref<1x64xi32, #tpu.memory_space<vmem>>
      %dma_wait3A_419 = tpu.memref_squeeze %dma_wait3A_418 : memref<1x64xi32, #tpu.memory_space<vmem>> -> memref<64xi32, #tpu.memory_space<vmem>>
      %dma_wait3A_420 = tpu.memref_slice %arg2[%add3A_412] : memref<327680xi32, #tpu.memory_space<hbm>> -> memref<64xi32, #tpu.memory_space<hbm>>
      %dma_wait3A_421 = tpu.memref_slice %arg6[%rem3A_280] : memref<2x!tpu.dma_semaphore, #tpu.memory_space<semaphore_mem>> -> memref<1x!tpu.dma_semaphore, #tpu.memory_space<semaphore_mem>>
      %dma_wait3A_422 = tpu.memref_squeeze %dma_wait3A_421 : memref<1x!tpu.dma_semaphore, #tpu.memory_space<semaphore_mem>> -> memref<!tpu.dma_semaphore, #tpu.memory_space<semaphore_mem>>
      %dma_wait3A_423 = arith.constant 0 : i32
      %dma_wait3A_424 = tpu.memref_slice %arg4[%add3A_416, %dma_wait3A_423] : memref<32x64xi32, #tpu.memory_space<vmem>> -> memref<1x64xi32, #tpu.memory_space<vmem>>
      %dma_wait3A_425 = tpu.memref_squeeze %dma_wait3A_424 : memref<1x64xi32, #tpu.memory_space<vmem>> -> memref<64xi32, #tpu.memory_space<vmem>>
      %dma_wait3A_426 = tpu.memref_slice %arg2[%add3A_412] : memref<327680xi32, #tpu.memory_space<hbm>> -> memref<64xi32, #tpu.memory_space<hbm>>
      tpu.wait_dma2 semaphore(%dma_wait3A_422 : memref<!tpu.dma_semaphore, #tpu.memory_space<semaphore_mem>>) src(%dma_wait3A_426 : memref<64xi32, #tpu.memory_space<hbm>>) dst(%dma_wait3A_425 : memref<64xi32, #tpu.memory_space<vmem>>)
      %add3A_427 = arith.constant 576 : i32
      %add3A_428 = arith.addi %add3A_283, %add3A_427 : i32
      %mul3A_429 = arith.constant 16 : i32
      %mul3A_430 = arith.muli %rem3A_280, %mul3A_429 : i32
      %add3A_431 = arith.constant 9 : i32
      %add3A_432 = arith.addi %mul3A_430, %add3A_431 : i32
      %dma_wait3A_433 = arith.constant 0 : i32
      %dma_wait3A_434 = tpu.memref_slice %arg4[%add3A_432, %dma_wait3A_433] : memref<32x64xi32, #tpu.memory_space<vmem>> -> memref<1x64xi32, #tpu.memory_space<vmem>>
      %dma_wait3A_435 = tpu.memref_squeeze %dma_wait3A_434 : memref<1x64xi32, #tpu.memory_space<vmem>> -> memref<64xi32, #tpu.memory_space<vmem>>
      %dma_wait3A_436 = tpu.memref_slice %arg2[%add3A_428] : memref<327680xi32, #tpu.memory_space<hbm>> -> memref<64xi32, #tpu.memory_space<hbm>>
      %dma_wait3A_437 = tpu.memref_slice %arg6[%rem3A_280] : memref<2x!tpu.dma_semaphore, #tpu.memory_space<semaphore_mem>> -> memref<1x!tpu.dma_semaphore, #tpu.memory_space<semaphore_mem>>
      %dma_wait3A_438 = tpu.memref_squeeze %dma_wait3A_437 : memref<1x!tpu.dma_semaphore, #tpu.memory_space<semaphore_mem>> -> memref<!tpu.dma_semaphore, #tpu.memory_space<semaphore_mem>>
      %dma_wait3A_439 = arith.constant 0 : i32
      %dma_wait3A_440 = tpu.memref_slice %arg4[%add3A_432, %dma_wait3A_439] : memref<32x64xi32, #tpu.memory_space<vmem>> -> memref<1x64xi32, #tpu.memory_space<vmem>>
      %dma_wait3A_441 = tpu.memref_squeeze %dma_wait3A_440 : memref<1x64xi32, #tpu.memory_space<vmem>> -> memref<64xi32, #tpu.memory_space<vmem>>
      %dma_wait3A_442 = tpu.memref_slice %arg2[%add3A_428] : memref<327680xi32, #tpu.memory_space<hbm>> -> memref<64xi32, #tpu.memory_space<hbm>>
      tpu.wait_dma2 semaphore(%dma_wait3A_438 : memref<!tpu.dma_semaphore, #tpu.memory_space<semaphore_mem>>) src(%dma_wait3A_442 : memref<64xi32, #tpu.memory_space<hbm>>) dst(%dma_wait3A_441 : memref<64xi32, #tpu.memory_space<vmem>>)
      %add3A_443 = arith.constant 640 : i32
      %add3A_444 = arith.addi %add3A_283, %add3A_443 : i32
      %mul3A_445 = arith.constant 16 : i32
      %mul3A_446 = arith.muli %rem3A_280, %mul3A_445 : i32
      %add3A_447 = arith.constant 10 : i32
      %add3A_448 = arith.addi %mul3A_446, %add3A_447 : i32
      %dma_wait3A_449 = arith.constant 0 : i32
      %dma_wait3A_450 = tpu.memref_slice %arg4[%add3A_448, %dma_wait3A_449] : memref<32x64xi32, #tpu.memory_space<vmem>> -> memref<1x64xi32, #tpu.memory_space<vmem>>
      %dma_wait3A_451 = tpu.memref_squeeze %dma_wait3A_450 : memref<1x64xi32, #tpu.memory_space<vmem>> -> memref<64xi32, #tpu.memory_space<vmem>>
      %dma_wait3A_452 = tpu.memref_slice %arg2[%add3A_444] : memref<327680xi32, #tpu.memory_space<hbm>> -> memref<64xi32, #tpu.memory_space<hbm>>
      %dma_wait3A_453 = tpu.memref_slice %arg6[%rem3A_280] : memref<2x!tpu.dma_semaphore, #tpu.memory_space<semaphore_mem>> -> memref<1x!tpu.dma_semaphore, #tpu.memory_space<semaphore_mem>>
      %dma_wait3A_454 = tpu.memref_squeeze %dma_wait3A_453 : memref<1x!tpu.dma_semaphore, #tpu.memory_space<semaphore_mem>> -> memref<!tpu.dma_semaphore, #tpu.memory_space<semaphore_mem>>
      %dma_wait3A_455 = arith.constant 0 : i32
      %dma_wait3A_456 = tpu.memref_slice %arg4[%add3A_448, %dma_wait3A_455] : memref<32x64xi32, #tpu.memory_space<vmem>> -> memref<1x64xi32, #tpu.memory_space<vmem>>
      %dma_wait3A_457 = tpu.memref_squeeze %dma_wait3A_456 : memref<1x64xi32, #tpu.memory_space<vmem>> -> memref<64xi32, #tpu.memory_space<vmem>>
      %dma_wait3A_458 = tpu.memref_slice %arg2[%add3A_444] : memref<327680xi32, #tpu.memory_space<hbm>> -> memref<64xi32, #tpu.memory_space<hbm>>
      tpu.wait_dma2 semaphore(%dma_wait3A_454 : memref<!tpu.dma_semaphore, #tpu.memory_space<semaphore_mem>>) src(%dma_wait3A_458 : memref<64xi32, #tpu.memory_space<hbm>>) dst(%dma_wait3A_457 : memref<64xi32, #tpu.memory_space<vmem>>)
      %add3A_459 = arith.constant 704 : i32
      %add3A_460 = arith.addi %add3A_283, %add3A_459 : i32
      %mul3A_461 = arith.constant 16 : i32
      %mul3A_462 = arith.muli %rem3A_280, %mul3A_461 : i32
      %add3A_463 = arith.constant 11 : i32
      %add3A_464 = arith.addi %mul3A_462, %add3A_463 : i32
      %dma_wait3A_465 = arith.constant 0 : i32
      %dma_wait3A_466 = tpu.memref_slice %arg4[%add3A_464, %dma_wait3A_465] : memref<32x64xi32, #tpu.memory_space<vmem>> -> memref<1x64xi32, #tpu.memory_space<vmem>>
      %dma_wait3A_467 = tpu.memref_squeeze %dma_wait3A_466 : memref<1x64xi32, #tpu.memory_space<vmem>> -> memref<64xi32, #tpu.memory_space<vmem>>
      %dma_wait3A_468 = tpu.memref_slice %arg2[%add3A_460] : memref<327680xi32, #tpu.memory_space<hbm>> -> memref<64xi32, #tpu.memory_space<hbm>>
      %dma_wait3A_469 = tpu.memref_slice %arg6[%rem3A_280] : memref<2x!tpu.dma_semaphore, #tpu.memory_space<semaphore_mem>> -> memref<1x!tpu.dma_semaphore, #tpu.memory_space<semaphore_mem>>
      %dma_wait3A_470 = tpu.memref_squeeze %dma_wait3A_469 : memref<1x!tpu.dma_semaphore, #tpu.memory_space<semaphore_mem>> -> memref<!tpu.dma_semaphore, #tpu.memory_space<semaphore_mem>>
      %dma_wait3A_471 = arith.constant 0 : i32
      %dma_wait3A_472 = tpu.memref_slice %arg4[%add3A_464, %dma_wait3A_471] : memref<32x64xi32, #tpu.memory_space<vmem>> -> memref<1x64xi32, #tpu.memory_space<vmem>>
      %dma_wait3A_473 = tpu.memref_squeeze %dma_wait3A_472 : memref<1x64xi32, #tpu.memory_space<vmem>> -> memref<64xi32, #tpu.memory_space<vmem>>
      %dma_wait3A_474 = tpu.memref_slice %arg2[%add3A_460] : memref<327680xi32, #tpu.memory_space<hbm>> -> memref<64xi32, #tpu.memory_space<hbm>>
      tpu.wait_dma2 semaphore(%dma_wait3A_470 : memref<!tpu.dma_semaphore, #tpu.memory_space<semaphore_mem>>) src(%dma_wait3A_474 : memref<64xi32, #tpu.memory_space<hbm>>) dst(%dma_wait3A_473 : memref<64xi32, #tpu.memory_space<vmem>>)
      %add3A_475 = arith.constant 768 : i32
      %add3A_476 = arith.addi %add3A_283, %add3A_475 : i32
      %mul3A_477 = arith.constant 16 : i32
      %mul3A_478 = arith.muli %rem3A_280, %mul3A_477 : i32
      %add3A_479 = arith.constant 12 : i32
      %add3A_480 = arith.addi %mul3A_478, %add3A_479 : i32
      %dma_wait3A_481 = arith.constant 0 : i32
      %dma_wait3A_482 = tpu.memref_slice %arg4[%add3A_480, %dma_wait3A_481] : memref<32x64xi32, #tpu.memory_space<vmem>> -> memref<1x64xi32, #tpu.memory_space<vmem>>
      %dma_wait3A_483 = tpu.memref_squeeze %dma_wait3A_482 : memref<1x64xi32, #tpu.memory_space<vmem>> -> memref<64xi32, #tpu.memory_space<vmem>>
      %dma_wait3A_484 = tpu.memref_slice %arg2[%add3A_476] : memref<327680xi32, #tpu.memory_space<hbm>> -> memref<64xi32, #tpu.memory_space<hbm>>
      %dma_wait3A_485 = tpu.memref_slice %arg6[%rem3A_280] : memref<2x!tpu.dma_semaphore, #tpu.memory_space<semaphore_mem>> -> memref<1x!tpu.dma_semaphore, #tpu.memory_space<semaphore_mem>>
      %dma_wait3A_486 = tpu.memref_squeeze %dma_wait3A_485 : memref<1x!tpu.dma_semaphore, #tpu.memory_space<semaphore_mem>> -> memref<!tpu.dma_semaphore, #tpu.memory_space<semaphore_mem>>
      %dma_wait3A_487 = arith.constant 0 : i32
      %dma_wait3A_488 = tpu.memref_slice %arg4[%add3A_480, %dma_wait3A_487] : memref<32x64xi32, #tpu.memory_space<vmem>> -> memref<1x64xi32, #tpu.memory_space<vmem>>
      %dma_wait3A_489 = tpu.memref_squeeze %dma_wait3A_488 : memref<1x64xi32, #tpu.memory_space<vmem>> -> memref<64xi32, #tpu.memory_space<vmem>>
      %dma_wait3A_490 = tpu.memref_slice %arg2[%add3A_476] : memref<327680xi32, #tpu.memory_space<hbm>> -> memref<64xi32, #tpu.memory_space<hbm>>
      tpu.wait_dma2 semaphore(%dma_wait3A_486 : memref<!tpu.dma_semaphore, #tpu.memory_space<semaphore_mem>>) src(%dma_wait3A_490 : memref<64xi32, #tpu.memory_space<hbm>>) dst(%dma_wait3A_489 : memref<64xi32, #tpu.memory_space<vmem>>)
      %add3A_491 = arith.constant 832 : i32
      %add3A_492 = arith.addi %add3A_283, %add3A_491 : i32
      %mul3A_493 = arith.constant 16 : i32
      %mul3A_494 = arith.muli %rem3A_280, %mul3A_493 : i32
      %add3A_495 = arith.constant 13 : i32
      %add3A_496 = arith.addi %mul3A_494, %add3A_495 : i32
      %dma_wait3A_497 = arith.constant 0 : i32
      %dma_wait3A_498 = tpu.memref_slice %arg4[%add3A_496, %dma_wait3A_497] : memref<32x64xi32, #tpu.memory_space<vmem>> -> memref<1x64xi32, #tpu.memory_space<vmem>>
      %dma_wait3A_499 = tpu.memref_squeeze %dma_wait3A_498 : memref<1x64xi32, #tpu.memory_space<vmem>> -> memref<64xi32, #tpu.memory_space<vmem>>
      %dma_wait3A_500 = tpu.memref_slice %arg2[%add3A_492] : memref<327680xi32, #tpu.memory_space<hbm>> -> memref<64xi32, #tpu.memory_space<hbm>>
      %dma_wait3A_501 = tpu.memref_slice %arg6[%rem3A_280] : memref<2x!tpu.dma_semaphore, #tpu.memory_space<semaphore_mem>> -> memref<1x!tpu.dma_semaphore, #tpu.memory_space<semaphore_mem>>
      %dma_wait3A_502 = tpu.memref_squeeze %dma_wait3A_501 : memref<1x!tpu.dma_semaphore, #tpu.memory_space<semaphore_mem>> -> memref<!tpu.dma_semaphore, #tpu.memory_space<semaphore_mem>>
      %dma_wait3A_503 = arith.constant 0 : i32
      %dma_wait3A_504 = tpu.memref_slice %arg4[%add3A_496, %dma_wait3A_503] : memref<32x64xi32, #tpu.memory_space<vmem>> -> memref<1x64xi32, #tpu.memory_space<vmem>>
      %dma_wait3A_505 = tpu.memref_squeeze %dma_wait3A_504 : memref<1x64xi32, #tpu.memory_space<vmem>> -> memref<64xi32, #tpu.memory_space<vmem>>
      %dma_wait3A_506 = tpu.memref_slice %arg2[%add3A_492] : memref<327680xi32, #tpu.memory_space<hbm>> -> memref<64xi32, #tpu.memory_space<hbm>>
      tpu.wait_dma2 semaphore(%dma_wait3A_502 : memref<!tpu.dma_semaphore, #tpu.memory_space<semaphore_mem>>) src(%dma_wait3A_506 : memref<64xi32, #tpu.memory_space<hbm>>) dst(%dma_wait3A_505 : memref<64xi32, #tpu.memory_space<vmem>>)
      %add3A_507 = arith.constant 896 : i32
      %add3A_508 = arith.addi %add3A_283, %add3A_507 : i32
      %mul3A_509 = arith.constant 16 : i32
      %mul3A_510 = arith.muli %rem3A_280, %mul3A_509 : i32
      %add3A_511 = arith.constant 14 : i32
      %add3A_512 = arith.addi %mul3A_510, %add3A_511 : i32
      %dma_wait3A_513 = arith.constant 0 : i32
      %dma_wait3A_514 = tpu.memref_slice %arg4[%add3A_512, %dma_wait3A_513] : memref<32x64xi32, #tpu.memory_space<vmem>> -> memref<1x64xi32, #tpu.memory_space<vmem>>
      %dma_wait3A_515 = tpu.memref_squeeze %dma_wait3A_514 : memref<1x64xi32, #tpu.memory_space<vmem>> -> memref<64xi32, #tpu.memory_space<vmem>>
      %dma_wait3A_516 = tpu.memref_slice %arg2[%add3A_508] : memref<327680xi32, #tpu.memory_space<hbm>> -> memref<64xi32, #tpu.memory_space<hbm>>
      %dma_wait3A_517 = tpu.memref_slice %arg6[%rem3A_280] : memref<2x!tpu.dma_semaphore, #tpu.memory_space<semaphore_mem>> -> memref<1x!tpu.dma_semaphore, #tpu.memory_space<semaphore_mem>>
      %dma_wait3A_518 = tpu.memref_squeeze %dma_wait3A_517 : memref<1x!tpu.dma_semaphore, #tpu.memory_space<semaphore_mem>> -> memref<!tpu.dma_semaphore, #tpu.memory_space<semaphore_mem>>
      %dma_wait3A_519 = arith.constant 0 : i32
      %dma_wait3A_520 = tpu.memref_slice %arg4[%add3A_512, %dma_wait3A_519] : memref<32x64xi32, #tpu.memory_space<vmem>> -> memref<1x64xi32, #tpu.memory_space<vmem>>
      %dma_wait3A_521 = tpu.memref_squeeze %dma_wait3A_520 : memref<1x64xi32, #tpu.memory_space<vmem>> -> memref<64xi32, #tpu.memory_space<vmem>>
      %dma_wait3A_522 = tpu.memref_slice %arg2[%add3A_508] : memref<327680xi32, #tpu.memory_space<hbm>> -> memref<64xi32, #tpu.memory_space<hbm>>
      tpu.wait_dma2 semaphore(%dma_wait3A_518 : memref<!tpu.dma_semaphore, #tpu.memory_space<semaphore_mem>>) src(%dma_wait3A_522 : memref<64xi32, #tpu.memory_space<hbm>>) dst(%dma_wait3A_521 : memref<64xi32, #tpu.memory_space<vmem>>)
      %add3A_523 = arith.constant 960 : i32
      %add3A_524 = arith.addi %add3A_283, %add3A_523 : i32
      %mul3A_525 = arith.constant 16 : i32
      %mul3A_526 = arith.muli %rem3A_280, %mul3A_525 : i32
      %add3A_527 = arith.constant 15 : i32
      %add3A_528 = arith.addi %mul3A_526, %add3A_527 : i32
      %dma_wait3A_529 = arith.constant 0 : i32
      %dma_wait3A_530 = tpu.memref_slice %arg4[%add3A_528, %dma_wait3A_529] : memref<32x64xi32, #tpu.memory_space<vmem>> -> memref<1x64xi32, #tpu.memory_space<vmem>>
      %dma_wait3A_531 = tpu.memref_squeeze %dma_wait3A_530 : memref<1x64xi32, #tpu.memory_space<vmem>> -> memref<64xi32, #tpu.memory_space<vmem>>
      %dma_wait3A_532 = tpu.memref_slice %arg2[%add3A_524] : memref<327680xi32, #tpu.memory_space<hbm>> -> memref<64xi32, #tpu.memory_space<hbm>>
      %dma_wait3A_533 = tpu.memref_slice %arg6[%rem3A_280] : memref<2x!tpu.dma_semaphore, #tpu.memory_space<semaphore_mem>> -> memref<1x!tpu.dma_semaphore, #tpu.memory_space<semaphore_mem>>
      %dma_wait3A_534 = tpu.memref_squeeze %dma_wait3A_533 : memref<1x!tpu.dma_semaphore, #tpu.memory_space<semaphore_mem>> -> memref<!tpu.dma_semaphore, #tpu.memory_space<semaphore_mem>>
      %dma_wait3A_535 = arith.constant 0 : i32
      %dma_wait3A_536 = tpu.memref_slice %arg4[%add3A_528, %dma_wait3A_535] : memref<32x64xi32, #tpu.memory_space<vmem>> -> memref<1x64xi32, #tpu.memory_space<vmem>>
      %dma_wait3A_537 = tpu.memref_squeeze %dma_wait3A_536 : memref<1x64xi32, #tpu.memory_space<vmem>> -> memref<64xi32, #tpu.memory_space<vmem>>
      %dma_wait3A_538 = tpu.memref_slice %arg2[%add3A_524] : memref<327680xi32, #tpu.memory_space<hbm>> -> memref<64xi32, #tpu.memory_space<hbm>>
      tpu.wait_dma2 semaphore(%dma_wait3A_534 : memref<!tpu.dma_semaphore, #tpu.memory_space<semaphore_mem>>) src(%dma_wait3A_538 : memref<64xi32, #tpu.memory_space<hbm>>) dst(%dma_wait3A_537 : memref<64xi32, #tpu.memory_space<vmem>>)
      %lt3A_539 = arith.constant 9 : i32
      %lt3A_540 = arith.cmpi slt, %scan3A_279, %lt3A_539 : i32
      %convert_element_type3A_541 = arith.extui %lt3A_540 : i1 to i32
      %cond3A_542 = arith.constant 0 : i32
      %cond3A_543 = arith.cmpi ne, %convert_element_type3A_541, %cond3A_542 : i32
      scf.if %cond3A_543 {
        %add3A_550 = arith.constant 1 : i32
        %add3A_551 = arith.addi %scan3A_279, %add3A_550 : i32
        %sub3A = arith.constant 1 : i32
        %sub3A_552 = arith.subi %sub3A, %rem3A_280 : i32
        %mul3A_553 = arith.constant 1024 : i32
        %mul3A_554 = arith.muli %add3A_551, %mul3A_553 : i32
        %add3A_555 = arith.addi %mul3A_38, %mul3A_554 : i32
        %add3A_556 = arith.constant 0 : i32
        %add3A_557 = arith.addi %add3A_555, %add3A_556 : i32
        %mul3A_558 = arith.constant 16 : i32
        %mul3A_559 = arith.muli %sub3A_552, %mul3A_558 : i32
        %add3A_560 = arith.constant 0 : i32
        %add3A_561 = arith.addi %mul3A_559, %add3A_560 : i32
        %dma_start3A_562 = arith.constant 0 : i32
        %dma_start3A_563 = tpu.memref_slice %arg4[%add3A_561, %dma_start3A_562] : memref<32x64xi32, #tpu.memory_space<vmem>> -> memref<1x64xi32, #tpu.memory_space<vmem>>
        %dma_start3A_564 = tpu.memref_squeeze %dma_start3A_563 : memref<1x64xi32, #tpu.memory_space<vmem>> -> memref<64xi32, #tpu.memory_space<vmem>>
        %dma_start3A_565 = tpu.memref_slice %arg2[%add3A_557] : memref<327680xi32, #tpu.memory_space<hbm>> -> memref<64xi32, #tpu.memory_space<hbm>>
        %dma_start3A_566 = tpu.memref_slice %arg6[%sub3A_552] : memref<2x!tpu.dma_semaphore, #tpu.memory_space<semaphore_mem>> -> memref<1x!tpu.dma_semaphore, #tpu.memory_space<semaphore_mem>>
        %dma_start3A_567 = tpu.memref_squeeze %dma_start3A_566 : memref<1x!tpu.dma_semaphore, #tpu.memory_space<semaphore_mem>> -> memref<!tpu.dma_semaphore, #tpu.memory_space<semaphore_mem>>
        %dma_start3A_568 = arith.constant 0 : i32
        %dma_start3A_569 = tpu.memref_slice %arg4[%add3A_561, %dma_start3A_568] : memref<32x64xi32, #tpu.memory_space<vmem>> -> memref<1x64xi32, #tpu.memory_space<vmem>>
        %dma_start3A_570 = tpu.memref_squeeze %dma_start3A_569 : memref<1x64xi32, #tpu.memory_space<vmem>> -> memref<64xi32, #tpu.memory_space<vmem>>
        %dma_start3A_571 = tpu.memref_slice %arg2[%add3A_557] : memref<327680xi32, #tpu.memory_space<hbm>> -> memref<64xi32, #tpu.memory_space<hbm>>
        tpu.enqueue_dma source(%dma_start3A_571 : memref<64xi32, #tpu.memory_space<hbm>>) target(%dma_start3A_570 : memref<64xi32, #tpu.memory_space<vmem>>) target_semaphore(%dma_start3A_567 : memref<!tpu.dma_semaphore, #tpu.memory_space<semaphore_mem>>)
        %add3A_572 = arith.constant 64 : i32
        %add3A_573 = arith.addi %add3A_555, %add3A_572 : i32
        %mul3A_574 = arith.constant 16 : i32
        %mul3A_575 = arith.muli %sub3A_552, %mul3A_574 : i32
        %add3A_576 = arith.constant 1 : i32
        %add3A_577 = arith.addi %mul3A_575, %add3A_576 : i32
        %dma_start3A_578 = arith.constant 0 : i32
        %dma_start3A_579 = tpu.memref_slice %arg4[%add3A_577, %dma_start3A_578] : memref<32x64xi32, #tpu.memory_space<vmem>> -> memref<1x64xi32, #tpu.memory_space<vmem>>
        %dma_start3A_580 = tpu.memref_squeeze %dma_start3A_579 : memref<1x64xi32, #tpu.memory_space<vmem>> -> memref<64xi32, #tpu.memory_space<vmem>>
        %dma_start3A_581 = tpu.memref_slice %arg2[%add3A_573] : memref<327680xi32, #tpu.memory_space<hbm>> -> memref<64xi32, #tpu.memory_space<hbm>>
        %dma_start3A_582 = tpu.memref_slice %arg6[%sub3A_552] : memref<2x!tpu.dma_semaphore, #tpu.memory_space<semaphore_mem>> -> memref<1x!tpu.dma_semaphore, #tpu.memory_space<semaphore_mem>>
        %dma_start3A_583 = tpu.memref_squeeze %dma_start3A_582 : memref<1x!tpu.dma_semaphore, #tpu.memory_space<semaphore_mem>> -> memref<!tpu.dma_semaphore, #tpu.memory_space<semaphore_mem>>
        %dma_start3A_584 = arith.constant 0 : i32
        %dma_start3A_585 = tpu.memref_slice %arg4[%add3A_577, %dma_start3A_584] : memref<32x64xi32, #tpu.memory_space<vmem>> -> memref<1x64xi32, #tpu.memory_space<vmem>>
        %dma_start3A_586 = tpu.memref_squeeze %dma_start3A_585 : memref<1x64xi32, #tpu.memory_space<vmem>> -> memref<64xi32, #tpu.memory_space<vmem>>
        %dma_start3A_587 = tpu.memref_slice %arg2[%add3A_573] : memref<327680xi32, #tpu.memory_space<hbm>> -> memref<64xi32, #tpu.memory_space<hbm>>
        tpu.enqueue_dma source(%dma_start3A_587 : memref<64xi32, #tpu.memory_space<hbm>>) target(%dma_start3A_586 : memref<64xi32, #tpu.memory_space<vmem>>) target_semaphore(%dma_start3A_583 : memref<!tpu.dma_semaphore, #tpu.memory_space<semaphore_mem>>)
        %add3A_588 = arith.constant 128 : i32
        %add3A_589 = arith.addi %add3A_555, %add3A_588 : i32
        %mul3A_590 = arith.constant 16 : i32
        %mul3A_591 = arith.muli %sub3A_552, %mul3A_590 : i32
        %add3A_592 = arith.constant 2 : i32
        %add3A_593 = arith.addi %mul3A_591, %add3A_592 : i32
        %dma_start3A_594 = arith.constant 0 : i32
        %dma_start3A_595 = tpu.memref_slice %arg4[%add3A_593, %dma_start3A_594] : memref<32x64xi32, #tpu.memory_space<vmem>> -> memref<1x64xi32, #tpu.memory_space<vmem>>
        %dma_start3A_596 = tpu.memref_squeeze %dma_start3A_595 : memref<1x64xi32, #tpu.memory_space<vmem>> -> memref<64xi32, #tpu.memory_space<vmem>>
        %dma_start3A_597 = tpu.memref_slice %arg2[%add3A_589] : memref<327680xi32, #tpu.memory_space<hbm>> -> memref<64xi32, #tpu.memory_space<hbm>>
        %dma_start3A_598 = tpu.memref_slice %arg6[%sub3A_552] : memref<2x!tpu.dma_semaphore, #tpu.memory_space<semaphore_mem>> -> memref<1x!tpu.dma_semaphore, #tpu.memory_space<semaphore_mem>>
        %dma_start3A_599 = tpu.memref_squeeze %dma_start3A_598 : memref<1x!tpu.dma_semaphore, #tpu.memory_space<semaphore_mem>> -> memref<!tpu.dma_semaphore, #tpu.memory_space<semaphore_mem>>
        %dma_start3A_600 = arith.constant 0 : i32
        %dma_start3A_601 = tpu.memref_slice %arg4[%add3A_593, %dma_start3A_600] : memref<32x64xi32, #tpu.memory_space<vmem>> -> memref<1x64xi32, #tpu.memory_space<vmem>>
        %dma_start3A_602 = tpu.memref_squeeze %dma_start3A_601 : memref<1x64xi32, #tpu.memory_space<vmem>> -> memref<64xi32, #tpu.memory_space<vmem>>
        %dma_start3A_603 = tpu.memref_slice %arg2[%add3A_589] : memref<327680xi32, #tpu.memory_space<hbm>> -> memref<64xi32, #tpu.memory_space<hbm>>
        tpu.enqueue_dma source(%dma_start3A_603 : memref<64xi32, #tpu.memory_space<hbm>>) target(%dma_start3A_602 : memref<64xi32, #tpu.memory_space<vmem>>) target_semaphore(%dma_start3A_599 : memref<!tpu.dma_semaphore, #tpu.memory_space<semaphore_mem>>)
        %add3A_604 = arith.constant 192 : i32
        %add3A_605 = arith.addi %add3A_555, %add3A_604 : i32
        %mul3A_606 = arith.constant 16 : i32
        %mul3A_607 = arith.muli %sub3A_552, %mul3A_606 : i32
        %add3A_608 = arith.constant 3 : i32
        %add3A_609 = arith.addi %mul3A_607, %add3A_608 : i32
        %dma_start3A_610 = arith.constant 0 : i32
        %dma_start3A_611 = tpu.memref_slice %arg4[%add3A_609, %dma_start3A_610] : memref<32x64xi32, #tpu.memory_space<vmem>> -> memref<1x64xi32, #tpu.memory_space<vmem>>
        %dma_start3A_612 = tpu.memref_squeeze %dma_start3A_611 : memref<1x64xi32, #tpu.memory_space<vmem>> -> memref<64xi32, #tpu.memory_space<vmem>>
        %dma_start3A_613 = tpu.memref_slice %arg2[%add3A_605] : memref<327680xi32, #tpu.memory_space<hbm>> -> memref<64xi32, #tpu.memory_space<hbm>>
        %dma_start3A_614 = tpu.memref_slice %arg6[%sub3A_552] : memref<2x!tpu.dma_semaphore, #tpu.memory_space<semaphore_mem>> -> memref<1x!tpu.dma_semaphore, #tpu.memory_space<semaphore_mem>>
        %dma_start3A_615 = tpu.memref_squeeze %dma_start3A_614 : memref<1x!tpu.dma_semaphore, #tpu.memory_space<semaphore_mem>> -> memref<!tpu.dma_semaphore, #tpu.memory_space<semaphore_mem>>
        %dma_start3A_616 = arith.constant 0 : i32
        %dma_start3A_617 = tpu.memref_slice %arg4[%add3A_609, %dma_start3A_616] : memref<32x64xi32, #tpu.memory_space<vmem>> -> memref<1x64xi32, #tpu.memory_space<vmem>>
        %dma_start3A_618 = tpu.memref_squeeze %dma_start3A_617 : memref<1x64xi32, #tpu.memory_space<vmem>> -> memref<64xi32, #tpu.memory_space<vmem>>
        %dma_start3A_619 = tpu.memref_slice %arg2[%add3A_605] : memref<327680xi32, #tpu.memory_space<hbm>> -> memref<64xi32, #tpu.memory_space<hbm>>
        tpu.enqueue_dma source(%dma_start3A_619 : memref<64xi32, #tpu.memory_space<hbm>>) target(%dma_start3A_618 : memref<64xi32, #tpu.memory_space<vmem>>) target_semaphore(%dma_start3A_615 : memref<!tpu.dma_semaphore, #tpu.memory_space<semaphore_mem>>)
        %add3A_620 = arith.constant 256 : i32
        %add3A_621 = arith.addi %add3A_555, %add3A_620 : i32
        %mul3A_622 = arith.constant 16 : i32
        %mul3A_623 = arith.muli %sub3A_552, %mul3A_622 : i32
        %add3A_624 = arith.constant 4 : i32
        %add3A_625 = arith.addi %mul3A_623, %add3A_624 : i32
        %dma_start3A_626 = arith.constant 0 : i32
        %dma_start3A_627 = tpu.memref_slice %arg4[%add3A_625, %dma_start3A_626] : memref<32x64xi32, #tpu.memory_space<vmem>> -> memref<1x64xi32, #tpu.memory_space<vmem>>
        %dma_start3A_628 = tpu.memref_squeeze %dma_start3A_627 : memref<1x64xi32, #tpu.memory_space<vmem>> -> memref<64xi32, #tpu.memory_space<vmem>>
        %dma_start3A_629 = tpu.memref_slice %arg2[%add3A_621] : memref<327680xi32, #tpu.memory_space<hbm>> -> memref<64xi32, #tpu.memory_space<hbm>>
        %dma_start3A_630 = tpu.memref_slice %arg6[%sub3A_552] : memref<2x!tpu.dma_semaphore, #tpu.memory_space<semaphore_mem>> -> memref<1x!tpu.dma_semaphore, #tpu.memory_space<semaphore_mem>>
        %dma_start3A_631 = tpu.memref_squeeze %dma_start3A_630 : memref<1x!tpu.dma_semaphore, #tpu.memory_space<semaphore_mem>> -> memref<!tpu.dma_semaphore, #tpu.memory_space<semaphore_mem>>
        %dma_start3A_632 = arith.constant 0 : i32
        %dma_start3A_633 = tpu.memref_slice %arg4[%add3A_625, %dma_start3A_632] : memref<32x64xi32, #tpu.memory_space<vmem>> -> memref<1x64xi32, #tpu.memory_space<vmem>>
        %dma_start3A_634 = tpu.memref_squeeze %dma_start3A_633 : memref<1x64xi32, #tpu.memory_space<vmem>> -> memref<64xi32, #tpu.memory_space<vmem>>
        %dma_start3A_635 = tpu.memref_slice %arg2[%add3A_621] : memref<327680xi32, #tpu.memory_space<hbm>> -> memref<64xi32, #tpu.memory_space<hbm>>
        tpu.enqueue_dma source(%dma_start3A_635 : memref<64xi32, #tpu.memory_space<hbm>>) target(%dma_start3A_634 : memref<64xi32, #tpu.memory_space<vmem>>) target_semaphore(%dma_start3A_631 : memref<!tpu.dma_semaphore, #tpu.memory_space<semaphore_mem>>)
        %add3A_636 = arith.constant 320 : i32
        %add3A_637 = arith.addi %add3A_555, %add3A_636 : i32
        %mul3A_638 = arith.constant 16 : i32
        %mul3A_639 = arith.muli %sub3A_552, %mul3A_638 : i32
        %add3A_640 = arith.constant 5 : i32
        %add3A_641 = arith.addi %mul3A_639, %add3A_640 : i32
        %dma_start3A_642 = arith.constant 0 : i32
        %dma_start3A_643 = tpu.memref_slice %arg4[%add3A_641, %dma_start3A_642] : memref<32x64xi32, #tpu.memory_space<vmem>> -> memref<1x64xi32, #tpu.memory_space<vmem>>
        %dma_start3A_644 = tpu.memref_squeeze %dma_start3A_643 : memref<1x64xi32, #tpu.memory_space<vmem>> -> memref<64xi32, #tpu.memory_space<vmem>>
        %dma_start3A_645 = tpu.memref_slice %arg2[%add3A_637] : memref<327680xi32, #tpu.memory_space<hbm>> -> memref<64xi32, #tpu.memory_space<hbm>>
        %dma_start3A_646 = tpu.memref_slice %arg6[%sub3A_552] : memref<2x!tpu.dma_semaphore, #tpu.memory_space<semaphore_mem>> -> memref<1x!tpu.dma_semaphore, #tpu.memory_space<semaphore_mem>>
        %dma_start3A_647 = tpu.memref_squeeze %dma_start3A_646 : memref<1x!tpu.dma_semaphore, #tpu.memory_space<semaphore_mem>> -> memref<!tpu.dma_semaphore, #tpu.memory_space<semaphore_mem>>
        %dma_start3A_648 = arith.constant 0 : i32
        %dma_start3A_649 = tpu.memref_slice %arg4[%add3A_641, %dma_start3A_648] : memref<32x64xi32, #tpu.memory_space<vmem>> -> memref<1x64xi32, #tpu.memory_space<vmem>>
        %dma_start3A_650 = tpu.memref_squeeze %dma_start3A_649 : memref<1x64xi32, #tpu.memory_space<vmem>> -> memref<64xi32, #tpu.memory_space<vmem>>
        %dma_start3A_651 = tpu.memref_slice %arg2[%add3A_637] : memref<327680xi32, #tpu.memory_space<hbm>> -> memref<64xi32, #tpu.memory_space<hbm>>
        tpu.enqueue_dma source(%dma_start3A_651 : memref<64xi32, #tpu.memory_space<hbm>>) target(%dma_start3A_650 : memref<64xi32, #tpu.memory_space<vmem>>) target_semaphore(%dma_start3A_647 : memref<!tpu.dma_semaphore, #tpu.memory_space<semaphore_mem>>)
        %add3A_652 = arith.constant 384 : i32
        %add3A_653 = arith.addi %add3A_555, %add3A_652 : i32
        %mul3A_654 = arith.constant 16 : i32
        %mul3A_655 = arith.muli %sub3A_552, %mul3A_654 : i32
        %add3A_656 = arith.constant 6 : i32
        %add3A_657 = arith.addi %mul3A_655, %add3A_656 : i32
        %dma_start3A_658 = arith.constant 0 : i32
        %dma_start3A_659 = tpu.memref_slice %arg4[%add3A_657, %dma_start3A_658] : memref<32x64xi32, #tpu.memory_space<vmem>> -> memref<1x64xi32, #tpu.memory_space<vmem>>
        %dma_start3A_660 = tpu.memref_squeeze %dma_start3A_659 : memref<1x64xi32, #tpu.memory_space<vmem>> -> memref<64xi32, #tpu.memory_space<vmem>>
        %dma_start3A_661 = tpu.memref_slice %arg2[%add3A_653] : memref<327680xi32, #tpu.memory_space<hbm>> -> memref<64xi32, #tpu.memory_space<hbm>>
        %dma_start3A_662 = tpu.memref_slice %arg6[%sub3A_552] : memref<2x!tpu.dma_semaphore, #tpu.memory_space<semaphore_mem>> -> memref<1x!tpu.dma_semaphore, #tpu.memory_space<semaphore_mem>>
        %dma_start3A_663 = tpu.memref_squeeze %dma_start3A_662 : memref<1x!tpu.dma_semaphore, #tpu.memory_space<semaphore_mem>> -> memref<!tpu.dma_semaphore, #tpu.memory_space<semaphore_mem>>
        %dma_start3A_664 = arith.constant 0 : i32
        %dma_start3A_665 = tpu.memref_slice %arg4[%add3A_657, %dma_start3A_664] : memref<32x64xi32, #tpu.memory_space<vmem>> -> memref<1x64xi32, #tpu.memory_space<vmem>>
        %dma_start3A_666 = tpu.memref_squeeze %dma_start3A_665 : memref<1x64xi32, #tpu.memory_space<vmem>> -> memref<64xi32, #tpu.memory_space<vmem>>
        %dma_start3A_667 = tpu.memref_slice %arg2[%add3A_653] : memref<327680xi32, #tpu.memory_space<hbm>> -> memref<64xi32, #tpu.memory_space<hbm>>
        tpu.enqueue_dma source(%dma_start3A_667 : memref<64xi32, #tpu.memory_space<hbm>>) target(%dma_start3A_666 : memref<64xi32, #tpu.memory_space<vmem>>) target_semaphore(%dma_start3A_663 : memref<!tpu.dma_semaphore, #tpu.memory_space<semaphore_mem>>)
        %add3A_668 = arith.constant 448 : i32
        %add3A_669 = arith.addi %add3A_555, %add3A_668 : i32
        %mul3A_670 = arith.constant 16 : i32
        %mul3A_671 = arith.muli %sub3A_552, %mul3A_670 : i32
        %add3A_672 = arith.constant 7 : i32
        %add3A_673 = arith.addi %mul3A_671, %add3A_672 : i32
        %dma_start3A_674 = arith.constant 0 : i32
        %dma_start3A_675 = tpu.memref_slice %arg4[%add3A_673, %dma_start3A_674] : memref<32x64xi32, #tpu.memory_space<vmem>> -> memref<1x64xi32, #tpu.memory_space<vmem>>
        %dma_start3A_676 = tpu.memref_squeeze %dma_start3A_675 : memref<1x64xi32, #tpu.memory_space<vmem>> -> memref<64xi32, #tpu.memory_space<vmem>>
        %dma_start3A_677 = tpu.memref_slice %arg2[%add3A_669] : memref<327680xi32, #tpu.memory_space<hbm>> -> memref<64xi32, #tpu.memory_space<hbm>>
        %dma_start3A_678 = tpu.memref_slice %arg6[%sub3A_552] : memref<2x!tpu.dma_semaphore, #tpu.memory_space<semaphore_mem>> -> memref<1x!tpu.dma_semaphore, #tpu.memory_space<semaphore_mem>>
        %dma_start3A_679 = tpu.memref_squeeze %dma_start3A_678 : memref<1x!tpu.dma_semaphore, #tpu.memory_space<semaphore_mem>> -> memref<!tpu.dma_semaphore, #tpu.memory_space<semaphore_mem>>
        %dma_start3A_680 = arith.constant 0 : i32
        %dma_start3A_681 = tpu.memref_slice %arg4[%add3A_673, %dma_start3A_680] : memref<32x64xi32, #tpu.memory_space<vmem>> -> memref<1x64xi32, #tpu.memory_space<vmem>>
        %dma_start3A_682 = tpu.memref_squeeze %dma_start3A_681 : memref<1x64xi32, #tpu.memory_space<vmem>> -> memref<64xi32, #tpu.memory_space<vmem>>
        %dma_start3A_683 = tpu.memref_slice %arg2[%add3A_669] : memref<327680xi32, #tpu.memory_space<hbm>> -> memref<64xi32, #tpu.memory_space<hbm>>
        tpu.enqueue_dma source(%dma_start3A_683 : memref<64xi32, #tpu.memory_space<hbm>>) target(%dma_start3A_682 : memref<64xi32, #tpu.memory_space<vmem>>) target_semaphore(%dma_start3A_679 : memref<!tpu.dma_semaphore, #tpu.memory_space<semaphore_mem>>)
        %add3A_684 = arith.constant 512 : i32
        %add3A_685 = arith.addi %add3A_555, %add3A_684 : i32
        %mul3A_686 = arith.constant 16 : i32
        %mul3A_687 = arith.muli %sub3A_552, %mul3A_686 : i32
        %add3A_688 = arith.constant 8 : i32
        %add3A_689 = arith.addi %mul3A_687, %add3A_688 : i32
        %dma_start3A_690 = arith.constant 0 : i32
        %dma_start3A_691 = tpu.memref_slice %arg4[%add3A_689, %dma_start3A_690] : memref<32x64xi32, #tpu.memory_space<vmem>> -> memref<1x64xi32, #tpu.memory_space<vmem>>
        %dma_start3A_692 = tpu.memref_squeeze %dma_start3A_691 : memref<1x64xi32, #tpu.memory_space<vmem>> -> memref<64xi32, #tpu.memory_space<vmem>>
        %dma_start3A_693 = tpu.memref_slice %arg2[%add3A_685] : memref<327680xi32, #tpu.memory_space<hbm>> -> memref<64xi32, #tpu.memory_space<hbm>>
        %dma_start3A_694 = tpu.memref_slice %arg6[%sub3A_552] : memref<2x!tpu.dma_semaphore, #tpu.memory_space<semaphore_mem>> -> memref<1x!tpu.dma_semaphore, #tpu.memory_space<semaphore_mem>>
        %dma_start3A_695 = tpu.memref_squeeze %dma_start3A_694 : memref<1x!tpu.dma_semaphore, #tpu.memory_space<semaphore_mem>> -> memref<!tpu.dma_semaphore, #tpu.memory_space<semaphore_mem>>
        %dma_start3A_696 = arith.constant 0 : i32
        %dma_start3A_697 = tpu.memref_slice %arg4[%add3A_689, %dma_start3A_696] : memref<32x64xi32, #tpu.memory_space<vmem>> -> memref<1x64xi32, #tpu.memory_space<vmem>>
        %dma_start3A_698 = tpu.memref_squeeze %dma_start3A_697 : memref<1x64xi32, #tpu.memory_space<vmem>> -> memref<64xi32, #tpu.memory_space<vmem>>
        %dma_start3A_699 = tpu.memref_slice %arg2[%add3A_685] : memref<327680xi32, #tpu.memory_space<hbm>> -> memref<64xi32, #tpu.memory_space<hbm>>
        tpu.enqueue_dma source(%dma_start3A_699 : memref<64xi32, #tpu.memory_space<hbm>>) target(%dma_start3A_698 : memref<64xi32, #tpu.memory_space<vmem>>) target_semaphore(%dma_start3A_695 : memref<!tpu.dma_semaphore, #tpu.memory_space<semaphore_mem>>)
        %add3A_700 = arith.constant 576 : i32
        %add3A_701 = arith.addi %add3A_555, %add3A_700 : i32
        %mul3A_702 = arith.constant 16 : i32
        %mul3A_703 = arith.muli %sub3A_552, %mul3A_702 : i32
        %add3A_704 = arith.constant 9 : i32
        %add3A_705 = arith.addi %mul3A_703, %add3A_704 : i32
        %dma_start3A_706 = arith.constant 0 : i32
        %dma_start3A_707 = tpu.memref_slice %arg4[%add3A_705, %dma_start3A_706] : memref<32x64xi32, #tpu.memory_space<vmem>> -> memref<1x64xi32, #tpu.memory_space<vmem>>
        %dma_start3A_708 = tpu.memref_squeeze %dma_start3A_707 : memref<1x64xi32, #tpu.memory_space<vmem>> -> memref<64xi32, #tpu.memory_space<vmem>>
        %dma_start3A_709 = tpu.memref_slice %arg2[%add3A_701] : memref<327680xi32, #tpu.memory_space<hbm>> -> memref<64xi32, #tpu.memory_space<hbm>>
        %dma_start3A_710 = tpu.memref_slice %arg6[%sub3A_552] : memref<2x!tpu.dma_semaphore, #tpu.memory_space<semaphore_mem>> -> memref<1x!tpu.dma_semaphore, #tpu.memory_space<semaphore_mem>>
        %dma_start3A_711 = tpu.memref_squeeze %dma_start3A_710 : memref<1x!tpu.dma_semaphore, #tpu.memory_space<semaphore_mem>> -> memref<!tpu.dma_semaphore, #tpu.memory_space<semaphore_mem>>
        %dma_start3A_712 = arith.constant 0 : i32
        %dma_start3A_713 = tpu.memref_slice %arg4[%add3A_705, %dma_start3A_712] : memref<32x64xi32, #tpu.memory_space<vmem>> -> memref<1x64xi32, #tpu.memory_space<vmem>>
        %dma_start3A_714 = tpu.memref_squeeze %dma_start3A_713 : memref<1x64xi32, #tpu.memory_space<vmem>> -> memref<64xi32, #tpu.memory_space<vmem>>
        %dma_start3A_715 = tpu.memref_slice %arg2[%add3A_701] : memref<327680xi32, #tpu.memory_space<hbm>> -> memref<64xi32, #tpu.memory_space<hbm>>
        tpu.enqueue_dma source(%dma_start3A_715 : memref<64xi32, #tpu.memory_space<hbm>>) target(%dma_start3A_714 : memref<64xi32, #tpu.memory_space<vmem>>) target_semaphore(%dma_start3A_711 : memref<!tpu.dma_semaphore, #tpu.memory_space<semaphore_mem>>)
        %add3A_716 = arith.constant 640 : i32
        %add3A_717 = arith.addi %add3A_555, %add3A_716 : i32
        %mul3A_718 = arith.constant 16 : i32
        %mul3A_719 = arith.muli %sub3A_552, %mul3A_718 : i32
        %add3A_720 = arith.constant 10 : i32
        %add3A_721 = arith.addi %mul3A_719, %add3A_720 : i32
        %dma_start3A_722 = arith.constant 0 : i32
        %dma_start3A_723 = tpu.memref_slice %arg4[%add3A_721, %dma_start3A_722] : memref<32x64xi32, #tpu.memory_space<vmem>> -> memref<1x64xi32, #tpu.memory_space<vmem>>
        %dma_start3A_724 = tpu.memref_squeeze %dma_start3A_723 : memref<1x64xi32, #tpu.memory_space<vmem>> -> memref<64xi32, #tpu.memory_space<vmem>>
        %dma_start3A_725 = tpu.memref_slice %arg2[%add3A_717] : memref<327680xi32, #tpu.memory_space<hbm>> -> memref<64xi32, #tpu.memory_space<hbm>>
        %dma_start3A_726 = tpu.memref_slice %arg6[%sub3A_552] : memref<2x!tpu.dma_semaphore, #tpu.memory_space<semaphore_mem>> -> memref<1x!tpu.dma_semaphore, #tpu.memory_space<semaphore_mem>>
        %dma_start3A_727 = tpu.memref_squeeze %dma_start3A_726 : memref<1x!tpu.dma_semaphore, #tpu.memory_space<semaphore_mem>> -> memref<!tpu.dma_semaphore, #tpu.memory_space<semaphore_mem>>
        %dma_start3A_728 = arith.constant 0 : i32
        %dma_start3A_729 = tpu.memref_slice %arg4[%add3A_721, %dma_start3A_728] : memref<32x64xi32, #tpu.memory_space<vmem>> -> memref<1x64xi32, #tpu.memory_space<vmem>>
        %dma_start3A_730 = tpu.memref_squeeze %dma_start3A_729 : memref<1x64xi32, #tpu.memory_space<vmem>> -> memref<64xi32, #tpu.memory_space<vmem>>
        %dma_start3A_731 = tpu.memref_slice %arg2[%add3A_717] : memref<327680xi32, #tpu.memory_space<hbm>> -> memref<64xi32, #tpu.memory_space<hbm>>
        tpu.enqueue_dma source(%dma_start3A_731 : memref<64xi32, #tpu.memory_space<hbm>>) target(%dma_start3A_730 : memref<64xi32, #tpu.memory_space<vmem>>) target_semaphore(%dma_start3A_727 : memref<!tpu.dma_semaphore, #tpu.memory_space<semaphore_mem>>)
        %add3A_732 = arith.constant 704 : i32
        %add3A_733 = arith.addi %add3A_555, %add3A_732 : i32
        %mul3A_734 = arith.constant 16 : i32
        %mul3A_735 = arith.muli %sub3A_552, %mul3A_734 : i32
        %add3A_736 = arith.constant 11 : i32
        %add3A_737 = arith.addi %mul3A_735, %add3A_736 : i32
        %dma_start3A_738 = arith.constant 0 : i32
        %dma_start3A_739 = tpu.memref_slice %arg4[%add3A_737, %dma_start3A_738] : memref<32x64xi32, #tpu.memory_space<vmem>> -> memref<1x64xi32, #tpu.memory_space<vmem>>
        %dma_start3A_740 = tpu.memref_squeeze %dma_start3A_739 : memref<1x64xi32, #tpu.memory_space<vmem>> -> memref<64xi32, #tpu.memory_space<vmem>>
        %dma_start3A_741 = tpu.memref_slice %arg2[%add3A_733] : memref<327680xi32, #tpu.memory_space<hbm>> -> memref<64xi32, #tpu.memory_space<hbm>>
        %dma_start3A_742 = tpu.memref_slice %arg6[%sub3A_552] : memref<2x!tpu.dma_semaphore, #tpu.memory_space<semaphore_mem>> -> memref<1x!tpu.dma_semaphore, #tpu.memory_space<semaphore_mem>>
        %dma_start3A_743 = tpu.memref_squeeze %dma_start3A_742 : memref<1x!tpu.dma_semaphore, #tpu.memory_space<semaphore_mem>> -> memref<!tpu.dma_semaphore, #tpu.memory_space<semaphore_mem>>
        %dma_start3A_744 = arith.constant 0 : i32
        %dma_start3A_745 = tpu.memref_slice %arg4[%add3A_737, %dma_start3A_744] : memref<32x64xi32, #tpu.memory_space<vmem>> -> memref<1x64xi32, #tpu.memory_space<vmem>>
        %dma_start3A_746 = tpu.memref_squeeze %dma_start3A_745 : memref<1x64xi32, #tpu.memory_space<vmem>> -> memref<64xi32, #tpu.memory_space<vmem>>
        %dma_start3A_747 = tpu.memref_slice %arg2[%add3A_733] : memref<327680xi32, #tpu.memory_space<hbm>> -> memref<64xi32, #tpu.memory_space<hbm>>
        tpu.enqueue_dma source(%dma_start3A_747 : memref<64xi32, #tpu.memory_space<hbm>>) target(%dma_start3A_746 : memref<64xi32, #tpu.memory_space<vmem>>) target_semaphore(%dma_start3A_743 : memref<!tpu.dma_semaphore, #tpu.memory_space<semaphore_mem>>)
        %add3A_748 = arith.constant 768 : i32
        %add3A_749 = arith.addi %add3A_555, %add3A_748 : i32
        %mul3A_750 = arith.constant 16 : i32
        %mul3A_751 = arith.muli %sub3A_552, %mul3A_750 : i32
        %add3A_752 = arith.constant 12 : i32
        %add3A_753 = arith.addi %mul3A_751, %add3A_752 : i32
        %dma_start3A_754 = arith.constant 0 : i32
        %dma_start3A_755 = tpu.memref_slice %arg4[%add3A_753, %dma_start3A_754] : memref<32x64xi32, #tpu.memory_space<vmem>> -> memref<1x64xi32, #tpu.memory_space<vmem>>
        %dma_start3A_756 = tpu.memref_squeeze %dma_start3A_755 : memref<1x64xi32, #tpu.memory_space<vmem>> -> memref<64xi32, #tpu.memory_space<vmem>>
        %dma_start3A_757 = tpu.memref_slice %arg2[%add3A_749] : memref<327680xi32, #tpu.memory_space<hbm>> -> memref<64xi32, #tpu.memory_space<hbm>>
        %dma_start3A_758 = tpu.memref_slice %arg6[%sub3A_552] : memref<2x!tpu.dma_semaphore, #tpu.memory_space<semaphore_mem>> -> memref<1x!tpu.dma_semaphore, #tpu.memory_space<semaphore_mem>>
        %dma_start3A_759 = tpu.memref_squeeze %dma_start3A_758 : memref<1x!tpu.dma_semaphore, #tpu.memory_space<semaphore_mem>> -> memref<!tpu.dma_semaphore, #tpu.memory_space<semaphore_mem>>
        %dma_start3A_760 = arith.constant 0 : i32
        %dma_start3A_761 = tpu.memref_slice %arg4[%add3A_753, %dma_start3A_760] : memref<32x64xi32, #tpu.memory_space<vmem>> -> memref<1x64xi32, #tpu.memory_space<vmem>>
        %dma_start3A_762 = tpu.memref_squeeze %dma_start3A_761 : memref<1x64xi32, #tpu.memory_space<vmem>> -> memref<64xi32, #tpu.memory_space<vmem>>
        %dma_start3A_763 = tpu.memref_slice %arg2[%add3A_749] : memref<327680xi32, #tpu.memory_space<hbm>> -> memref<64xi32, #tpu.memory_space<hbm>>
        tpu.enqueue_dma source(%dma_start3A_763 : memref<64xi32, #tpu.memory_space<hbm>>) target(%dma_start3A_762 : memref<64xi32, #tpu.memory_space<vmem>>) target_semaphore(%dma_start3A_759 : memref<!tpu.dma_semaphore, #tpu.memory_space<semaphore_mem>>)
        %add3A_764 = arith.constant 832 : i32
        %add3A_765 = arith.addi %add3A_555, %add3A_764 : i32
        %mul3A_766 = arith.constant 16 : i32
        %mul3A_767 = arith.muli %sub3A_552, %mul3A_766 : i32
        %add3A_768 = arith.constant 13 : i32
        %add3A_769 = arith.addi %mul3A_767, %add3A_768 : i32
        %dma_start3A_770 = arith.constant 0 : i32
        %dma_start3A_771 = tpu.memref_slice %arg4[%add3A_769, %dma_start3A_770] : memref<32x64xi32, #tpu.memory_space<vmem>> -> memref<1x64xi32, #tpu.memory_space<vmem>>
        %dma_start3A_772 = tpu.memref_squeeze %dma_start3A_771 : memref<1x64xi32, #tpu.memory_space<vmem>> -> memref<64xi32, #tpu.memory_space<vmem>>
        %dma_start3A_773 = tpu.memref_slice %arg2[%add3A_765] : memref<327680xi32, #tpu.memory_space<hbm>> -> memref<64xi32, #tpu.memory_space<hbm>>
        %dma_start3A_774 = tpu.memref_slice %arg6[%sub3A_552] : memref<2x!tpu.dma_semaphore, #tpu.memory_space<semaphore_mem>> -> memref<1x!tpu.dma_semaphore, #tpu.memory_space<semaphore_mem>>
        %dma_start3A_775 = tpu.memref_squeeze %dma_start3A_774 : memref<1x!tpu.dma_semaphore, #tpu.memory_space<semaphore_mem>> -> memref<!tpu.dma_semaphore, #tpu.memory_space<semaphore_mem>>
        %dma_start3A_776 = arith.constant 0 : i32
        %dma_start3A_777 = tpu.memref_slice %arg4[%add3A_769, %dma_start3A_776] : memref<32x64xi32, #tpu.memory_space<vmem>> -> memref<1x64xi32, #tpu.memory_space<vmem>>
        %dma_start3A_778 = tpu.memref_squeeze %dma_start3A_777 : memref<1x64xi32, #tpu.memory_space<vmem>> -> memref<64xi32, #tpu.memory_space<vmem>>
        %dma_start3A_779 = tpu.memref_slice %arg2[%add3A_765] : memref<327680xi32, #tpu.memory_space<hbm>> -> memref<64xi32, #tpu.memory_space<hbm>>
        tpu.enqueue_dma source(%dma_start3A_779 : memref<64xi32, #tpu.memory_space<hbm>>) target(%dma_start3A_778 : memref<64xi32, #tpu.memory_space<vmem>>) target_semaphore(%dma_start3A_775 : memref<!tpu.dma_semaphore, #tpu.memory_space<semaphore_mem>>)
        %add3A_780 = arith.constant 896 : i32
        %add3A_781 = arith.addi %add3A_555, %add3A_780 : i32
        %mul3A_782 = arith.constant 16 : i32
        %mul3A_783 = arith.muli %sub3A_552, %mul3A_782 : i32
        %add3A_784 = arith.constant 14 : i32
        %add3A_785 = arith.addi %mul3A_783, %add3A_784 : i32
        %dma_start3A_786 = arith.constant 0 : i32
        %dma_start3A_787 = tpu.memref_slice %arg4[%add3A_785, %dma_start3A_786] : memref<32x64xi32, #tpu.memory_space<vmem>> -> memref<1x64xi32, #tpu.memory_space<vmem>>
        %dma_start3A_788 = tpu.memref_squeeze %dma_start3A_787 : memref<1x64xi32, #tpu.memory_space<vmem>> -> memref<64xi32, #tpu.memory_space<vmem>>
        %dma_start3A_789 = tpu.memref_slice %arg2[%add3A_781] : memref<327680xi32, #tpu.memory_space<hbm>> -> memref<64xi32, #tpu.memory_space<hbm>>
        %dma_start3A_790 = tpu.memref_slice %arg6[%sub3A_552] : memref<2x!tpu.dma_semaphore, #tpu.memory_space<semaphore_mem>> -> memref<1x!tpu.dma_semaphore, #tpu.memory_space<semaphore_mem>>
        %dma_start3A_791 = tpu.memref_squeeze %dma_start3A_790 : memref<1x!tpu.dma_semaphore, #tpu.memory_space<semaphore_mem>> -> memref<!tpu.dma_semaphore, #tpu.memory_space<semaphore_mem>>
        %dma_start3A_792 = arith.constant 0 : i32
        %dma_start3A_793 = tpu.memref_slice %arg4[%add3A_785, %dma_start3A_792] : memref<32x64xi32, #tpu.memory_space<vmem>> -> memref<1x64xi32, #tpu.memory_space<vmem>>
        %dma_start3A_794 = tpu.memref_squeeze %dma_start3A_793 : memref<1x64xi32, #tpu.memory_space<vmem>> -> memref<64xi32, #tpu.memory_space<vmem>>
        %dma_start3A_795 = tpu.memref_slice %arg2[%add3A_781] : memref<327680xi32, #tpu.memory_space<hbm>> -> memref<64xi32, #tpu.memory_space<hbm>>
        tpu.enqueue_dma source(%dma_start3A_795 : memref<64xi32, #tpu.memory_space<hbm>>) target(%dma_start3A_794 : memref<64xi32, #tpu.memory_space<vmem>>) target_semaphore(%dma_start3A_791 : memref<!tpu.dma_semaphore, #tpu.memory_space<semaphore_mem>>)
        %add3A_796 = arith.constant 960 : i32
        %add3A_797 = arith.addi %add3A_555, %add3A_796 : i32
        %mul3A_798 = arith.constant 16 : i32
        %mul3A_799 = arith.muli %sub3A_552, %mul3A_798 : i32
        %add3A_800 = arith.constant 15 : i32
        %add3A_801 = arith.addi %mul3A_799, %add3A_800 : i32
        %dma_start3A_802 = arith.constant 0 : i32
        %dma_start3A_803 = tpu.memref_slice %arg4[%add3A_801, %dma_start3A_802] : memref<32x64xi32, #tpu.memory_space<vmem>> -> memref<1x64xi32, #tpu.memory_space<vmem>>
        %dma_start3A_804 = tpu.memref_squeeze %dma_start3A_803 : memref<1x64xi32, #tpu.memory_space<vmem>> -> memref<64xi32, #tpu.memory_space<vmem>>
        %dma_start3A_805 = tpu.memref_slice %arg2[%add3A_797] : memref<327680xi32, #tpu.memory_space<hbm>> -> memref<64xi32, #tpu.memory_space<hbm>>
        %dma_start3A_806 = tpu.memref_slice %arg6[%sub3A_552] : memref<2x!tpu.dma_semaphore, #tpu.memory_space<semaphore_mem>> -> memref<1x!tpu.dma_semaphore, #tpu.memory_space<semaphore_mem>>
        %dma_start3A_807 = tpu.memref_squeeze %dma_start3A_806 : memref<1x!tpu.dma_semaphore, #tpu.memory_space<semaphore_mem>> -> memref<!tpu.dma_semaphore, #tpu.memory_space<semaphore_mem>>
        %dma_start3A_808 = arith.constant 0 : i32
        %dma_start3A_809 = tpu.memref_slice %arg4[%add3A_801, %dma_start3A_808] : memref<32x64xi32, #tpu.memory_space<vmem>> -> memref<1x64xi32, #tpu.memory_space<vmem>>
        %dma_start3A_810 = tpu.memref_squeeze %dma_start3A_809 : memref<1x64xi32, #tpu.memory_space<vmem>> -> memref<64xi32, #tpu.memory_space<vmem>>
        %dma_start3A_811 = tpu.memref_slice %arg2[%add3A_797] : memref<327680xi32, #tpu.memory_space<hbm>> -> memref<64xi32, #tpu.memory_space<hbm>>
        tpu.enqueue_dma source(%dma_start3A_811 : memref<64xi32, #tpu.memory_space<hbm>>) target(%dma_start3A_810 : memref<64xi32, #tpu.memory_space<vmem>>) target_semaphore(%dma_start3A_807 : memref<!tpu.dma_semaphore, #tpu.memory_space<semaphore_mem>>)
      } else {
      }
      %scan3A_544 = arith.constant 0 : i32
      %scan3A_545 = arith.constant 0 : i32
      %scan3A_546 = arith.constant 16 : i32
      %scan3A_547 = arith.addi %scan3A_545, %scan3A_546 : i32
      %scan3A_548 = arith.constant 1 : i32
      scf.for %scan3A_550 = %scan3A_545 to %scan3A_547 step %scan3A_548  : i32 {
        %mul3A_551 = arith.constant 16 : i32
        %mul3A_552 = arith.muli %rem3A_280, %mul3A_551 : i32
        %add3A_553 = arith.addi %mul3A_552, %scan3A_550 : i32
        "tpu.region"() ({
          %run_scoped3A = tpu.sem_alloc : memref<!tpu.dma_semaphore, #tpu.memory_space<semaphore_mem>>
          %dma_start3A_554 = arith.constant 0 : i32
          %dma_start3A_555 = tpu.memref_slice %arg4[%add3A_553, %dma_start3A_554] : memref<32x64xi32, #tpu.memory_space<vmem>> -> memref<1x64xi32, #tpu.memory_space<vmem>>
          %dma_start3A_556 = tpu.memref_squeeze %dma_start3A_555 : memref<1x64xi32, #tpu.memory_space<vmem>> -> memref<64xi32, #tpu.memory_space<vmem>>
          %dma_start3A_557 = arith.constant 0 : i32
          %dma_start3A_558 = arith.constant 0 : i32
          %dma_start3A_559 = tpu.memref_slice %arg7[%dma_start3A_557, %dma_start3A_558] : memref<10112x128xf32, #tpu.memory_space<vmem_shared>> -> memref<10112x128xf32, #tpu.memory_space<vmem_shared>>
          tpu.enqueue_indirect_dma source(%arg5 : memref<64x128xf32, #tpu.memory_space<vmem>>) target(%dma_start3A_559 : memref<10112x128xf32, #tpu.memory_space<vmem_shared>>) offsets(%dma_start3A_556 : memref<64xi32, #tpu.memory_space<vmem>>) semaphore(%run_scoped3A : memref<!tpu.dma_semaphore, #tpu.memory_space<semaphore_mem>>) {add = true}
          %dma_wait3A_560 = arith.constant 0 : i32
          %dma_wait3A_561 = tpu.memref_slice %arg4[%add3A_553, %dma_wait3A_560] : memref<32x64xi32, #tpu.memory_space<vmem>> -> memref<1x64xi32, #tpu.memory_space<vmem>>
          %dma_wait3A_562 = tpu.memref_squeeze %dma_wait3A_561 : memref<1x64xi32, #tpu.memory_space<vmem>> -> memref<64xi32, #tpu.memory_space<vmem>>
          %dma_wait3A_563 = arith.constant 0 : i32
          %dma_wait3A_564 = arith.constant 0 : i32
          %dma_wait3A_565 = tpu.memref_slice %arg7[%dma_wait3A_563, %dma_wait3A_564] : memref<10112x128xf32, #tpu.memory_space<vmem_shared>> -> memref<10112x128xf32, #tpu.memory_space<vmem_shared>>
          tpu.wait_indirect_dma semaphore(%run_scoped3A : memref<!tpu.dma_semaphore, #tpu.memory_space<semaphore_mem>>) src(%arg5 : memref<64x128xf32, #tpu.memory_space<vmem>>) dst(%dma_wait3A_565 : memref<10112x128xf32, #tpu.memory_space<vmem_shared>>)
          tpu.yield
        }) : () -> ()
      }
      %scan3A_549 = arith.constant 16 : i32
    }
    %scan3A_269 = arith.constant 10 : i32
    %barrier3A_270 = arith.constant 0 : index
    tpu.barrier barrier_id(%barrier3A_270)
    %mul3A_271 = arith.constant 624 : i32
    %mul3A_272 = arith.muli %arg1, %mul3A_271 : i32
    %lt3A = arith.constant 15 : i32
    %lt3A_273 = arith.cmpi slt, %arg1, %lt3A : i32
    %convert_element_type3A = arith.extui %lt3A_273 : i1 to i32
    %cond3A = arith.constant 0 : i32
    %cond3A_274 = arith.cmpi ne, %convert_element_type3A, %cond3A : i32
    scf.if %cond3A_274 {
      "tpu.region"() ({
        %run_scoped3A = tpu.sem_alloc : memref<!tpu.dma_semaphore, #tpu.memory_space<semaphore_mem>>
        %dma_start3A_279 = arith.constant 0 : i32
        %dma_start3A_280 = tpu.memref_slice %arg3[%arg0, %mul3A_272, %dma_start3A_279] : memref<2x10000x128xf32, #tpu.memory_space<hbm>> -> memref<1x624x128xf32, #tpu.memory_space<hbm>>
        %dma_start3A_281 = tpu.memref_squeeze %dma_start3A_280 : memref<1x624x128xf32, #tpu.memory_space<hbm>> -> memref<624x128xf32, #tpu.memory_space<hbm>>
        %dma_start3A_282 = arith.constant 0 : i32
        %dma_start3A_283 = tpu.memref_slice %arg7[%mul3A_272, %dma_start3A_282] : memref<10112x128xf32, #tpu.memory_space<vmem_shared>> -> memref<624x128xf32, #tpu.memory_space<vmem_shared>>
        tpu.enqueue_dma source(%dma_start3A_283 : memref<624x128xf32, #tpu.memory_space<vmem_shared>>) target(%dma_start3A_281 : memref<624x128xf32, #tpu.memory_space<hbm>>) target_semaphore(%run_scoped3A : memref<!tpu.dma_semaphore, #tpu.memory_space<semaphore_mem>>)
        %dma_wait3A = arith.constant 0 : i32
        %dma_wait3A_284 = tpu.memref_slice %arg3[%arg0, %mul3A_272, %dma_wait3A] : memref<2x10000x128xf32, #tpu.memory_space<hbm>> -> memref<1x624x128xf32, #tpu.memory_space<hbm>>
        %dma_wait3A_285 = tpu.memref_squeeze %dma_wait3A_284 : memref<1x624x128xf32, #tpu.memory_space<hbm>> -> memref<624x128xf32, #tpu.memory_space<hbm>>
        %dma_wait3A_286 = arith.constant 0 : i32
        %dma_wait3A_287 = tpu.memref_slice %arg7[%mul3A_272, %dma_wait3A_286] : memref<10112x128xf32, #tpu.memory_space<vmem_shared>> -> memref<624x128xf32, #tpu.memory_space<vmem_shared>>
        tpu.wait_dma2 semaphore(%run_scoped3A : memref<!tpu.dma_semaphore, #tpu.memory_space<semaphore_mem>>) src(%dma_wait3A_287 : memref<624x128xf32, #tpu.memory_space<vmem_shared>>) dst(%dma_wait3A_285 : memref<624x128xf32, #tpu.memory_space<hbm>>)
        tpu.yield
      }) : () -> ()
    } else {
    }
    %eq3A = arith.constant 15 : i32
    %eq3A_275 = arith.cmpi eq, %arg1, %eq3A : i32
    %convert_element_type3A_276 = arith.extui %eq3A_275 : i1 to i32
    %cond3A_277 = arith.constant 0 : i32
    %cond3A_278 = arith.cmpi ne, %convert_element_type3A_276, %cond3A_277 : i32
    scf.if %cond3A_278 {
      "tpu.region"() ({
        %run_scoped3A = tpu.sem_alloc : memref<!tpu.dma_semaphore, #tpu.memory_space<semaphore_mem>>
        %dma_start3A_279 = arith.constant 9360 : i32
        %dma_start3A_280 = arith.constant 0 : i32
        %dma_start3A_281 = tpu.memref_slice %arg3[%arg0, %dma_start3A_279, %dma_start3A_280] : memref<2x10000x128xf32, #tpu.memory_space<hbm>> -> memref<1x640x128xf32, #tpu.memory_space<hbm>>
        %dma_start3A_282 = tpu.memref_squeeze %dma_start3A_281 : memref<1x640x128xf32, #tpu.memory_space<hbm>> -> memref<640x128xf32, #tpu.memory_space<hbm>>
        %dma_start3A_283 = arith.constant 9360 : i32
        %dma_start3A_284 = arith.constant 0 : i32
        %dma_start3A_285 = tpu.memref_slice %arg7[%dma_start3A_283, %dma_start3A_284] : memref<10112x128xf32, #tpu.memory_space<vmem_shared>> -> memref<640x128xf32, #tpu.memory_space<vmem_shared>>
        tpu.enqueue_dma source(%dma_start3A_285 : memref<640x128xf32, #tpu.memory_space<vmem_shared>>) target(%dma_start3A_282 : memref<640x128xf32, #tpu.memory_space<hbm>>) target_semaphore(%run_scoped3A : memref<!tpu.dma_semaphore, #tpu.memory_space<semaphore_mem>>)
        %dma_wait3A = arith.constant 9360 : i32
        %dma_wait3A_286 = arith.constant 0 : i32
        %dma_wait3A_287 = tpu.memref_slice %arg3[%arg0, %dma_wait3A, %dma_wait3A_286] : memref<2x10000x128xf32, #tpu.memory_space<hbm>> -> memref<1x640x128xf32, #tpu.memory_space<hbm>>
        %dma_wait3A_288 = tpu.memref_squeeze %dma_wait3A_287 : memref<1x640x128xf32, #tpu.memory_space<hbm>> -> memref<640x128xf32, #tpu.memory_space<hbm>>
        %dma_wait3A_289 = arith.constant 9360 : i32
        %dma_wait3A_290 = arith.constant 0 : i32
        %dma_wait3A_291 = tpu.memref_slice %arg7[%dma_wait3A_289, %dma_wait3A_290] : memref<10112x128xf32, #tpu.memory_space<vmem_shared>> -> memref<640x128xf32, #tpu.memory_space<vmem_shared>>
        tpu.wait_dma2 semaphore(%run_scoped3A : memref<!tpu.dma_semaphore, #tpu.memory_space<semaphore_mem>>) src(%dma_wait3A_291 : memref<640x128xf32, #tpu.memory_space<vmem_shared>>) dst(%dma_wait3A_288 : memref<640x128xf32, #tpu.memory_space<hbm>>)
        tpu.yield
      }) : () -> ()
    } else {
    }
    return
  }
}

#map = affine_map<(d0, d1) -> (0, 0)>
#map1 = affine_map<(d0, d1) -> (0)>
#map2 = affine_map<(d0, d1) -> (0, 0, 0)>
module attributes {stable_mosaic.version = 14 : i64} {
  func.func @_edge_body(%arg0: i32, %arg1: i32, %arg2: memref<10016x128xf32, #tpu.memory_space<hbm>>, %arg3: memref<10016x128xf32, #tpu.memory_space<hbm>>, %arg4: memref<327680xi32, #tpu.memory_space<hbm>>, %arg5: memref<327680xi32, #tpu.memory_space<hbm>>, %arg6: memref<2x10000x128xf32, #tpu.memory_space<hbm>>, %arg7: memref<2x1024xi32, #tpu.memory_space<vmem>>, %arg8: memref<32x64xi32, #tpu.memory_space<vmem>>, %arg9: memref<2x64x128xf32, #tpu.memory_space<vmem>>, %arg10: memref<2x64x128xf32, #tpu.memory_space<vmem>>, %arg11: memref<2x!tpu.dma_semaphore, #tpu.memory_space<semaphore_mem>>, %arg12: memref<2x!tpu.dma_semaphore, #tpu.memory_space<semaphore_mem>>, %arg13: memref<2x!tpu.dma_semaphore, #tpu.memory_space<semaphore_mem>>, %arg14: memref<10112x128xf32, #tpu.memory_space<vmem_shared>>) attributes {dimension_semantics = [#tpu.dimension_semantics<core_parallel>, #tpu.dimension_semantics<subcore_parallel>], iteration_bounds = array<i64: 2, 16>, scalar_prefetch = 0 : i64, scratch_operands = 8 : i64, tpu.core_type = #tpu.core_type<sc_vector_subcore>, window_params = [{transform_indices = #map}, {transform_indices = #map}, {transform_indices = #map1}, {transform_indices = #map1}, {transform_indices = #map2}]} {
    %mul3A = arith.constant 2 : i32
    %mul3A_0 = arith.muli %arg1, %mul3A : i32
    %add3A = arith.addi %mul3A_0, %arg0 : i32
    %broadcast_in_dim3A = arith.constant 0.000000e+00 : f32
    %broadcast_in_dim3A_1 = vector.broadcast %broadcast_in_dim3A : f32 to vector<16xf32>
    %scan3A = arith.constant 0 : i32
    %scan3A_2 = arith.constant 0 : i32
    %scan3A_3 = arith.constant 64 : i32
    %scan3A_4 = arith.addi %scan3A_2, %scan3A_3 : i32
    %scan3A_5 = arith.constant 1 : i32
    scf.for %scan3A_292 = %scan3A_2 to %scan3A_4 step %scan3A_5  : i32 {
      %swap3A = arith.constant 0 : i32
      %swap3A_293 = arith.index_cast %swap3A : i32 to index
      %swap3A_294 = arith.index_cast %scan3A_292 : i32 to index
      %swap3A_295 = arith.constant 0 : index
      %swap3A_296 = tpu.vector_load %arg9[%swap3A_293, %swap3A_294, %swap3A_295] {strides = array<i32>} : memref<2x64x128xf32, #tpu.memory_space<vmem>>, vector<1x1x16xf32>,
      %swap3A_297 = vector.shape_cast %swap3A_296 : vector<1x1x16xf32> to vector<16xf32>
      %swap3A_298 = vector.shape_cast %broadcast_in_dim3A_1 : vector<16xf32> to vector<1x1x16xf32>
      tpu.vector_store %arg9[%swap3A_293, %swap3A_294, %swap3A_295], %swap3A_298 {strides = array<i32>} : memref<2x64x128xf32, #tpu.memory_space<vmem>>, vector<1x1x16xf32>,
      %swap3A_299 = arith.constant 0 : i32
      %swap3A_300 = arith.index_cast %swap3A_299 : i32 to index
      %swap3A_301 = arith.index_cast %scan3A_292 : i32 to index
      %swap3A_302 = arith.constant 16 : index
      %swap3A_303 = tpu.vector_load %arg9[%swap3A_300, %swap3A_301, %swap3A_302] {strides = array<i32>} : memref<2x64x128xf32, #tpu.memory_space<vmem>>, vector<1x1x16xf32>,
      %swap3A_304 = vector.shape_cast %swap3A_303 : vector<1x1x16xf32> to vector<16xf32>
      %swap3A_305 = vector.shape_cast %broadcast_in_dim3A_1 : vector<16xf32> to vector<1x1x16xf32>
      tpu.vector_store %arg9[%swap3A_300, %swap3A_301, %swap3A_302], %swap3A_305 {strides = array<i32>} : memref<2x64x128xf32, #tpu.memory_space<vmem>>, vector<1x1x16xf32>,
      %swap3A_306 = arith.constant 0 : i32
      %swap3A_307 = arith.index_cast %swap3A_306 : i32 to index
      %swap3A_308 = arith.index_cast %scan3A_292 : i32 to index
      %swap3A_309 = arith.constant 32 : index
      %swap3A_310 = tpu.vector_load %arg9[%swap3A_307, %swap3A_308, %swap3A_309] {strides = array<i32>} : memref<2x64x128xf32, #tpu.memory_space<vmem>>, vector<1x1x16xf32>,
      %swap3A_311 = vector.shape_cast %swap3A_310 : vector<1x1x16xf32> to vector<16xf32>
      %swap3A_312 = vector.shape_cast %broadcast_in_dim3A_1 : vector<16xf32> to vector<1x1x16xf32>
      tpu.vector_store %arg9[%swap3A_307, %swap3A_308, %swap3A_309], %swap3A_312 {strides = array<i32>} : memref<2x64x128xf32, #tpu.memory_space<vmem>>, vector<1x1x16xf32>,
      %swap3A_313 = arith.constant 0 : i32
      %swap3A_314 = arith.index_cast %swap3A_313 : i32 to index
      %swap3A_315 = arith.index_cast %scan3A_292 : i32 to index
      %swap3A_316 = arith.constant 48 : index
      %swap3A_317 = tpu.vector_load %arg9[%swap3A_314, %swap3A_315, %swap3A_316] {strides = array<i32>} : memref<2x64x128xf32, #tpu.memory_space<vmem>>, vector<1x1x16xf32>,
      %swap3A_318 = vector.shape_cast %swap3A_317 : vector<1x1x16xf32> to vector<16xf32>
      %swap3A_319 = vector.shape_cast %broadcast_in_dim3A_1 : vector<16xf32> to vector<1x1x16xf32>
      tpu.vector_store %arg9[%swap3A_314, %swap3A_315, %swap3A_316], %swap3A_319 {strides = array<i32>} : memref<2x64x128xf32, #tpu.memory_space<vmem>>, vector<1x1x16xf32>,
      %swap3A_320 = arith.constant 0 : i32
      %swap3A_321 = arith.index_cast %swap3A_320 : i32 to index
      %swap3A_322 = arith.index_cast %scan3A_292 : i32 to index
      %swap3A_323 = arith.constant 64 : index
      %swap3A_324 = tpu.vector_load %arg9[%swap3A_321, %swap3A_322, %swap3A_323] {strides = array<i32>} : memref<2x64x128xf32, #tpu.memory_space<vmem>>, vector<1x1x16xf32>,
      %swap3A_325 = vector.shape_cast %swap3A_324 : vector<1x1x16xf32> to vector<16xf32>
      %swap3A_326 = vector.shape_cast %broadcast_in_dim3A_1 : vector<16xf32> to vector<1x1x16xf32>
      tpu.vector_store %arg9[%swap3A_321, %swap3A_322, %swap3A_323], %swap3A_326 {strides = array<i32>} : memref<2x64x128xf32, #tpu.memory_space<vmem>>, vector<1x1x16xf32>,
      %swap3A_327 = arith.constant 0 : i32
      %swap3A_328 = arith.index_cast %swap3A_327 : i32 to index
      %swap3A_329 = arith.index_cast %scan3A_292 : i32 to index
      %swap3A_330 = arith.constant 80 : index
      %swap3A_331 = tpu.vector_load %arg9[%swap3A_328, %swap3A_329, %swap3A_330] {strides = array<i32>} : memref<2x64x128xf32, #tpu.memory_space<vmem>>, vector<1x1x16xf32>,
      %swap3A_332 = vector.shape_cast %swap3A_331 : vector<1x1x16xf32> to vector<16xf32>
      %swap3A_333 = vector.shape_cast %broadcast_in_dim3A_1 : vector<16xf32> to vector<1x1x16xf32>
      tpu.vector_store %arg9[%swap3A_328, %swap3A_329, %swap3A_330], %swap3A_333 {strides = array<i32>} : memref<2x64x128xf32, #tpu.memory_space<vmem>>, vector<1x1x16xf32>,
      %swap3A_334 = arith.constant 0 : i32
      %swap3A_335 = arith.index_cast %swap3A_334 : i32 to index
      %swap3A_336 = arith.index_cast %scan3A_292 : i32 to index
      %swap3A_337 = arith.constant 96 : index
      %swap3A_338 = tpu.vector_load %arg9[%swap3A_335, %swap3A_336, %swap3A_337] {strides = array<i32>} : memref<2x64x128xf32, #tpu.memory_space<vmem>>, vector<1x1x16xf32>,
      %swap3A_339 = vector.shape_cast %swap3A_338 : vector<1x1x16xf32> to vector<16xf32>
      %swap3A_340 = vector.shape_cast %broadcast_in_dim3A_1 : vector<16xf32> to vector<1x1x16xf32>
      tpu.vector_store %arg9[%swap3A_335, %swap3A_336, %swap3A_337], %swap3A_340 {strides = array<i32>} : memref<2x64x128xf32, #tpu.memory_space<vmem>>, vector<1x1x16xf32>,
      %swap3A_341 = arith.constant 0 : i32
      %swap3A_342 = arith.index_cast %swap3A_341 : i32 to index
      %swap3A_343 = arith.index_cast %scan3A_292 : i32 to index
      %swap3A_344 = arith.constant 112 : index
      %swap3A_345 = tpu.vector_load %arg9[%swap3A_342, %swap3A_343, %swap3A_344] {strides = array<i32>} : memref<2x64x128xf32, #tpu.memory_space<vmem>>, vector<1x1x16xf32>,
      %swap3A_346 = vector.shape_cast %swap3A_345 : vector<1x1x16xf32> to vector<16xf32>
      %swap3A_347 = vector.shape_cast %broadcast_in_dim3A_1 : vector<16xf32> to vector<1x1x16xf32>
      tpu.vector_store %arg9[%swap3A_342, %swap3A_343, %swap3A_344], %swap3A_347 {strides = array<i32>} : memref<2x64x128xf32, #tpu.memory_space<vmem>>, vector<1x1x16xf32>,
    }
    %scan3A_6 = arith.constant 64 : i32
    %mul3A_7 = arith.constant 632 : i32
    %mul3A_8 = arith.muli %arg1, %mul3A_7 : i32
    %add3A_9 = arith.constant 0 : i32
    %add3A_10 = arith.addi %mul3A_8, %add3A_9 : i32
    %run_scoped3A = arith.constant 0 : i32
    "tpu.region"() ({
      %run_scoped3A_292 = tpu.sem_alloc : memref<!tpu.dma_semaphore, #tpu.memory_space<semaphore_mem>>
      %dma_start3A_293 = arith.constant 0 : i32
      %dma_start3A_294 = arith.constant 0 : i32
      %dma_start3A_295 = tpu.memref_slice %arg9[%run_scoped3A, %dma_start3A_293, %dma_start3A_294] : memref<2x64x128xf32, #tpu.memory_space<vmem>> -> memref<1x64x128xf32, #tpu.memory_space<vmem>>
      %dma_start3A_296 = tpu.memref_squeeze %dma_start3A_295 : memref<1x64x128xf32, #tpu.memory_space<vmem>> -> memref<64x128xf32, #tpu.memory_space<vmem>>
      %dma_start3A_297 = arith.constant 0 : i32
      %dma_start3A_298 = tpu.memref_slice %arg14[%add3A_10, %dma_start3A_297] : memref<10112x128xf32, #tpu.memory_space<vmem_shared>> -> memref<64x128xf32, #tpu.memory_space<vmem_shared>>
      %dma_start3A_299 = arith.constant 0 : i32
      %dma_start3A_300 = tpu.memref_slice %arg14[%add3A_10, %dma_start3A_299] : memref<10112x128xf32, #tpu.memory_space<vmem_shared>> -> memref<64x128xf32, #tpu.memory_space<vmem_shared>>
      %dma_start3A_301 = arith.constant 0 : i32
      %dma_start3A_302 = arith.constant 0 : i32
      %dma_start3A_303 = tpu.memref_slice %arg9[%run_scoped3A, %dma_start3A_301, %dma_start3A_302] : memref<2x64x128xf32, #tpu.memory_space<vmem>> -> memref<1x64x128xf32, #tpu.memory_space<vmem>>
      %dma_start3A_304 = tpu.memref_squeeze %dma_start3A_303 : memref<1x64x128xf32, #tpu.memory_space<vmem>> -> memref<64x128xf32, #tpu.memory_space<vmem>>
      tpu.enqueue_dma source(%dma_start3A_304 : memref<64x128xf32, #tpu.memory_space<vmem>>) target(%dma_start3A_300 : memref<64x128xf32, #tpu.memory_space<vmem_shared>>) target_semaphore(%run_scoped3A_292 : memref<!tpu.dma_semaphore, #tpu.memory_space<semaphore_mem>>)
      %dma_wait3A = arith.constant 0 : i32
      %dma_wait3A_305 = arith.constant 0 : i32
      %dma_wait3A_306 = tpu.memref_slice %arg9[%run_scoped3A, %dma_wait3A, %dma_wait3A_305] : memref<2x64x128xf32, #tpu.memory_space<vmem>> -> memref<1x64x128xf32, #tpu.memory_space<vmem>>
      %dma_wait3A_307 = tpu.memref_squeeze %dma_wait3A_306 : memref<1x64x128xf32, #tpu.memory_space<vmem>> -> memref<64x128xf32, #tpu.memory_space<vmem>>
      %dma_wait3A_308 = arith.constant 0 : i32
      %dma_wait3A_309 = tpu.memref_slice %arg14[%add3A_10, %dma_wait3A_308] : memref<10112x128xf32, #tpu.memory_space<vmem_shared>> -> memref<64x128xf32, #tpu.memory_space<vmem_shared>>
      %dma_wait3A_310 = arith.constant 0 : i32
      %dma_wait3A_311 = tpu.memref_slice %arg14[%add3A_10, %dma_wait3A_310] : memref<10112x128xf32, #tpu.memory_space<vmem_shared>> -> memref<64x128xf32, #tpu.memory_space<vmem_shared>>
      %dma_wait3A_312 = arith.constant 0 : i32
      %dma_wait3A_313 = arith.constant 0 : i32
      %dma_wait3A_314 = tpu.memref_slice %arg9[%run_scoped3A, %dma_wait3A_312, %dma_wait3A_313] : memref<2x64x128xf32, #tpu.memory_space<vmem>> -> memref<1x64x128xf32, #tpu.memory_space<vmem>>
      %dma_wait3A_315 = tpu.memref_squeeze %dma_wait3A_314 : memref<1x64x128xf32, #tpu.memory_space<vmem>> -> memref<64x128xf32, #tpu.memory_space<vmem>>
      tpu.wait_dma2 semaphore(%run_scoped3A_292 : memref<!tpu.dma_semaphore, #tpu.memory_space<semaphore_mem>>) src(%dma_wait3A_315 : memref<64x128xf32, #tpu.memory_space<vmem>>) dst(%dma_wait3A_311 : memref<64x128xf32, #tpu.memory_space<vmem_shared>>)
      tpu.yield
    }) : () -> ()
    %add3A_11 = arith.constant 64 : i32
    %add3A_12 = arith.addi %mul3A_8, %add3A_11 : i32
    %run_scoped3A_13 = arith.constant 0 : i32
    "tpu.region"() ({
      %run_scoped3A_292 = tpu.sem_alloc : memref<!tpu.dma_semaphore, #tpu.memory_space<semaphore_mem>>
      %dma_start3A_293 = arith.constant 0 : i32
      %dma_start3A_294 = arith.constant 0 : i32
      %dma_start3A_295 = tpu.memref_slice %arg9[%run_scoped3A_13, %dma_start3A_293, %dma_start3A_294] : memref<2x64x128xf32, #tpu.memory_space<vmem>> -> memref<1x64x128xf32, #tpu.memory_space<vmem>>
      %dma_start3A_296 = tpu.memref_squeeze %dma_start3A_295 : memref<1x64x128xf32, #tpu.memory_space<vmem>> -> memref<64x128xf32, #tpu.memory_space<vmem>>
      %dma_start3A_297 = arith.constant 0 : i32
      %dma_start3A_298 = tpu.memref_slice %arg14[%add3A_12, %dma_start3A_297] : memref<10112x128xf32, #tpu.memory_space<vmem_shared>> -> memref<64x128xf32, #tpu.memory_space<vmem_shared>>
      %dma_start3A_299 = arith.constant 0 : i32
      %dma_start3A_300 = tpu.memref_slice %arg14[%add3A_12, %dma_start3A_299] : memref<10112x128xf32, #tpu.memory_space<vmem_shared>> -> memref<64x128xf32, #tpu.memory_space<vmem_shared>>
      %dma_start3A_301 = arith.constant 0 : i32
      %dma_start3A_302 = arith.constant 0 : i32
      %dma_start3A_303 = tpu.memref_slice %arg9[%run_scoped3A_13, %dma_start3A_301, %dma_start3A_302] : memref<2x64x128xf32, #tpu.memory_space<vmem>> -> memref<1x64x128xf32, #tpu.memory_space<vmem>>
      %dma_start3A_304 = tpu.memref_squeeze %dma_start3A_303 : memref<1x64x128xf32, #tpu.memory_space<vmem>> -> memref<64x128xf32, #tpu.memory_space<vmem>>
      tpu.enqueue_dma source(%dma_start3A_304 : memref<64x128xf32, #tpu.memory_space<vmem>>) target(%dma_start3A_300 : memref<64x128xf32, #tpu.memory_space<vmem_shared>>) target_semaphore(%run_scoped3A_292 : memref<!tpu.dma_semaphore, #tpu.memory_space<semaphore_mem>>)
      %dma_wait3A = arith.constant 0 : i32
      %dma_wait3A_305 = arith.constant 0 : i32
      %dma_wait3A_306 = tpu.memref_slice %arg9[%run_scoped3A_13, %dma_wait3A, %dma_wait3A_305] : memref<2x64x128xf32, #tpu.memory_space<vmem>> -> memref<1x64x128xf32, #tpu.memory_space<vmem>>
      %dma_wait3A_307 = tpu.memref_squeeze %dma_wait3A_306 : memref<1x64x128xf32, #tpu.memory_space<vmem>> -> memref<64x128xf32, #tpu.memory_space<vmem>>
      %dma_wait3A_308 = arith.constant 0 : i32
      %dma_wait3A_309 = tpu.memref_slice %arg14[%add3A_12, %dma_wait3A_308] : memref<10112x128xf32, #tpu.memory_space<vmem_shared>> -> memref<64x128xf32, #tpu.memory_space<vmem_shared>>
      %dma_wait3A_310 = arith.constant 0 : i32
      %dma_wait3A_311 = tpu.memref_slice %arg14[%add3A_12, %dma_wait3A_310] : memref<10112x128xf32, #tpu.memory_space<vmem_shared>> -> memref<64x128xf32, #tpu.memory_space<vmem_shared>>
      %dma_wait3A_312 = arith.constant 0 : i32
      %dma_wait3A_313 = arith.constant 0 : i32
      %dma_wait3A_314 = tpu.memref_slice %arg9[%run_scoped3A_13, %dma_wait3A_312, %dma_wait3A_313] : memref<2x64x128xf32, #tpu.memory_space<vmem>> -> memref<1x64x128xf32, #tpu.memory_space<vmem>>
      %dma_wait3A_315 = tpu.memref_squeeze %dma_wait3A_314 : memref<1x64x128xf32, #tpu.memory_space<vmem>> -> memref<64x128xf32, #tpu.memory_space<vmem>>
      tpu.wait_dma2 semaphore(%run_scoped3A_292 : memref<!tpu.dma_semaphore, #tpu.memory_space<semaphore_mem>>) src(%dma_wait3A_315 : memref<64x128xf32, #tpu.memory_space<vmem>>) dst(%dma_wait3A_311 : memref<64x128xf32, #tpu.memory_space<vmem_shared>>)
      tpu.yield
    }) : () -> ()
    %add3A_14 = arith.constant 128 : i32
    %add3A_15 = arith.addi %mul3A_8, %add3A_14 : i32
    %run_scoped3A_16 = arith.constant 0 : i32
    "tpu.region"() ({
      %run_scoped3A_292 = tpu.sem_alloc : memref<!tpu.dma_semaphore, #tpu.memory_space<semaphore_mem>>
      %dma_start3A_293 = arith.constant 0 : i32
      %dma_start3A_294 = arith.constant 0 : i32
      %dma_start3A_295 = tpu.memref_slice %arg9[%run_scoped3A_16, %dma_start3A_293, %dma_start3A_294] : memref<2x64x128xf32, #tpu.memory_space<vmem>> -> memref<1x64x128xf32, #tpu.memory_space<vmem>>
      %dma_start3A_296 = tpu.memref_squeeze %dma_start3A_295 : memref<1x64x128xf32, #tpu.memory_space<vmem>> -> memref<64x128xf32, #tpu.memory_space<vmem>>
      %dma_start3A_297 = arith.constant 0 : i32
      %dma_start3A_298 = tpu.memref_slice %arg14[%add3A_15, %dma_start3A_297] : memref<10112x128xf32, #tpu.memory_space<vmem_shared>> -> memref<64x128xf32, #tpu.memory_space<vmem_shared>>
      %dma_start3A_299 = arith.constant 0 : i32
      %dma_start3A_300 = tpu.memref_slice %arg14[%add3A_15, %dma_start3A_299] : memref<10112x128xf32, #tpu.memory_space<vmem_shared>> -> memref<64x128xf32, #tpu.memory_space<vmem_shared>>
      %dma_start3A_301 = arith.constant 0 : i32
      %dma_start3A_302 = arith.constant 0 : i32
      %dma_start3A_303 = tpu.memref_slice %arg9[%run_scoped3A_16, %dma_start3A_301, %dma_start3A_302] : memref<2x64x128xf32, #tpu.memory_space<vmem>> -> memref<1x64x128xf32, #tpu.memory_space<vmem>>
      %dma_start3A_304 = tpu.memref_squeeze %dma_start3A_303 : memref<1x64x128xf32, #tpu.memory_space<vmem>> -> memref<64x128xf32, #tpu.memory_space<vmem>>
      tpu.enqueue_dma source(%dma_start3A_304 : memref<64x128xf32, #tpu.memory_space<vmem>>) target(%dma_start3A_300 : memref<64x128xf32, #tpu.memory_space<vmem_shared>>) target_semaphore(%run_scoped3A_292 : memref<!tpu.dma_semaphore, #tpu.memory_space<semaphore_mem>>)
      %dma_wait3A = arith.constant 0 : i32
      %dma_wait3A_305 = arith.constant 0 : i32
      %dma_wait3A_306 = tpu.memref_slice %arg9[%run_scoped3A_16, %dma_wait3A, %dma_wait3A_305] : memref<2x64x128xf32, #tpu.memory_space<vmem>> -> memref<1x64x128xf32, #tpu.memory_space<vmem>>
      %dma_wait3A_307 = tpu.memref_squeeze %dma_wait3A_306 : memref<1x64x128xf32, #tpu.memory_space<vmem>> -> memref<64x128xf32, #tpu.memory_space<vmem>>
      %dma_wait3A_308 = arith.constant 0 : i32
      %dma_wait3A_309 = tpu.memref_slice %arg14[%add3A_15, %dma_wait3A_308] : memref<10112x128xf32, #tpu.memory_space<vmem_shared>> -> memref<64x128xf32, #tpu.memory_space<vmem_shared>>
      %dma_wait3A_310 = arith.constant 0 : i32
      %dma_wait3A_311 = tpu.memref_slice %arg14[%add3A_15, %dma_wait3A_310] : memref<10112x128xf32, #tpu.memory_space<vmem_shared>> -> memref<64x128xf32, #tpu.memory_space<vmem_shared>>
      %dma_wait3A_312 = arith.constant 0 : i32
      %dma_wait3A_313 = arith.constant 0 : i32
      %dma_wait3A_314 = tpu.memref_slice %arg9[%run_scoped3A_16, %dma_wait3A_312, %dma_wait3A_313] : memref<2x64x128xf32, #tpu.memory_space<vmem>> -> memref<1x64x128xf32, #tpu.memory_space<vmem>>
      %dma_wait3A_315 = tpu.memref_squeeze %dma_wait3A_314 : memref<1x64x128xf32, #tpu.memory_space<vmem>> -> memref<64x128xf32, #tpu.memory_space<vmem>>
      tpu.wait_dma2 semaphore(%run_scoped3A_292 : memref<!tpu.dma_semaphore, #tpu.memory_space<semaphore_mem>>) src(%dma_wait3A_315 : memref<64x128xf32, #tpu.memory_space<vmem>>) dst(%dma_wait3A_311 : memref<64x128xf32, #tpu.memory_space<vmem_shared>>)
      tpu.yield
    }) : () -> ()
    %add3A_17 = arith.constant 192 : i32
    %add3A_18 = arith.addi %mul3A_8, %add3A_17 : i32
    %run_scoped3A_19 = arith.constant 0 : i32
    "tpu.region"() ({
      %run_scoped3A_292 = tpu.sem_alloc : memref<!tpu.dma_semaphore, #tpu.memory_space<semaphore_mem>>
      %dma_start3A_293 = arith.constant 0 : i32
      %dma_start3A_294 = arith.constant 0 : i32
      %dma_start3A_295 = tpu.memref_slice %arg9[%run_scoped3A_19, %dma_start3A_293, %dma_start3A_294] : memref<2x64x128xf32, #tpu.memory_space<vmem>> -> memref<1x64x128xf32, #tpu.memory_space<vmem>>
      %dma_start3A_296 = tpu.memref_squeeze %dma_start3A_295 : memref<1x64x128xf32, #tpu.memory_space<vmem>> -> memref<64x128xf32, #tpu.memory_space<vmem>>
      %dma_start3A_297 = arith.constant 0 : i32
      %dma_start3A_298 = tpu.memref_slice %arg14[%add3A_18, %dma_start3A_297] : memref<10112x128xf32, #tpu.memory_space<vmem_shared>> -> memref<64x128xf32, #tpu.memory_space<vmem_shared>>
      %dma_start3A_299 = arith.constant 0 : i32
      %dma_start3A_300 = tpu.memref_slice %arg14[%add3A_18, %dma_start3A_299] : memref<10112x128xf32, #tpu.memory_space<vmem_shared>> -> memref<64x128xf32, #tpu.memory_space<vmem_shared>>
      %dma_start3A_301 = arith.constant 0 : i32
      %dma_start3A_302 = arith.constant 0 : i32
      %dma_start3A_303 = tpu.memref_slice %arg9[%run_scoped3A_19, %dma_start3A_301, %dma_start3A_302] : memref<2x64x128xf32, #tpu.memory_space<vmem>> -> memref<1x64x128xf32, #tpu.memory_space<vmem>>
      %dma_start3A_304 = tpu.memref_squeeze %dma_start3A_303 : memref<1x64x128xf32, #tpu.memory_space<vmem>> -> memref<64x128xf32, #tpu.memory_space<vmem>>
      tpu.enqueue_dma source(%dma_start3A_304 : memref<64x128xf32, #tpu.memory_space<vmem>>) target(%dma_start3A_300 : memref<64x128xf32, #tpu.memory_space<vmem_shared>>) target_semaphore(%run_scoped3A_292 : memref<!tpu.dma_semaphore, #tpu.memory_space<semaphore_mem>>)
      %dma_wait3A = arith.constant 0 : i32
      %dma_wait3A_305 = arith.constant 0 : i32
      %dma_wait3A_306 = tpu.memref_slice %arg9[%run_scoped3A_19, %dma_wait3A, %dma_wait3A_305] : memref<2x64x128xf32, #tpu.memory_space<vmem>> -> memref<1x64x128xf32, #tpu.memory_space<vmem>>
      %dma_wait3A_307 = tpu.memref_squeeze %dma_wait3A_306 : memref<1x64x128xf32, #tpu.memory_space<vmem>> -> memref<64x128xf32, #tpu.memory_space<vmem>>
      %dma_wait3A_308 = arith.constant 0 : i32
      %dma_wait3A_309 = tpu.memref_slice %arg14[%add3A_18, %dma_wait3A_308] : memref<10112x128xf32, #tpu.memory_space<vmem_shared>> -> memref<64x128xf32, #tpu.memory_space<vmem_shared>>
      %dma_wait3A_310 = arith.constant 0 : i32
      %dma_wait3A_311 = tpu.memref_slice %arg14[%add3A_18, %dma_wait3A_310] : memref<10112x128xf32, #tpu.memory_space<vmem_shared>> -> memref<64x128xf32, #tpu.memory_space<vmem_shared>>
      %dma_wait3A_312 = arith.constant 0 : i32
      %dma_wait3A_313 = arith.constant 0 : i32
      %dma_wait3A_314 = tpu.memref_slice %arg9[%run_scoped3A_19, %dma_wait3A_312, %dma_wait3A_313] : memref<2x64x128xf32, #tpu.memory_space<vmem>> -> memref<1x64x128xf32, #tpu.memory_space<vmem>>
      %dma_wait3A_315 = tpu.memref_squeeze %dma_wait3A_314 : memref<1x64x128xf32, #tpu.memory_space<vmem>> -> memref<64x128xf32, #tpu.memory_space<vmem>>
      tpu.wait_dma2 semaphore(%run_scoped3A_292 : memref<!tpu.dma_semaphore, #tpu.memory_space<semaphore_mem>>) src(%dma_wait3A_315 : memref<64x128xf32, #tpu.memory_space<vmem>>) dst(%dma_wait3A_311 : memref<64x128xf32, #tpu.memory_space<vmem_shared>>)
      tpu.yield
    }) : () -> ()
    %add3A_20 = arith.constant 256 : i32
    %add3A_21 = arith.addi %mul3A_8, %add3A_20 : i32
    %run_scoped3A_22 = arith.constant 0 : i32
    "tpu.region"() ({
      %run_scoped3A_292 = tpu.sem_alloc : memref<!tpu.dma_semaphore, #tpu.memory_space<semaphore_mem>>
      %dma_start3A_293 = arith.constant 0 : i32
      %dma_start3A_294 = arith.constant 0 : i32
      %dma_start3A_295 = tpu.memref_slice %arg9[%run_scoped3A_22, %dma_start3A_293, %dma_start3A_294] : memref<2x64x128xf32, #tpu.memory_space<vmem>> -> memref<1x64x128xf32, #tpu.memory_space<vmem>>
      %dma_start3A_296 = tpu.memref_squeeze %dma_start3A_295 : memref<1x64x128xf32, #tpu.memory_space<vmem>> -> memref<64x128xf32, #tpu.memory_space<vmem>>
      %dma_start3A_297 = arith.constant 0 : i32
      %dma_start3A_298 = tpu.memref_slice %arg14[%add3A_21, %dma_start3A_297] : memref<10112x128xf32, #tpu.memory_space<vmem_shared>> -> memref<64x128xf32, #tpu.memory_space<vmem_shared>>
      %dma_start3A_299 = arith.constant 0 : i32
      %dma_start3A_300 = tpu.memref_slice %arg14[%add3A_21, %dma_start3A_299] : memref<10112x128xf32, #tpu.memory_space<vmem_shared>> -> memref<64x128xf32, #tpu.memory_space<vmem_shared>>
      %dma_start3A_301 = arith.constant 0 : i32
      %dma_start3A_302 = arith.constant 0 : i32
      %dma_start3A_303 = tpu.memref_slice %arg9[%run_scoped3A_22, %dma_start3A_301, %dma_start3A_302] : memref<2x64x128xf32, #tpu.memory_space<vmem>> -> memref<1x64x128xf32, #tpu.memory_space<vmem>>
      %dma_start3A_304 = tpu.memref_squeeze %dma_start3A_303 : memref<1x64x128xf32, #tpu.memory_space<vmem>> -> memref<64x128xf32, #tpu.memory_space<vmem>>
      tpu.enqueue_dma source(%dma_start3A_304 : memref<64x128xf32, #tpu.memory_space<vmem>>) target(%dma_start3A_300 : memref<64x128xf32, #tpu.memory_space<vmem_shared>>) target_semaphore(%run_scoped3A_292 : memref<!tpu.dma_semaphore, #tpu.memory_space<semaphore_mem>>)
      %dma_wait3A = arith.constant 0 : i32
      %dma_wait3A_305 = arith.constant 0 : i32
      %dma_wait3A_306 = tpu.memref_slice %arg9[%run_scoped3A_22, %dma_wait3A, %dma_wait3A_305] : memref<2x64x128xf32, #tpu.memory_space<vmem>> -> memref<1x64x128xf32, #tpu.memory_space<vmem>>
      %dma_wait3A_307 = tpu.memref_squeeze %dma_wait3A_306 : memref<1x64x128xf32, #tpu.memory_space<vmem>> -> memref<64x128xf32, #tpu.memory_space<vmem>>
      %dma_wait3A_308 = arith.constant 0 : i32
      %dma_wait3A_309 = tpu.memref_slice %arg14[%add3A_21, %dma_wait3A_308] : memref<10112x128xf32, #tpu.memory_space<vmem_shared>> -> memref<64x128xf32, #tpu.memory_space<vmem_shared>>
      %dma_wait3A_310 = arith.constant 0 : i32
      %dma_wait3A_311 = tpu.memref_slice %arg14[%add3A_21, %dma_wait3A_310] : memref<10112x128xf32, #tpu.memory_space<vmem_shared>> -> memref<64x128xf32, #tpu.memory_space<vmem_shared>>
      %dma_wait3A_312 = arith.constant 0 : i32
      %dma_wait3A_313 = arith.constant 0 : i32
      %dma_wait3A_314 = tpu.memref_slice %arg9[%run_scoped3A_22, %dma_wait3A_312, %dma_wait3A_313] : memref<2x64x128xf32, #tpu.memory_space<vmem>> -> memref<1x64x128xf32, #tpu.memory_space<vmem>>
      %dma_wait3A_315 = tpu.memref_squeeze %dma_wait3A_314 : memref<1x64x128xf32, #tpu.memory_space<vmem>> -> memref<64x128xf32, #tpu.memory_space<vmem>>
      tpu.wait_dma2 semaphore(%run_scoped3A_292 : memref<!tpu.dma_semaphore, #tpu.memory_space<semaphore_mem>>) src(%dma_wait3A_315 : memref<64x128xf32, #tpu.memory_space<vmem>>) dst(%dma_wait3A_311 : memref<64x128xf32, #tpu.memory_space<vmem_shared>>)
      tpu.yield
    }) : () -> ()
    %add3A_23 = arith.constant 320 : i32
    %add3A_24 = arith.addi %mul3A_8, %add3A_23 : i32
    %run_scoped3A_25 = arith.constant 0 : i32
    "tpu.region"() ({
      %run_scoped3A_292 = tpu.sem_alloc : memref<!tpu.dma_semaphore, #tpu.memory_space<semaphore_mem>>
      %dma_start3A_293 = arith.constant 0 : i32
      %dma_start3A_294 = arith.constant 0 : i32
      %dma_start3A_295 = tpu.memref_slice %arg9[%run_scoped3A_25, %dma_start3A_293, %dma_start3A_294] : memref<2x64x128xf32, #tpu.memory_space<vmem>> -> memref<1x64x128xf32, #tpu.memory_space<vmem>>
      %dma_start3A_296 = tpu.memref_squeeze %dma_start3A_295 : memref<1x64x128xf32, #tpu.memory_space<vmem>> -> memref<64x128xf32, #tpu.memory_space<vmem>>
      %dma_start3A_297 = arith.constant 0 : i32
      %dma_start3A_298 = tpu.memref_slice %arg14[%add3A_24, %dma_start3A_297] : memref<10112x128xf32, #tpu.memory_space<vmem_shared>> -> memref<64x128xf32, #tpu.memory_space<vmem_shared>>
      %dma_start3A_299 = arith.constant 0 : i32
      %dma_start3A_300 = tpu.memref_slice %arg14[%add3A_24, %dma_start3A_299] : memref<10112x128xf32, #tpu.memory_space<vmem_shared>> -> memref<64x128xf32, #tpu.memory_space<vmem_shared>>
      %dma_start3A_301 = arith.constant 0 : i32
      %dma_start3A_302 = arith.constant 0 : i32
      %dma_start3A_303 = tpu.memref_slice %arg9[%run_scoped3A_25, %dma_start3A_301, %dma_start3A_302] : memref<2x64x128xf32, #tpu.memory_space<vmem>> -> memref<1x64x128xf32, #tpu.memory_space<vmem>>
      %dma_start3A_304 = tpu.memref_squeeze %dma_start3A_303 : memref<1x64x128xf32, #tpu.memory_space<vmem>> -> memref<64x128xf32, #tpu.memory_space<vmem>>
      tpu.enqueue_dma source(%dma_start3A_304 : memref<64x128xf32, #tpu.memory_space<vmem>>) target(%dma_start3A_300 : memref<64x128xf32, #tpu.memory_space<vmem_shared>>) target_semaphore(%run_scoped3A_292 : memref<!tpu.dma_semaphore, #tpu.memory_space<semaphore_mem>>)
      %dma_wait3A = arith.constant 0 : i32
      %dma_wait3A_305 = arith.constant 0 : i32
      %dma_wait3A_306 = tpu.memref_slice %arg9[%run_scoped3A_25, %dma_wait3A, %dma_wait3A_305] : memref<2x64x128xf32, #tpu.memory_space<vmem>> -> memref<1x64x128xf32, #tpu.memory_space<vmem>>
      %dma_wait3A_307 = tpu.memref_squeeze %dma_wait3A_306 : memref<1x64x128xf32, #tpu.memory_space<vmem>> -> memref<64x128xf32, #tpu.memory_space<vmem>>
      %dma_wait3A_308 = arith.constant 0 : i32
      %dma_wait3A_309 = tpu.memref_slice %arg14[%add3A_24, %dma_wait3A_308] : memref<10112x128xf32, #tpu.memory_space<vmem_shared>> -> memref<64x128xf32, #tpu.memory_space<vmem_shared>>
      %dma_wait3A_310 = arith.constant 0 : i32
      %dma_wait3A_311 = tpu.memref_slice %arg14[%add3A_24, %dma_wait3A_310] : memref<10112x128xf32, #tpu.memory_space<vmem_shared>> -> memref<64x128xf32, #tpu.memory_space<vmem_shared>>
      %dma_wait3A_312 = arith.constant 0 : i32
      %dma_wait3A_313 = arith.constant 0 : i32
      %dma_wait3A_314 = tpu.memref_slice %arg9[%run_scoped3A_25, %dma_wait3A_312, %dma_wait3A_313] : memref<2x64x128xf32, #tpu.memory_space<vmem>> -> memref<1x64x128xf32, #tpu.memory_space<vmem>>
      %dma_wait3A_315 = tpu.memref_squeeze %dma_wait3A_314 : memref<1x64x128xf32, #tpu.memory_space<vmem>> -> memref<64x128xf32, #tpu.memory_space<vmem>>
      tpu.wait_dma2 semaphore(%run_scoped3A_292 : memref<!tpu.dma_semaphore, #tpu.memory_space<semaphore_mem>>) src(%dma_wait3A_315 : memref<64x128xf32, #tpu.memory_space<vmem>>) dst(%dma_wait3A_311 : memref<64x128xf32, #tpu.memory_space<vmem_shared>>)
      tpu.yield
    }) : () -> ()
    %add3A_26 = arith.constant 384 : i32
    %add3A_27 = arith.addi %mul3A_8, %add3A_26 : i32
    %run_scoped3A_28 = arith.constant 0 : i32
    "tpu.region"() ({
      %run_scoped3A_292 = tpu.sem_alloc : memref<!tpu.dma_semaphore, #tpu.memory_space<semaphore_mem>>
      %dma_start3A_293 = arith.constant 0 : i32
      %dma_start3A_294 = arith.constant 0 : i32
      %dma_start3A_295 = tpu.memref_slice %arg9[%run_scoped3A_28, %dma_start3A_293, %dma_start3A_294] : memref<2x64x128xf32, #tpu.memory_space<vmem>> -> memref<1x64x128xf32, #tpu.memory_space<vmem>>
      %dma_start3A_296 = tpu.memref_squeeze %dma_start3A_295 : memref<1x64x128xf32, #tpu.memory_space<vmem>> -> memref<64x128xf32, #tpu.memory_space<vmem>>
      %dma_start3A_297 = arith.constant 0 : i32
      %dma_start3A_298 = tpu.memref_slice %arg14[%add3A_27, %dma_start3A_297] : memref<10112x128xf32, #tpu.memory_space<vmem_shared>> -> memref<64x128xf32, #tpu.memory_space<vmem_shared>>
      %dma_start3A_299 = arith.constant 0 : i32
      %dma_start3A_300 = tpu.memref_slice %arg14[%add3A_27, %dma_start3A_299] : memref<10112x128xf32, #tpu.memory_space<vmem_shared>> -> memref<64x128xf32, #tpu.memory_space<vmem_shared>>
      %dma_start3A_301 = arith.constant 0 : i32
      %dma_start3A_302 = arith.constant 0 : i32
      %dma_start3A_303 = tpu.memref_slice %arg9[%run_scoped3A_28, %dma_start3A_301, %dma_start3A_302] : memref<2x64x128xf32, #tpu.memory_space<vmem>> -> memref<1x64x128xf32, #tpu.memory_space<vmem>>
      %dma_start3A_304 = tpu.memref_squeeze %dma_start3A_303 : memref<1x64x128xf32, #tpu.memory_space<vmem>> -> memref<64x128xf32, #tpu.memory_space<vmem>>
      tpu.enqueue_dma source(%dma_start3A_304 : memref<64x128xf32, #tpu.memory_space<vmem>>) target(%dma_start3A_300 : memref<64x128xf32, #tpu.memory_space<vmem_shared>>) target_semaphore(%run_scoped3A_292 : memref<!tpu.dma_semaphore, #tpu.memory_space<semaphore_mem>>)
      %dma_wait3A = arith.constant 0 : i32
      %dma_wait3A_305 = arith.constant 0 : i32
      %dma_wait3A_306 = tpu.memref_slice %arg9[%run_scoped3A_28, %dma_wait3A, %dma_wait3A_305] : memref<2x64x128xf32, #tpu.memory_space<vmem>> -> memref<1x64x128xf32, #tpu.memory_space<vmem>>
      %dma_wait3A_307 = tpu.memref_squeeze %dma_wait3A_306 : memref<1x64x128xf32, #tpu.memory_space<vmem>> -> memref<64x128xf32, #tpu.memory_space<vmem>>
      %dma_wait3A_308 = arith.constant 0 : i32
      %dma_wait3A_309 = tpu.memref_slice %arg14[%add3A_27, %dma_wait3A_308] : memref<10112x128xf32, #tpu.memory_space<vmem_shared>> -> memref<64x128xf32, #tpu.memory_space<vmem_shared>>
      %dma_wait3A_310 = arith.constant 0 : i32
      %dma_wait3A_311 = tpu.memref_slice %arg14[%add3A_27, %dma_wait3A_310] : memref<10112x128xf32, #tpu.memory_space<vmem_shared>> -> memref<64x128xf32, #tpu.memory_space<vmem_shared>>
      %dma_wait3A_312 = arith.constant 0 : i32
      %dma_wait3A_313 = arith.constant 0 : i32
      %dma_wait3A_314 = tpu.memref_slice %arg9[%run_scoped3A_28, %dma_wait3A_312, %dma_wait3A_313] : memref<2x64x128xf32, #tpu.memory_space<vmem>> -> memref<1x64x128xf32, #tpu.memory_space<vmem>>
      %dma_wait3A_315 = tpu.memref_squeeze %dma_wait3A_314 : memref<1x64x128xf32, #tpu.memory_space<vmem>> -> memref<64x128xf32, #tpu.memory_space<vmem>>
      tpu.wait_dma2 semaphore(%run_scoped3A_292 : memref<!tpu.dma_semaphore, #tpu.memory_space<semaphore_mem>>) src(%dma_wait3A_315 : memref<64x128xf32, #tpu.memory_space<vmem>>) dst(%dma_wait3A_311 : memref<64x128xf32, #tpu.memory_space<vmem_shared>>)
      tpu.yield
    }) : () -> ()
    %add3A_29 = arith.constant 448 : i32
    %add3A_30 = arith.addi %mul3A_8, %add3A_29 : i32
    %run_scoped3A_31 = arith.constant 0 : i32
    "tpu.region"() ({
      %run_scoped3A_292 = tpu.sem_alloc : memref<!tpu.dma_semaphore, #tpu.memory_space<semaphore_mem>>
      %dma_start3A_293 = arith.constant 0 : i32
      %dma_start3A_294 = arith.constant 0 : i32
      %dma_start3A_295 = tpu.memref_slice %arg9[%run_scoped3A_31, %dma_start3A_293, %dma_start3A_294] : memref<2x64x128xf32, #tpu.memory_space<vmem>> -> memref<1x64x128xf32, #tpu.memory_space<vmem>>
      %dma_start3A_296 = tpu.memref_squeeze %dma_start3A_295 : memref<1x64x128xf32, #tpu.memory_space<vmem>> -> memref<64x128xf32, #tpu.memory_space<vmem>>
      %dma_start3A_297 = arith.constant 0 : i32
      %dma_start3A_298 = tpu.memref_slice %arg14[%add3A_30, %dma_start3A_297] : memref<10112x128xf32, #tpu.memory_space<vmem_shared>> -> memref<64x128xf32, #tpu.memory_space<vmem_shared>>
      %dma_start3A_299 = arith.constant 0 : i32
      %dma_start3A_300 = tpu.memref_slice %arg14[%add3A_30, %dma_start3A_299] : memref<10112x128xf32, #tpu.memory_space<vmem_shared>> -> memref<64x128xf32, #tpu.memory_space<vmem_shared>>
      %dma_start3A_301 = arith.constant 0 : i32
      %dma_start3A_302 = arith.constant 0 : i32
      %dma_start3A_303 = tpu.memref_slice %arg9[%run_scoped3A_31, %dma_start3A_301, %dma_start3A_302] : memref<2x64x128xf32, #tpu.memory_space<vmem>> -> memref<1x64x128xf32, #tpu.memory_space<vmem>>
      %dma_start3A_304 = tpu.memref_squeeze %dma_start3A_303 : memref<1x64x128xf32, #tpu.memory_space<vmem>> -> memref<64x128xf32, #tpu.memory_space<vmem>>
      tpu.enqueue_dma source(%dma_start3A_304 : memref<64x128xf32, #tpu.memory_space<vmem>>) target(%dma_start3A_300 : memref<64x128xf32, #tpu.memory_space<vmem_shared>>) target_semaphore(%run_scoped3A_292 : memref<!tpu.dma_semaphore, #tpu.memory_space<semaphore_mem>>)
      %dma_wait3A = arith.constant 0 : i32
      %dma_wait3A_305 = arith.constant 0 : i32
      %dma_wait3A_306 = tpu.memref_slice %arg9[%run_scoped3A_31, %dma_wait3A, %dma_wait3A_305] : memref<2x64x128xf32, #tpu.memory_space<vmem>> -> memref<1x64x128xf32, #tpu.memory_space<vmem>>
      %dma_wait3A_307 = tpu.memref_squeeze %dma_wait3A_306 : memref<1x64x128xf32, #tpu.memory_space<vmem>> -> memref<64x128xf32, #tpu.memory_space<vmem>>
      %dma_wait3A_308 = arith.constant 0 : i32
      %dma_wait3A_309 = tpu.memref_slice %arg14[%add3A_30, %dma_wait3A_308] : memref<10112x128xf32, #tpu.memory_space<vmem_shared>> -> memref<64x128xf32, #tpu.memory_space<vmem_shared>>
      %dma_wait3A_310 = arith.constant 0 : i32
      %dma_wait3A_311 = tpu.memref_slice %arg14[%add3A_30, %dma_wait3A_310] : memref<10112x128xf32, #tpu.memory_space<vmem_shared>> -> memref<64x128xf32, #tpu.memory_space<vmem_shared>>
      %dma_wait3A_312 = arith.constant 0 : i32
      %dma_wait3A_313 = arith.constant 0 : i32
      %dma_wait3A_314 = tpu.memref_slice %arg9[%run_scoped3A_31, %dma_wait3A_312, %dma_wait3A_313] : memref<2x64x128xf32, #tpu.memory_space<vmem>> -> memref<1x64x128xf32, #tpu.memory_space<vmem>>
      %dma_wait3A_315 = tpu.memref_squeeze %dma_wait3A_314 : memref<1x64x128xf32, #tpu.memory_space<vmem>> -> memref<64x128xf32, #tpu.memory_space<vmem>>
      tpu.wait_dma2 semaphore(%run_scoped3A_292 : memref<!tpu.dma_semaphore, #tpu.memory_space<semaphore_mem>>) src(%dma_wait3A_315 : memref<64x128xf32, #tpu.memory_space<vmem>>) dst(%dma_wait3A_311 : memref<64x128xf32, #tpu.memory_space<vmem_shared>>)
      tpu.yield
    }) : () -> ()
    %add3A_32 = arith.constant 512 : i32
    %add3A_33 = arith.addi %mul3A_8, %add3A_32 : i32
    %run_scoped3A_34 = arith.constant 0 : i32
    "tpu.region"() ({
      %run_scoped3A_292 = tpu.sem_alloc : memref<!tpu.dma_semaphore, #tpu.memory_space<semaphore_mem>>
      %dma_start3A_293 = arith.constant 0 : i32
      %dma_start3A_294 = arith.constant 0 : i32
      %dma_start3A_295 = tpu.memref_slice %arg9[%run_scoped3A_34, %dma_start3A_293, %dma_start3A_294] : memref<2x64x128xf32, #tpu.memory_space<vmem>> -> memref<1x64x128xf32, #tpu.memory_space<vmem>>
      %dma_start3A_296 = tpu.memref_squeeze %dma_start3A_295 : memref<1x64x128xf32, #tpu.memory_space<vmem>> -> memref<64x128xf32, #tpu.memory_space<vmem>>
      %dma_start3A_297 = arith.constant 0 : i32
      %dma_start3A_298 = tpu.memref_slice %arg14[%add3A_33, %dma_start3A_297] : memref<10112x128xf32, #tpu.memory_space<vmem_shared>> -> memref<64x128xf32, #tpu.memory_space<vmem_shared>>
      %dma_start3A_299 = arith.constant 0 : i32
      %dma_start3A_300 = tpu.memref_slice %arg14[%add3A_33, %dma_start3A_299] : memref<10112x128xf32, #tpu.memory_space<vmem_shared>> -> memref<64x128xf32, #tpu.memory_space<vmem_shared>>
      %dma_start3A_301 = arith.constant 0 : i32
      %dma_start3A_302 = arith.constant 0 : i32
      %dma_start3A_303 = tpu.memref_slice %arg9[%run_scoped3A_34, %dma_start3A_301, %dma_start3A_302] : memref<2x64x128xf32, #tpu.memory_space<vmem>> -> memref<1x64x128xf32, #tpu.memory_space<vmem>>
      %dma_start3A_304 = tpu.memref_squeeze %dma_start3A_303 : memref<1x64x128xf32, #tpu.memory_space<vmem>> -> memref<64x128xf32, #tpu.memory_space<vmem>>
      tpu.enqueue_dma source(%dma_start3A_304 : memref<64x128xf32, #tpu.memory_space<vmem>>) target(%dma_start3A_300 : memref<64x128xf32, #tpu.memory_space<vmem_shared>>) target_semaphore(%run_scoped3A_292 : memref<!tpu.dma_semaphore, #tpu.memory_space<semaphore_mem>>)
      %dma_wait3A = arith.constant 0 : i32
      %dma_wait3A_305 = arith.constant 0 : i32
      %dma_wait3A_306 = tpu.memref_slice %arg9[%run_scoped3A_34, %dma_wait3A, %dma_wait3A_305] : memref<2x64x128xf32, #tpu.memory_space<vmem>> -> memref<1x64x128xf32, #tpu.memory_space<vmem>>
      %dma_wait3A_307 = tpu.memref_squeeze %dma_wait3A_306 : memref<1x64x128xf32, #tpu.memory_space<vmem>> -> memref<64x128xf32, #tpu.memory_space<vmem>>
      %dma_wait3A_308 = arith.constant 0 : i32
      %dma_wait3A_309 = tpu.memref_slice %arg14[%add3A_33, %dma_wait3A_308] : memref<10112x128xf32, #tpu.memory_space<vmem_shared>> -> memref<64x128xf32, #tpu.memory_space<vmem_shared>>
      %dma_wait3A_310 = arith.constant 0 : i32
      %dma_wait3A_311 = tpu.memref_slice %arg14[%add3A_33, %dma_wait3A_310] : memref<10112x128xf32, #tpu.memory_space<vmem_shared>> -> memref<64x128xf32, #tpu.memory_space<vmem_shared>>
      %dma_wait3A_312 = arith.constant 0 : i32
      %dma_wait3A_313 = arith.constant 0 : i32
      %dma_wait3A_314 = tpu.memref_slice %arg9[%run_scoped3A_34, %dma_wait3A_312, %dma_wait3A_313] : memref<2x64x128xf32, #tpu.memory_space<vmem>> -> memref<1x64x128xf32, #tpu.memory_space<vmem>>
      %dma_wait3A_315 = tpu.memref_squeeze %dma_wait3A_314 : memref<1x64x128xf32, #tpu.memory_space<vmem>> -> memref<64x128xf32, #tpu.memory_space<vmem>>
      tpu.wait_dma2 semaphore(%run_scoped3A_292 : memref<!tpu.dma_semaphore, #tpu.memory_space<semaphore_mem>>) src(%dma_wait3A_315 : memref<64x128xf32, #tpu.memory_space<vmem>>) dst(%dma_wait3A_311 : memref<64x128xf32, #tpu.memory_space<vmem_shared>>)
      tpu.yield
    }) : () -> ()
    %add3A_35 = arith.constant 576 : i32
    %add3A_36 = arith.addi %mul3A_8, %add3A_35 : i32
    %run_scoped3A_37 = arith.constant 0 : i32
    "tpu.region"() ({
      %run_scoped3A_292 = tpu.sem_alloc : memref<!tpu.dma_semaphore, #tpu.memory_space<semaphore_mem>>
      %dma_start3A_293 = arith.constant 0 : i32
      %dma_start3A_294 = arith.constant 0 : i32
      %dma_start3A_295 = tpu.memref_slice %arg9[%run_scoped3A_37, %dma_start3A_293, %dma_start3A_294] : memref<2x64x128xf32, #tpu.memory_space<vmem>> -> memref<1x56x128xf32, #tpu.memory_space<vmem>>
      %dma_start3A_296 = tpu.memref_squeeze %dma_start3A_295 : memref<1x56x128xf32, #tpu.memory_space<vmem>> -> memref<56x128xf32, #tpu.memory_space<vmem>>
      %dma_start3A_297 = arith.constant 0 : i32
      %dma_start3A_298 = tpu.memref_slice %arg14[%add3A_36, %dma_start3A_297] : memref<10112x128xf32, #tpu.memory_space<vmem_shared>> -> memref<56x128xf32, #tpu.memory_space<vmem_shared>>
      %dma_start3A_299 = arith.constant 0 : i32
      %dma_start3A_300 = tpu.memref_slice %arg14[%add3A_36, %dma_start3A_299] : memref<10112x128xf32, #tpu.memory_space<vmem_shared>> -> memref<56x128xf32, #tpu.memory_space<vmem_shared>>
      %dma_start3A_301 = arith.constant 0 : i32
      %dma_start3A_302 = arith.constant 0 : i32
      %dma_start3A_303 = tpu.memref_slice %arg9[%run_scoped3A_37, %dma_start3A_301, %dma_start3A_302] : memref<2x64x128xf32, #tpu.memory_space<vmem>> -> memref<1x56x128xf32, #tpu.memory_space<vmem>>
      %dma_start3A_304 = tpu.memref_squeeze %dma_start3A_303 : memref<1x56x128xf32, #tpu.memory_space<vmem>> -> memref<56x128xf32, #tpu.memory_space<vmem>>
      tpu.enqueue_dma source(%dma_start3A_304 : memref<56x128xf32, #tpu.memory_space<vmem>>) target(%dma_start3A_300 : memref<56x128xf32, #tpu.memory_space<vmem_shared>>) target_semaphore(%run_scoped3A_292 : memref<!tpu.dma_semaphore, #tpu.memory_space<semaphore_mem>>)
      %dma_wait3A = arith.constant 0 : i32
      %dma_wait3A_305 = arith.constant 0 : i32
      %dma_wait3A_306 = tpu.memref_slice %arg9[%run_scoped3A_37, %dma_wait3A, %dma_wait3A_305] : memref<2x64x128xf32, #tpu.memory_space<vmem>> -> memref<1x56x128xf32, #tpu.memory_space<vmem>>
      %dma_wait3A_307 = tpu.memref_squeeze %dma_wait3A_306 : memref<1x56x128xf32, #tpu.memory_space<vmem>> -> memref<56x128xf32, #tpu.memory_space<vmem>>
      %dma_wait3A_308 = arith.constant 0 : i32
      %dma_wait3A_309 = tpu.memref_slice %arg14[%add3A_36, %dma_wait3A_308] : memref<10112x128xf32, #tpu.memory_space<vmem_shared>> -> memref<56x128xf32, #tpu.memory_space<vmem_shared>>
      %dma_wait3A_310 = arith.constant 0 : i32
      %dma_wait3A_311 = tpu.memref_slice %arg14[%add3A_36, %dma_wait3A_310] : memref<10112x128xf32, #tpu.memory_space<vmem_shared>> -> memref<56x128xf32, #tpu.memory_space<vmem_shared>>
      %dma_wait3A_312 = arith.constant 0 : i32
      %dma_wait3A_313 = arith.constant 0 : i32
      %dma_wait3A_314 = tpu.memref_slice %arg9[%run_scoped3A_37, %dma_wait3A_312, %dma_wait3A_313] : memref<2x64x128xf32, #tpu.memory_space<vmem>> -> memref<1x56x128xf32, #tpu.memory_space<vmem>>
      %dma_wait3A_315 = tpu.memref_squeeze %dma_wait3A_314 : memref<1x56x128xf32, #tpu.memory_space<vmem>> -> memref<56x128xf32, #tpu.memory_space<vmem>>
      tpu.wait_dma2 semaphore(%run_scoped3A_292 : memref<!tpu.dma_semaphore, #tpu.memory_space<semaphore_mem>>) src(%dma_wait3A_315 : memref<56x128xf32, #tpu.memory_space<vmem>>) dst(%dma_wait3A_311 : memref<56x128xf32, #tpu.memory_space<vmem_shared>>)
      tpu.yield
    }) : () -> ()
    %barrier3A = arith.constant 0 : index
    tpu.barrier barrier_id(%barrier3A)
    %mul3A_38 = arith.constant 10240 : i32
    %mul3A_39 = arith.muli %add3A, %mul3A_38 : i32
    %add3A_40 = arith.constant 0 : i32
    %add3A_41 = arith.addi %mul3A_39, %add3A_40 : i32
    %dma_start3A = arith.constant 0 : i32
    %dma_start3A_42 = arith.constant 0 : i32
    %dma_start3A_43 = arith.constant 0 : i32
    %dma_start3A_44 = tpu.memref_slice %arg7[%dma_start3A, %dma_start3A_43] : memref<2x1024xi32, #tpu.memory_space<vmem>> -> memref<1x1024xi32, #tpu.memory_space<vmem>>
    %dma_start3A_45 = tpu.memref_squeeze %dma_start3A_44 : memref<1x1024xi32, #tpu.memory_space<vmem>> -> memref<1024xi32, #tpu.memory_space<vmem>>
    %dma_start3A_46 = tpu.memref_slice %arg4[%add3A_41] : memref<327680xi32, #tpu.memory_space<hbm>> -> memref<1024xi32, #tpu.memory_space<hbm>>
    %dma_start3A_47 = tpu.memref_slice %arg11[%dma_start3A_42] : memref<2x!tpu.dma_semaphore, #tpu.memory_space<semaphore_mem>> -> memref<1x!tpu.dma_semaphore, #tpu.memory_space<semaphore_mem>>
    %dma_start3A_48 = tpu.memref_squeeze %dma_start3A_47 : memref<1x!tpu.dma_semaphore, #tpu.memory_space<semaphore_mem>> -> memref<!tpu.dma_semaphore, #tpu.memory_space<semaphore_mem>>
    %dma_start3A_49 = arith.constant 0 : i32
    %dma_start3A_50 = tpu.memref_slice %arg7[%dma_start3A, %dma_start3A_49] : memref<2x1024xi32, #tpu.memory_space<vmem>> -> memref<1x1024xi32, #tpu.memory_space<vmem>>
    %dma_start3A_51 = tpu.memref_squeeze %dma_start3A_50 : memref<1x1024xi32, #tpu.memory_space<vmem>> -> memref<1024xi32, #tpu.memory_space<vmem>>
    %dma_start3A_52 = tpu.memref_slice %arg4[%add3A_41] : memref<327680xi32, #tpu.memory_space<hbm>> -> memref<1024xi32, #tpu.memory_space<hbm>>
    tpu.enqueue_dma source(%dma_start3A_52 : memref<1024xi32, #tpu.memory_space<hbm>>) target(%dma_start3A_51 : memref<1024xi32, #tpu.memory_space<vmem>>) target_semaphore(%dma_start3A_48 : memref<!tpu.dma_semaphore, #tpu.memory_space<semaphore_mem>>)
    %add3A_53 = arith.constant 0 : i32
    %add3A_54 = arith.addi %add3A_41, %add3A_53 : i32
    %dma_start3A_55 = arith.constant 0 : i32
    %dma_start3A_56 = arith.constant 0 : i32
    %dma_start3A_57 = arith.constant 0 : i32
    %dma_start3A_58 = tpu.memref_slice %arg8[%dma_start3A_55, %dma_start3A_57] : memref<32x64xi32, #tpu.memory_space<vmem>> -> memref<1x64xi32, #tpu.memory_space<vmem>>
    %dma_start3A_59 = tpu.memref_squeeze %dma_start3A_58 : memref<1x64xi32, #tpu.memory_space<vmem>> -> memref<64xi32, #tpu.memory_space<vmem>>
    %dma_start3A_60 = tpu.memref_slice %arg5[%add3A_54] : memref<327680xi32, #tpu.memory_space<hbm>> -> memref<64xi32, #tpu.memory_space<hbm>>
    %dma_start3A_61 = tpu.memref_slice %arg11[%dma_start3A_56] : memref<2x!tpu.dma_semaphore, #tpu.memory_space<semaphore_mem>> -> memref<1x!tpu.dma_semaphore, #tpu.memory_space<semaphore_mem>>
    %dma_start3A_62 = tpu.memref_squeeze %dma_start3A_61 : memref<1x!tpu.dma_semaphore, #tpu.memory_space<semaphore_mem>> -> memref<!tpu.dma_semaphore, #tpu.memory_space<semaphore_mem>>
    %dma_start3A_63 = arith.constant 0 : i32
    %dma_start3A_64 = tpu.memref_slice %arg8[%dma_start3A_55, %dma_start3A_63] : memref<32x64xi32, #tpu.memory_space<vmem>> -> memref<1x64xi32, #tpu.memory_space<vmem>>
    %dma_start3A_65 = tpu.memref_squeeze %dma_start3A_64 : memref<1x64xi32, #tpu.memory_space<vmem>> -> memref<64xi32, #tpu.memory_space<vmem>>
    %dma_start3A_66 = tpu.memref_slice %arg5[%add3A_54] : memref<327680xi32, #tpu.memory_space<hbm>> -> memref<64xi32, #tpu.memory_space<hbm>>
    tpu.enqueue_dma source(%dma_start3A_66 : memref<64xi32, #tpu.memory_space<hbm>>) target(%dma_start3A_65 : memref<64xi32, #tpu.memory_space<vmem>>) target_semaphore(%dma_start3A_62 : memref<!tpu.dma_semaphore, #tpu.memory_space<semaphore_mem>>)
    %add3A_67 = arith.constant 64 : i32
    %add3A_68 = arith.addi %add3A_41, %add3A_67 : i32
    %dma_start3A_69 = arith.constant 1 : i32
    %dma_start3A_70 = arith.constant 0 : i32
    %dma_start3A_71 = arith.constant 0 : i32
    %dma_start3A_72 = tpu.memref_slice %arg8[%dma_start3A_69, %dma_start3A_71] : memref<32x64xi32, #tpu.memory_space<vmem>> -> memref<1x64xi32, #tpu.memory_space<vmem>>
    %dma_start3A_73 = tpu.memref_squeeze %dma_start3A_72 : memref<1x64xi32, #tpu.memory_space<vmem>> -> memref<64xi32, #tpu.memory_space<vmem>>
    %dma_start3A_74 = tpu.memref_slice %arg5[%add3A_68] : memref<327680xi32, #tpu.memory_space<hbm>> -> memref<64xi32, #tpu.memory_space<hbm>>
    %dma_start3A_75 = tpu.memref_slice %arg11[%dma_start3A_70] : memref<2x!tpu.dma_semaphore, #tpu.memory_space<semaphore_mem>> -> memref<1x!tpu.dma_semaphore, #tpu.memory_space<semaphore_mem>>
    %dma_start3A_76 = tpu.memref_squeeze %dma_start3A_75 : memref<1x!tpu.dma_semaphore, #tpu.memory_space<semaphore_mem>> -> memref<!tpu.dma_semaphore, #tpu.memory_space<semaphore_mem>>
    %dma_start3A_77 = arith.constant 0 : i32
    %dma_start3A_78 = tpu.memref_slice %arg8[%dma_start3A_69, %dma_start3A_77] : memref<32x64xi32, #tpu.memory_space<vmem>> -> memref<1x64xi32, #tpu.memory_space<vmem>>
    %dma_start3A_79 = tpu.memref_squeeze %dma_start3A_78 : memref<1x64xi32, #tpu.memory_space<vmem>> -> memref<64xi32, #tpu.memory_space<vmem>>
    %dma_start3A_80 = tpu.memref_slice %arg5[%add3A_68] : memref<327680xi32, #tpu.memory_space<hbm>> -> memref<64xi32, #tpu.memory_space<hbm>>
    tpu.enqueue_dma source(%dma_start3A_80 : memref<64xi32, #tpu.memory_space<hbm>>) target(%dma_start3A_79 : memref<64xi32, #tpu.memory_space<vmem>>) target_semaphore(%dma_start3A_76 : memref<!tpu.dma_semaphore, #tpu.memory_space<semaphore_mem>>)
    %add3A_81 = arith.constant 128 : i32
    %add3A_82 = arith.addi %add3A_41, %add3A_81 : i32
    %dma_start3A_83 = arith.constant 2 : i32
    %dma_start3A_84 = arith.constant 0 : i32
    %dma_start3A_85 = arith.constant 0 : i32
    %dma_start3A_86 = tpu.memref_slice %arg8[%dma_start3A_83, %dma_start3A_85] : memref<32x64xi32, #tpu.memory_space<vmem>> -> memref<1x64xi32, #tpu.memory_space<vmem>>
    %dma_start3A_87 = tpu.memref_squeeze %dma_start3A_86 : memref<1x64xi32, #tpu.memory_space<vmem>> -> memref<64xi32, #tpu.memory_space<vmem>>
    %dma_start3A_88 = tpu.memref_slice %arg5[%add3A_82] : memref<327680xi32, #tpu.memory_space<hbm>> -> memref<64xi32, #tpu.memory_space<hbm>>
    %dma_start3A_89 = tpu.memref_slice %arg11[%dma_start3A_84] : memref<2x!tpu.dma_semaphore, #tpu.memory_space<semaphore_mem>> -> memref<1x!tpu.dma_semaphore, #tpu.memory_space<semaphore_mem>>
    %dma_start3A_90 = tpu.memref_squeeze %dma_start3A_89 : memref<1x!tpu.dma_semaphore, #tpu.memory_space<semaphore_mem>> -> memref<!tpu.dma_semaphore, #tpu.memory_space<semaphore_mem>>
    %dma_start3A_91 = arith.constant 0 : i32
    %dma_start3A_92 = tpu.memref_slice %arg8[%dma_start3A_83, %dma_start3A_91] : memref<32x64xi32, #tpu.memory_space<vmem>> -> memref<1x64xi32, #tpu.memory_space<vmem>>
    %dma_start3A_93 = tpu.memref_squeeze %dma_start3A_92 : memref<1x64xi32, #tpu.memory_space<vmem>> -> memref<64xi32, #tpu.memory_space<vmem>>
    %dma_start3A_94 = tpu.memref_slice %arg5[%add3A_82] : memref<327680xi32, #tpu.memory_space<hbm>> -> memref<64xi32, #tpu.memory_space<hbm>>
    tpu.enqueue_dma source(%dma_start3A_94 : memref<64xi32, #tpu.memory_space<hbm>>) target(%dma_start3A_93 : memref<64xi32, #tpu.memory_space<vmem>>) target_semaphore(%dma_start3A_90 : memref<!tpu.dma_semaphore, #tpu.memory_space<semaphore_mem>>)
    %add3A_95 = arith.constant 192 : i32
    %add3A_96 = arith.addi %add3A_41, %add3A_95 : i32
    %dma_start3A_97 = arith.constant 3 : i32
    %dma_start3A_98 = arith.constant 0 : i32
    %dma_start3A_99 = arith.constant 0 : i32
    %dma_start3A_100 = tpu.memref_slice %arg8[%dma_start3A_97, %dma_start3A_99] : memref<32x64xi32, #tpu.memory_space<vmem>> -> memref<1x64xi32, #tpu.memory_space<vmem>>
    %dma_start3A_101 = tpu.memref_squeeze %dma_start3A_100 : memref<1x64xi32, #tpu.memory_space<vmem>> -> memref<64xi32, #tpu.memory_space<vmem>>
    %dma_start3A_102 = tpu.memref_slice %arg5[%add3A_96] : memref<327680xi32, #tpu.memory_space<hbm>> -> memref<64xi32, #tpu.memory_space<hbm>>
    %dma_start3A_103 = tpu.memref_slice %arg11[%dma_start3A_98] : memref<2x!tpu.dma_semaphore, #tpu.memory_space<semaphore_mem>> -> memref<1x!tpu.dma_semaphore, #tpu.memory_space<semaphore_mem>>
    %dma_start3A_104 = tpu.memref_squeeze %dma_start3A_103 : memref<1x!tpu.dma_semaphore, #tpu.memory_space<semaphore_mem>> -> memref<!tpu.dma_semaphore, #tpu.memory_space<semaphore_mem>>
    %dma_start3A_105 = arith.constant 0 : i32
    %dma_start3A_106 = tpu.memref_slice %arg8[%dma_start3A_97, %dma_start3A_105] : memref<32x64xi32, #tpu.memory_space<vmem>> -> memref<1x64xi32, #tpu.memory_space<vmem>>
    %dma_start3A_107 = tpu.memref_squeeze %dma_start3A_106 : memref<1x64xi32, #tpu.memory_space<vmem>> -> memref<64xi32, #tpu.memory_space<vmem>>
    %dma_start3A_108 = tpu.memref_slice %arg5[%add3A_96] : memref<327680xi32, #tpu.memory_space<hbm>> -> memref<64xi32, #tpu.memory_space<hbm>>
    tpu.enqueue_dma source(%dma_start3A_108 : memref<64xi32, #tpu.memory_space<hbm>>) target(%dma_start3A_107 : memref<64xi32, #tpu.memory_space<vmem>>) target_semaphore(%dma_start3A_104 : memref<!tpu.dma_semaphore, #tpu.memory_space<semaphore_mem>>)
    %add3A_109 = arith.constant 256 : i32
    %add3A_110 = arith.addi %add3A_41, %add3A_109 : i32
    %dma_start3A_111 = arith.constant 4 : i32
    %dma_start3A_112 = arith.constant 0 : i32
    %dma_start3A_113 = arith.constant 0 : i32
    %dma_start3A_114 = tpu.memref_slice %arg8[%dma_start3A_111, %dma_start3A_113] : memref<32x64xi32, #tpu.memory_space<vmem>> -> memref<1x64xi32, #tpu.memory_space<vmem>>
    %dma_start3A_115 = tpu.memref_squeeze %dma_start3A_114 : memref<1x64xi32, #tpu.memory_space<vmem>> -> memref<64xi32, #tpu.memory_space<vmem>>
    %dma_start3A_116 = tpu.memref_slice %arg5[%add3A_110] : memref<327680xi32, #tpu.memory_space<hbm>> -> memref<64xi32, #tpu.memory_space<hbm>>
    %dma_start3A_117 = tpu.memref_slice %arg11[%dma_start3A_112] : memref<2x!tpu.dma_semaphore, #tpu.memory_space<semaphore_mem>> -> memref<1x!tpu.dma_semaphore, #tpu.memory_space<semaphore_mem>>
    %dma_start3A_118 = tpu.memref_squeeze %dma_start3A_117 : memref<1x!tpu.dma_semaphore, #tpu.memory_space<semaphore_mem>> -> memref<!tpu.dma_semaphore, #tpu.memory_space<semaphore_mem>>
    %dma_start3A_119 = arith.constant 0 : i32
    %dma_start3A_120 = tpu.memref_slice %arg8[%dma_start3A_111, %dma_start3A_119] : memref<32x64xi32, #tpu.memory_space<vmem>> -> memref<1x64xi32, #tpu.memory_space<vmem>>
    %dma_start3A_121 = tpu.memref_squeeze %dma_start3A_120 : memref<1x64xi32, #tpu.memory_space<vmem>> -> memref<64xi32, #tpu.memory_space<vmem>>
    %dma_start3A_122 = tpu.memref_slice %arg5[%add3A_110] : memref<327680xi32, #tpu.memory_space<hbm>> -> memref<64xi32, #tpu.memory_space<hbm>>
    tpu.enqueue_dma source(%dma_start3A_122 : memref<64xi32, #tpu.memory_space<hbm>>) target(%dma_start3A_121 : memref<64xi32, #tpu.memory_space<vmem>>) target_semaphore(%dma_start3A_118 : memref<!tpu.dma_semaphore, #tpu.memory_space<semaphore_mem>>)
    %add3A_123 = arith.constant 320 : i32
    %add3A_124 = arith.addi %add3A_41, %add3A_123 : i32
    %dma_start3A_125 = arith.constant 5 : i32
    %dma_start3A_126 = arith.constant 0 : i32
    %dma_start3A_127 = arith.constant 0 : i32
    %dma_start3A_128 = tpu.memref_slice %arg8[%dma_start3A_125, %dma_start3A_127] : memref<32x64xi32, #tpu.memory_space<vmem>> -> memref<1x64xi32, #tpu.memory_space<vmem>>
    %dma_start3A_129 = tpu.memref_squeeze %dma_start3A_128 : memref<1x64xi32, #tpu.memory_space<vmem>> -> memref<64xi32, #tpu.memory_space<vmem>>
    %dma_start3A_130 = tpu.memref_slice %arg5[%add3A_124] : memref<327680xi32, #tpu.memory_space<hbm>> -> memref<64xi32, #tpu.memory_space<hbm>>
    %dma_start3A_131 = tpu.memref_slice %arg11[%dma_start3A_126] : memref<2x!tpu.dma_semaphore, #tpu.memory_space<semaphore_mem>> -> memref<1x!tpu.dma_semaphore, #tpu.memory_space<semaphore_mem>>
    %dma_start3A_132 = tpu.memref_squeeze %dma_start3A_131 : memref<1x!tpu.dma_semaphore, #tpu.memory_space<semaphore_mem>> -> memref<!tpu.dma_semaphore, #tpu.memory_space<semaphore_mem>>
    %dma_start3A_133 = arith.constant 0 : i32
    %dma_start3A_134 = tpu.memref_slice %arg8[%dma_start3A_125, %dma_start3A_133] : memref<32x64xi32, #tpu.memory_space<vmem>> -> memref<1x64xi32, #tpu.memory_space<vmem>>
    %dma_start3A_135 = tpu.memref_squeeze %dma_start3A_134 : memref<1x64xi32, #tpu.memory_space<vmem>> -> memref<64xi32, #tpu.memory_space<vmem>>
    %dma_start3A_136 = tpu.memref_slice %arg5[%add3A_124] : memref<327680xi32, #tpu.memory_space<hbm>> -> memref<64xi32, #tpu.memory_space<hbm>>
    tpu.enqueue_dma source(%dma_start3A_136 : memref<64xi32, #tpu.memory_space<hbm>>) target(%dma_start3A_135 : memref<64xi32, #tpu.memory_space<vmem>>) target_semaphore(%dma_start3A_132 : memref<!tpu.dma_semaphore, #tpu.memory_space<semaphore_mem>>)
    %add3A_137 = arith.constant 384 : i32
    %add3A_138 = arith.addi %add3A_41, %add3A_137 : i32
    %dma_start3A_139 = arith.constant 6 : i32
    %dma_start3A_140 = arith.constant 0 : i32
    %dma_start3A_141 = arith.constant 0 : i32
    %dma_start3A_142 = tpu.memref_slice %arg8[%dma_start3A_139, %dma_start3A_141] : memref<32x64xi32, #tpu.memory_space<vmem>> -> memref<1x64xi32, #tpu.memory_space<vmem>>
    %dma_start3A_143 = tpu.memref_squeeze %dma_start3A_142 : memref<1x64xi32, #tpu.memory_space<vmem>> -> memref<64xi32, #tpu.memory_space<vmem>>
    %dma_start3A_144 = tpu.memref_slice %arg5[%add3A_138] : memref<327680xi32, #tpu.memory_space<hbm>> -> memref<64xi32, #tpu.memory_space<hbm>>
    %dma_start3A_145 = tpu.memref_slice %arg11[%dma_start3A_140] : memref<2x!tpu.dma_semaphore, #tpu.memory_space<semaphore_mem>> -> memref<1x!tpu.dma_semaphore, #tpu.memory_space<semaphore_mem>>
    %dma_start3A_146 = tpu.memref_squeeze %dma_start3A_145 : memref<1x!tpu.dma_semaphore, #tpu.memory_space<semaphore_mem>> -> memref<!tpu.dma_semaphore, #tpu.memory_space<semaphore_mem>>
    %dma_start3A_147 = arith.constant 0 : i32
    %dma_start3A_148 = tpu.memref_slice %arg8[%dma_start3A_139, %dma_start3A_147] : memref<32x64xi32, #tpu.memory_space<vmem>> -> memref<1x64xi32, #tpu.memory_space<vmem>>
    %dma_start3A_149 = tpu.memref_squeeze %dma_start3A_148 : memref<1x64xi32, #tpu.memory_space<vmem>> -> memref<64xi32, #tpu.memory_space<vmem>>
    %dma_start3A_150 = tpu.memref_slice %arg5[%add3A_138] : memref<327680xi32, #tpu.memory_space<hbm>> -> memref<64xi32, #tpu.memory_space<hbm>>
    tpu.enqueue_dma source(%dma_start3A_150 : memref<64xi32, #tpu.memory_space<hbm>>) target(%dma_start3A_149 : memref<64xi32, #tpu.memory_space<vmem>>) target_semaphore(%dma_start3A_146 : memref<!tpu.dma_semaphore, #tpu.memory_space<semaphore_mem>>)
    %add3A_151 = arith.constant 448 : i32
    %add3A_152 = arith.addi %add3A_41, %add3A_151 : i32
    %dma_start3A_153 = arith.constant 7 : i32
    %dma_start3A_154 = arith.constant 0 : i32
    %dma_start3A_155 = arith.constant 0 : i32
    %dma_start3A_156 = tpu.memref_slice %arg8[%dma_start3A_153, %dma_start3A_155] : memref<32x64xi32, #tpu.memory_space<vmem>> -> memref<1x64xi32, #tpu.memory_space<vmem>>
    %dma_start3A_157 = tpu.memref_squeeze %dma_start3A_156 : memref<1x64xi32, #tpu.memory_space<vmem>> -> memref<64xi32, #tpu.memory_space<vmem>>
    %dma_start3A_158 = tpu.memref_slice %arg5[%add3A_152] : memref<327680xi32, #tpu.memory_space<hbm>> -> memref<64xi32, #tpu.memory_space<hbm>>
    %dma_start3A_159 = tpu.memref_slice %arg11[%dma_start3A_154] : memref<2x!tpu.dma_semaphore, #tpu.memory_space<semaphore_mem>> -> memref<1x!tpu.dma_semaphore, #tpu.memory_space<semaphore_mem>>
    %dma_start3A_160 = tpu.memref_squeeze %dma_start3A_159 : memref<1x!tpu.dma_semaphore, #tpu.memory_space<semaphore_mem>> -> memref<!tpu.dma_semaphore, #tpu.memory_space<semaphore_mem>>
    %dma_start3A_161 = arith.constant 0 : i32
    %dma_start3A_162 = tpu.memref_slice %arg8[%dma_start3A_153, %dma_start3A_161] : memref<32x64xi32, #tpu.memory_space<vmem>> -> memref<1x64xi32, #tpu.memory_space<vmem>>
    %dma_start3A_163 = tpu.memref_squeeze %dma_start3A_162 : memref<1x64xi32, #tpu.memory_space<vmem>> -> memref<64xi32, #tpu.memory_space<vmem>>
    %dma_start3A_164 = tpu.memref_slice %arg5[%add3A_152] : memref<327680xi32, #tpu.memory_space<hbm>> -> memref<64xi32, #tpu.memory_space<hbm>>
    tpu.enqueue_dma source(%dma_start3A_164 : memref<64xi32, #tpu.memory_space<hbm>>) target(%dma_start3A_163 : memref<64xi32, #tpu.memory_space<vmem>>) target_semaphore(%dma_start3A_160 : memref<!tpu.dma_semaphore, #tpu.memory_space<semaphore_mem>>)
    %add3A_165 = arith.constant 512 : i32
    %add3A_166 = arith.addi %add3A_41, %add3A_165 : i32
    %dma_start3A_167 = arith.constant 8 : i32
    %dma_start3A_168 = arith.constant 0 : i32
    %dma_start3A_169 = arith.constant 0 : i32
    %dma_start3A_170 = tpu.memref_slice %arg8[%dma_start3A_167, %dma_start3A_169] : memref<32x64xi32, #tpu.memory_space<vmem>> -> memref<1x64xi32, #tpu.memory_space<vmem>>
    %dma_start3A_171 = tpu.memref_squeeze %dma_start3A_170 : memref<1x64xi32, #tpu.memory_space<vmem>> -> memref<64xi32, #tpu.memory_space<vmem>>
    %dma_start3A_172 = tpu.memref_slice %arg5[%add3A_166] : memref<327680xi32, #tpu.memory_space<hbm>> -> memref<64xi32, #tpu.memory_space<hbm>>
    %dma_start3A_173 = tpu.memref_slice %arg11[%dma_start3A_168] : memref<2x!tpu.dma_semaphore, #tpu.memory_space<semaphore_mem>> -> memref<1x!tpu.dma_semaphore, #tpu.memory_space<semaphore_mem>>
    %dma_start3A_174 = tpu.memref_squeeze %dma_start3A_173 : memref<1x!tpu.dma_semaphore, #tpu.memory_space<semaphore_mem>> -> memref<!tpu.dma_semaphore, #tpu.memory_space<semaphore_mem>>
    %dma_start3A_175 = arith.constant 0 : i32
    %dma_start3A_176 = tpu.memref_slice %arg8[%dma_start3A_167, %dma_start3A_175] : memref<32x64xi32, #tpu.memory_space<vmem>> -> memref<1x64xi32, #tpu.memory_space<vmem>>
    %dma_start3A_177 = tpu.memref_squeeze %dma_start3A_176 : memref<1x64xi32, #tpu.memory_space<vmem>> -> memref<64xi32, #tpu.memory_space<vmem>>
    %dma_start3A_178 = tpu.memref_slice %arg5[%add3A_166] : memref<327680xi32, #tpu.memory_space<hbm>> -> memref<64xi32, #tpu.memory_space<hbm>>
    tpu.enqueue_dma source(%dma_start3A_178 : memref<64xi32, #tpu.memory_space<hbm>>) target(%dma_start3A_177 : memref<64xi32, #tpu.memory_space<vmem>>) target_semaphore(%dma_start3A_174 : memref<!tpu.dma_semaphore, #tpu.memory_space<semaphore_mem>>)
    %add3A_179 = arith.constant 576 : i32
    %add3A_180 = arith.addi %add3A_41, %add3A_179 : i32
    %dma_start3A_181 = arith.constant 9 : i32
    %dma_start3A_182 = arith.constant 0 : i32
    %dma_start3A_183 = arith.constant 0 : i32
    %dma_start3A_184 = tpu.memref_slice %arg8[%dma_start3A_181, %dma_start3A_183] : memref<32x64xi32, #tpu.memory_space<vmem>> -> memref<1x64xi32, #tpu.memory_space<vmem>>
    %dma_start3A_185 = tpu.memref_squeeze %dma_start3A_184 : memref<1x64xi32, #tpu.memory_space<vmem>> -> memref<64xi32, #tpu.memory_space<vmem>>
    %dma_start3A_186 = tpu.memref_slice %arg5[%add3A_180] : memref<327680xi32, #tpu.memory_space<hbm>> -> memref<64xi32, #tpu.memory_space<hbm>>
    %dma_start3A_187 = tpu.memref_slice %arg11[%dma_start3A_182] : memref<2x!tpu.dma_semaphore, #tpu.memory_space<semaphore_mem>> -> memref<1x!tpu.dma_semaphore, #tpu.memory_space<semaphore_mem>>
    %dma_start3A_188 = tpu.memref_squeeze %dma_start3A_187 : memref<1x!tpu.dma_semaphore, #tpu.memory_space<semaphore_mem>> -> memref<!tpu.dma_semaphore, #tpu.memory_space<semaphore_mem>>
    %dma_start3A_189 = arith.constant 0 : i32
    %dma_start3A_190 = tpu.memref_slice %arg8[%dma_start3A_181, %dma_start3A_189] : memref<32x64xi32, #tpu.memory_space<vmem>> -> memref<1x64xi32, #tpu.memory_space<vmem>>
    %dma_start3A_191 = tpu.memref_squeeze %dma_start3A_190 : memref<1x64xi32, #tpu.memory_space<vmem>> -> memref<64xi32, #tpu.memory_space<vmem>>
    %dma_start3A_192 = tpu.memref_slice %arg5[%add3A_180] : memref<327680xi32, #tpu.memory_space<hbm>> -> memref<64xi32, #tpu.memory_space<hbm>>
    tpu.enqueue_dma source(%dma_start3A_192 : memref<64xi32, #tpu.memory_space<hbm>>) target(%dma_start3A_191 : memref<64xi32, #tpu.memory_space<vmem>>) target_semaphore(%dma_start3A_188 : memref<!tpu.dma_semaphore, #tpu.memory_space<semaphore_mem>>)
    %add3A_193 = arith.constant 640 : i32
    %add3A_194 = arith.addi %add3A_41, %add3A_193 : i32
    %dma_start3A_195 = arith.constant 10 : i32
    %dma_start3A_196 = arith.constant 0 : i32
    %dma_start3A_197 = arith.constant 0 : i32
    %dma_start3A_198 = tpu.memref_slice %arg8[%dma_start3A_195, %dma_start3A_197] : memref<32x64xi32, #tpu.memory_space<vmem>> -> memref<1x64xi32, #tpu.memory_space<vmem>>
    %dma_start3A_199 = tpu.memref_squeeze %dma_start3A_198 : memref<1x64xi32, #tpu.memory_space<vmem>> -> memref<64xi32, #tpu.memory_space<vmem>>
    %dma_start3A_200 = tpu.memref_slice %arg5[%add3A_194] : memref<327680xi32, #tpu.memory_space<hbm>> -> memref<64xi32, #tpu.memory_space<hbm>>
    %dma_start3A_201 = tpu.memref_slice %arg11[%dma_start3A_196] : memref<2x!tpu.dma_semaphore, #tpu.memory_space<semaphore_mem>> -> memref<1x!tpu.dma_semaphore, #tpu.memory_space<semaphore_mem>>
    %dma_start3A_202 = tpu.memref_squeeze %dma_start3A_201 : memref<1x!tpu.dma_semaphore, #tpu.memory_space<semaphore_mem>> -> memref<!tpu.dma_semaphore, #tpu.memory_space<semaphore_mem>>
    %dma_start3A_203 = arith.constant 0 : i32
    %dma_start3A_204 = tpu.memref_slice %arg8[%dma_start3A_195, %dma_start3A_203] : memref<32x64xi32, #tpu.memory_space<vmem>> -> memref<1x64xi32, #tpu.memory_space<vmem>>
    %dma_start3A_205 = tpu.memref_squeeze %dma_start3A_204 : memref<1x64xi32, #tpu.memory_space<vmem>> -> memref<64xi32, #tpu.memory_space<vmem>>
    %dma_start3A_206 = tpu.memref_slice %arg5[%add3A_194] : memref<327680xi32, #tpu.memory_space<hbm>> -> memref<64xi32, #tpu.memory_space<hbm>>
    tpu.enqueue_dma source(%dma_start3A_206 : memref<64xi32, #tpu.memory_space<hbm>>) target(%dma_start3A_205 : memref<64xi32, #tpu.memory_space<vmem>>) target_semaphore(%dma_start3A_202 : memref<!tpu.dma_semaphore, #tpu.memory_space<semaphore_mem>>)
    %add3A_207 = arith.constant 704 : i32
    %add3A_208 = arith.addi %add3A_41, %add3A_207 : i32
    %dma_start3A_209 = arith.constant 11 : i32
    %dma_start3A_210 = arith.constant 0 : i32
    %dma_start3A_211 = arith.constant 0 : i32
    %dma_start3A_212 = tpu.memref_slice %arg8[%dma_start3A_209, %dma_start3A_211] : memref<32x64xi32, #tpu.memory_space<vmem>> -> memref<1x64xi32, #tpu.memory_space<vmem>>
    %dma_start3A_213 = tpu.memref_squeeze %dma_start3A_212 : memref<1x64xi32, #tpu.memory_space<vmem>> -> memref<64xi32, #tpu.memory_space<vmem>>
    %dma_start3A_214 = tpu.memref_slice %arg5[%add3A_208] : memref<327680xi32, #tpu.memory_space<hbm>> -> memref<64xi32, #tpu.memory_space<hbm>>
    %dma_start3A_215 = tpu.memref_slice %arg11[%dma_start3A_210] : memref<2x!tpu.dma_semaphore, #tpu.memory_space<semaphore_mem>> -> memref<1x!tpu.dma_semaphore, #tpu.memory_space<semaphore_mem>>
    %dma_start3A_216 = tpu.memref_squeeze %dma_start3A_215 : memref<1x!tpu.dma_semaphore, #tpu.memory_space<semaphore_mem>> -> memref<!tpu.dma_semaphore, #tpu.memory_space<semaphore_mem>>
    %dma_start3A_217 = arith.constant 0 : i32
    %dma_start3A_218 = tpu.memref_slice %arg8[%dma_start3A_209, %dma_start3A_217] : memref<32x64xi32, #tpu.memory_space<vmem>> -> memref<1x64xi32, #tpu.memory_space<vmem>>
    %dma_start3A_219 = tpu.memref_squeeze %dma_start3A_218 : memref<1x64xi32, #tpu.memory_space<vmem>> -> memref<64xi32, #tpu.memory_space<vmem>>
    %dma_start3A_220 = tpu.memref_slice %arg5[%add3A_208] : memref<327680xi32, #tpu.memory_space<hbm>> -> memref<64xi32, #tpu.memory_space<hbm>>
    tpu.enqueue_dma source(%dma_start3A_220 : memref<64xi32, #tpu.memory_space<hbm>>) target(%dma_start3A_219 : memref<64xi32, #tpu.memory_space<vmem>>) target_semaphore(%dma_start3A_216 : memref<!tpu.dma_semaphore, #tpu.memory_space<semaphore_mem>>)
    %add3A_221 = arith.constant 768 : i32
    %add3A_222 = arith.addi %add3A_41, %add3A_221 : i32
    %dma_start3A_223 = arith.constant 12 : i32
    %dma_start3A_224 = arith.constant 0 : i32
    %dma_start3A_225 = arith.constant 0 : i32
    %dma_start3A_226 = tpu.memref_slice %arg8[%dma_start3A_223, %dma_start3A_225] : memref<32x64xi32, #tpu.memory_space<vmem>> -> memref<1x64xi32, #tpu.memory_space<vmem>>
    %dma_start3A_227 = tpu.memref_squeeze %dma_start3A_226 : memref<1x64xi32, #tpu.memory_space<vmem>> -> memref<64xi32, #tpu.memory_space<vmem>>
    %dma_start3A_228 = tpu.memref_slice %arg5[%add3A_222] : memref<327680xi32, #tpu.memory_space<hbm>> -> memref<64xi32, #tpu.memory_space<hbm>>
    %dma_start3A_229 = tpu.memref_slice %arg11[%dma_start3A_224] : memref<2x!tpu.dma_semaphore, #tpu.memory_space<semaphore_mem>> -> memref<1x!tpu.dma_semaphore, #tpu.memory_space<semaphore_mem>>
    %dma_start3A_230 = tpu.memref_squeeze %dma_start3A_229 : memref<1x!tpu.dma_semaphore, #tpu.memory_space<semaphore_mem>> -> memref<!tpu.dma_semaphore, #tpu.memory_space<semaphore_mem>>
    %dma_start3A_231 = arith.constant 0 : i32
    %dma_start3A_232 = tpu.memref_slice %arg8[%dma_start3A_223, %dma_start3A_231] : memref<32x64xi32, #tpu.memory_space<vmem>> -> memref<1x64xi32, #tpu.memory_space<vmem>>
    %dma_start3A_233 = tpu.memref_squeeze %dma_start3A_232 : memref<1x64xi32, #tpu.memory_space<vmem>> -> memref<64xi32, #tpu.memory_space<vmem>>
    %dma_start3A_234 = tpu.memref_slice %arg5[%add3A_222] : memref<327680xi32, #tpu.memory_space<hbm>> -> memref<64xi32, #tpu.memory_space<hbm>>
    tpu.enqueue_dma source(%dma_start3A_234 : memref<64xi32, #tpu.memory_space<hbm>>) target(%dma_start3A_233 : memref<64xi32, #tpu.memory_space<vmem>>) target_semaphore(%dma_start3A_230 : memref<!tpu.dma_semaphore, #tpu.memory_space<semaphore_mem>>)
    %add3A_235 = arith.constant 832 : i32
    %add3A_236 = arith.addi %add3A_41, %add3A_235 : i32
    %dma_start3A_237 = arith.constant 13 : i32
    %dma_start3A_238 = arith.constant 0 : i32
    %dma_start3A_239 = arith.constant 0 : i32
    %dma_start3A_240 = tpu.memref_slice %arg8[%dma_start3A_237, %dma_start3A_239] : memref<32x64xi32, #tpu.memory_space<vmem>> -> memref<1x64xi32, #tpu.memory_space<vmem>>
    %dma_start3A_241 = tpu.memref_squeeze %dma_start3A_240 : memref<1x64xi32, #tpu.memory_space<vmem>> -> memref<64xi32, #tpu.memory_space<vmem>>
    %dma_start3A_242 = tpu.memref_slice %arg5[%add3A_236] : memref<327680xi32, #tpu.memory_space<hbm>> -> memref<64xi32, #tpu.memory_space<hbm>>
    %dma_start3A_243 = tpu.memref_slice %arg11[%dma_start3A_238] : memref<2x!tpu.dma_semaphore, #tpu.memory_space<semaphore_mem>> -> memref<1x!tpu.dma_semaphore, #tpu.memory_space<semaphore_mem>>
    %dma_start3A_244 = tpu.memref_squeeze %dma_start3A_243 : memref<1x!tpu.dma_semaphore, #tpu.memory_space<semaphore_mem>> -> memref<!tpu.dma_semaphore, #tpu.memory_space<semaphore_mem>>
    %dma_start3A_245 = arith.constant 0 : i32
    %dma_start3A_246 = tpu.memref_slice %arg8[%dma_start3A_237, %dma_start3A_245] : memref<32x64xi32, #tpu.memory_space<vmem>> -> memref<1x64xi32, #tpu.memory_space<vmem>>
    %dma_start3A_247 = tpu.memref_squeeze %dma_start3A_246 : memref<1x64xi32, #tpu.memory_space<vmem>> -> memref<64xi32, #tpu.memory_space<vmem>>
    %dma_start3A_248 = tpu.memref_slice %arg5[%add3A_236] : memref<327680xi32, #tpu.memory_space<hbm>> -> memref<64xi32, #tpu.memory_space<hbm>>
    tpu.enqueue_dma source(%dma_start3A_248 : memref<64xi32, #tpu.memory_space<hbm>>) target(%dma_start3A_247 : memref<64xi32, #tpu.memory_space<vmem>>) target_semaphore(%dma_start3A_244 : memref<!tpu.dma_semaphore, #tpu.memory_space<semaphore_mem>>)
    %add3A_249 = arith.constant 896 : i32
    %add3A_250 = arith.addi %add3A_41, %add3A_249 : i32
    %dma_start3A_251 = arith.constant 14 : i32
    %dma_start3A_252 = arith.constant 0 : i32
    %dma_start3A_253 = arith.constant 0 : i32
    %dma_start3A_254 = tpu.memref_slice %arg8[%dma_start3A_251, %dma_start3A_253] : memref<32x64xi32, #tpu.memory_space<vmem>> -> memref<1x64xi32, #tpu.memory_space<vmem>>
    %dma_start3A_255 = tpu.memref_squeeze %dma_start3A_254 : memref<1x64xi32, #tpu.memory_space<vmem>> -> memref<64xi32, #tpu.memory_space<vmem>>
    %dma_start3A_256 = tpu.memref_slice %arg5[%add3A_250] : memref<327680xi32, #tpu.memory_space<hbm>> -> memref<64xi32, #tpu.memory_space<hbm>>
    %dma_start3A_257 = tpu.memref_slice %arg11[%dma_start3A_252] : memref<2x!tpu.dma_semaphore, #tpu.memory_space<semaphore_mem>> -> memref<1x!tpu.dma_semaphore, #tpu.memory_space<semaphore_mem>>
    %dma_start3A_258 = tpu.memref_squeeze %dma_start3A_257 : memref<1x!tpu.dma_semaphore, #tpu.memory_space<semaphore_mem>> -> memref<!tpu.dma_semaphore, #tpu.memory_space<semaphore_mem>>
    %dma_start3A_259 = arith.constant 0 : i32
    %dma_start3A_260 = tpu.memref_slice %arg8[%dma_start3A_251, %dma_start3A_259] : memref<32x64xi32, #tpu.memory_space<vmem>> -> memref<1x64xi32, #tpu.memory_space<vmem>>
    %dma_start3A_261 = tpu.memref_squeeze %dma_start3A_260 : memref<1x64xi32, #tpu.memory_space<vmem>> -> memref<64xi32, #tpu.memory_space<vmem>>
    %dma_start3A_262 = tpu.memref_slice %arg5[%add3A_250] : memref<327680xi32, #tpu.memory_space<hbm>> -> memref<64xi32, #tpu.memory_space<hbm>>
    tpu.enqueue_dma source(%dma_start3A_262 : memref<64xi32, #tpu.memory_space<hbm>>) target(%dma_start3A_261 : memref<64xi32, #tpu.memory_space<vmem>>) target_semaphore(%dma_start3A_258 : memref<!tpu.dma_semaphore, #tpu.memory_space<semaphore_mem>>)
    %add3A_263 = arith.constant 960 : i32
    %add3A_264 = arith.addi %add3A_41, %add3A_263 : i32
    %dma_start3A_265 = arith.constant 15 : i32
    %dma_start3A_266 = arith.constant 0 : i32
    %dma_start3A_267 = arith.constant 0 : i32
    %dma_start3A_268 = tpu.memref_slice %arg8[%dma_start3A_265, %dma_start3A_267] : memref<32x64xi32, #tpu.memory_space<vmem>> -> memref<1x64xi32, #tpu.memory_space<vmem>>
    %dma_start3A_269 = tpu.memref_squeeze %dma_start3A_268 : memref<1x64xi32, #tpu.memory_space<vmem>> -> memref<64xi32, #tpu.memory_space<vmem>>
    %dma_start3A_270 = tpu.memref_slice %arg5[%add3A_264] : memref<327680xi32, #tpu.memory_space<hbm>> -> memref<64xi32, #tpu.memory_space<hbm>>
    %dma_start3A_271 = tpu.memref_slice %arg11[%dma_start3A_266] : memref<2x!tpu.dma_semaphore, #tpu.memory_space<semaphore_mem>> -> memref<1x!tpu.dma_semaphore, #tpu.memory_space<semaphore_mem>>
    %dma_start3A_272 = tpu.memref_squeeze %dma_start3A_271 : memref<1x!tpu.dma_semaphore, #tpu.memory_space<semaphore_mem>> -> memref<!tpu.dma_semaphore, #tpu.memory_space<semaphore_mem>>
    %dma_start3A_273 = arith.constant 0 : i32
    %dma_start3A_274 = tpu.memref_slice %arg8[%dma_start3A_265, %dma_start3A_273] : memref<32x64xi32, #tpu.memory_space<vmem>> -> memref<1x64xi32, #tpu.memory_space<vmem>>
    %dma_start3A_275 = tpu.memref_squeeze %dma_start3A_274 : memref<1x64xi32, #tpu.memory_space<vmem>> -> memref<64xi32, #tpu.memory_space<vmem>>
    %dma_start3A_276 = tpu.memref_slice %arg5[%add3A_264] : memref<327680xi32, #tpu.memory_space<hbm>> -> memref<64xi32, #tpu.memory_space<hbm>>
    tpu.enqueue_dma source(%dma_start3A_276 : memref<64xi32, #tpu.memory_space<hbm>>) target(%dma_start3A_275 : memref<64xi32, #tpu.memory_space<vmem>>) target_semaphore(%dma_start3A_272 : memref<!tpu.dma_semaphore, #tpu.memory_space<semaphore_mem>>)
    %scan3A_277 = arith.constant 0 : i32
    %scan3A_278 = arith.constant 0 : i32
    %scan3A_279 = arith.constant 10 : i32
    %scan3A_280 = arith.addi %scan3A_278, %scan3A_279 : i32
    %scan3A_281 = arith.constant 1 : i32
    scf.for %scan3A_292 = %scan3A_278 to %scan3A_280 step %scan3A_281  : i32 {
      %rem3A = arith.constant 2 : i32
      %rem3A_293 = arith.remsi %scan3A_292, %rem3A : i32
      %mul3A_294 = arith.constant 1024 : i32
      %mul3A_295 = arith.muli %scan3A_292, %mul3A_294 : i32
      %add3A_296 = arith.addi %mul3A_39, %mul3A_295 : i32
      %dma_wait3A = arith.constant 0 : i32
      %dma_wait3A_297 = tpu.memref_slice %arg7[%rem3A_293, %dma_wait3A] : memref<2x1024xi32, #tpu.memory_space<vmem>> -> memref<1x1024xi32, #tpu.memory_space<vmem>>
      %dma_wait3A_298 = tpu.memref_squeeze %dma_wait3A_297 : memref<1x1024xi32, #tpu.memory_space<vmem>> -> memref<1024xi32, #tpu.memory_space<vmem>>
      %dma_wait3A_299 = tpu.memref_slice %arg4[%add3A_296] : memref<327680xi32, #tpu.memory_space<hbm>> -> memref<1024xi32, #tpu.memory_space<hbm>>
      %dma_wait3A_300 = tpu.memref_slice %arg11[%rem3A_293] : memref<2x!tpu.dma_semaphore, #tpu.memory_space<semaphore_mem>> -> memref<1x!tpu.dma_semaphore, #tpu.memory_space<semaphore_mem>>
      %dma_wait3A_301 = tpu.memref_squeeze %dma_wait3A_300 : memref<1x!tpu.dma_semaphore, #tpu.memory_space<semaphore_mem>> -> memref<!tpu.dma_semaphore, #tpu.memory_space<semaphore_mem>>
      %dma_wait3A_302 = arith.constant 0 : i32
      %dma_wait3A_303 = tpu.memref_slice %arg7[%rem3A_293, %dma_wait3A_302] : memref<2x1024xi32, #tpu.memory_space<vmem>> -> memref<1x1024xi32, #tpu.memory_space<vmem>>
      %dma_wait3A_304 = tpu.memref_squeeze %dma_wait3A_303 : memref<1x1024xi32, #tpu.memory_space<vmem>> -> memref<1024xi32, #tpu.memory_space<vmem>>
      %dma_wait3A_305 = tpu.memref_slice %arg4[%add3A_296] : memref<327680xi32, #tpu.memory_space<hbm>> -> memref<1024xi32, #tpu.memory_space<hbm>>
      tpu.wait_dma2 semaphore(%dma_wait3A_301 : memref<!tpu.dma_semaphore, #tpu.memory_space<semaphore_mem>>) src(%dma_wait3A_305 : memref<1024xi32, #tpu.memory_space<hbm>>) dst(%dma_wait3A_304 : memref<1024xi32, #tpu.memory_space<vmem>>)
      %add3A_306 = arith.constant 0 : i32
      %add3A_307 = arith.addi %add3A_296, %add3A_306 : i32
      %mul3A_308 = arith.constant 16 : i32
      %mul3A_309 = arith.muli %rem3A_293, %mul3A_308 : i32
      %add3A_310 = arith.constant 0 : i32
      %add3A_311 = arith.addi %mul3A_309, %add3A_310 : i32
      %dma_wait3A_312 = arith.constant 0 : i32
      %dma_wait3A_313 = tpu.memref_slice %arg8[%add3A_311, %dma_wait3A_312] : memref<32x64xi32, #tpu.memory_space<vmem>> -> memref<1x64xi32, #tpu.memory_space<vmem>>
      %dma_wait3A_314 = tpu.memref_squeeze %dma_wait3A_313 : memref<1x64xi32, #tpu.memory_space<vmem>> -> memref<64xi32, #tpu.memory_space<vmem>>
      %dma_wait3A_315 = tpu.memref_slice %arg5[%add3A_307] : memref<327680xi32, #tpu.memory_space<hbm>> -> memref<64xi32, #tpu.memory_space<hbm>>
      %dma_wait3A_316 = tpu.memref_slice %arg11[%rem3A_293] : memref<2x!tpu.dma_semaphore, #tpu.memory_space<semaphore_mem>> -> memref<1x!tpu.dma_semaphore, #tpu.memory_space<semaphore_mem>>
      %dma_wait3A_317 = tpu.memref_squeeze %dma_wait3A_316 : memref<1x!tpu.dma_semaphore, #tpu.memory_space<semaphore_mem>> -> memref<!tpu.dma_semaphore, #tpu.memory_space<semaphore_mem>>
      %dma_wait3A_318 = arith.constant 0 : i32
      %dma_wait3A_319 = tpu.memref_slice %arg8[%add3A_311, %dma_wait3A_318] : memref<32x64xi32, #tpu.memory_space<vmem>> -> memref<1x64xi32, #tpu.memory_space<vmem>>
      %dma_wait3A_320 = tpu.memref_squeeze %dma_wait3A_319 : memref<1x64xi32, #tpu.memory_space<vmem>> -> memref<64xi32, #tpu.memory_space<vmem>>
      %dma_wait3A_321 = tpu.memref_slice %arg5[%add3A_307] : memref<327680xi32, #tpu.memory_space<hbm>> -> memref<64xi32, #tpu.memory_space<hbm>>
      tpu.wait_dma2 semaphore(%dma_wait3A_317 : memref<!tpu.dma_semaphore, #tpu.memory_space<semaphore_mem>>) src(%dma_wait3A_321 : memref<64xi32, #tpu.memory_space<hbm>>) dst(%dma_wait3A_320 : memref<64xi32, #tpu.memory_space<vmem>>)
      %add3A_322 = arith.constant 64 : i32
      %add3A_323 = arith.addi %add3A_296, %add3A_322 : i32
      %mul3A_324 = arith.constant 16 : i32
      %mul3A_325 = arith.muli %rem3A_293, %mul3A_324 : i32
      %add3A_326 = arith.constant 1 : i32
      %add3A_327 = arith.addi %mul3A_325, %add3A_326 : i32
      %dma_wait3A_328 = arith.constant 0 : i32
      %dma_wait3A_329 = tpu.memref_slice %arg8[%add3A_327, %dma_wait3A_328] : memref<32x64xi32, #tpu.memory_space<vmem>> -> memref<1x64xi32, #tpu.memory_space<vmem>>
      %dma_wait3A_330 = tpu.memref_squeeze %dma_wait3A_329 : memref<1x64xi32, #tpu.memory_space<vmem>> -> memref<64xi32, #tpu.memory_space<vmem>>
      %dma_wait3A_331 = tpu.memref_slice %arg5[%add3A_323] : memref<327680xi32, #tpu.memory_space<hbm>> -> memref<64xi32, #tpu.memory_space<hbm>>
      %dma_wait3A_332 = tpu.memref_slice %arg11[%rem3A_293] : memref<2x!tpu.dma_semaphore, #tpu.memory_space<semaphore_mem>> -> memref<1x!tpu.dma_semaphore, #tpu.memory_space<semaphore_mem>>
      %dma_wait3A_333 = tpu.memref_squeeze %dma_wait3A_332 : memref<1x!tpu.dma_semaphore, #tpu.memory_space<semaphore_mem>> -> memref<!tpu.dma_semaphore, #tpu.memory_space<semaphore_mem>>
      %dma_wait3A_334 = arith.constant 0 : i32
      %dma_wait3A_335 = tpu.memref_slice %arg8[%add3A_327, %dma_wait3A_334] : memref<32x64xi32, #tpu.memory_space<vmem>> -> memref<1x64xi32, #tpu.memory_space<vmem>>
      %dma_wait3A_336 = tpu.memref_squeeze %dma_wait3A_335 : memref<1x64xi32, #tpu.memory_space<vmem>> -> memref<64xi32, #tpu.memory_space<vmem>>
      %dma_wait3A_337 = tpu.memref_slice %arg5[%add3A_323] : memref<327680xi32, #tpu.memory_space<hbm>> -> memref<64xi32, #tpu.memory_space<hbm>>
      tpu.wait_dma2 semaphore(%dma_wait3A_333 : memref<!tpu.dma_semaphore, #tpu.memory_space<semaphore_mem>>) src(%dma_wait3A_337 : memref<64xi32, #tpu.memory_space<hbm>>) dst(%dma_wait3A_336 : memref<64xi32, #tpu.memory_space<vmem>>)
      %add3A_338 = arith.constant 128 : i32
      %add3A_339 = arith.addi %add3A_296, %add3A_338 : i32
      %mul3A_340 = arith.constant 16 : i32
      %mul3A_341 = arith.muli %rem3A_293, %mul3A_340 : i32
      %add3A_342 = arith.constant 2 : i32
      %add3A_343 = arith.addi %mul3A_341, %add3A_342 : i32
      %dma_wait3A_344 = arith.constant 0 : i32
      %dma_wait3A_345 = tpu.memref_slice %arg8[%add3A_343, %dma_wait3A_344] : memref<32x64xi32, #tpu.memory_space<vmem>> -> memref<1x64xi32, #tpu.memory_space<vmem>>
      %dma_wait3A_346 = tpu.memref_squeeze %dma_wait3A_345 : memref<1x64xi32, #tpu.memory_space<vmem>> -> memref<64xi32, #tpu.memory_space<vmem>>
      %dma_wait3A_347 = tpu.memref_slice %arg5[%add3A_339] : memref<327680xi32, #tpu.memory_space<hbm>> -> memref<64xi32, #tpu.memory_space<hbm>>
      %dma_wait3A_348 = tpu.memref_slice %arg11[%rem3A_293] : memref<2x!tpu.dma_semaphore, #tpu.memory_space<semaphore_mem>> -> memref<1x!tpu.dma_semaphore, #tpu.memory_space<semaphore_mem>>
      %dma_wait3A_349 = tpu.memref_squeeze %dma_wait3A_348 : memref<1x!tpu.dma_semaphore, #tpu.memory_space<semaphore_mem>> -> memref<!tpu.dma_semaphore, #tpu.memory_space<semaphore_mem>>
      %dma_wait3A_350 = arith.constant 0 : i32
      %dma_wait3A_351 = tpu.memref_slice %arg8[%add3A_343, %dma_wait3A_350] : memref<32x64xi32, #tpu.memory_space<vmem>> -> memref<1x64xi32, #tpu.memory_space<vmem>>
      %dma_wait3A_352 = tpu.memref_squeeze %dma_wait3A_351 : memref<1x64xi32, #tpu.memory_space<vmem>> -> memref<64xi32, #tpu.memory_space<vmem>>
      %dma_wait3A_353 = tpu.memref_slice %arg5[%add3A_339] : memref<327680xi32, #tpu.memory_space<hbm>> -> memref<64xi32, #tpu.memory_space<hbm>>
      tpu.wait_dma2 semaphore(%dma_wait3A_349 : memref<!tpu.dma_semaphore, #tpu.memory_space<semaphore_mem>>) src(%dma_wait3A_353 : memref<64xi32, #tpu.memory_space<hbm>>) dst(%dma_wait3A_352 : memref<64xi32, #tpu.memory_space<vmem>>)
      %add3A_354 = arith.constant 192 : i32
      %add3A_355 = arith.addi %add3A_296, %add3A_354 : i32
      %mul3A_356 = arith.constant 16 : i32
      %mul3A_357 = arith.muli %rem3A_293, %mul3A_356 : i32
      %add3A_358 = arith.constant 3 : i32
      %add3A_359 = arith.addi %mul3A_357, %add3A_358 : i32
      %dma_wait3A_360 = arith.constant 0 : i32
      %dma_wait3A_361 = tpu.memref_slice %arg8[%add3A_359, %dma_wait3A_360] : memref<32x64xi32, #tpu.memory_space<vmem>> -> memref<1x64xi32, #tpu.memory_space<vmem>>
      %dma_wait3A_362 = tpu.memref_squeeze %dma_wait3A_361 : memref<1x64xi32, #tpu.memory_space<vmem>> -> memref<64xi32, #tpu.memory_space<vmem>>
      %dma_wait3A_363 = tpu.memref_slice %arg5[%add3A_355] : memref<327680xi32, #tpu.memory_space<hbm>> -> memref<64xi32, #tpu.memory_space<hbm>>
      %dma_wait3A_364 = tpu.memref_slice %arg11[%rem3A_293] : memref<2x!tpu.dma_semaphore, #tpu.memory_space<semaphore_mem>> -> memref<1x!tpu.dma_semaphore, #tpu.memory_space<semaphore_mem>>
      %dma_wait3A_365 = tpu.memref_squeeze %dma_wait3A_364 : memref<1x!tpu.dma_semaphore, #tpu.memory_space<semaphore_mem>> -> memref<!tpu.dma_semaphore, #tpu.memory_space<semaphore_mem>>
      %dma_wait3A_366 = arith.constant 0 : i32
      %dma_wait3A_367 = tpu.memref_slice %arg8[%add3A_359, %dma_wait3A_366] : memref<32x64xi32, #tpu.memory_space<vmem>> -> memref<1x64xi32, #tpu.memory_space<vmem>>
      %dma_wait3A_368 = tpu.memref_squeeze %dma_wait3A_367 : memref<1x64xi32, #tpu.memory_space<vmem>> -> memref<64xi32, #tpu.memory_space<vmem>>
      %dma_wait3A_369 = tpu.memref_slice %arg5[%add3A_355] : memref<327680xi32, #tpu.memory_space<hbm>> -> memref<64xi32, #tpu.memory_space<hbm>>
      tpu.wait_dma2 semaphore(%dma_wait3A_365 : memref<!tpu.dma_semaphore, #tpu.memory_space<semaphore_mem>>) src(%dma_wait3A_369 : memref<64xi32, #tpu.memory_space<hbm>>) dst(%dma_wait3A_368 : memref<64xi32, #tpu.memory_space<vmem>>)
      %add3A_370 = arith.constant 256 : i32
      %add3A_371 = arith.addi %add3A_296, %add3A_370 : i32
      %mul3A_372 = arith.constant 16 : i32
      %mul3A_373 = arith.muli %rem3A_293, %mul3A_372 : i32
      %add3A_374 = arith.constant 4 : i32
      %add3A_375 = arith.addi %mul3A_373, %add3A_374 : i32
      %dma_wait3A_376 = arith.constant 0 : i32
      %dma_wait3A_377 = tpu.memref_slice %arg8[%add3A_375, %dma_wait3A_376] : memref<32x64xi32, #tpu.memory_space<vmem>> -> memref<1x64xi32, #tpu.memory_space<vmem>>
      %dma_wait3A_378 = tpu.memref_squeeze %dma_wait3A_377 : memref<1x64xi32, #tpu.memory_space<vmem>> -> memref<64xi32, #tpu.memory_space<vmem>>
      %dma_wait3A_379 = tpu.memref_slice %arg5[%add3A_371] : memref<327680xi32, #tpu.memory_space<hbm>> -> memref<64xi32, #tpu.memory_space<hbm>>
      %dma_wait3A_380 = tpu.memref_slice %arg11[%rem3A_293] : memref<2x!tpu.dma_semaphore, #tpu.memory_space<semaphore_mem>> -> memref<1x!tpu.dma_semaphore, #tpu.memory_space<semaphore_mem>>
      %dma_wait3A_381 = tpu.memref_squeeze %dma_wait3A_380 : memref<1x!tpu.dma_semaphore, #tpu.memory_space<semaphore_mem>> -> memref<!tpu.dma_semaphore, #tpu.memory_space<semaphore_mem>>
      %dma_wait3A_382 = arith.constant 0 : i32
      %dma_wait3A_383 = tpu.memref_slice %arg8[%add3A_375, %dma_wait3A_382] : memref<32x64xi32, #tpu.memory_space<vmem>> -> memref<1x64xi32, #tpu.memory_space<vmem>>
      %dma_wait3A_384 = tpu.memref_squeeze %dma_wait3A_383 : memref<1x64xi32, #tpu.memory_space<vmem>> -> memref<64xi32, #tpu.memory_space<vmem>>
      %dma_wait3A_385 = tpu.memref_slice %arg5[%add3A_371] : memref<327680xi32, #tpu.memory_space<hbm>> -> memref<64xi32, #tpu.memory_space<hbm>>
      tpu.wait_dma2 semaphore(%dma_wait3A_381 : memref<!tpu.dma_semaphore, #tpu.memory_space<semaphore_mem>>) src(%dma_wait3A_385 : memref<64xi32, #tpu.memory_space<hbm>>) dst(%dma_wait3A_384 : memref<64xi32, #tpu.memory_space<vmem>>)
      %add3A_386 = arith.constant 320 : i32
      %add3A_387 = arith.addi %add3A_296, %add3A_386 : i32
      %mul3A_388 = arith.constant 16 : i32
      %mul3A_389 = arith.muli %rem3A_293, %mul3A_388 : i32
      %add3A_390 = arith.constant 5 : i32
      %add3A_391 = arith.addi %mul3A_389, %add3A_390 : i32
      %dma_wait3A_392 = arith.constant 0 : i32
      %dma_wait3A_393 = tpu.memref_slice %arg8[%add3A_391, %dma_wait3A_392] : memref<32x64xi32, #tpu.memory_space<vmem>> -> memref<1x64xi32, #tpu.memory_space<vmem>>
      %dma_wait3A_394 = tpu.memref_squeeze %dma_wait3A_393 : memref<1x64xi32, #tpu.memory_space<vmem>> -> memref<64xi32, #tpu.memory_space<vmem>>
      %dma_wait3A_395 = tpu.memref_slice %arg5[%add3A_387] : memref<327680xi32, #tpu.memory_space<hbm>> -> memref<64xi32, #tpu.memory_space<hbm>>
      %dma_wait3A_396 = tpu.memref_slice %arg11[%rem3A_293] : memref<2x!tpu.dma_semaphore, #tpu.memory_space<semaphore_mem>> -> memref<1x!tpu.dma_semaphore, #tpu.memory_space<semaphore_mem>>
      %dma_wait3A_397 = tpu.memref_squeeze %dma_wait3A_396 : memref<1x!tpu.dma_semaphore, #tpu.memory_space<semaphore_mem>> -> memref<!tpu.dma_semaphore, #tpu.memory_space<semaphore_mem>>
      %dma_wait3A_398 = arith.constant 0 : i32
      %dma_wait3A_399 = tpu.memref_slice %arg8[%add3A_391, %dma_wait3A_398] : memref<32x64xi32, #tpu.memory_space<vmem>> -> memref<1x64xi32, #tpu.memory_space<vmem>>
      %dma_wait3A_400 = tpu.memref_squeeze %dma_wait3A_399 : memref<1x64xi32, #tpu.memory_space<vmem>> -> memref<64xi32, #tpu.memory_space<vmem>>
      %dma_wait3A_401 = tpu.memref_slice %arg5[%add3A_387] : memref<327680xi32, #tpu.memory_space<hbm>> -> memref<64xi32, #tpu.memory_space<hbm>>
      tpu.wait_dma2 semaphore(%dma_wait3A_397 : memref<!tpu.dma_semaphore, #tpu.memory_space<semaphore_mem>>) src(%dma_wait3A_401 : memref<64xi32, #tpu.memory_space<hbm>>) dst(%dma_wait3A_400 : memref<64xi32, #tpu.memory_space<vmem>>)
      %add3A_402 = arith.constant 384 : i32
      %add3A_403 = arith.addi %add3A_296, %add3A_402 : i32
      %mul3A_404 = arith.constant 16 : i32
      %mul3A_405 = arith.muli %rem3A_293, %mul3A_404 : i32
      %add3A_406 = arith.constant 6 : i32
      %add3A_407 = arith.addi %mul3A_405, %add3A_406 : i32
      %dma_wait3A_408 = arith.constant 0 : i32
      %dma_wait3A_409 = tpu.memref_slice %arg8[%add3A_407, %dma_wait3A_408] : memref<32x64xi32, #tpu.memory_space<vmem>> -> memref<1x64xi32, #tpu.memory_space<vmem>>
      %dma_wait3A_410 = tpu.memref_squeeze %dma_wait3A_409 : memref<1x64xi32, #tpu.memory_space<vmem>> -> memref<64xi32, #tpu.memory_space<vmem>>
      %dma_wait3A_411 = tpu.memref_slice %arg5[%add3A_403] : memref<327680xi32, #tpu.memory_space<hbm>> -> memref<64xi32, #tpu.memory_space<hbm>>
      %dma_wait3A_412 = tpu.memref_slice %arg11[%rem3A_293] : memref<2x!tpu.dma_semaphore, #tpu.memory_space<semaphore_mem>> -> memref<1x!tpu.dma_semaphore, #tpu.memory_space<semaphore_mem>>
      %dma_wait3A_413 = tpu.memref_squeeze %dma_wait3A_412 : memref<1x!tpu.dma_semaphore, #tpu.memory_space<semaphore_mem>> -> memref<!tpu.dma_semaphore, #tpu.memory_space<semaphore_mem>>
      %dma_wait3A_414 = arith.constant 0 : i32
      %dma_wait3A_415 = tpu.memref_slice %arg8[%add3A_407, %dma_wait3A_414] : memref<32x64xi32, #tpu.memory_space<vmem>> -> memref<1x64xi32, #tpu.memory_space<vmem>>
      %dma_wait3A_416 = tpu.memref_squeeze %dma_wait3A_415 : memref<1x64xi32, #tpu.memory_space<vmem>> -> memref<64xi32, #tpu.memory_space<vmem>>
      %dma_wait3A_417 = tpu.memref_slice %arg5[%add3A_403] : memref<327680xi32, #tpu.memory_space<hbm>> -> memref<64xi32, #tpu.memory_space<hbm>>
      tpu.wait_dma2 semaphore(%dma_wait3A_413 : memref<!tpu.dma_semaphore, #tpu.memory_space<semaphore_mem>>) src(%dma_wait3A_417 : memref<64xi32, #tpu.memory_space<hbm>>) dst(%dma_wait3A_416 : memref<64xi32, #tpu.memory_space<vmem>>)
      %add3A_418 = arith.constant 448 : i32
      %add3A_419 = arith.addi %add3A_296, %add3A_418 : i32
      %mul3A_420 = arith.constant 16 : i32
      %mul3A_421 = arith.muli %rem3A_293, %mul3A_420 : i32
      %add3A_422 = arith.constant 7 : i32
      %add3A_423 = arith.addi %mul3A_421, %add3A_422 : i32
      %dma_wait3A_424 = arith.constant 0 : i32
      %dma_wait3A_425 = tpu.memref_slice %arg8[%add3A_423, %dma_wait3A_424] : memref<32x64xi32, #tpu.memory_space<vmem>> -> memref<1x64xi32, #tpu.memory_space<vmem>>
      %dma_wait3A_426 = tpu.memref_squeeze %dma_wait3A_425 : memref<1x64xi32, #tpu.memory_space<vmem>> -> memref<64xi32, #tpu.memory_space<vmem>>
      %dma_wait3A_427 = tpu.memref_slice %arg5[%add3A_419] : memref<327680xi32, #tpu.memory_space<hbm>> -> memref<64xi32, #tpu.memory_space<hbm>>
      %dma_wait3A_428 = tpu.memref_slice %arg11[%rem3A_293] : memref<2x!tpu.dma_semaphore, #tpu.memory_space<semaphore_mem>> -> memref<1x!tpu.dma_semaphore, #tpu.memory_space<semaphore_mem>>
      %dma_wait3A_429 = tpu.memref_squeeze %dma_wait3A_428 : memref<1x!tpu.dma_semaphore, #tpu.memory_space<semaphore_mem>> -> memref<!tpu.dma_semaphore, #tpu.memory_space<semaphore_mem>>
      %dma_wait3A_430 = arith.constant 0 : i32
      %dma_wait3A_431 = tpu.memref_slice %arg8[%add3A_423, %dma_wait3A_430] : memref<32x64xi32, #tpu.memory_space<vmem>> -> memref<1x64xi32, #tpu.memory_space<vmem>>
      %dma_wait3A_432 = tpu.memref_squeeze %dma_wait3A_431 : memref<1x64xi32, #tpu.memory_space<vmem>> -> memref<64xi32, #tpu.memory_space<vmem>>
      %dma_wait3A_433 = tpu.memref_slice %arg5[%add3A_419] : memref<327680xi32, #tpu.memory_space<hbm>> -> memref<64xi32, #tpu.memory_space<hbm>>
      tpu.wait_dma2 semaphore(%dma_wait3A_429 : memref<!tpu.dma_semaphore, #tpu.memory_space<semaphore_mem>>) src(%dma_wait3A_433 : memref<64xi32, #tpu.memory_space<hbm>>) dst(%dma_wait3A_432 : memref<64xi32, #tpu.memory_space<vmem>>)
      %add3A_434 = arith.constant 512 : i32
      %add3A_435 = arith.addi %add3A_296, %add3A_434 : i32
      %mul3A_436 = arith.constant 16 : i32
      %mul3A_437 = arith.muli %rem3A_293, %mul3A_436 : i32
      %add3A_438 = arith.constant 8 : i32
      %add3A_439 = arith.addi %mul3A_437, %add3A_438 : i32
      %dma_wait3A_440 = arith.constant 0 : i32
      %dma_wait3A_441 = tpu.memref_slice %arg8[%add3A_439, %dma_wait3A_440] : memref<32x64xi32, #tpu.memory_space<vmem>> -> memref<1x64xi32, #tpu.memory_space<vmem>>
      %dma_wait3A_442 = tpu.memref_squeeze %dma_wait3A_441 : memref<1x64xi32, #tpu.memory_space<vmem>> -> memref<64xi32, #tpu.memory_space<vmem>>
      %dma_wait3A_443 = tpu.memref_slice %arg5[%add3A_435] : memref<327680xi32, #tpu.memory_space<hbm>> -> memref<64xi32, #tpu.memory_space<hbm>>
      %dma_wait3A_444 = tpu.memref_slice %arg11[%rem3A_293] : memref<2x!tpu.dma_semaphore, #tpu.memory_space<semaphore_mem>> -> memref<1x!tpu.dma_semaphore, #tpu.memory_space<semaphore_mem>>
      %dma_wait3A_445 = tpu.memref_squeeze %dma_wait3A_444 : memref<1x!tpu.dma_semaphore, #tpu.memory_space<semaphore_mem>> -> memref<!tpu.dma_semaphore, #tpu.memory_space<semaphore_mem>>
      %dma_wait3A_446 = arith.constant 0 : i32
      %dma_wait3A_447 = tpu.memref_slice %arg8[%add3A_439, %dma_wait3A_446] : memref<32x64xi32, #tpu.memory_space<vmem>> -> memref<1x64xi32, #tpu.memory_space<vmem>>
      %dma_wait3A_448 = tpu.memref_squeeze %dma_wait3A_447 : memref<1x64xi32, #tpu.memory_space<vmem>> -> memref<64xi32, #tpu.memory_space<vmem>>
      %dma_wait3A_449 = tpu.memref_slice %arg5[%add3A_435] : memref<327680xi32, #tpu.memory_space<hbm>> -> memref<64xi32, #tpu.memory_space<hbm>>
      tpu.wait_dma2 semaphore(%dma_wait3A_445 : memref<!tpu.dma_semaphore, #tpu.memory_space<semaphore_mem>>) src(%dma_wait3A_449 : memref<64xi32, #tpu.memory_space<hbm>>) dst(%dma_wait3A_448 : memref<64xi32, #tpu.memory_space<vmem>>)
      %add3A_450 = arith.constant 576 : i32
      %add3A_451 = arith.addi %add3A_296, %add3A_450 : i32
      %mul3A_452 = arith.constant 16 : i32
      %mul3A_453 = arith.muli %rem3A_293, %mul3A_452 : i32
      %add3A_454 = arith.constant 9 : i32
      %add3A_455 = arith.addi %mul3A_453, %add3A_454 : i32
      %dma_wait3A_456 = arith.constant 0 : i32
      %dma_wait3A_457 = tpu.memref_slice %arg8[%add3A_455, %dma_wait3A_456] : memref<32x64xi32, #tpu.memory_space<vmem>> -> memref<1x64xi32, #tpu.memory_space<vmem>>
      %dma_wait3A_458 = tpu.memref_squeeze %dma_wait3A_457 : memref<1x64xi32, #tpu.memory_space<vmem>> -> memref<64xi32, #tpu.memory_space<vmem>>
      %dma_wait3A_459 = tpu.memref_slice %arg5[%add3A_451] : memref<327680xi32, #tpu.memory_space<hbm>> -> memref<64xi32, #tpu.memory_space<hbm>>
      %dma_wait3A_460 = tpu.memref_slice %arg11[%rem3A_293] : memref<2x!tpu.dma_semaphore, #tpu.memory_space<semaphore_mem>> -> memref<1x!tpu.dma_semaphore, #tpu.memory_space<semaphore_mem>>
      %dma_wait3A_461 = tpu.memref_squeeze %dma_wait3A_460 : memref<1x!tpu.dma_semaphore, #tpu.memory_space<semaphore_mem>> -> memref<!tpu.dma_semaphore, #tpu.memory_space<semaphore_mem>>
      %dma_wait3A_462 = arith.constant 0 : i32
      %dma_wait3A_463 = tpu.memref_slice %arg8[%add3A_455, %dma_wait3A_462] : memref<32x64xi32, #tpu.memory_space<vmem>> -> memref<1x64xi32, #tpu.memory_space<vmem>>
      %dma_wait3A_464 = tpu.memref_squeeze %dma_wait3A_463 : memref<1x64xi32, #tpu.memory_space<vmem>> -> memref<64xi32, #tpu.memory_space<vmem>>
      %dma_wait3A_465 = tpu.memref_slice %arg5[%add3A_451] : memref<327680xi32, #tpu.memory_space<hbm>> -> memref<64xi32, #tpu.memory_space<hbm>>
      tpu.wait_dma2 semaphore(%dma_wait3A_461 : memref<!tpu.dma_semaphore, #tpu.memory_space<semaphore_mem>>) src(%dma_wait3A_465 : memref<64xi32, #tpu.memory_space<hbm>>) dst(%dma_wait3A_464 : memref<64xi32, #tpu.memory_space<vmem>>)
      %add3A_466 = arith.constant 640 : i32
      %add3A_467 = arith.addi %add3A_296, %add3A_466 : i32
      %mul3A_468 = arith.constant 16 : i32
      %mul3A_469 = arith.muli %rem3A_293, %mul3A_468 : i32
      %add3A_470 = arith.constant 10 : i32
      %add3A_471 = arith.addi %mul3A_469, %add3A_470 : i32
      %dma_wait3A_472 = arith.constant 0 : i32
      %dma_wait3A_473 = tpu.memref_slice %arg8[%add3A_471, %dma_wait3A_472] : memref<32x64xi32, #tpu.memory_space<vmem>> -> memref<1x64xi32, #tpu.memory_space<vmem>>
      %dma_wait3A_474 = tpu.memref_squeeze %dma_wait3A_473 : memref<1x64xi32, #tpu.memory_space<vmem>> -> memref<64xi32, #tpu.memory_space<vmem>>
      %dma_wait3A_475 = tpu.memref_slice %arg5[%add3A_467] : memref<327680xi32, #tpu.memory_space<hbm>> -> memref<64xi32, #tpu.memory_space<hbm>>
      %dma_wait3A_476 = tpu.memref_slice %arg11[%rem3A_293] : memref<2x!tpu.dma_semaphore, #tpu.memory_space<semaphore_mem>> -> memref<1x!tpu.dma_semaphore, #tpu.memory_space<semaphore_mem>>
      %dma_wait3A_477 = tpu.memref_squeeze %dma_wait3A_476 : memref<1x!tpu.dma_semaphore, #tpu.memory_space<semaphore_mem>> -> memref<!tpu.dma_semaphore, #tpu.memory_space<semaphore_mem>>
      %dma_wait3A_478 = arith.constant 0 : i32
      %dma_wait3A_479 = tpu.memref_slice %arg8[%add3A_471, %dma_wait3A_478] : memref<32x64xi32, #tpu.memory_space<vmem>> -> memref<1x64xi32, #tpu.memory_space<vmem>>
      %dma_wait3A_480 = tpu.memref_squeeze %dma_wait3A_479 : memref<1x64xi32, #tpu.memory_space<vmem>> -> memref<64xi32, #tpu.memory_space<vmem>>
      %dma_wait3A_481 = tpu.memref_slice %arg5[%add3A_467] : memref<327680xi32, #tpu.memory_space<hbm>> -> memref<64xi32, #tpu.memory_space<hbm>>
      tpu.wait_dma2 semaphore(%dma_wait3A_477 : memref<!tpu.dma_semaphore, #tpu.memory_space<semaphore_mem>>) src(%dma_wait3A_481 : memref<64xi32, #tpu.memory_space<hbm>>) dst(%dma_wait3A_480 : memref<64xi32, #tpu.memory_space<vmem>>)
      %add3A_482 = arith.constant 704 : i32
      %add3A_483 = arith.addi %add3A_296, %add3A_482 : i32
      %mul3A_484 = arith.constant 16 : i32
      %mul3A_485 = arith.muli %rem3A_293, %mul3A_484 : i32
      %add3A_486 = arith.constant 11 : i32
      %add3A_487 = arith.addi %mul3A_485, %add3A_486 : i32
      %dma_wait3A_488 = arith.constant 0 : i32
      %dma_wait3A_489 = tpu.memref_slice %arg8[%add3A_487, %dma_wait3A_488] : memref<32x64xi32, #tpu.memory_space<vmem>> -> memref<1x64xi32, #tpu.memory_space<vmem>>
      %dma_wait3A_490 = tpu.memref_squeeze %dma_wait3A_489 : memref<1x64xi32, #tpu.memory_space<vmem>> -> memref<64xi32, #tpu.memory_space<vmem>>
      %dma_wait3A_491 = tpu.memref_slice %arg5[%add3A_483] : memref<327680xi32, #tpu.memory_space<hbm>> -> memref<64xi32, #tpu.memory_space<hbm>>
      %dma_wait3A_492 = tpu.memref_slice %arg11[%rem3A_293] : memref<2x!tpu.dma_semaphore, #tpu.memory_space<semaphore_mem>> -> memref<1x!tpu.dma_semaphore, #tpu.memory_space<semaphore_mem>>
      %dma_wait3A_493 = tpu.memref_squeeze %dma_wait3A_492 : memref<1x!tpu.dma_semaphore, #tpu.memory_space<semaphore_mem>> -> memref<!tpu.dma_semaphore, #tpu.memory_space<semaphore_mem>>
      %dma_wait3A_494 = arith.constant 0 : i32
      %dma_wait3A_495 = tpu.memref_slice %arg8[%add3A_487, %dma_wait3A_494] : memref<32x64xi32, #tpu.memory_space<vmem>> -> memref<1x64xi32, #tpu.memory_space<vmem>>
      %dma_wait3A_496 = tpu.memref_squeeze %dma_wait3A_495 : memref<1x64xi32, #tpu.memory_space<vmem>> -> memref<64xi32, #tpu.memory_space<vmem>>
      %dma_wait3A_497 = tpu.memref_slice %arg5[%add3A_483] : memref<327680xi32, #tpu.memory_space<hbm>> -> memref<64xi32, #tpu.memory_space<hbm>>
      tpu.wait_dma2 semaphore(%dma_wait3A_493 : memref<!tpu.dma_semaphore, #tpu.memory_space<semaphore_mem>>) src(%dma_wait3A_497 : memref<64xi32, #tpu.memory_space<hbm>>) dst(%dma_wait3A_496 : memref<64xi32, #tpu.memory_space<vmem>>)
      %add3A_498 = arith.constant 768 : i32
      %add3A_499 = arith.addi %add3A_296, %add3A_498 : i32
      %mul3A_500 = arith.constant 16 : i32
      %mul3A_501 = arith.muli %rem3A_293, %mul3A_500 : i32
      %add3A_502 = arith.constant 12 : i32
      %add3A_503 = arith.addi %mul3A_501, %add3A_502 : i32
      %dma_wait3A_504 = arith.constant 0 : i32
      %dma_wait3A_505 = tpu.memref_slice %arg8[%add3A_503, %dma_wait3A_504] : memref<32x64xi32, #tpu.memory_space<vmem>> -> memref<1x64xi32, #tpu.memory_space<vmem>>
      %dma_wait3A_506 = tpu.memref_squeeze %dma_wait3A_505 : memref<1x64xi32, #tpu.memory_space<vmem>> -> memref<64xi32, #tpu.memory_space<vmem>>
      %dma_wait3A_507 = tpu.memref_slice %arg5[%add3A_499] : memref<327680xi32, #tpu.memory_space<hbm>> -> memref<64xi32, #tpu.memory_space<hbm>>
      %dma_wait3A_508 = tpu.memref_slice %arg11[%rem3A_293] : memref<2x!tpu.dma_semaphore, #tpu.memory_space<semaphore_mem>> -> memref<1x!tpu.dma_semaphore, #tpu.memory_space<semaphore_mem>>
      %dma_wait3A_509 = tpu.memref_squeeze %dma_wait3A_508 : memref<1x!tpu.dma_semaphore, #tpu.memory_space<semaphore_mem>> -> memref<!tpu.dma_semaphore, #tpu.memory_space<semaphore_mem>>
      %dma_wait3A_510 = arith.constant 0 : i32
      %dma_wait3A_511 = tpu.memref_slice %arg8[%add3A_503, %dma_wait3A_510] : memref<32x64xi32, #tpu.memory_space<vmem>> -> memref<1x64xi32, #tpu.memory_space<vmem>>
      %dma_wait3A_512 = tpu.memref_squeeze %dma_wait3A_511 : memref<1x64xi32, #tpu.memory_space<vmem>> -> memref<64xi32, #tpu.memory_space<vmem>>
      %dma_wait3A_513 = tpu.memref_slice %arg5[%add3A_499] : memref<327680xi32, #tpu.memory_space<hbm>> -> memref<64xi32, #tpu.memory_space<hbm>>
      tpu.wait_dma2 semaphore(%dma_wait3A_509 : memref<!tpu.dma_semaphore, #tpu.memory_space<semaphore_mem>>) src(%dma_wait3A_513 : memref<64xi32, #tpu.memory_space<hbm>>) dst(%dma_wait3A_512 : memref<64xi32, #tpu.memory_space<vmem>>)
      %add3A_514 = arith.constant 832 : i32
      %add3A_515 = arith.addi %add3A_296, %add3A_514 : i32
      %mul3A_516 = arith.constant 16 : i32
      %mul3A_517 = arith.muli %rem3A_293, %mul3A_516 : i32
      %add3A_518 = arith.constant 13 : i32
      %add3A_519 = arith.addi %mul3A_517, %add3A_518 : i32
      %dma_wait3A_520 = arith.constant 0 : i32
      %dma_wait3A_521 = tpu.memref_slice %arg8[%add3A_519, %dma_wait3A_520] : memref<32x64xi32, #tpu.memory_space<vmem>> -> memref<1x64xi32, #tpu.memory_space<vmem>>
      %dma_wait3A_522 = tpu.memref_squeeze %dma_wait3A_521 : memref<1x64xi32, #tpu.memory_space<vmem>> -> memref<64xi32, #tpu.memory_space<vmem>>
      %dma_wait3A_523 = tpu.memref_slice %arg5[%add3A_515] : memref<327680xi32, #tpu.memory_space<hbm>> -> memref<64xi32, #tpu.memory_space<hbm>>
      %dma_wait3A_524 = tpu.memref_slice %arg11[%rem3A_293] : memref<2x!tpu.dma_semaphore, #tpu.memory_space<semaphore_mem>> -> memref<1x!tpu.dma_semaphore, #tpu.memory_space<semaphore_mem>>
      %dma_wait3A_525 = tpu.memref_squeeze %dma_wait3A_524 : memref<1x!tpu.dma_semaphore, #tpu.memory_space<semaphore_mem>> -> memref<!tpu.dma_semaphore, #tpu.memory_space<semaphore_mem>>
      %dma_wait3A_526 = arith.constant 0 : i32
      %dma_wait3A_527 = tpu.memref_slice %arg8[%add3A_519, %dma_wait3A_526] : memref<32x64xi32, #tpu.memory_space<vmem>> -> memref<1x64xi32, #tpu.memory_space<vmem>>
      %dma_wait3A_528 = tpu.memref_squeeze %dma_wait3A_527 : memref<1x64xi32, #tpu.memory_space<vmem>> -> memref<64xi32, #tpu.memory_space<vmem>>
      %dma_wait3A_529 = tpu.memref_slice %arg5[%add3A_515] : memref<327680xi32, #tpu.memory_space<hbm>> -> memref<64xi32, #tpu.memory_space<hbm>>
      tpu.wait_dma2 semaphore(%dma_wait3A_525 : memref<!tpu.dma_semaphore, #tpu.memory_space<semaphore_mem>>) src(%dma_wait3A_529 : memref<64xi32, #tpu.memory_space<hbm>>) dst(%dma_wait3A_528 : memref<64xi32, #tpu.memory_space<vmem>>)
      %add3A_530 = arith.constant 896 : i32
      %add3A_531 = arith.addi %add3A_296, %add3A_530 : i32
      %mul3A_532 = arith.constant 16 : i32
      %mul3A_533 = arith.muli %rem3A_293, %mul3A_532 : i32
      %add3A_534 = arith.constant 14 : i32
      %add3A_535 = arith.addi %mul3A_533, %add3A_534 : i32
      %dma_wait3A_536 = arith.constant 0 : i32
      %dma_wait3A_537 = tpu.memref_slice %arg8[%add3A_535, %dma_wait3A_536] : memref<32x64xi32, #tpu.memory_space<vmem>> -> memref<1x64xi32, #tpu.memory_space<vmem>>
      %dma_wait3A_538 = tpu.memref_squeeze %dma_wait3A_537 : memref<1x64xi32, #tpu.memory_space<vmem>> -> memref<64xi32, #tpu.memory_space<vmem>>
      %dma_wait3A_539 = tpu.memref_slice %arg5[%add3A_531] : memref<327680xi32, #tpu.memory_space<hbm>> -> memref<64xi32, #tpu.memory_space<hbm>>
      %dma_wait3A_540 = tpu.memref_slice %arg11[%rem3A_293] : memref<2x!tpu.dma_semaphore, #tpu.memory_space<semaphore_mem>> -> memref<1x!tpu.dma_semaphore, #tpu.memory_space<semaphore_mem>>
      %dma_wait3A_541 = tpu.memref_squeeze %dma_wait3A_540 : memref<1x!tpu.dma_semaphore, #tpu.memory_space<semaphore_mem>> -> memref<!tpu.dma_semaphore, #tpu.memory_space<semaphore_mem>>
      %dma_wait3A_542 = arith.constant 0 : i32
      %dma_wait3A_543 = tpu.memref_slice %arg8[%add3A_535, %dma_wait3A_542] : memref<32x64xi32, #tpu.memory_space<vmem>> -> memref<1x64xi32, #tpu.memory_space<vmem>>
      %dma_wait3A_544 = tpu.memref_squeeze %dma_wait3A_543 : memref<1x64xi32, #tpu.memory_space<vmem>> -> memref<64xi32, #tpu.memory_space<vmem>>
      %dma_wait3A_545 = tpu.memref_slice %arg5[%add3A_531] : memref<327680xi32, #tpu.memory_space<hbm>> -> memref<64xi32, #tpu.memory_space<hbm>>
      tpu.wait_dma2 semaphore(%dma_wait3A_541 : memref<!tpu.dma_semaphore, #tpu.memory_space<semaphore_mem>>) src(%dma_wait3A_545 : memref<64xi32, #tpu.memory_space<hbm>>) dst(%dma_wait3A_544 : memref<64xi32, #tpu.memory_space<vmem>>)
      %add3A_546 = arith.constant 960 : i32
      %add3A_547 = arith.addi %add3A_296, %add3A_546 : i32
      %mul3A_548 = arith.constant 16 : i32
      %mul3A_549 = arith.muli %rem3A_293, %mul3A_548 : i32
      %add3A_550 = arith.constant 15 : i32
      %add3A_551 = arith.addi %mul3A_549, %add3A_550 : i32
      %dma_wait3A_552 = arith.constant 0 : i32
      %dma_wait3A_553 = tpu.memref_slice %arg8[%add3A_551, %dma_wait3A_552] : memref<32x64xi32, #tpu.memory_space<vmem>> -> memref<1x64xi32, #tpu.memory_space<vmem>>
      %dma_wait3A_554 = tpu.memref_squeeze %dma_wait3A_553 : memref<1x64xi32, #tpu.memory_space<vmem>> -> memref<64xi32, #tpu.memory_space<vmem>>
      %dma_wait3A_555 = tpu.memref_slice %arg5[%add3A_547] : memref<327680xi32, #tpu.memory_space<hbm>> -> memref<64xi32, #tpu.memory_space<hbm>>
      %dma_wait3A_556 = tpu.memref_slice %arg11[%rem3A_293] : memref<2x!tpu.dma_semaphore, #tpu.memory_space<semaphore_mem>> -> memref<1x!tpu.dma_semaphore, #tpu.memory_space<semaphore_mem>>
      %dma_wait3A_557 = tpu.memref_squeeze %dma_wait3A_556 : memref<1x!tpu.dma_semaphore, #tpu.memory_space<semaphore_mem>> -> memref<!tpu.dma_semaphore, #tpu.memory_space<semaphore_mem>>
      %dma_wait3A_558 = arith.constant 0 : i32
      %dma_wait3A_559 = tpu.memref_slice %arg8[%add3A_551, %dma_wait3A_558] : memref<32x64xi32, #tpu.memory_space<vmem>> -> memref<1x64xi32, #tpu.memory_space<vmem>>
      %dma_wait3A_560 = tpu.memref_squeeze %dma_wait3A_559 : memref<1x64xi32, #tpu.memory_space<vmem>> -> memref<64xi32, #tpu.memory_space<vmem>>
      %dma_wait3A_561 = tpu.memref_slice %arg5[%add3A_547] : memref<327680xi32, #tpu.memory_space<hbm>> -> memref<64xi32, #tpu.memory_space<hbm>>
      tpu.wait_dma2 semaphore(%dma_wait3A_557 : memref<!tpu.dma_semaphore, #tpu.memory_space<semaphore_mem>>) src(%dma_wait3A_561 : memref<64xi32, #tpu.memory_space<hbm>>) dst(%dma_wait3A_560 : memref<64xi32, #tpu.memory_space<vmem>>)
      %lt3A_562 = arith.constant 9 : i32
      %lt3A_563 = arith.cmpi slt, %scan3A_292, %lt3A_562 : i32
      %convert_element_type3A_564 = arith.extui %lt3A_563 : i1 to i32
      %cond3A_565 = arith.constant 0 : i32
      %cond3A_566 = arith.cmpi ne, %convert_element_type3A_564, %cond3A_565 : i32
      scf.if %cond3A_566 {
        %add3A_605 = arith.constant 1 : i32
        %add3A_606 = arith.addi %scan3A_292, %add3A_605 : i32
        %sub3A = arith.constant 1 : i32
        %sub3A_607 = arith.subi %sub3A, %rem3A_293 : i32
        %mul3A_608 = arith.constant 1024 : i32
        %mul3A_609 = arith.muli %add3A_606, %mul3A_608 : i32
        %add3A_610 = arith.addi %mul3A_39, %mul3A_609 : i32
        %dma_start3A_611 = arith.constant 0 : i32
        %dma_start3A_612 = tpu.memref_slice %arg7[%sub3A_607, %dma_start3A_611] : memref<2x1024xi32, #tpu.memory_space<vmem>> -> memref<1x1024xi32, #tpu.memory_space<vmem>>
        %dma_start3A_613 = tpu.memref_squeeze %dma_start3A_612 : memref<1x1024xi32, #tpu.memory_space<vmem>> -> memref<1024xi32, #tpu.memory_space<vmem>>
        %dma_start3A_614 = tpu.memref_slice %arg4[%add3A_610] : memref<327680xi32, #tpu.memory_space<hbm>> -> memref<1024xi32, #tpu.memory_space<hbm>>
        %dma_start3A_615 = tpu.memref_slice %arg11[%sub3A_607] : memref<2x!tpu.dma_semaphore, #tpu.memory_space<semaphore_mem>> -> memref<1x!tpu.dma_semaphore, #tpu.memory_space<semaphore_mem>>
        %dma_start3A_616 = tpu.memref_squeeze %dma_start3A_615 : memref<1x!tpu.dma_semaphore, #tpu.memory_space<semaphore_mem>> -> memref<!tpu.dma_semaphore, #tpu.memory_space<semaphore_mem>>
        %dma_start3A_617 = arith.constant 0 : i32
        %dma_start3A_618 = tpu.memref_slice %arg7[%sub3A_607, %dma_start3A_617] : memref<2x1024xi32, #tpu.memory_space<vmem>> -> memref<1x1024xi32, #tpu.memory_space<vmem>>
        %dma_start3A_619 = tpu.memref_squeeze %dma_start3A_618 : memref<1x1024xi32, #tpu.memory_space<vmem>> -> memref<1024xi32, #tpu.memory_space<vmem>>
        %dma_start3A_620 = tpu.memref_slice %arg4[%add3A_610] : memref<327680xi32, #tpu.memory_space<hbm>> -> memref<1024xi32, #tpu.memory_space<hbm>>
        tpu.enqueue_dma source(%dma_start3A_620 : memref<1024xi32, #tpu.memory_space<hbm>>) target(%dma_start3A_619 : memref<1024xi32, #tpu.memory_space<vmem>>) target_semaphore(%dma_start3A_616 : memref<!tpu.dma_semaphore, #tpu.memory_space<semaphore_mem>>)
        %add3A_621 = arith.constant 0 : i32
        %add3A_622 = arith.addi %add3A_610, %add3A_621 : i32
        %mul3A_623 = arith.constant 16 : i32
        %mul3A_624 = arith.muli %sub3A_607, %mul3A_623 : i32
        %add3A_625 = arith.constant 0 : i32
        %add3A_626 = arith.addi %mul3A_624, %add3A_625 : i32
        %dma_start3A_627 = arith.constant 0 : i32
        %dma_start3A_628 = tpu.memref_slice %arg8[%add3A_626, %dma_start3A_627] : memref<32x64xi32, #tpu.memory_space<vmem>> -> memref<1x64xi32, #tpu.memory_space<vmem>>
        %dma_start3A_629 = tpu.memref_squeeze %dma_start3A_628 : memref<1x64xi32, #tpu.memory_space<vmem>> -> memref<64xi32, #tpu.memory_space<vmem>>
        %dma_start3A_630 = tpu.memref_slice %arg5[%add3A_622] : memref<327680xi32, #tpu.memory_space<hbm>> -> memref<64xi32, #tpu.memory_space<hbm>>
        %dma_start3A_631 = tpu.memref_slice %arg11[%sub3A_607] : memref<2x!tpu.dma_semaphore, #tpu.memory_space<semaphore_mem>> -> memref<1x!tpu.dma_semaphore, #tpu.memory_space<semaphore_mem>>
        %dma_start3A_632 = tpu.memref_squeeze %dma_start3A_631 : memref<1x!tpu.dma_semaphore, #tpu.memory_space<semaphore_mem>> -> memref<!tpu.dma_semaphore, #tpu.memory_space<semaphore_mem>>
        %dma_start3A_633 = arith.constant 0 : i32
        %dma_start3A_634 = tpu.memref_slice %arg8[%add3A_626, %dma_start3A_633] : memref<32x64xi32, #tpu.memory_space<vmem>> -> memref<1x64xi32, #tpu.memory_space<vmem>>
        %dma_start3A_635 = tpu.memref_squeeze %dma_start3A_634 : memref<1x64xi32, #tpu.memory_space<vmem>> -> memref<64xi32, #tpu.memory_space<vmem>>
        %dma_start3A_636 = tpu.memref_slice %arg5[%add3A_622] : memref<327680xi32, #tpu.memory_space<hbm>> -> memref<64xi32, #tpu.memory_space<hbm>>
        tpu.enqueue_dma source(%dma_start3A_636 : memref<64xi32, #tpu.memory_space<hbm>>) target(%dma_start3A_635 : memref<64xi32, #tpu.memory_space<vmem>>) target_semaphore(%dma_start3A_632 : memref<!tpu.dma_semaphore, #tpu.memory_space<semaphore_mem>>)
        %add3A_637 = arith.constant 64 : i32
        %add3A_638 = arith.addi %add3A_610, %add3A_637 : i32
        %mul3A_639 = arith.constant 16 : i32
        %mul3A_640 = arith.muli %sub3A_607, %mul3A_639 : i32
        %add3A_641 = arith.constant 1 : i32
        %add3A_642 = arith.addi %mul3A_640, %add3A_641 : i32
        %dma_start3A_643 = arith.constant 0 : i32
        %dma_start3A_644 = tpu.memref_slice %arg8[%add3A_642, %dma_start3A_643] : memref<32x64xi32, #tpu.memory_space<vmem>> -> memref<1x64xi32, #tpu.memory_space<vmem>>
        %dma_start3A_645 = tpu.memref_squeeze %dma_start3A_644 : memref<1x64xi32, #tpu.memory_space<vmem>> -> memref<64xi32, #tpu.memory_space<vmem>>
        %dma_start3A_646 = tpu.memref_slice %arg5[%add3A_638] : memref<327680xi32, #tpu.memory_space<hbm>> -> memref<64xi32, #tpu.memory_space<hbm>>
        %dma_start3A_647 = tpu.memref_slice %arg11[%sub3A_607] : memref<2x!tpu.dma_semaphore, #tpu.memory_space<semaphore_mem>> -> memref<1x!tpu.dma_semaphore, #tpu.memory_space<semaphore_mem>>
        %dma_start3A_648 = tpu.memref_squeeze %dma_start3A_647 : memref<1x!tpu.dma_semaphore, #tpu.memory_space<semaphore_mem>> -> memref<!tpu.dma_semaphore, #tpu.memory_space<semaphore_mem>>
        %dma_start3A_649 = arith.constant 0 : i32
        %dma_start3A_650 = tpu.memref_slice %arg8[%add3A_642, %dma_start3A_649] : memref<32x64xi32, #tpu.memory_space<vmem>> -> memref<1x64xi32, #tpu.memory_space<vmem>>
        %dma_start3A_651 = tpu.memref_squeeze %dma_start3A_650 : memref<1x64xi32, #tpu.memory_space<vmem>> -> memref<64xi32, #tpu.memory_space<vmem>>
        %dma_start3A_652 = tpu.memref_slice %arg5[%add3A_638] : memref<327680xi32, #tpu.memory_space<hbm>> -> memref<64xi32, #tpu.memory_space<hbm>>
        tpu.enqueue_dma source(%dma_start3A_652 : memref<64xi32, #tpu.memory_space<hbm>>) target(%dma_start3A_651 : memref<64xi32, #tpu.memory_space<vmem>>) target_semaphore(%dma_start3A_648 : memref<!tpu.dma_semaphore, #tpu.memory_space<semaphore_mem>>)
        %add3A_653 = arith.constant 128 : i32
        %add3A_654 = arith.addi %add3A_610, %add3A_653 : i32
        %mul3A_655 = arith.constant 16 : i32
        %mul3A_656 = arith.muli %sub3A_607, %mul3A_655 : i32
        %add3A_657 = arith.constant 2 : i32
        %add3A_658 = arith.addi %mul3A_656, %add3A_657 : i32
        %dma_start3A_659 = arith.constant 0 : i32
        %dma_start3A_660 = tpu.memref_slice %arg8[%add3A_658, %dma_start3A_659] : memref<32x64xi32, #tpu.memory_space<vmem>> -> memref<1x64xi32, #tpu.memory_space<vmem>>
        %dma_start3A_661 = tpu.memref_squeeze %dma_start3A_660 : memref<1x64xi32, #tpu.memory_space<vmem>> -> memref<64xi32, #tpu.memory_space<vmem>>
        %dma_start3A_662 = tpu.memref_slice %arg5[%add3A_654] : memref<327680xi32, #tpu.memory_space<hbm>> -> memref<64xi32, #tpu.memory_space<hbm>>
        %dma_start3A_663 = tpu.memref_slice %arg11[%sub3A_607] : memref<2x!tpu.dma_semaphore, #tpu.memory_space<semaphore_mem>> -> memref<1x!tpu.dma_semaphore, #tpu.memory_space<semaphore_mem>>
        %dma_start3A_664 = tpu.memref_squeeze %dma_start3A_663 : memref<1x!tpu.dma_semaphore, #tpu.memory_space<semaphore_mem>> -> memref<!tpu.dma_semaphore, #tpu.memory_space<semaphore_mem>>
        %dma_start3A_665 = arith.constant 0 : i32
        %dma_start3A_666 = tpu.memref_slice %arg8[%add3A_658, %dma_start3A_665] : memref<32x64xi32, #tpu.memory_space<vmem>> -> memref<1x64xi32, #tpu.memory_space<vmem>>
        %dma_start3A_667 = tpu.memref_squeeze %dma_start3A_666 : memref<1x64xi32, #tpu.memory_space<vmem>> -> memref<64xi32, #tpu.memory_space<vmem>>
        %dma_start3A_668 = tpu.memref_slice %arg5[%add3A_654] : memref<327680xi32, #tpu.memory_space<hbm>> -> memref<64xi32, #tpu.memory_space<hbm>>
        tpu.enqueue_dma source(%dma_start3A_668 : memref<64xi32, #tpu.memory_space<hbm>>) target(%dma_start3A_667 : memref<64xi32, #tpu.memory_space<vmem>>) target_semaphore(%dma_start3A_664 : memref<!tpu.dma_semaphore, #tpu.memory_space<semaphore_mem>>)
        %add3A_669 = arith.constant 192 : i32
        %add3A_670 = arith.addi %add3A_610, %add3A_669 : i32
        %mul3A_671 = arith.constant 16 : i32
        %mul3A_672 = arith.muli %sub3A_607, %mul3A_671 : i32
        %add3A_673 = arith.constant 3 : i32
        %add3A_674 = arith.addi %mul3A_672, %add3A_673 : i32
        %dma_start3A_675 = arith.constant 0 : i32
        %dma_start3A_676 = tpu.memref_slice %arg8[%add3A_674, %dma_start3A_675] : memref<32x64xi32, #tpu.memory_space<vmem>> -> memref<1x64xi32, #tpu.memory_space<vmem>>
        %dma_start3A_677 = tpu.memref_squeeze %dma_start3A_676 : memref<1x64xi32, #tpu.memory_space<vmem>> -> memref<64xi32, #tpu.memory_space<vmem>>
        %dma_start3A_678 = tpu.memref_slice %arg5[%add3A_670] : memref<327680xi32, #tpu.memory_space<hbm>> -> memref<64xi32, #tpu.memory_space<hbm>>
        %dma_start3A_679 = tpu.memref_slice %arg11[%sub3A_607] : memref<2x!tpu.dma_semaphore, #tpu.memory_space<semaphore_mem>> -> memref<1x!tpu.dma_semaphore, #tpu.memory_space<semaphore_mem>>
        %dma_start3A_680 = tpu.memref_squeeze %dma_start3A_679 : memref<1x!tpu.dma_semaphore, #tpu.memory_space<semaphore_mem>> -> memref<!tpu.dma_semaphore, #tpu.memory_space<semaphore_mem>>
        %dma_start3A_681 = arith.constant 0 : i32
        %dma_start3A_682 = tpu.memref_slice %arg8[%add3A_674, %dma_start3A_681] : memref<32x64xi32, #tpu.memory_space<vmem>> -> memref<1x64xi32, #tpu.memory_space<vmem>>
        %dma_start3A_683 = tpu.memref_squeeze %dma_start3A_682 : memref<1x64xi32, #tpu.memory_space<vmem>> -> memref<64xi32, #tpu.memory_space<vmem>>
        %dma_start3A_684 = tpu.memref_slice %arg5[%add3A_670] : memref<327680xi32, #tpu.memory_space<hbm>> -> memref<64xi32, #tpu.memory_space<hbm>>
        tpu.enqueue_dma source(%dma_start3A_684 : memref<64xi32, #tpu.memory_space<hbm>>) target(%dma_start3A_683 : memref<64xi32, #tpu.memory_space<vmem>>) target_semaphore(%dma_start3A_680 : memref<!tpu.dma_semaphore, #tpu.memory_space<semaphore_mem>>)
        %add3A_685 = arith.constant 256 : i32
        %add3A_686 = arith.addi %add3A_610, %add3A_685 : i32
        %mul3A_687 = arith.constant 16 : i32
        %mul3A_688 = arith.muli %sub3A_607, %mul3A_687 : i32
        %add3A_689 = arith.constant 4 : i32
        %add3A_690 = arith.addi %mul3A_688, %add3A_689 : i32
        %dma_start3A_691 = arith.constant 0 : i32
        %dma_start3A_692 = tpu.memref_slice %arg8[%add3A_690, %dma_start3A_691] : memref<32x64xi32, #tpu.memory_space<vmem>> -> memref<1x64xi32, #tpu.memory_space<vmem>>
        %dma_start3A_693 = tpu.memref_squeeze %dma_start3A_692 : memref<1x64xi32, #tpu.memory_space<vmem>> -> memref<64xi32, #tpu.memory_space<vmem>>
        %dma_start3A_694 = tpu.memref_slice %arg5[%add3A_686] : memref<327680xi32, #tpu.memory_space<hbm>> -> memref<64xi32, #tpu.memory_space<hbm>>
        %dma_start3A_695 = tpu.memref_slice %arg11[%sub3A_607] : memref<2x!tpu.dma_semaphore, #tpu.memory_space<semaphore_mem>> -> memref<1x!tpu.dma_semaphore, #tpu.memory_space<semaphore_mem>>
        %dma_start3A_696 = tpu.memref_squeeze %dma_start3A_695 : memref<1x!tpu.dma_semaphore, #tpu.memory_space<semaphore_mem>> -> memref<!tpu.dma_semaphore, #tpu.memory_space<semaphore_mem>>
        %dma_start3A_697 = arith.constant 0 : i32
        %dma_start3A_698 = tpu.memref_slice %arg8[%add3A_690, %dma_start3A_697] : memref<32x64xi32, #tpu.memory_space<vmem>> -> memref<1x64xi32, #tpu.memory_space<vmem>>
        %dma_start3A_699 = tpu.memref_squeeze %dma_start3A_698 : memref<1x64xi32, #tpu.memory_space<vmem>> -> memref<64xi32, #tpu.memory_space<vmem>>
        %dma_start3A_700 = tpu.memref_slice %arg5[%add3A_686] : memref<327680xi32, #tpu.memory_space<hbm>> -> memref<64xi32, #tpu.memory_space<hbm>>
        tpu.enqueue_dma source(%dma_start3A_700 : memref<64xi32, #tpu.memory_space<hbm>>) target(%dma_start3A_699 : memref<64xi32, #tpu.memory_space<vmem>>) target_semaphore(%dma_start3A_696 : memref<!tpu.dma_semaphore, #tpu.memory_space<semaphore_mem>>)
        %add3A_701 = arith.constant 320 : i32
        %add3A_702 = arith.addi %add3A_610, %add3A_701 : i32
        %mul3A_703 = arith.constant 16 : i32
        %mul3A_704 = arith.muli %sub3A_607, %mul3A_703 : i32
        %add3A_705 = arith.constant 5 : i32
        %add3A_706 = arith.addi %mul3A_704, %add3A_705 : i32
        %dma_start3A_707 = arith.constant 0 : i32
        %dma_start3A_708 = tpu.memref_slice %arg8[%add3A_706, %dma_start3A_707] : memref<32x64xi32, #tpu.memory_space<vmem>> -> memref<1x64xi32, #tpu.memory_space<vmem>>
        %dma_start3A_709 = tpu.memref_squeeze %dma_start3A_708 : memref<1x64xi32, #tpu.memory_space<vmem>> -> memref<64xi32, #tpu.memory_space<vmem>>
        %dma_start3A_710 = tpu.memref_slice %arg5[%add3A_702] : memref<327680xi32, #tpu.memory_space<hbm>> -> memref<64xi32, #tpu.memory_space<hbm>>
        %dma_start3A_711 = tpu.memref_slice %arg11[%sub3A_607] : memref<2x!tpu.dma_semaphore, #tpu.memory_space<semaphore_mem>> -> memref<1x!tpu.dma_semaphore, #tpu.memory_space<semaphore_mem>>
        %dma_start3A_712 = tpu.memref_squeeze %dma_start3A_711 : memref<1x!tpu.dma_semaphore, #tpu.memory_space<semaphore_mem>> -> memref<!tpu.dma_semaphore, #tpu.memory_space<semaphore_mem>>
        %dma_start3A_713 = arith.constant 0 : i32
        %dma_start3A_714 = tpu.memref_slice %arg8[%add3A_706, %dma_start3A_713] : memref<32x64xi32, #tpu.memory_space<vmem>> -> memref<1x64xi32, #tpu.memory_space<vmem>>
        %dma_start3A_715 = tpu.memref_squeeze %dma_start3A_714 : memref<1x64xi32, #tpu.memory_space<vmem>> -> memref<64xi32, #tpu.memory_space<vmem>>
        %dma_start3A_716 = tpu.memref_slice %arg5[%add3A_702] : memref<327680xi32, #tpu.memory_space<hbm>> -> memref<64xi32, #tpu.memory_space<hbm>>
        tpu.enqueue_dma source(%dma_start3A_716 : memref<64xi32, #tpu.memory_space<hbm>>) target(%dma_start3A_715 : memref<64xi32, #tpu.memory_space<vmem>>) target_semaphore(%dma_start3A_712 : memref<!tpu.dma_semaphore, #tpu.memory_space<semaphore_mem>>)
        %add3A_717 = arith.constant 384 : i32
        %add3A_718 = arith.addi %add3A_610, %add3A_717 : i32
        %mul3A_719 = arith.constant 16 : i32
        %mul3A_720 = arith.muli %sub3A_607, %mul3A_719 : i32
        %add3A_721 = arith.constant 6 : i32
        %add3A_722 = arith.addi %mul3A_720, %add3A_721 : i32
        %dma_start3A_723 = arith.constant 0 : i32
        %dma_start3A_724 = tpu.memref_slice %arg8[%add3A_722, %dma_start3A_723] : memref<32x64xi32, #tpu.memory_space<vmem>> -> memref<1x64xi32, #tpu.memory_space<vmem>>
        %dma_start3A_725 = tpu.memref_squeeze %dma_start3A_724 : memref<1x64xi32, #tpu.memory_space<vmem>> -> memref<64xi32, #tpu.memory_space<vmem>>
        %dma_start3A_726 = tpu.memref_slice %arg5[%add3A_718] : memref<327680xi32, #tpu.memory_space<hbm>> -> memref<64xi32, #tpu.memory_space<hbm>>
        %dma_start3A_727 = tpu.memref_slice %arg11[%sub3A_607] : memref<2x!tpu.dma_semaphore, #tpu.memory_space<semaphore_mem>> -> memref<1x!tpu.dma_semaphore, #tpu.memory_space<semaphore_mem>>
        %dma_start3A_728 = tpu.memref_squeeze %dma_start3A_727 : memref<1x!tpu.dma_semaphore, #tpu.memory_space<semaphore_mem>> -> memref<!tpu.dma_semaphore, #tpu.memory_space<semaphore_mem>>
        %dma_start3A_729 = arith.constant 0 : i32
        %dma_start3A_730 = tpu.memref_slice %arg8[%add3A_722, %dma_start3A_729] : memref<32x64xi32, #tpu.memory_space<vmem>> -> memref<1x64xi32, #tpu.memory_space<vmem>>
        %dma_start3A_731 = tpu.memref_squeeze %dma_start3A_730 : memref<1x64xi32, #tpu.memory_space<vmem>> -> memref<64xi32, #tpu.memory_space<vmem>>
        %dma_start3A_732 = tpu.memref_slice %arg5[%add3A_718] : memref<327680xi32, #tpu.memory_space<hbm>> -> memref<64xi32, #tpu.memory_space<hbm>>
        tpu.enqueue_dma source(%dma_start3A_732 : memref<64xi32, #tpu.memory_space<hbm>>) target(%dma_start3A_731 : memref<64xi32, #tpu.memory_space<vmem>>) target_semaphore(%dma_start3A_728 : memref<!tpu.dma_semaphore, #tpu.memory_space<semaphore_mem>>)
        %add3A_733 = arith.constant 448 : i32
        %add3A_734 = arith.addi %add3A_610, %add3A_733 : i32
        %mul3A_735 = arith.constant 16 : i32
        %mul3A_736 = arith.muli %sub3A_607, %mul3A_735 : i32
        %add3A_737 = arith.constant 7 : i32
        %add3A_738 = arith.addi %mul3A_736, %add3A_737 : i32
        %dma_start3A_739 = arith.constant 0 : i32
        %dma_start3A_740 = tpu.memref_slice %arg8[%add3A_738, %dma_start3A_739] : memref<32x64xi32, #tpu.memory_space<vmem>> -> memref<1x64xi32, #tpu.memory_space<vmem>>
        %dma_start3A_741 = tpu.memref_squeeze %dma_start3A_740 : memref<1x64xi32, #tpu.memory_space<vmem>> -> memref<64xi32, #tpu.memory_space<vmem>>
        %dma_start3A_742 = tpu.memref_slice %arg5[%add3A_734] : memref<327680xi32, #tpu.memory_space<hbm>> -> memref<64xi32, #tpu.memory_space<hbm>>
        %dma_start3A_743 = tpu.memref_slice %arg11[%sub3A_607] : memref<2x!tpu.dma_semaphore, #tpu.memory_space<semaphore_mem>> -> memref<1x!tpu.dma_semaphore, #tpu.memory_space<semaphore_mem>>
        %dma_start3A_744 = tpu.memref_squeeze %dma_start3A_743 : memref<1x!tpu.dma_semaphore, #tpu.memory_space<semaphore_mem>> -> memref<!tpu.dma_semaphore, #tpu.memory_space<semaphore_mem>>
        %dma_start3A_745 = arith.constant 0 : i32
        %dma_start3A_746 = tpu.memref_slice %arg8[%add3A_738, %dma_start3A_745] : memref<32x64xi32, #tpu.memory_space<vmem>> -> memref<1x64xi32, #tpu.memory_space<vmem>>
        %dma_start3A_747 = tpu.memref_squeeze %dma_start3A_746 : memref<1x64xi32, #tpu.memory_space<vmem>> -> memref<64xi32, #tpu.memory_space<vmem>>
        %dma_start3A_748 = tpu.memref_slice %arg5[%add3A_734] : memref<327680xi32, #tpu.memory_space<hbm>> -> memref<64xi32, #tpu.memory_space<hbm>>
        tpu.enqueue_dma source(%dma_start3A_748 : memref<64xi32, #tpu.memory_space<hbm>>) target(%dma_start3A_747 : memref<64xi32, #tpu.memory_space<vmem>>) target_semaphore(%dma_start3A_744 : memref<!tpu.dma_semaphore, #tpu.memory_space<semaphore_mem>>)
        %add3A_749 = arith.constant 512 : i32
        %add3A_750 = arith.addi %add3A_610, %add3A_749 : i32
        %mul3A_751 = arith.constant 16 : i32
        %mul3A_752 = arith.muli %sub3A_607, %mul3A_751 : i32
        %add3A_753 = arith.constant 8 : i32
        %add3A_754 = arith.addi %mul3A_752, %add3A_753 : i32
        %dma_start3A_755 = arith.constant 0 : i32
        %dma_start3A_756 = tpu.memref_slice %arg8[%add3A_754, %dma_start3A_755] : memref<32x64xi32, #tpu.memory_space<vmem>> -> memref<1x64xi32, #tpu.memory_space<vmem>>
        %dma_start3A_757 = tpu.memref_squeeze %dma_start3A_756 : memref<1x64xi32, #tpu.memory_space<vmem>> -> memref<64xi32, #tpu.memory_space<vmem>>
        %dma_start3A_758 = tpu.memref_slice %arg5[%add3A_750] : memref<327680xi32, #tpu.memory_space<hbm>> -> memref<64xi32, #tpu.memory_space<hbm>>
        %dma_start3A_759 = tpu.memref_slice %arg11[%sub3A_607] : memref<2x!tpu.dma_semaphore, #tpu.memory_space<semaphore_mem>> -> memref<1x!tpu.dma_semaphore, #tpu.memory_space<semaphore_mem>>
        %dma_start3A_760 = tpu.memref_squeeze %dma_start3A_759 : memref<1x!tpu.dma_semaphore, #tpu.memory_space<semaphore_mem>> -> memref<!tpu.dma_semaphore, #tpu.memory_space<semaphore_mem>>
        %dma_start3A_761 = arith.constant 0 : i32
        %dma_start3A_762 = tpu.memref_slice %arg8[%add3A_754, %dma_start3A_761] : memref<32x64xi32, #tpu.memory_space<vmem>> -> memref<1x64xi32, #tpu.memory_space<vmem>>
        %dma_start3A_763 = tpu.memref_squeeze %dma_start3A_762 : memref<1x64xi32, #tpu.memory_space<vmem>> -> memref<64xi32, #tpu.memory_space<vmem>>
        %dma_start3A_764 = tpu.memref_slice %arg5[%add3A_750] : memref<327680xi32, #tpu.memory_space<hbm>> -> memref<64xi32, #tpu.memory_space<hbm>>
        tpu.enqueue_dma source(%dma_start3A_764 : memref<64xi32, #tpu.memory_space<hbm>>) target(%dma_start3A_763 : memref<64xi32, #tpu.memory_space<vmem>>) target_semaphore(%dma_start3A_760 : memref<!tpu.dma_semaphore, #tpu.memory_space<semaphore_mem>>)
        %add3A_765 = arith.constant 576 : i32
        %add3A_766 = arith.addi %add3A_610, %add3A_765 : i32
        %mul3A_767 = arith.constant 16 : i32
        %mul3A_768 = arith.muli %sub3A_607, %mul3A_767 : i32
        %add3A_769 = arith.constant 9 : i32
        %add3A_770 = arith.addi %mul3A_768, %add3A_769 : i32
        %dma_start3A_771 = arith.constant 0 : i32
        %dma_start3A_772 = tpu.memref_slice %arg8[%add3A_770, %dma_start3A_771] : memref<32x64xi32, #tpu.memory_space<vmem>> -> memref<1x64xi32, #tpu.memory_space<vmem>>
        %dma_start3A_773 = tpu.memref_squeeze %dma_start3A_772 : memref<1x64xi32, #tpu.memory_space<vmem>> -> memref<64xi32, #tpu.memory_space<vmem>>
        %dma_start3A_774 = tpu.memref_slice %arg5[%add3A_766] : memref<327680xi32, #tpu.memory_space<hbm>> -> memref<64xi32, #tpu.memory_space<hbm>>
        %dma_start3A_775 = tpu.memref_slice %arg11[%sub3A_607] : memref<2x!tpu.dma_semaphore, #tpu.memory_space<semaphore_mem>> -> memref<1x!tpu.dma_semaphore, #tpu.memory_space<semaphore_mem>>
        %dma_start3A_776 = tpu.memref_squeeze %dma_start3A_775 : memref<1x!tpu.dma_semaphore, #tpu.memory_space<semaphore_mem>> -> memref<!tpu.dma_semaphore, #tpu.memory_space<semaphore_mem>>
        %dma_start3A_777 = arith.constant 0 : i32
        %dma_start3A_778 = tpu.memref_slice %arg8[%add3A_770, %dma_start3A_777] : memref<32x64xi32, #tpu.memory_space<vmem>> -> memref<1x64xi32, #tpu.memory_space<vmem>>
        %dma_start3A_779 = tpu.memref_squeeze %dma_start3A_778 : memref<1x64xi32, #tpu.memory_space<vmem>> -> memref<64xi32, #tpu.memory_space<vmem>>
        %dma_start3A_780 = tpu.memref_slice %arg5[%add3A_766] : memref<327680xi32, #tpu.memory_space<hbm>> -> memref<64xi32, #tpu.memory_space<hbm>>
        tpu.enqueue_dma source(%dma_start3A_780 : memref<64xi32, #tpu.memory_space<hbm>>) target(%dma_start3A_779 : memref<64xi32, #tpu.memory_space<vmem>>) target_semaphore(%dma_start3A_776 : memref<!tpu.dma_semaphore, #tpu.memory_space<semaphore_mem>>)
        %add3A_781 = arith.constant 640 : i32
        %add3A_782 = arith.addi %add3A_610, %add3A_781 : i32
        %mul3A_783 = arith.constant 16 : i32
        %mul3A_784 = arith.muli %sub3A_607, %mul3A_783 : i32
        %add3A_785 = arith.constant 10 : i32
        %add3A_786 = arith.addi %mul3A_784, %add3A_785 : i32
        %dma_start3A_787 = arith.constant 0 : i32
        %dma_start3A_788 = tpu.memref_slice %arg8[%add3A_786, %dma_start3A_787] : memref<32x64xi32, #tpu.memory_space<vmem>> -> memref<1x64xi32, #tpu.memory_space<vmem>>
        %dma_start3A_789 = tpu.memref_squeeze %dma_start3A_788 : memref<1x64xi32, #tpu.memory_space<vmem>> -> memref<64xi32, #tpu.memory_space<vmem>>
        %dma_start3A_790 = tpu.memref_slice %arg5[%add3A_782] : memref<327680xi32, #tpu.memory_space<hbm>> -> memref<64xi32, #tpu.memory_space<hbm>>
        %dma_start3A_791 = tpu.memref_slice %arg11[%sub3A_607] : memref<2x!tpu.dma_semaphore, #tpu.memory_space<semaphore_mem>> -> memref<1x!tpu.dma_semaphore, #tpu.memory_space<semaphore_mem>>
        %dma_start3A_792 = tpu.memref_squeeze %dma_start3A_791 : memref<1x!tpu.dma_semaphore, #tpu.memory_space<semaphore_mem>> -> memref<!tpu.dma_semaphore, #tpu.memory_space<semaphore_mem>>
        %dma_start3A_793 = arith.constant 0 : i32
        %dma_start3A_794 = tpu.memref_slice %arg8[%add3A_786, %dma_start3A_793] : memref<32x64xi32, #tpu.memory_space<vmem>> -> memref<1x64xi32, #tpu.memory_space<vmem>>
        %dma_start3A_795 = tpu.memref_squeeze %dma_start3A_794 : memref<1x64xi32, #tpu.memory_space<vmem>> -> memref<64xi32, #tpu.memory_space<vmem>>
        %dma_start3A_796 = tpu.memref_slice %arg5[%add3A_782] : memref<327680xi32, #tpu.memory_space<hbm>> -> memref<64xi32, #tpu.memory_space<hbm>>
        tpu.enqueue_dma source(%dma_start3A_796 : memref<64xi32, #tpu.memory_space<hbm>>) target(%dma_start3A_795 : memref<64xi32, #tpu.memory_space<vmem>>) target_semaphore(%dma_start3A_792 : memref<!tpu.dma_semaphore, #tpu.memory_space<semaphore_mem>>)
        %add3A_797 = arith.constant 704 : i32
        %add3A_798 = arith.addi %add3A_610, %add3A_797 : i32
        %mul3A_799 = arith.constant 16 : i32
        %mul3A_800 = arith.muli %sub3A_607, %mul3A_799 : i32
        %add3A_801 = arith.constant 11 : i32
        %add3A_802 = arith.addi %mul3A_800, %add3A_801 : i32
        %dma_start3A_803 = arith.constant 0 : i32
        %dma_start3A_804 = tpu.memref_slice %arg8[%add3A_802, %dma_start3A_803] : memref<32x64xi32, #tpu.memory_space<vmem>> -> memref<1x64xi32, #tpu.memory_space<vmem>>
        %dma_start3A_805 = tpu.memref_squeeze %dma_start3A_804 : memref<1x64xi32, #tpu.memory_space<vmem>> -> memref<64xi32, #tpu.memory_space<vmem>>
        %dma_start3A_806 = tpu.memref_slice %arg5[%add3A_798] : memref<327680xi32, #tpu.memory_space<hbm>> -> memref<64xi32, #tpu.memory_space<hbm>>
        %dma_start3A_807 = tpu.memref_slice %arg11[%sub3A_607] : memref<2x!tpu.dma_semaphore, #tpu.memory_space<semaphore_mem>> -> memref<1x!tpu.dma_semaphore, #tpu.memory_space<semaphore_mem>>
        %dma_start3A_808 = tpu.memref_squeeze %dma_start3A_807 : memref<1x!tpu.dma_semaphore, #tpu.memory_space<semaphore_mem>> -> memref<!tpu.dma_semaphore, #tpu.memory_space<semaphore_mem>>
        %dma_start3A_809 = arith.constant 0 : i32
        %dma_start3A_810 = tpu.memref_slice %arg8[%add3A_802, %dma_start3A_809] : memref<32x64xi32, #tpu.memory_space<vmem>> -> memref<1x64xi32, #tpu.memory_space<vmem>>
        %dma_start3A_811 = tpu.memref_squeeze %dma_start3A_810 : memref<1x64xi32, #tpu.memory_space<vmem>> -> memref<64xi32, #tpu.memory_space<vmem>>
        %dma_start3A_812 = tpu.memref_slice %arg5[%add3A_798] : memref<327680xi32, #tpu.memory_space<hbm>> -> memref<64xi32, #tpu.memory_space<hbm>>
        tpu.enqueue_dma source(%dma_start3A_812 : memref<64xi32, #tpu.memory_space<hbm>>) target(%dma_start3A_811 : memref<64xi32, #tpu.memory_space<vmem>>) target_semaphore(%dma_start3A_808 : memref<!tpu.dma_semaphore, #tpu.memory_space<semaphore_mem>>)
        %add3A_813 = arith.constant 768 : i32
        %add3A_814 = arith.addi %add3A_610, %add3A_813 : i32
        %mul3A_815 = arith.constant 16 : i32
        %mul3A_816 = arith.muli %sub3A_607, %mul3A_815 : i32
        %add3A_817 = arith.constant 12 : i32
        %add3A_818 = arith.addi %mul3A_816, %add3A_817 : i32
        %dma_start3A_819 = arith.constant 0 : i32
        %dma_start3A_820 = tpu.memref_slice %arg8[%add3A_818, %dma_start3A_819] : memref<32x64xi32, #tpu.memory_space<vmem>> -> memref<1x64xi32, #tpu.memory_space<vmem>>
        %dma_start3A_821 = tpu.memref_squeeze %dma_start3A_820 : memref<1x64xi32, #tpu.memory_space<vmem>> -> memref<64xi32, #tpu.memory_space<vmem>>
        %dma_start3A_822 = tpu.memref_slice %arg5[%add3A_814] : memref<327680xi32, #tpu.memory_space<hbm>> -> memref<64xi32, #tpu.memory_space<hbm>>
        %dma_start3A_823 = tpu.memref_slice %arg11[%sub3A_607] : memref<2x!tpu.dma_semaphore, #tpu.memory_space<semaphore_mem>> -> memref<1x!tpu.dma_semaphore, #tpu.memory_space<semaphore_mem>>
        %dma_start3A_824 = tpu.memref_squeeze %dma_start3A_823 : memref<1x!tpu.dma_semaphore, #tpu.memory_space<semaphore_mem>> -> memref<!tpu.dma_semaphore, #tpu.memory_space<semaphore_mem>>
        %dma_start3A_825 = arith.constant 0 : i32
        %dma_start3A_826 = tpu.memref_slice %arg8[%add3A_818, %dma_start3A_825] : memref<32x64xi32, #tpu.memory_space<vmem>> -> memref<1x64xi32, #tpu.memory_space<vmem>>
        %dma_start3A_827 = tpu.memref_squeeze %dma_start3A_826 : memref<1x64xi32, #tpu.memory_space<vmem>> -> memref<64xi32, #tpu.memory_space<vmem>>
        %dma_start3A_828 = tpu.memref_slice %arg5[%add3A_814] : memref<327680xi32, #tpu.memory_space<hbm>> -> memref<64xi32, #tpu.memory_space<hbm>>
        tpu.enqueue_dma source(%dma_start3A_828 : memref<64xi32, #tpu.memory_space<hbm>>) target(%dma_start3A_827 : memref<64xi32, #tpu.memory_space<vmem>>) target_semaphore(%dma_start3A_824 : memref<!tpu.dma_semaphore, #tpu.memory_space<semaphore_mem>>)
        %add3A_829 = arith.constant 832 : i32
        %add3A_830 = arith.addi %add3A_610, %add3A_829 : i32
        %mul3A_831 = arith.constant 16 : i32
        %mul3A_832 = arith.muli %sub3A_607, %mul3A_831 : i32
        %add3A_833 = arith.constant 13 : i32
        %add3A_834 = arith.addi %mul3A_832, %add3A_833 : i32
        %dma_start3A_835 = arith.constant 0 : i32
        %dma_start3A_836 = tpu.memref_slice %arg8[%add3A_834, %dma_start3A_835] : memref<32x64xi32, #tpu.memory_space<vmem>> -> memref<1x64xi32, #tpu.memory_space<vmem>>
        %dma_start3A_837 = tpu.memref_squeeze %dma_start3A_836 : memref<1x64xi32, #tpu.memory_space<vmem>> -> memref<64xi32, #tpu.memory_space<vmem>>
        %dma_start3A_838 = tpu.memref_slice %arg5[%add3A_830] : memref<327680xi32, #tpu.memory_space<hbm>> -> memref<64xi32, #tpu.memory_space<hbm>>
        %dma_start3A_839 = tpu.memref_slice %arg11[%sub3A_607] : memref<2x!tpu.dma_semaphore, #tpu.memory_space<semaphore_mem>> -> memref<1x!tpu.dma_semaphore, #tpu.memory_space<semaphore_mem>>
        %dma_start3A_840 = tpu.memref_squeeze %dma_start3A_839 : memref<1x!tpu.dma_semaphore, #tpu.memory_space<semaphore_mem>> -> memref<!tpu.dma_semaphore, #tpu.memory_space<semaphore_mem>>
        %dma_start3A_841 = arith.constant 0 : i32
        %dma_start3A_842 = tpu.memref_slice %arg8[%add3A_834, %dma_start3A_841] : memref<32x64xi32, #tpu.memory_space<vmem>> -> memref<1x64xi32, #tpu.memory_space<vmem>>
        %dma_start3A_843 = tpu.memref_squeeze %dma_start3A_842 : memref<1x64xi32, #tpu.memory_space<vmem>> -> memref<64xi32, #tpu.memory_space<vmem>>
        %dma_start3A_844 = tpu.memref_slice %arg5[%add3A_830] : memref<327680xi32, #tpu.memory_space<hbm>> -> memref<64xi32, #tpu.memory_space<hbm>>
        tpu.enqueue_dma source(%dma_start3A_844 : memref<64xi32, #tpu.memory_space<hbm>>) target(%dma_start3A_843 : memref<64xi32, #tpu.memory_space<vmem>>) target_semaphore(%dma_start3A_840 : memref<!tpu.dma_semaphore, #tpu.memory_space<semaphore_mem>>)
        %add3A_845 = arith.constant 896 : i32
        %add3A_846 = arith.addi %add3A_610, %add3A_845 : i32
        %mul3A_847 = arith.constant 16 : i32
        %mul3A_848 = arith.muli %sub3A_607, %mul3A_847 : i32
        %add3A_849 = arith.constant 14 : i32
        %add3A_850 = arith.addi %mul3A_848, %add3A_849 : i32
        %dma_start3A_851 = arith.constant 0 : i32
        %dma_start3A_852 = tpu.memref_slice %arg8[%add3A_850, %dma_start3A_851] : memref<32x64xi32, #tpu.memory_space<vmem>> -> memref<1x64xi32, #tpu.memory_space<vmem>>
        %dma_start3A_853 = tpu.memref_squeeze %dma_start3A_852 : memref<1x64xi32, #tpu.memory_space<vmem>> -> memref<64xi32, #tpu.memory_space<vmem>>
        %dma_start3A_854 = tpu.memref_slice %arg5[%add3A_846] : memref<327680xi32, #tpu.memory_space<hbm>> -> memref<64xi32, #tpu.memory_space<hbm>>
        %dma_start3A_855 = tpu.memref_slice %arg11[%sub3A_607] : memref<2x!tpu.dma_semaphore, #tpu.memory_space<semaphore_mem>> -> memref<1x!tpu.dma_semaphore, #tpu.memory_space<semaphore_mem>>
        %dma_start3A_856 = tpu.memref_squeeze %dma_start3A_855 : memref<1x!tpu.dma_semaphore, #tpu.memory_space<semaphore_mem>> -> memref<!tpu.dma_semaphore, #tpu.memory_space<semaphore_mem>>
        %dma_start3A_857 = arith.constant 0 : i32
        %dma_start3A_858 = tpu.memref_slice %arg8[%add3A_850, %dma_start3A_857] : memref<32x64xi32, #tpu.memory_space<vmem>> -> memref<1x64xi32, #tpu.memory_space<vmem>>
        %dma_start3A_859 = tpu.memref_squeeze %dma_start3A_858 : memref<1x64xi32, #tpu.memory_space<vmem>> -> memref<64xi32, #tpu.memory_space<vmem>>
        %dma_start3A_860 = tpu.memref_slice %arg5[%add3A_846] : memref<327680xi32, #tpu.memory_space<hbm>> -> memref<64xi32, #tpu.memory_space<hbm>>
        tpu.enqueue_dma source(%dma_start3A_860 : memref<64xi32, #tpu.memory_space<hbm>>) target(%dma_start3A_859 : memref<64xi32, #tpu.memory_space<vmem>>) target_semaphore(%dma_start3A_856 : memref<!tpu.dma_semaphore, #tpu.memory_space<semaphore_mem>>)
        %add3A_861 = arith.constant 960 : i32
        %add3A_862 = arith.addi %add3A_610, %add3A_861 : i32
        %mul3A_863 = arith.constant 16 : i32
        %mul3A_864 = arith.muli %sub3A_607, %mul3A_863 : i32
        %add3A_865 = arith.constant 15 : i32
        %add3A_866 = arith.addi %mul3A_864, %add3A_865 : i32
        %dma_start3A_867 = arith.constant 0 : i32
        %dma_start3A_868 = tpu.memref_slice %arg8[%add3A_866, %dma_start3A_867] : memref<32x64xi32, #tpu.memory_space<vmem>> -> memref<1x64xi32, #tpu.memory_space<vmem>>
        %dma_start3A_869 = tpu.memref_squeeze %dma_start3A_868 : memref<1x64xi32, #tpu.memory_space<vmem>> -> memref<64xi32, #tpu.memory_space<vmem>>
        %dma_start3A_870 = tpu.memref_slice %arg5[%add3A_862] : memref<327680xi32, #tpu.memory_space<hbm>> -> memref<64xi32, #tpu.memory_space<hbm>>
        %dma_start3A_871 = tpu.memref_slice %arg11[%sub3A_607] : memref<2x!tpu.dma_semaphore, #tpu.memory_space<semaphore_mem>> -> memref<1x!tpu.dma_semaphore, #tpu.memory_space<semaphore_mem>>
        %dma_start3A_872 = tpu.memref_squeeze %dma_start3A_871 : memref<1x!tpu.dma_semaphore, #tpu.memory_space<semaphore_mem>> -> memref<!tpu.dma_semaphore, #tpu.memory_space<semaphore_mem>>
        %dma_start3A_873 = arith.constant 0 : i32
        %dma_start3A_874 = tpu.memref_slice %arg8[%add3A_866, %dma_start3A_873] : memref<32x64xi32, #tpu.memory_space<vmem>> -> memref<1x64xi32, #tpu.memory_space<vmem>>
        %dma_start3A_875 = tpu.memref_squeeze %dma_start3A_874 : memref<1x64xi32, #tpu.memory_space<vmem>> -> memref<64xi32, #tpu.memory_space<vmem>>
        %dma_start3A_876 = tpu.memref_slice %arg5[%add3A_862] : memref<327680xi32, #tpu.memory_space<hbm>> -> memref<64xi32, #tpu.memory_space<hbm>>
        tpu.enqueue_dma source(%dma_start3A_876 : memref<64xi32, #tpu.memory_space<hbm>>) target(%dma_start3A_875 : memref<64xi32, #tpu.memory_space<vmem>>) target_semaphore(%dma_start3A_872 : memref<!tpu.dma_semaphore, #tpu.memory_space<semaphore_mem>>)
      } else {
      }
      %dma_start3A_567 = arith.constant 0 : i32
      %dma_start3A_568 = arith.constant 0 : i32
      %dma_start3A_569 = arith.constant 0 : i32
      %dma_start3A_570 = arith.constant 0 : i32
      %dma_start3A_571 = tpu.memref_slice %arg9[%dma_start3A_567, %dma_start3A_569, %dma_start3A_570] : memref<2x64x128xf32, #tpu.memory_space<vmem>> -> memref<1x64x128xf32, #tpu.memory_space<vmem>>
      %dma_start3A_572 = tpu.memref_squeeze %dma_start3A_571 : memref<1x64x128xf32, #tpu.memory_space<vmem>> -> memref<64x128xf32, #tpu.memory_space<vmem>>
      %dma_start3A_573 = arith.constant 0 : i32
      %dma_start3A_574 = tpu.memref_slice %arg7[%rem3A_293, %dma_start3A_573] : memref<2x1024xi32, #tpu.memory_space<vmem>> -> memref<1x64xi32, #tpu.memory_space<vmem>>
      %dma_start3A_575 = tpu.memref_squeeze %dma_start3A_574 : memref<1x64xi32, #tpu.memory_space<vmem>> -> memref<64xi32, #tpu.memory_space<vmem>>
      %dma_start3A_576 = arith.constant 0 : i32
      %dma_start3A_577 = arith.constant 0 : i32
      %dma_start3A_578 = tpu.memref_slice %arg2[%dma_start3A_576, %dma_start3A_577] : memref<10016x128xf32, #tpu.memory_space<hbm>> -> memref<10016x128xf32, #tpu.memory_space<hbm>>
      %dma_start3A_579 = tpu.memref_slice %arg12[%dma_start3A_568] : memref<2x!tpu.dma_semaphore, #tpu.memory_space<semaphore_mem>> -> memref<1x!tpu.dma_semaphore, #tpu.memory_space<semaphore_mem>>
      %dma_start3A_580 = tpu.memref_squeeze %dma_start3A_579 : memref<1x!tpu.dma_semaphore, #tpu.memory_space<semaphore_mem>> -> memref<!tpu.dma_semaphore, #tpu.memory_space<semaphore_mem>>
      tpu.enqueue_indirect_dma source(%dma_start3A_578 : memref<10016x128xf32, #tpu.memory_space<hbm>>) target(%dma_start3A_572 : memref<64x128xf32, #tpu.memory_space<vmem>>) offsets(%dma_start3A_575 : memref<64xi32, #tpu.memory_space<vmem>>) semaphore(%dma_start3A_580 : memref<!tpu.dma_semaphore, #tpu.memory_space<semaphore_mem>>)
      %mul3A_581 = arith.constant 16 : i32
      %mul3A_582 = arith.muli %rem3A_293, %mul3A_581 : i32
      %add3A_583 = arith.constant 0 : i32
      %add3A_584 = arith.addi %mul3A_582, %add3A_583 : i32
      %dma_start3A_585 = arith.constant 0 : i32
      %dma_start3A_586 = arith.constant 0 : i32
      %dma_start3A_587 = arith.constant 0 : i32
      %dma_start3A_588 = arith.constant 0 : i32
      %dma_start3A_589 = tpu.memref_slice %arg10[%dma_start3A_585, %dma_start3A_587, %dma_start3A_588] : memref<2x64x128xf32, #tpu.memory_space<vmem>> -> memref<1x64x128xf32, #tpu.memory_space<vmem>>
      %dma_start3A_590 = tpu.memref_squeeze %dma_start3A_589 : memref<1x64x128xf32, #tpu.memory_space<vmem>> -> memref<64x128xf32, #tpu.memory_space<vmem>>
      %dma_start3A_591 = arith.constant 0 : i32
      %dma_start3A_592 = tpu.memref_slice %arg8[%add3A_584, %dma_start3A_591] : memref<32x64xi32, #tpu.memory_space<vmem>> -> memref<1x64xi32, #tpu.memory_space<vmem>>
      %dma_start3A_593 = tpu.memref_squeeze %dma_start3A_592 : memref<1x64xi32, #tpu.memory_space<vmem>> -> memref<64xi32, #tpu.memory_space<vmem>>
      %dma_start3A_594 = arith.constant 0 : i32
      %dma_start3A_595 = arith.constant 0 : i32
      %dma_start3A_596 = tpu.memref_slice %arg3[%dma_start3A_594, %dma_start3A_595] : memref<10016x128xf32, #tpu.memory_space<hbm>> -> memref<10016x128xf32, #tpu.memory_space<hbm>>
      %dma_start3A_597 = tpu.memref_slice %arg13[%dma_start3A_586] : memref<2x!tpu.dma_semaphore, #tpu.memory_space<semaphore_mem>> -> memref<1x!tpu.dma_semaphore, #tpu.memory_space<semaphore_mem>>
      %dma_start3A_598 = tpu.memref_squeeze %dma_start3A_597 : memref<1x!tpu.dma_semaphore, #tpu.memory_space<semaphore_mem>> -> memref<!tpu.dma_semaphore, #tpu.memory_space<semaphore_mem>>
      tpu.enqueue_indirect_dma source(%dma_start3A_596 : memref<10016x128xf32, #tpu.memory_space<hbm>>) target(%dma_start3A_590 : memref<64x128xf32, #tpu.memory_space<vmem>>) offsets(%dma_start3A_593 : memref<64xi32, #tpu.memory_space<vmem>>) semaphore(%dma_start3A_598 : memref<!tpu.dma_semaphore, #tpu.memory_space<semaphore_mem>>)
      %scan3A_599 = arith.constant 0 : i32
      %scan3A_600 = arith.constant 0 : i32
      %scan3A_601 = arith.constant 16 : i32
      %scan3A_602 = arith.addi %scan3A_600, %scan3A_601 : i32
      %scan3A_603 = arith.constant 1 : i32
      scf.for %scan3A_605 = %scan3A_600 to %scan3A_602 step %scan3A_603  : i32 {
        %rem3A_606 = arith.constant 2 : i32
        %rem3A_607 = arith.remsi %scan3A_605, %rem3A_606 : i32
        %lt3A_608 = arith.constant 15 : i32
        %lt3A_609 = arith.cmpi slt, %scan3A_605, %lt3A_608 : i32
        %convert_element_type3A_610 = arith.extui %lt3A_609 : i1 to i32
        %cond3A_611 = arith.constant 0 : i32
        %cond3A_612 = arith.cmpi ne, %convert_element_type3A_610, %cond3A_611 : i32
        scf.if %cond3A_612 {
          %add3A_650 = arith.constant 1 : i32
          %add3A_651 = arith.addi %scan3A_605, %add3A_650 : i32
          %sub3A = arith.constant 1 : i32
          %sub3A_652 = arith.subi %sub3A, %rem3A_607 : i32
          %mul3A_653 = arith.constant 64 : i32
          %mul3A_654 = arith.muli %add3A_651, %mul3A_653 : i32
          %dma_start3A_655 = arith.constant 0 : i32
          %dma_start3A_656 = arith.constant 0 : i32
          %dma_start3A_657 = tpu.memref_slice %arg9[%sub3A_652, %dma_start3A_655, %dma_start3A_656] : memref<2x64x128xf32, #tpu.memory_space<vmem>> -> memref<1x64x128xf32, #tpu.memory_space<vmem>>
          %dma_start3A_658 = tpu.memref_squeeze %dma_start3A_657 : memref<1x64x128xf32, #tpu.memory_space<vmem>> -> memref<64x128xf32, #tpu.memory_space<vmem>>
          %dma_start3A_659 = tpu.memref_slice %arg7[%rem3A_293, %mul3A_654] : memref<2x1024xi32, #tpu.memory_space<vmem>> -> memref<1x64xi32, #tpu.memory_space<vmem>>
          %dma_start3A_660 = tpu.memref_squeeze %dma_start3A_659 : memref<1x64xi32, #tpu.memory_space<vmem>> -> memref<64xi32, #tpu.memory_space<vmem>>
          %dma_start3A_661 = arith.constant 0 : i32
          %dma_start3A_662 = arith.constant 0 : i32
          %dma_start3A_663 = tpu.memref_slice %arg2[%dma_start3A_661, %dma_start3A_662] : memref<10016x128xf32, #tpu.memory_space<hbm>> -> memref<10016x128xf32, #tpu.memory_space<hbm>>
          %dma_start3A_664 = tpu.memref_slice %arg12[%sub3A_652] : memref<2x!tpu.dma_semaphore, #tpu.memory_space<semaphore_mem>> -> memref<1x!tpu.dma_semaphore, #tpu.memory_space<semaphore_mem>>
          %dma_start3A_665 = tpu.memref_squeeze %dma_start3A_664 : memref<1x!tpu.dma_semaphore, #tpu.memory_space<semaphore_mem>> -> memref<!tpu.dma_semaphore, #tpu.memory_space<semaphore_mem>>
          tpu.enqueue_indirect_dma source(%dma_start3A_663 : memref<10016x128xf32, #tpu.memory_space<hbm>>) target(%dma_start3A_658 : memref<64x128xf32, #tpu.memory_space<vmem>>) offsets(%dma_start3A_660 : memref<64xi32, #tpu.memory_space<vmem>>) semaphore(%dma_start3A_665 : memref<!tpu.dma_semaphore, #tpu.memory_space<semaphore_mem>>)
          %mul3A_666 = arith.constant 16 : i32
          %mul3A_667 = arith.muli %rem3A_293, %mul3A_666 : i32
          %add3A_668 = arith.addi %mul3A_667, %add3A_651 : i32
          %dma_start3A_669 = arith.constant 0 : i32
          %dma_start3A_670 = arith.constant 0 : i32
          %dma_start3A_671 = tpu.memref_slice %arg10[%sub3A_652, %dma_start3A_669, %dma_start3A_670] : memref<2x64x128xf32, #tpu.memory_space<vmem>> -> memref<1x64x128xf32, #tpu.memory_space<vmem>>
          %dma_start3A_672 = tpu.memref_squeeze %dma_start3A_671 : memref<1x64x128xf32, #tpu.memory_space<vmem>> -> memref<64x128xf32, #tpu.memory_space<vmem>>
          %dma_start3A_673 = arith.constant 0 : i32
          %dma_start3A_674 = tpu.memref_slice %arg8[%add3A_668, %dma_start3A_673] : memref<32x64xi32, #tpu.memory_space<vmem>> -> memref<1x64xi32, #tpu.memory_space<vmem>>
          %dma_start3A_675 = tpu.memref_squeeze %dma_start3A_674 : memref<1x64xi32, #tpu.memory_space<vmem>> -> memref<64xi32, #tpu.memory_space<vmem>>
          %dma_start3A_676 = arith.constant 0 : i32
          %dma_start3A_677 = arith.constant 0 : i32
          %dma_start3A_678 = tpu.memref_slice %arg3[%dma_start3A_676, %dma_start3A_677] : memref<10016x128xf32, #tpu.memory_space<hbm>> -> memref<10016x128xf32, #tpu.memory_space<hbm>>
          %dma_start3A_679 = tpu.memref_slice %arg13[%sub3A_652] : memref<2x!tpu.dma_semaphore, #tpu.memory_space<semaphore_mem>> -> memref<1x!tpu.dma_semaphore, #tpu.memory_space<semaphore_mem>>
          %dma_start3A_680 = tpu.memref_squeeze %dma_start3A_679 : memref<1x!tpu.dma_semaphore, #tpu.memory_space<semaphore_mem>> -> memref<!tpu.dma_semaphore, #tpu.memory_space<semaphore_mem>>
          tpu.enqueue_indirect_dma source(%dma_start3A_678 : memref<10016x128xf32, #tpu.memory_space<hbm>>) target(%dma_start3A_672 : memref<64x128xf32, #tpu.memory_space<vmem>>) offsets(%dma_start3A_675 : memref<64xi32, #tpu.memory_space<vmem>>) semaphore(%dma_start3A_680 : memref<!tpu.dma_semaphore, #tpu.memory_space<semaphore_mem>>)
        } else {
        }
        %mul3A_613 = arith.constant 64 : i32
        %mul3A_614 = arith.muli %scan3A_605, %mul3A_613 : i32
        %dma_wait3A_615 = arith.constant 0 : i32
        %dma_wait3A_616 = arith.constant 0 : i32
        %dma_wait3A_617 = tpu.memref_slice %arg9[%rem3A_607, %dma_wait3A_615, %dma_wait3A_616] : memref<2x64x128xf32, #tpu.memory_space<vmem>> -> memref<1x64x128xf32, #tpu.memory_space<vmem>>
        %dma_wait3A_618 = tpu.memref_squeeze %dma_wait3A_617 : memref<1x64x128xf32, #tpu.memory_space<vmem>> -> memref<64x128xf32, #tpu.memory_space<vmem>>
        %dma_wait3A_619 = tpu.memref_slice %arg7[%rem3A_293, %mul3A_614] : memref<2x1024xi32, #tpu.memory_space<vmem>> -> memref<1x64xi32, #tpu.memory_space<vmem>>
        %dma_wait3A_620 = tpu.memref_squeeze %dma_wait3A_619 : memref<1x64xi32, #tpu.memory_space<vmem>> -> memref<64xi32, #tpu.memory_space<vmem>>
        %dma_wait3A_621 = arith.constant 0 : i32
        %dma_wait3A_622 = arith.constant 0 : i32
        %dma_wait3A_623 = tpu.memref_slice %arg2[%dma_wait3A_621, %dma_wait3A_622] : memref<10016x128xf32, #tpu.memory_space<hbm>> -> memref<10016x128xf32, #tpu.memory_space<hbm>>
        %dma_wait3A_624 = tpu.memref_slice %arg12[%rem3A_607] : memref<2x!tpu.dma_semaphore, #tpu.memory_space<semaphore_mem>> -> memref<1x!tpu.dma_semaphore, #tpu.memory_space<semaphore_mem>>
        %dma_wait3A_625 = tpu.memref_squeeze %dma_wait3A_624 : memref<1x!tpu.dma_semaphore, #tpu.memory_space<semaphore_mem>> -> memref<!tpu.dma_semaphore, #tpu.memory_space<semaphore_mem>>
        tpu.wait_indirect_dma semaphore(%dma_wait3A_625 : memref<!tpu.dma_semaphore, #tpu.memory_space<semaphore_mem>>) src(%dma_wait3A_623 : memref<10016x128xf32, #tpu.memory_space<hbm>>) dst(%dma_wait3A_618 : memref<64x128xf32, #tpu.memory_space<vmem>>)
        %mul3A_626 = arith.constant 16 : i32
        %mul3A_627 = arith.muli %rem3A_293, %mul3A_626 : i32
        %add3A_628 = arith.addi %mul3A_627, %scan3A_605 : i32
        %dma_wait3A_629 = arith.constant 0 : i32
        %dma_wait3A_630 = arith.constant 0 : i32
        %dma_wait3A_631 = tpu.memref_slice %arg10[%rem3A_607, %dma_wait3A_629, %dma_wait3A_630] : memref<2x64x128xf32, #tpu.memory_space<vmem>> -> memref<1x64x128xf32, #tpu.memory_space<vmem>>
        %dma_wait3A_632 = tpu.memref_squeeze %dma_wait3A_631 : memref<1x64x128xf32, #tpu.memory_space<vmem>> -> memref<64x128xf32, #tpu.memory_space<vmem>>
        %dma_wait3A_633 = arith.constant 0 : i32
        %dma_wait3A_634 = tpu.memref_slice %arg8[%add3A_628, %dma_wait3A_633] : memref<32x64xi32, #tpu.memory_space<vmem>> -> memref<1x64xi32, #tpu.memory_space<vmem>>
        %dma_wait3A_635 = tpu.memref_squeeze %dma_wait3A_634 : memref<1x64xi32, #tpu.memory_space<vmem>> -> memref<64xi32, #tpu.memory_space<vmem>>
        %dma_wait3A_636 = arith.constant 0 : i32
        %dma_wait3A_637 = arith.constant 0 : i32
        %dma_wait3A_638 = tpu.memref_slice %arg3[%dma_wait3A_636, %dma_wait3A_637] : memref<10016x128xf32, #tpu.memory_space<hbm>> -> memref<10016x128xf32, #tpu.memory_space<hbm>>
        %dma_wait3A_639 = tpu.memref_slice %arg13[%rem3A_607] : memref<2x!tpu.dma_semaphore, #tpu.memory_space<semaphore_mem>> -> memref<1x!tpu.dma_semaphore, #tpu.memory_space<semaphore_mem>>
        %dma_wait3A_640 = tpu.memref_squeeze %dma_wait3A_639 : memref<1x!tpu.dma_semaphore, #tpu.memory_space<semaphore_mem>> -> memref<!tpu.dma_semaphore, #tpu.memory_space<semaphore_mem>>
        tpu.wait_indirect_dma semaphore(%dma_wait3A_640 : memref<!tpu.dma_semaphore, #tpu.memory_space<semaphore_mem>>) src(%dma_wait3A_638 : memref<10016x128xf32, #tpu.memory_space<hbm>>) dst(%dma_wait3A_632 : memref<64x128xf32, #tpu.memory_space<vmem>>)
        %scan3A_641 = arith.constant 0 : i32
        %scan3A_642 = arith.constant 0 : i32
        %scan3A_643 = arith.constant 64 : i32
        %scan3A_644 = arith.addi %scan3A_642, %scan3A_643 : i32
        %scan3A_645 = arith.constant 1 : i32
        scf.for %scan3A_650 = %scan3A_642 to %scan3A_644 step %scan3A_645  : i32 {
          %get3A = arith.index_cast %rem3A_607 : i32 to index
          %get3A_651 = arith.index_cast %scan3A_650 : i32 to index
          %get3A_652 = arith.constant 0 : index
          %get3A_653 = tpu.vector_load %arg9[%get3A, %get3A_651, %get3A_652] {strides = array<i32>} : memref<2x64x128xf32, #tpu.memory_space<vmem>>, vector<1x1x16xf32>,
          %get3A_654 = vector.shape_cast %get3A_653 : vector<1x1x16xf32> to vector<16xf32>
          %get3A_655 = arith.index_cast %rem3A_607 : i32 to index
          %get3A_656 = arith.index_cast %scan3A_650 : i32 to index
          %get3A_657 = arith.constant 0 : index
          %get3A_658 = tpu.vector_load %arg10[%get3A_655, %get3A_656, %get3A_657] {strides = array<i32>} : memref<2x64x128xf32, #tpu.memory_space<vmem>>, vector<1x1x16xf32>,
          %get3A_659 = vector.shape_cast %get3A_658 : vector<1x1x16xf32> to vector<16xf32>
          %add3A_660 = arith.addf %get3A_654, %get3A_659 : vector<16xf32>
          %max3A = arith.constant 0.000000e+00 : f32
          %max3A_661 = vector.broadcast %max3A : f32 to vector<16xf32>
          %max3A_662 = arith.maximumf %add3A_660, %max3A_661 : vector<16xf32>
          %swap3A = arith.index_cast %rem3A_607 : i32 to index
          %swap3A_663 = arith.index_cast %scan3A_650 : i32 to index
          %swap3A_664 = arith.constant 0 : index
          %swap3A_665 = tpu.vector_load %arg9[%swap3A, %swap3A_663, %swap3A_664] {strides = array<i32>} : memref<2x64x128xf32, #tpu.memory_space<vmem>>, vector<1x1x16xf32>,
          %swap3A_666 = vector.shape_cast %swap3A_665 : vector<1x1x16xf32> to vector<16xf32>
          %swap3A_667 = vector.shape_cast %max3A_662 : vector<16xf32> to vector<1x1x16xf32>
          tpu.vector_store %arg9[%swap3A, %swap3A_663, %swap3A_664], %swap3A_667 {strides = array<i32>} : memref<2x64x128xf32, #tpu.memory_space<vmem>>, vector<1x1x16xf32>,
          %get3A_668 = arith.index_cast %rem3A_607 : i32 to index
          %get3A_669 = arith.index_cast %scan3A_650 : i32 to index
          %get3A_670 = arith.constant 16 : index
          %get3A_671 = tpu.vector_load %arg9[%get3A_668, %get3A_669, %get3A_670] {strides = array<i32>} : memref<2x64x128xf32, #tpu.memory_space<vmem>>, vector<1x1x16xf32>,
          %get3A_672 = vector.shape_cast %get3A_671 : vector<1x1x16xf32> to vector<16xf32>
          %get3A_673 = arith.index_cast %rem3A_607 : i32 to index
          %get3A_674 = arith.index_cast %scan3A_650 : i32 to index
          %get3A_675 = arith.constant 16 : index
          %get3A_676 = tpu.vector_load %arg10[%get3A_673, %get3A_674, %get3A_675] {strides = array<i32>} : memref<2x64x128xf32, #tpu.memory_space<vmem>>, vector<1x1x16xf32>,
          %get3A_677 = vector.shape_cast %get3A_676 : vector<1x1x16xf32> to vector<16xf32>
          %add3A_678 = arith.addf %get3A_672, %get3A_677 : vector<16xf32>
          %max3A_679 = arith.constant 0.000000e+00 : f32
          %max3A_680 = vector.broadcast %max3A_679 : f32 to vector<16xf32>
          %max3A_681 = arith.maximumf %add3A_678, %max3A_680 : vector<16xf32>
          %swap3A_682 = arith.index_cast %rem3A_607 : i32 to index
          %swap3A_683 = arith.index_cast %scan3A_650 : i32 to index
          %swap3A_684 = arith.constant 16 : index
          %swap3A_685 = tpu.vector_load %arg9[%swap3A_682, %swap3A_683, %swap3A_684] {strides = array<i32>} : memref<2x64x128xf32, #tpu.memory_space<vmem>>, vector<1x1x16xf32>,
          %swap3A_686 = vector.shape_cast %swap3A_685 : vector<1x1x16xf32> to vector<16xf32>
          %swap3A_687 = vector.shape_cast %max3A_681 : vector<16xf32> to vector<1x1x16xf32>
          tpu.vector_store %arg9[%swap3A_682, %swap3A_683, %swap3A_684], %swap3A_687 {strides = array<i32>} : memref<2x64x128xf32, #tpu.memory_space<vmem>>, vector<1x1x16xf32>,
          %get3A_688 = arith.index_cast %rem3A_607 : i32 to index
          %get3A_689 = arith.index_cast %scan3A_650 : i32 to index
          %get3A_690 = arith.constant 32 : index
          %get3A_691 = tpu.vector_load %arg9[%get3A_688, %get3A_689, %get3A_690] {strides = array<i32>} : memref<2x64x128xf32, #tpu.memory_space<vmem>>, vector<1x1x16xf32>,
          %get3A_692 = vector.shape_cast %get3A_691 : vector<1x1x16xf32> to vector<16xf32>
          %get3A_693 = arith.index_cast %rem3A_607 : i32 to index
          %get3A_694 = arith.index_cast %scan3A_650 : i32 to index
          %get3A_695 = arith.constant 32 : index
          %get3A_696 = tpu.vector_load %arg10[%get3A_693, %get3A_694, %get3A_695] {strides = array<i32>} : memref<2x64x128xf32, #tpu.memory_space<vmem>>, vector<1x1x16xf32>,
          %get3A_697 = vector.shape_cast %get3A_696 : vector<1x1x16xf32> to vector<16xf32>
          %add3A_698 = arith.addf %get3A_692, %get3A_697 : vector<16xf32>
          %max3A_699 = arith.constant 0.000000e+00 : f32
          %max3A_700 = vector.broadcast %max3A_699 : f32 to vector<16xf32>
          %max3A_701 = arith.maximumf %add3A_698, %max3A_700 : vector<16xf32>
          %swap3A_702 = arith.index_cast %rem3A_607 : i32 to index
          %swap3A_703 = arith.index_cast %scan3A_650 : i32 to index
          %swap3A_704 = arith.constant 32 : index
          %swap3A_705 = tpu.vector_load %arg9[%swap3A_702, %swap3A_703, %swap3A_704] {strides = array<i32>} : memref<2x64x128xf32, #tpu.memory_space<vmem>>, vector<1x1x16xf32>,
          %swap3A_706 = vector.shape_cast %swap3A_705 : vector<1x1x16xf32> to vector<16xf32>
          %swap3A_707 = vector.shape_cast %max3A_701 : vector<16xf32> to vector<1x1x16xf32>
          tpu.vector_store %arg9[%swap3A_702, %swap3A_703, %swap3A_704], %swap3A_707 {strides = array<i32>} : memref<2x64x128xf32, #tpu.memory_space<vmem>>, vector<1x1x16xf32>,
          %get3A_708 = arith.index_cast %rem3A_607 : i32 to index
          %get3A_709 = arith.index_cast %scan3A_650 : i32 to index
          %get3A_710 = arith.constant 48 : index
          %get3A_711 = tpu.vector_load %arg9[%get3A_708, %get3A_709, %get3A_710] {strides = array<i32>} : memref<2x64x128xf32, #tpu.memory_space<vmem>>, vector<1x1x16xf32>,
          %get3A_712 = vector.shape_cast %get3A_711 : vector<1x1x16xf32> to vector<16xf32>
          %get3A_713 = arith.index_cast %rem3A_607 : i32 to index
          %get3A_714 = arith.index_cast %scan3A_650 : i32 to index
          %get3A_715 = arith.constant 48 : index
          %get3A_716 = tpu.vector_load %arg10[%get3A_713, %get3A_714, %get3A_715] {strides = array<i32>} : memref<2x64x128xf32, #tpu.memory_space<vmem>>, vector<1x1x16xf32>,
          %get3A_717 = vector.shape_cast %get3A_716 : vector<1x1x16xf32> to vector<16xf32>
          %add3A_718 = arith.addf %get3A_712, %get3A_717 : vector<16xf32>
          %max3A_719 = arith.constant 0.000000e+00 : f32
          %max3A_720 = vector.broadcast %max3A_719 : f32 to vector<16xf32>
          %max3A_721 = arith.maximumf %add3A_718, %max3A_720 : vector<16xf32>
          %swap3A_722 = arith.index_cast %rem3A_607 : i32 to index
          %swap3A_723 = arith.index_cast %scan3A_650 : i32 to index
          %swap3A_724 = arith.constant 48 : index
          %swap3A_725 = tpu.vector_load %arg9[%swap3A_722, %swap3A_723, %swap3A_724] {strides = array<i32>} : memref<2x64x128xf32, #tpu.memory_space<vmem>>, vector<1x1x16xf32>,
          %swap3A_726 = vector.shape_cast %swap3A_725 : vector<1x1x16xf32> to vector<16xf32>
          %swap3A_727 = vector.shape_cast %max3A_721 : vector<16xf32> to vector<1x1x16xf32>
          tpu.vector_store %arg9[%swap3A_722, %swap3A_723, %swap3A_724], %swap3A_727 {strides = array<i32>} : memref<2x64x128xf32, #tpu.memory_space<vmem>>, vector<1x1x16xf32>,
          %get3A_728 = arith.index_cast %rem3A_607 : i32 to index
          %get3A_729 = arith.index_cast %scan3A_650 : i32 to index
          %get3A_730 = arith.constant 64 : index
          %get3A_731 = tpu.vector_load %arg9[%get3A_728, %get3A_729, %get3A_730] {strides = array<i32>} : memref<2x64x128xf32, #tpu.memory_space<vmem>>, vector<1x1x16xf32>,
          %get3A_732 = vector.shape_cast %get3A_731 : vector<1x1x16xf32> to vector<16xf32>
          %get3A_733 = arith.index_cast %rem3A_607 : i32 to index
          %get3A_734 = arith.index_cast %scan3A_650 : i32 to index
          %get3A_735 = arith.constant 64 : index
          %get3A_736 = tpu.vector_load %arg10[%get3A_733, %get3A_734, %get3A_735] {strides = array<i32>} : memref<2x64x128xf32, #tpu.memory_space<vmem>>, vector<1x1x16xf32>,
          %get3A_737 = vector.shape_cast %get3A_736 : vector<1x1x16xf32> to vector<16xf32>
          %add3A_738 = arith.addf %get3A_732, %get3A_737 : vector<16xf32>
          %max3A_739 = arith.constant 0.000000e+00 : f32
          %max3A_740 = vector.broadcast %max3A_739 : f32 to vector<16xf32>
          %max3A_741 = arith.maximumf %add3A_738, %max3A_740 : vector<16xf32>
          %swap3A_742 = arith.index_cast %rem3A_607 : i32 to index
          %swap3A_743 = arith.index_cast %scan3A_650 : i32 to index
          %swap3A_744 = arith.constant 64 : index
          %swap3A_745 = tpu.vector_load %arg9[%swap3A_742, %swap3A_743, %swap3A_744] {strides = array<i32>} : memref<2x64x128xf32, #tpu.memory_space<vmem>>, vector<1x1x16xf32>,
          %swap3A_746 = vector.shape_cast %swap3A_745 : vector<1x1x16xf32> to vector<16xf32>
          %swap3A_747 = vector.shape_cast %max3A_741 : vector<16xf32> to vector<1x1x16xf32>
          tpu.vector_store %arg9[%swap3A_742, %swap3A_743, %swap3A_744], %swap3A_747 {strides = array<i32>} : memref<2x64x128xf32, #tpu.memory_space<vmem>>, vector<1x1x16xf32>,
          %get3A_748 = arith.index_cast %rem3A_607 : i32 to index
          %get3A_749 = arith.index_cast %scan3A_650 : i32 to index
          %get3A_750 = arith.constant 80 : index
          %get3A_751 = tpu.vector_load %arg9[%get3A_748, %get3A_749, %get3A_750] {strides = array<i32>} : memref<2x64x128xf32, #tpu.memory_space<vmem>>, vector<1x1x16xf32>,
          %get3A_752 = vector.shape_cast %get3A_751 : vector<1x1x16xf32> to vector<16xf32>
          %get3A_753 = arith.index_cast %rem3A_607 : i32 to index
          %get3A_754 = arith.index_cast %scan3A_650 : i32 to index
          %get3A_755 = arith.constant 80 : index
          %get3A_756 = tpu.vector_load %arg10[%get3A_753, %get3A_754, %get3A_755] {strides = array<i32>} : memref<2x64x128xf32, #tpu.memory_space<vmem>>, vector<1x1x16xf32>,
          %get3A_757 = vector.shape_cast %get3A_756 : vector<1x1x16xf32> to vector<16xf32>
          %add3A_758 = arith.addf %get3A_752, %get3A_757 : vector<16xf32>
          %max3A_759 = arith.constant 0.000000e+00 : f32
          %max3A_760 = vector.broadcast %max3A_759 : f32 to vector<16xf32>
          %max3A_761 = arith.maximumf %add3A_758, %max3A_760 : vector<16xf32>
          %swap3A_762 = arith.index_cast %rem3A_607 : i32 to index
          %swap3A_763 = arith.index_cast %scan3A_650 : i32 to index
          %swap3A_764 = arith.constant 80 : index
          %swap3A_765 = tpu.vector_load %arg9[%swap3A_762, %swap3A_763, %swap3A_764] {strides = array<i32>} : memref<2x64x128xf32, #tpu.memory_space<vmem>>, vector<1x1x16xf32>,
          %swap3A_766 = vector.shape_cast %swap3A_765 : vector<1x1x16xf32> to vector<16xf32>
          %swap3A_767 = vector.shape_cast %max3A_761 : vector<16xf32> to vector<1x1x16xf32>
          tpu.vector_store %arg9[%swap3A_762, %swap3A_763, %swap3A_764], %swap3A_767 {strides = array<i32>} : memref<2x64x128xf32, #tpu.memory_space<vmem>>, vector<1x1x16xf32>,
          %get3A_768 = arith.index_cast %rem3A_607 : i32 to index
          %get3A_769 = arith.index_cast %scan3A_650 : i32 to index
          %get3A_770 = arith.constant 96 : index
          %get3A_771 = tpu.vector_load %arg9[%get3A_768, %get3A_769, %get3A_770] {strides = array<i32>} : memref<2x64x128xf32, #tpu.memory_space<vmem>>, vector<1x1x16xf32>,
          %get3A_772 = vector.shape_cast %get3A_771 : vector<1x1x16xf32> to vector<16xf32>
          %get3A_773 = arith.index_cast %rem3A_607 : i32 to index
          %get3A_774 = arith.index_cast %scan3A_650 : i32 to index
          %get3A_775 = arith.constant 96 : index
          %get3A_776 = tpu.vector_load %arg10[%get3A_773, %get3A_774, %get3A_775] {strides = array<i32>} : memref<2x64x128xf32, #tpu.memory_space<vmem>>, vector<1x1x16xf32>,
          %get3A_777 = vector.shape_cast %get3A_776 : vector<1x1x16xf32> to vector<16xf32>
          %add3A_778 = arith.addf %get3A_772, %get3A_777 : vector<16xf32>
          %max3A_779 = arith.constant 0.000000e+00 : f32
          %max3A_780 = vector.broadcast %max3A_779 : f32 to vector<16xf32>
          %max3A_781 = arith.maximumf %add3A_778, %max3A_780 : vector<16xf32>
          %swap3A_782 = arith.index_cast %rem3A_607 : i32 to index
          %swap3A_783 = arith.index_cast %scan3A_650 : i32 to index
          %swap3A_784 = arith.constant 96 : index
          %swap3A_785 = tpu.vector_load %arg9[%swap3A_782, %swap3A_783, %swap3A_784] {strides = array<i32>} : memref<2x64x128xf32, #tpu.memory_space<vmem>>, vector<1x1x16xf32>,
          %swap3A_786 = vector.shape_cast %swap3A_785 : vector<1x1x16xf32> to vector<16xf32>
          %swap3A_787 = vector.shape_cast %max3A_781 : vector<16xf32> to vector<1x1x16xf32>
          tpu.vector_store %arg9[%swap3A_782, %swap3A_783, %swap3A_784], %swap3A_787 {strides = array<i32>} : memref<2x64x128xf32, #tpu.memory_space<vmem>>, vector<1x1x16xf32>,
          %get3A_788 = arith.index_cast %rem3A_607 : i32 to index
          %get3A_789 = arith.index_cast %scan3A_650 : i32 to index
          %get3A_790 = arith.constant 112 : index
          %get3A_791 = tpu.vector_load %arg9[%get3A_788, %get3A_789, %get3A_790] {strides = array<i32>} : memref<2x64x128xf32, #tpu.memory_space<vmem>>, vector<1x1x16xf32>,
          %get3A_792 = vector.shape_cast %get3A_791 : vector<1x1x16xf32> to vector<16xf32>
          %get3A_793 = arith.index_cast %rem3A_607 : i32 to index
          %get3A_794 = arith.index_cast %scan3A_650 : i32 to index
          %get3A_795 = arith.constant 112 : index
          %get3A_796 = tpu.vector_load %arg10[%get3A_793, %get3A_794, %get3A_795] {strides = array<i32>} : memref<2x64x128xf32, #tpu.memory_space<vmem>>, vector<1x1x16xf32>,
          %get3A_797 = vector.shape_cast %get3A_796 : vector<1x1x16xf32> to vector<16xf32>
          %add3A_798 = arith.addf %get3A_792, %get3A_797 : vector<16xf32>
          %max3A_799 = arith.constant 0.000000e+00 : f32
          %max3A_800 = vector.broadcast %max3A_799 : f32 to vector<16xf32>
          %max3A_801 = arith.maximumf %add3A_798, %max3A_800 : vector<16xf32>
          %swap3A_802 = arith.index_cast %rem3A_607 : i32 to index
          %swap3A_803 = arith.index_cast %scan3A_650 : i32 to index
          %swap3A_804 = arith.constant 112 : index
          %swap3A_805 = tpu.vector_load %arg9[%swap3A_802, %swap3A_803, %swap3A_804] {strides = array<i32>} : memref<2x64x128xf32, #tpu.memory_space<vmem>>, vector<1x1x16xf32>,
          %swap3A_806 = vector.shape_cast %swap3A_805 : vector<1x1x16xf32> to vector<16xf32>
          %swap3A_807 = vector.shape_cast %max3A_801 : vector<16xf32> to vector<1x1x16xf32>
          tpu.vector_store %arg9[%swap3A_802, %swap3A_803, %swap3A_804], %swap3A_807 {strides = array<i32>} : memref<2x64x128xf32, #tpu.memory_space<vmem>>, vector<1x1x16xf32>,
        }
        %scan3A_646 = arith.constant 64 : i32
        %mul3A_647 = arith.constant 16 : i32
        %mul3A_648 = arith.muli %rem3A_293, %mul3A_647 : i32
        %add3A_649 = arith.addi %mul3A_648, %scan3A_605 : i32
        "tpu.region"() ({
          %run_scoped3A_650 = tpu.sem_alloc : memref<!tpu.dma_semaphore, #tpu.memory_space<semaphore_mem>>
          %dma_start3A_651 = arith.constant 0 : i32
          %dma_start3A_652 = arith.constant 0 : i32
          %dma_start3A_653 = tpu.memref_slice %arg9[%rem3A_607, %dma_start3A_651, %dma_start3A_652] : memref<2x64x128xf32, #tpu.memory_space<vmem>> -> memref<1x64x128xf32, #tpu.memory_space<vmem>>
          %dma_start3A_654 = tpu.memref_squeeze %dma_start3A_653 : memref<1x64x128xf32, #tpu.memory_space<vmem>> -> memref<64x128xf32, #tpu.memory_space<vmem>>
          %dma_start3A_655 = arith.constant 0 : i32
          %dma_start3A_656 = tpu.memref_slice %arg8[%add3A_649, %dma_start3A_655] : memref<32x64xi32, #tpu.memory_space<vmem>> -> memref<1x64xi32, #tpu.memory_space<vmem>>
          %dma_start3A_657 = tpu.memref_squeeze %dma_start3A_656 : memref<1x64xi32, #tpu.memory_space<vmem>> -> memref<64xi32, #tpu.memory_space<vmem>>
          %dma_start3A_658 = arith.constant 0 : i32
          %dma_start3A_659 = arith.constant 0 : i32
          %dma_start3A_660 = tpu.memref_slice %arg14[%dma_start3A_658, %dma_start3A_659] : memref<10112x128xf32, #tpu.memory_space<vmem_shared>> -> memref<10112x128xf32, #tpu.memory_space<vmem_shared>>
          tpu.enqueue_indirect_dma source(%dma_start3A_654 : memref<64x128xf32, #tpu.memory_space<vmem>>) target(%dma_start3A_660 : memref<10112x128xf32, #tpu.memory_space<vmem_shared>>) offsets(%dma_start3A_657 : memref<64xi32, #tpu.memory_space<vmem>>) semaphore(%run_scoped3A_650 : memref<!tpu.dma_semaphore, #tpu.memory_space<semaphore_mem>>) {add = true}
          %dma_wait3A_661 = arith.constant 0 : i32
          %dma_wait3A_662 = arith.constant 0 : i32
          %dma_wait3A_663 = tpu.memref_slice %arg9[%rem3A_607, %dma_wait3A_661, %dma_wait3A_662] : memref<2x64x128xf32, #tpu.memory_space<vmem>> -> memref<1x64x128xf32, #tpu.memory_space<vmem>>
          %dma_wait3A_664 = tpu.memref_squeeze %dma_wait3A_663 : memref<1x64x128xf32, #tpu.memory_space<vmem>> -> memref<64x128xf32, #tpu.memory_space<vmem>>
          %dma_wait3A_665 = arith.constant 0 : i32
          %dma_wait3A_666 = tpu.memref_slice %arg8[%add3A_649, %dma_wait3A_665] : memref<32x64xi32, #tpu.memory_space<vmem>> -> memref<1x64xi32, #tpu.memory_space<vmem>>
          %dma_wait3A_667 = tpu.memref_squeeze %dma_wait3A_666 : memref<1x64xi32, #tpu.memory_space<vmem>> -> memref<64xi32, #tpu.memory_space<vmem>>
          %dma_wait3A_668 = arith.constant 0 : i32
          %dma_wait3A_669 = arith.constant 0 : i32
          %dma_wait3A_670 = tpu.memref_slice %arg14[%dma_wait3A_668, %dma_wait3A_669] : memref<10112x128xf32, #tpu.memory_space<vmem_shared>> -> memref<10112x128xf32, #tpu.memory_space<vmem_shared>>
          tpu.wait_indirect_dma semaphore(%run_scoped3A_650 : memref<!tpu.dma_semaphore, #tpu.memory_space<semaphore_mem>>) src(%dma_wait3A_664 : memref<64x128xf32, #tpu.memory_space<vmem>>) dst(%dma_wait3A_670 : memref<10112x128xf32, #tpu.memory_space<vmem_shared>>)
          tpu.yield
        }) : () -> ()
      }
      %scan3A_604 = arith.constant 16 : i32
    }
    %scan3A_282 = arith.constant 10 : i32
    %barrier3A_283 = arith.constant 0 : index
    tpu.barrier barrier_id(%barrier3A_283)
    %mul3A_284 = arith.constant 624 : i32
    %mul3A_285 = arith.muli %arg1, %mul3A_284 : i32
    %lt3A = arith.constant 15 : i32
    %lt3A_286 = arith.cmpi slt, %arg1, %lt3A : i32
    %convert_element_type3A = arith.extui %lt3A_286 : i1 to i32
    %cond3A = arith.constant 0 : i32
    %cond3A_287 = arith.cmpi ne, %convert_element_type3A, %cond3A : i32
    scf.if %cond3A_287 {
      "tpu.region"() ({
        %run_scoped3A_292 = tpu.sem_alloc : memref<!tpu.dma_semaphore, #tpu.memory_space<semaphore_mem>>
        %dma_start3A_293 = arith.constant 0 : i32
        %dma_start3A_294 = tpu.memref_slice %arg6[%arg0, %mul3A_285, %dma_start3A_293] : memref<2x10000x128xf32, #tpu.memory_space<hbm>> -> memref<1x624x128xf32, #tpu.memory_space<hbm>>
        %dma_start3A_295 = tpu.memref_squeeze %dma_start3A_294 : memref<1x624x128xf32, #tpu.memory_space<hbm>> -> memref<624x128xf32, #tpu.memory_space<hbm>>
        %dma_start3A_296 = arith.constant 0 : i32
        %dma_start3A_297 = tpu.memref_slice %arg14[%mul3A_285, %dma_start3A_296] : memref<10112x128xf32, #tpu.memory_space<vmem_shared>> -> memref<624x128xf32, #tpu.memory_space<vmem_shared>>
        tpu.enqueue_dma source(%dma_start3A_297 : memref<624x128xf32, #tpu.memory_space<vmem_shared>>) target(%dma_start3A_295 : memref<624x128xf32, #tpu.memory_space<hbm>>) target_semaphore(%run_scoped3A_292 : memref<!tpu.dma_semaphore, #tpu.memory_space<semaphore_mem>>)
        %dma_wait3A = arith.constant 0 : i32
        %dma_wait3A_298 = tpu.memref_slice %arg6[%arg0, %mul3A_285, %dma_wait3A] : memref<2x10000x128xf32, #tpu.memory_space<hbm>> -> memref<1x624x128xf32, #tpu.memory_space<hbm>>
        %dma_wait3A_299 = tpu.memref_squeeze %dma_wait3A_298 : memref<1x624x128xf32, #tpu.memory_space<hbm>> -> memref<624x128xf32, #tpu.memory_space<hbm>>
        %dma_wait3A_300 = arith.constant 0 : i32
        %dma_wait3A_301 = tpu.memref_slice %arg14[%mul3A_285, %dma_wait3A_300] : memref<10112x128xf32, #tpu.memory_space<vmem_shared>> -> memref<624x128xf32, #tpu.memory_space<vmem_shared>>
        tpu.wait_dma2 semaphore(%run_scoped3A_292 : memref<!tpu.dma_semaphore, #tpu.memory_space<semaphore_mem>>) src(%dma_wait3A_301 : memref<624x128xf32, #tpu.memory_space<vmem_shared>>) dst(%dma_wait3A_299 : memref<624x128xf32, #tpu.memory_space<hbm>>)
        tpu.yield
      }) : () -> ()
    } else {
    }
    %eq3A = arith.constant 15 : i32
    %eq3A_288 = arith.cmpi eq, %arg1, %eq3A : i32
    %convert_element_type3A_289 = arith.extui %eq3A_288 : i1 to i32
    %cond3A_290 = arith.constant 0 : i32
    %cond3A_291 = arith.cmpi ne, %convert_element_type3A_289, %cond3A_290 : i32
    scf.if %cond3A_291 {
      "tpu.region"() ({
        %run_scoped3A_292 = tpu.sem_alloc : memref<!tpu.dma_semaphore, #tpu.memory_space<semaphore_mem>>
        %dma_start3A_293 = arith.constant 9360 : i32
        %dma_start3A_294 = arith.constant 0 : i32
        %dma_start3A_295 = tpu.memref_slice %arg6[%arg0, %dma_start3A_293, %dma_start3A_294] : memref<2x10000x128xf32, #tpu.memory_space<hbm>> -> memref<1x640x128xf32, #tpu.memory_space<hbm>>
        %dma_start3A_296 = tpu.memref_squeeze %dma_start3A_295 : memref<1x640x128xf32, #tpu.memory_space<hbm>> -> memref<640x128xf32, #tpu.memory_space<hbm>>
        %dma_start3A_297 = arith.constant 9360 : i32
        %dma_start3A_298 = arith.constant 0 : i32
        %dma_start3A_299 = tpu.memref_slice %arg14[%dma_start3A_297, %dma_start3A_298] : memref<10112x128xf32, #tpu.memory_space<vmem_shared>> -> memref<640x128xf32, #tpu.memory_space<vmem_shared>>
        tpu.enqueue_dma source(%dma_start3A_299 : memref<640x128xf32, #tpu.memory_space<vmem_shared>>) target(%dma_start3A_296 : memref<640x128xf32, #tpu.memory_space<hbm>>) target_semaphore(%run_scoped3A_292 : memref<!tpu.dma_semaphore, #tpu.memory_space<semaphore_mem>>)
        %dma_wait3A = arith.constant 9360 : i32
        %dma_wait3A_300 = arith.constant 0 : i32
        %dma_wait3A_301 = tpu.memref_slice %arg6[%arg0, %dma_wait3A, %dma_wait3A_300] : memref<2x10000x128xf32, #tpu.memory_space<hbm>> -> memref<1x640x128xf32, #tpu.memory_space<hbm>>
        %dma_wait3A_302 = tpu.memref_squeeze %dma_wait3A_301 : memref<1x640x128xf32, #tpu.memory_space<hbm>> -> memref<640x128xf32, #tpu.memory_space<hbm>>
        %dma_wait3A_303 = arith.constant 9360 : i32
        %dma_wait3A_304 = arith.constant 0 : i32
        %dma_wait3A_305 = tpu.memref_slice %arg14[%dma_wait3A_303, %dma_wait3A_304] : memref<10112x128xf32, #tpu.memory_space<vmem_shared>> -> memref<640x128xf32, #tpu.memory_space<vmem_shared>>
        tpu.wait_dma2 semaphore(%run_scoped3A_292 : memref<!tpu.dma_semaphore, #tpu.memory_space<semaphore_mem>>) src(%dma_wait3A_305 : memref<640x128xf32, #tpu.memory_space<vmem_shared>>) dst(%dma_wait3A_302 : memref<640x128xf32, #tpu.memory_space<hbm>>)
        tpu.yield
      }) : () -> ()
    } else {
    }
    return
  }
}

module attributes {stable_mosaic.version = 14 : i64} {
  func.func @_mlp_body(%arg0: i32, %arg1: memref<1000x128xf32, #tpu.memory_space<vmem>>, %arg2: memref<256x128xf32, #tpu.memory_space<vmem>>, %arg3: memref<1x128xf32, #tpu.memory_space<vmem>>, %arg4: memref<1000x128xf32, #tpu.memory_space<vmem>>, %arg5: memref<1000x128xf32, #tpu.memory_space<vmem>>) attributes {dimension_semantics = [#tpu.dimension_semantics<arbitrary>], iteration_bounds = array<i64: 10>, scalar_prefetch = 0 : i64, scratch_operands = 0 : i64, tpu.core_type = #tpu.core_type<tc>, window_params = [{transform_indices = @transform_0, window_bounds = array<i64: 1000, 128>}, {pipeline_mode = #tpu.pipeline_mode<synchronous>, transform_indices = @transform_1, window_bounds = array<i64: 256, 128>}, {pipeline_mode = #tpu.pipeline_mode<synchronous>, transform_indices = @transform_2, window_bounds = array<i64: 1, 128>}, {transform_indices = @transform_3, window_bounds = array<i64: 1000, 128>}, {transform_indices = @transform_4, window_bounds = array<i64: 1000, 128>}]} {
    %get3A = arith.constant 0 : index
    %get3A_0 = arith.constant 0 : index
    %get3A_1 = vector.load %arg1[%get3A, %get3A_0] : memref<1000x128xf32, #tpu.memory_space<vmem>>, vector<1000x128xf32>
    %get3A_2 = arith.constant 0 : index
    %get3A_3 = arith.constant 0 : index
    %get3A_4 = vector.load %arg2[%get3A_2, %get3A_3] : memref<256x128xf32, #tpu.memory_space<vmem>>, vector<256x128xf32>
    %slice3A = vector.extract_strided_slice %get3A_4 {offsets = [0, 0], sizes = [128, 128], strides = [1, 1]} : vector<256x128xf32> to vector<128x128xf32>
    %dot_general3A = arith.constant dense<0.000000e+00> : vector<1000x128xf32>
    %dot_general3A_5 = tpu.matmul %get3A_1, %slice3A, %dot_general3A {dimension_numbers = #tpu.dot_dimension_numbers<[1], [0], [0], [1], [0, 0, 1, 1], [], []>, transpose_lhs_hint = false} : vector<1000x128xf32>, vector<128x128xf32>, vector<1000x128xf32> -> vector<1000x128xf32>
    %get3A_6 = arith.constant 0 : index
    %get3A_7 = arith.constant 0 : index
    %get3A_8 = vector.load %arg3[%get3A_6, %get3A_7] : memref<1x128xf32, #tpu.memory_space<vmem>>, vector<1x128xf32>
    %add3A = vector.broadcast %get3A_8 : vector<1x128xf32> to vector<1000x128xf32>
    %add3A_9 = arith.addf %dot_general3A_5, %add3A : vector<1000x128xf32>
    %swap3A = arith.constant 0 : index
    %swap3A_10 = arith.constant 0 : index
    %swap3A_11 = vector.load %arg4[%swap3A, %swap3A_10] : memref<1000x128xf32, #tpu.memory_space<vmem>>, vector<1000x128xf32>
    tpu.vector_store %arg4[%swap3A, %swap3A_10], %add3A_9 {strides = array<i32>} : memref<1000x128xf32, #tpu.memory_space<vmem>>, vector<1000x128xf32>,
    %slice3A_12 = vector.extract_strided_slice %get3A_4 {offsets = [128, 0], sizes = [128, 128], strides = [1, 1]} : vector<256x128xf32> to vector<128x128xf32>
    %dot_general3A_13 = arith.constant dense<0.000000e+00> : vector<1000x128xf32>
    %dot_general3A_14 = tpu.matmul %get3A_1, %slice3A_12, %dot_general3A_13 {dimension_numbers = #tpu.dot_dimension_numbers<[1], [0], [0], [1], [0, 0, 1, 1], [], []>, transpose_lhs_hint = false} : vector<1000x128xf32>, vector<128x128xf32>, vector<1000x128xf32> -> vector<1000x128xf32>
    %swap3A_15 = arith.constant 0 : index
    %swap3A_16 = arith.constant 0 : index
    %swap3A_17 = vector.load %arg5[%swap3A_15, %swap3A_16] : memref<1000x128xf32, #tpu.memory_space<vmem>>, vector<1000x128xf32>
    tpu.vector_store %arg5[%swap3A_15, %swap3A_16], %dot_general3A_14 {strides = array<i32>} : memref<1000x128xf32, #tpu.memory_space<vmem>>, vector<1000x128xf32>,
    return
  }
  func.func @transform_0(%arg0: i32) -> (i32, i32) {
    %c0_i32 = arith.constant 0 : i32
    %c0_i32_0 = arith.constant 0 : i32
    return %arg0, %c0_i32 : i32, i32
  }
  func.func @transform_1(%arg0: i32) -> (i32, i32) {
    %c0_i32 = arith.constant 0 : i32
    %c0_i32_0 = arith.constant 0 : i32
    %c0_i32_1 = arith.constant 0 : i32
    return %c0_i32, %c0_i32_0 : i32, i32
  }
  func.func @transform_2(%arg0: i32) -> (i32, i32) {
    %c0_i32 = arith.constant 0 : i32
    %c0_i32_0 = arith.constant 0 : i32
    %c0_i32_1 = arith.constant 0 : i32
    return %c0_i32, %c0_i32_0 : i32, i32
  }
  func.func @transform_3(%arg0: i32) -> (i32, i32) {
    %c0_i32 = arith.constant 0 : i32
    %c0_i32_0 = arith.constant 0 : i32
    return %arg0, %c0_i32 : i32, i32
  }
  func.func @transform_4(%arg0: i32) -> (i32, i32) {
    %c0_i32 = arith.constant 0 : i32
    %c0_i32_0 = arith.constant 0 : i32
    return %arg0, %c0_i32 : i32, i32
  }
}

module attributes {stable_mosaic.version = 14 : i64} {
  func.func @_comb_body(%arg0: i32, %arg1: memref<2x1000x128xf32, #tpu.memory_space<vmem>>, %arg2: memref<2x1000x128xf32, #tpu.memory_space<vmem>>, %arg3: memref<1000x128xf32, #tpu.memory_space<vmem>>) attributes {dimension_semantics = [#tpu.dimension_semantics<arbitrary>], iteration_bounds = array<i64: 10>, scalar_prefetch = 0 : i64, scratch_operands = 0 : i64, tpu.core_type = #tpu.core_type<tc>, window_params = [{transform_indices = @transform_0, window_bounds = array<i64: 2, 1000, 128>}, {transform_indices = @transform_1, window_bounds = array<i64: 2, 1000, 128>}, {transform_indices = @transform_2, window_bounds = array<i64: 1000, 128>}]} {
    %get3A = arith.constant 0 : index
    %get3A_0 = arith.constant 0 : index
    %get3A_1 = arith.constant 0 : index
    %get3A_2 = vector.load %arg1[%get3A, %get3A_0, %get3A_1] : memref<2x1000x128xf32, #tpu.memory_space<vmem>>, vector<1x1000x128xf32>
    %get3A_3 = vector.shape_cast %get3A_2 : vector<1x1000x128xf32> to vector<1000x128xf32>
    %get3A_4 = arith.constant 1 : index
    %get3A_5 = arith.constant 0 : index
    %get3A_6 = arith.constant 0 : index
    %get3A_7 = vector.load %arg1[%get3A_4, %get3A_5, %get3A_6] : memref<2x1000x128xf32, #tpu.memory_space<vmem>>, vector<1x1000x128xf32>
    %get3A_8 = vector.shape_cast %get3A_7 : vector<1x1000x128xf32> to vector<1000x128xf32>
    %add3A = arith.addf %get3A_3, %get3A_8 : vector<1000x128xf32>
    %get3A_9 = arith.constant 0 : index
    %get3A_10 = arith.constant 0 : index
    %get3A_11 = arith.constant 0 : index
    %get3A_12 = vector.load %arg2[%get3A_9, %get3A_10, %get3A_11] : memref<2x1000x128xf32, #tpu.memory_space<vmem>>, vector<1x1000x1xf32>
    %get3A_13 = vector.shape_cast %get3A_12 : vector<1x1000x1xf32> to vector<1000x1xf32>
    %get3A_14 = arith.constant 1 : index
    %get3A_15 = arith.constant 0 : index
    %get3A_16 = arith.constant 0 : index
    %get3A_17 = vector.load %arg2[%get3A_14, %get3A_15, %get3A_16] : memref<2x1000x128xf32, #tpu.memory_space<vmem>>, vector<1x1000x1xf32>
    %get3A_18 = vector.shape_cast %get3A_17 : vector<1x1000x1xf32> to vector<1000x1xf32>
    %add3A_19 = arith.addf %get3A_13, %get3A_18 : vector<1000x1xf32>
    %max3A = arith.constant 1.000000e+00 : f32
    %max3A_20 = vector.broadcast %max3A : f32 to vector<1000x1xf32>
    %max3A_21 = arith.maximumf %add3A_19, %max3A_20 : vector<1000x1xf32>
    %div3A = vector.broadcast %max3A_21 : vector<1000x1xf32> to vector<1000x128xf32>
    %div3A_22 = arith.divf %add3A, %div3A : vector<1000x128xf32>
    %swap3A = arith.constant 0 : index
    %swap3A_23 = arith.constant 0 : index
    %swap3A_24 = vector.load %arg3[%swap3A, %swap3A_23] : memref<1000x128xf32, #tpu.memory_space<vmem>>, vector<1000x128xf32>
    tpu.vector_store %arg3[%swap3A, %swap3A_23], %div3A_22 {strides = array<i32>} : memref<1000x128xf32, #tpu.memory_space<vmem>>, vector<1000x128xf32>,
    return
  }
  func.func @transform_0(%arg0: i32) -> (i32, i32, i32) {
    %c0_i32 = arith.constant 0 : i32
    %c0_i32_0 = arith.constant 0 : i32
    %c0_i32_1 = arith.constant 0 : i32
    return %c0_i32, %arg0, %c0_i32_0 : i32, i32, i32
  }
  func.func @transform_1(%arg0: i32) -> (i32, i32, i32) {
    %c0_i32 = arith.constant 0 : i32
    %c0_i32_0 = arith.constant 0 : i32
    %c0_i32_1 = arith.constant 0 : i32
    return %c0_i32, %arg0, %c0_i32_0 : i32, i32, i32
  }
  func.func @transform_2(%arg0: i32) -> (i32, i32) {
    %c0_i32 = arith.constant 0 : i32
    %c0_i32_0 = arith.constant 0 : i32
    return %arg0, %c0_i32 : i32, i32
  }
}

</mosaic_0001>

<sc_bundles>
// kernel: kernel.6.cloned.1.call-start
scs
__scs_entry_jumppad:
0x0: {  	(pc) =	sbr.rel $0x88, $3  }
0x1: {  	(tag) =	ssettag $0x0;
	lr =	simm.s32 $0x1  }
0x2: {  	[smem:$0x3F9D] =	sst lr;
	_ =	strace $0xD0000000  }
0x3: {  	_ = 	snop  }
0x4: {  	_ = 	snop  }
0x5: {  	_ = 	snop  }
0x6: {  	_ = 	snop  }
0x7: {  	_ = 	snop  }
__scs_overlays_trampoline_lowered:
0x8: {  	[smem:$0x3FAC] =	sst s0  }
0x9: {  	[smem:$0x3FAD] =	sst s1  }
0xa: {  	[smem:$0x3FAE] =	sst s2  }
0xb: {  	[smem:$0x3FAF] =	sst s3  }
0xc: {  	[smem:$0x3FB0] =	sst s4  }
0xd: {  	[smem:$0x3FB1] =	sst s5  }
0xe: {  	[smem:$0x3FB2] =	sst s6  }
0xf: {  	[smem:$0x3FB3] =	sst s7  }
0x10: {  	[smem:$0x3FB4] =	sst s8  }
0x11: {  	[smem:$0x3FB5] =	sst s9;
	s0 =	simm.s32 @!p0 $0x0  }
0x12: {  	s1 =	sld [smem:$0x3F9B];
	s0 =	simm.s32 @p0 $0x1  }
0x13: {  	[smem:$0x3FB6] =	sst s0;
	s0 =	simm.s32 @!p1 $0x0  }
0x14: {  	s2 =	sld [smem:$0x3F9A];
	s0 =	simm.s32 @p1 $0x1  }
0x15: {  	[smem:$0x3FB7] =	sst s0;
	s0 =	simm.s32 @!p2 $0x0  }
0x16: {  	s3 =	sld [smem:$0x3FDB];
	s0 =	simm.s32 @p2 $0x1  }
0x17: {  	s4 =	simm.s32 $0x1BF5;
	[smem:$0x3FB9] =	sst s0  }
0x18: {  	s0 =	sld [smem:$0x3F9C];
	_ =	swait.ge [sflag:s4], $0x0  }
0x19: {  	s7 =	sld [smem:$0x3F9D]  }
0x1a: {  	s8 =	sadd.s32 $0xFFFFE003, lr  }
0x1b: {  	s9 =	sadd.s32 $0xFFFFFEF7, lr;
	s5 =	simm.s32 $0xFFFFFFFF;
	p2 =	slt.u32 s8, $0xFFFFF086  }
0x1c: {  	p1 =	slt.u32 s9, $0xF7A;
	s5 =	simm.s32 @!p2 $0x0  }
0x1d: {  	s5 =	simm.s32 @p1 $0x1;
	p0 =	seq.s32 s7, s2  }
0x1e: {  	s7 =	smul.u32 @!p0 $0xF7A, s2;
	p2 =	seq.s32 @!p0 s5, $0x0  }
0x1f: {  	s9 =	smul.u32 $0xF7A, s1;
	s8 =	simm.s32 @!p0 $0x1BF5;
	p2 =	por !p2, p0  }
0x20: {  	[sflag:s8] =	ssyncset.s32 @!p0 $0xFFFFF086;
	s6 =	sadd.s32 @!p0 s3, s7;
	s7 =	simm.s32 @!p0 $0x108  }
0x21: {  	s3 =	sadd.s32 s3, s9;
	s6 =	sadd.s32 @!p0 $0x88, s6;
	s7 =	simm.s32 @p2 $0x1082  }
0x22: {  	[simem:s7], [sflag:s8] =	dma.local @!p0 [hbm:s6], $0xF7A  }
0x23: {  	s9 =	sor.u32 $0xD0000000, s2;
	s6 =	simm.s32 $0x108;
	_ =	swait.ge @!p0 [sflag:s8], $0x0  }
0x24: {  	s3 =	sadd.s32 $0x88, s3;
	s6 =	simm.s32 @!p1 $0x1082;
	[sflag:s4] =	ssyncset.s32 $0xFFFFF086  }
0x25: {  	[simem:s6], [sflag:s4] =	dma.local [hbm:s3], $0xF7A  }
0x26: {  	[smem:$0x3F9D] =	sst s1;
	(tag) =	ssettag s2;
	_ =	strace s9  }
0x27: {  	s1 =	sld [smem:$0x3FAD]  }
0x28: {  	s2 =	sld [smem:$0x3FAE]  }
0x29: {  	s4 =	sld [smem:$0x3FB0]  }
0x2a: {  	p0 =	seq.s32 s5, $0x0;
	s5 =	sld [smem:$0x3FB1]  }
0x2b: {  	s6 =	sld [smem:$0x3FB2]  }
0x2c: {  	s7 =	sld [smem:$0x3FB3]  }
0x2d: {  	s3 =	simm.s32 $0x108;
	s8 =	sld [smem:$0x3FB4]  }
0x2e: {  	s3 =	simm.s32 @!p0 $0x1082;
	s9 =	sld [smem:$0x3FB5]  }
0x2f: {  	lr =	sadd.s32 s0, s3;
	s0 =	sld [smem:$0x3FAC]  }
0x30: {  	s3 =	sld [smem:$0x3FAF]  }
0x31: {  	[smem:$0x3FB8] =	sst s10  }
0x32: {  	s10 =	sld [smem:$0x3FB6];
	_ =	sdelay $0x3  }
0x33: {  	p0 =	seq.s32 s10, $0x1;
	s10 =	sld [smem:$0x3FB8];
	_ =	sdelay $0x3  }
0x34: {  	[smem:$0x3FB8] =	sst s10  }
0x35: {  	s10 =	sld [smem:$0x3FB7];
	_ =	sdelay $0x3  }
0x36: {  	p1 =	seq.s32 s10, $0x1;
	s10 =	sld [smem:$0x3FB8];
	_ =	sdelay $0x3  }
0x37: {  	[smem:$0x3FB8] =	sst s10  }
0x38: {  	s10 =	sld [smem:$0x3FB9]  }
0x39: {  	_ = 	snop;
	(pc) =	sbr.ind lr, $3  }
0x3a: {  	_ = 	snop  }
0x3b: {  	_ = 	snop  }
0x3c: {  	p2 =	seq.s32 s10, $0x1;
	s10 =	sld [smem:$0x3FB8]  }
0x3d: {  	_ =	shalt  }
0x3e: {  	_ =	shalt  }
0x3f: {  	_ =	shalt  }
0x40: {  	_ =	shalt  }
0x41: {  	_ =	shalt  }
0x42: {  	_ =	shalt  }
0x43: {  	_ =	shalt  }
0x44: {  	_ =	shalt  }
0x45: {  	_ =	shalt  }
0x46: {  	_ =	shalt  }
0x47: {  	_ =	shalt  }
0x48: {  	_ =	shalt  }
0x49: {  	_ =	shalt  }
0x4a: {  	_ =	shalt  }
0x4b: {  	_ =	shalt  }
0x4c: {  	_ =	shalt  }
0x4d: {  	_ =	shalt  }
0x4e: {  	_ =	shalt  }
0x4f: {  	_ =	shalt  }
0x50: {  	_ =	shalt  }
0x51: {  	_ =	shalt  }
0x52: {  	_ =	shalt  }
0x53: {  	_ =	shalt  }
0x54: {  	_ =	shalt  }
0x55: {  	_ =	shalt  }
0x56: {  	_ =	shalt  }
0x57: {  	_ =	shalt  }
0x58: {  	_ =	shalt  }
0x59: {  	_ =	shalt  }
0x5a: {  	_ =	shalt  }
0x5b: {  	_ =	shalt  }
0x5c: {  	_ =	shalt  }
0x5d: {  	_ =	shalt  }
0x5e: {  	_ =	shalt  }
0x5f: {  	_ =	shalt  }
0x60: {  	_ =	shalt  }
0x61: {  	_ =	shalt  }
0x62: {  	_ =	shalt  }
0x63: {  	_ =	shalt  }
0x64: {  	_ =	shalt  }
0x65: {  	_ =	shalt  }
0x66: {  	_ =	shalt  }
0x67: {  	_ =	shalt  }
0x68: {  	_ =	shalt  }
0x69: {  	_ =	shalt  }
0x6a: {  	_ =	shalt  }
0x6b: {  	_ =	shalt  }
0x6c: {  	_ =	shalt  }
0x6d: {  	_ =	shalt  }
0x6e: {  	_ =	shalt  }
0x6f: {  	_ =	shalt  }
0x70: {  	_ =	shalt  }
0x71: {  	_ =	shalt  }
0x72: {  	_ =	shalt  }
0x73: {  	_ =	shalt  }
0x74: {  	_ =	shalt  }
0x75: {  	_ =	shalt  }
0x76: {  	_ =	shalt  }
0x77: {  	_ =	shalt  }
0x78: {  	_ =	shalt  }
0x79: {  	_ =	shalt  }
0x7a: {  	_ =	shalt  }
0x7b: {  	_ =	shalt  }
0x7c: {  	_ =	shalt  }
0x7d: {  	_ =	shalt  }
0x7e: {  	_ =	shalt  }
0x7f: {  	_ =	shalt  }
0x80: {  	_ =	shalt  }
0x81: {  	_ =	shalt  }
0x82: {  	_ =	shalt  }
0x83: {  	_ =	shalt  }
0x84: {  	_ =	shalt  }
0x85: {  	_ =	shalt  }
0x86: {  	_ =	shalt  }
0x87: {  	_ =	shalt  }
.Lfunc_end0:
.L_simem_size_0:
called_computation_lowered:
.L_overlay_start_0:
0x88: {  	s2 =	sld [smem:$0x3FD9]  }
0x89: {  	s3 =	sld [smem:$0x3FFE];
	_ =	sdelay $0x1  }
0x8a: {  	s1 =	srdreg.scid  }
0x8b: {  	s0 =	sand.u32 $0x1, s1  }
0x8c: {  	s17 =	sshll.u32 s0, $0xA;
	s2 =	sadd.s32 s3, s2  }
0x8d: {  	s2 =	sadd.s32 s2, s17  }
0x8e: {  	[smem:$0x3FC4] =	sst s2  }
0x8f: {  	_ = 	snop  }
0x90: {  	s2 =	sld [smem:$0x3FD0];
	(tm) =	ssettm $0x1  }
0x91: {  	s18 =	sld [smem:$0x3FFB];
	_ =	sdelay $0x3  }
0x92: {  	_ =	strace s18  }
0x93: {  	s3 =	sld [smem:$0x3FFC];
	_ =	sdelay $0x3  }
0x94: {  	_ =	strace s3  }
0x95: {  	s3 =	sld [smem:$0x3FFD];
	_ =	sdelay $0x3  }
0x96: {  	_ =	strace s3  }
0x97: {  	_ =	strace $0x8FFFFFFF  }
0x98: {  	s19 =	sld [smem:$0x3FDB];
	_ =	sdelay $0x1  }
0x99: {  	s4 =	simm.s32 $_scs_section_size  }
0x9a: {  	s5 =	simm.s32 $_size__tile_overlayer_lowered;
	s6 =	simm.s32 $_tile_overlayer_lowered  }
0x9b: {  	s22 =	simm.s32 $0x1BFF;
	s21 =	sshll.u32 s6, $0x1;
	s3 =	sadd.s32 s4, s19  }
0x9c: {  	s7 =	simm.s32 $0x0;
	s20 =	sshll.u32 s5, $0x1;
	s5 =	sadd.s32 s21, s3  }
0x9d: {  	[timem:s7], [sflag:s22] =	dma.local [hbm:s5], s20  }
0x9e: {  	_ =	swait.ge [sflag:s22], s20  }
0x9f: {  	s4 =	ssub.s32 $0x0, s20;
	[sflag:s22] =	ssyncset.done $0x0  }
0xa0: {  	[sflag:s22] =	ssyncadd.s32 s4;
	_ =	sdelay $0x1  }
0xa1: {  	s23 =	simm.s32 $0x1B8B  }
0xa2: {  	_ =	swait.ge [sflag:s23], $0x1  }
0xa3: {  	[sflag:s23] =	ssyncset.done $0x0  }
0xa4: {  	s25 =	simm.s32 $0x1B8E;
	s24 =	sld [smem:$0x3FFE];
	[sflag:s23] =	ssyncadd.s32 $0xFFFFFFFF  }
0xa5: {  	s26 =	simm.s32 $execute0_lowered;
	[smem:$0x3FD2] =	sst s25  }
0xa6: {  	s5 =	sshll.u32 s26, $0x1;
	_ =	strace $0x80000046;
	[dreg:$0x1] =	wrdreg $0xFFFFFFFF  }
0xa7: {  	s28 =	simm.s32 $_size_execute0_lowered;
	s3 =	sadd.s32 s3, s5;
	[dreg:$0x0] =	wrdreg $0x0  }
0xa8: {  	s5 =	sshll.u32 s28, $0x1;
	[dreg:$0x2] =	wrdreg s3  }
0xa9: {  	[dreg:$0x3] =	wrdreg s5  }
0xaa: {  	[dreg:$0x4] =	wrdreg $0xC0  }
0xab: {  	_ =	task [dreg:s7], $0x5FFFF  }
0xac: {  	[dreg:$0x1] =	wrdreg $0xFFFFFFFF  }
0xad: {  	[dreg:$0x0] =	wrdreg $0x60  }
0xae: {  	[dreg:$0x2] =	wrdreg s24  }
0xaf: {  	[dreg:$0x3] =	wrdreg s2  }
0xb0: {  	[dreg:$0x4] =	wrdreg $0x98000  }
0xb1: {  	[dreg:$0x5] =	wrdreg $0x9  }
0xb2: {  	_ =	task.clear_ibuf [dreg:s7], $0x6FFFF;
	_ =	strace $0x90000046  }
0xb3: {  	s29 =	simm.s32 $0x9;
	_ =	strace $0x80000048  }
0xb4: {  	_ =	swait.ge [sflag:s29], $0x1  }
0xb5: {  	[sflag:s29] =	ssyncadd.s32 $0xFFFFFFFF  }
0xb6: {  	_ =	strace $0x90000048  }
0xb7: {  	_ =	sfence  }
0xb8: {  	s30 =	sld [smem:$0x0];
	_ =	sdelay $0x2  }
0xb9: {  	s31 =	sshll.u32 s1, $0xD;
	s1 =	sshrl.u32 s1, $0x2  }
0xba: {  	s3 =	sand.u32 $0x4000, s31;
	s1 =	sadd.s32 s1, s30  }
0xbb: {  	s0 =	sor.u32 s3, s0;
	s1 =	sshll.u32 s1, $0x11  }
0xbc: {  	s0 =	sor.u32 s1, s0  }
0xbd: {  	s0 =	sadd.s32 $0x8F2B, s0  }
0xbe: {  	[sflag:s0] =	ssyncadd.remote.s32 $0x1  }
0xbf: {  	_ =	sfence.sel $0xFFFF  }
0xc0: {  	[dreg:$0x0] =	wrdreg $0xFFFFFFFF;
	(pc) =	sbr.abs _section_cstart, $3  }
0xc1: {  	[dreg:$0x1] =	wrdreg $0xFFFFFFFF  }
0xc2: {  	_ =	task.clear_ibuf [dreg:s7], $0x2FFFF;
	_ =	strace $0x9FFFFFFF  }
0xc3: {  	(tm) =	ssettm $0x7FFFFFFF  }
tec
execute0_lowered:
.L_overlay_start_1:
0x0: {  	(tag) =	ssettag $0x1  }
0x1: {  	s0 =	rddreg [dreg:$0x0]  }
0x2: {  	s14 =	rddreg [dreg:$0x1]  }
0x3: {  	s2 =	rddreg [dreg:$0x2]  }
0x4: {  	s3 =	simm.s32 $0x0;
	s1 =	srdreg.scid;
	s7 =	stileid.u32  }
0x5: {  	s10 =	stileid.u32;
	[smem:$0x7FF] =	sst s3;
	s5 =	sadd.s32 $0xC00, s0  }
0x6: {  	s6 =	sadd.s32 $0x27E00, s0;
	s1 =	sand.u32 $0x1, s1;
	s4 =	sshll.u32 s7, $0x1  }
0x7: {  	s7 =	smul.u32 $0x4F000, s7;
	s15 =	sadd.s32 $0x4F000, s0;
	s19 =	sadd.s32 $0x59000, s0  }
0x8: {  	s21 =	sadd.s32 $0x4F008, s0;
	_ =	strace $0x80000047;
	[dreg:$0x5] =	wrdreg s15  }
0x9: {  	s22 =	sadd.s32 $0x4F010, s0;
	s23 =	sadd.s32 $0x4F018, s0;
	[dreg:$0x7] =	wrdreg s21  }
0xa: {  	s17 =	smul.u32 $0x13800, s10;
	s28 =	sadd.s32 $0x4F020, s0;
	[dreg:$0x8] =	wrdreg s22  }
0xb: {  	s29 =	sadd.s32 $0x4F028, s0;
	s8 =	ssub.s32 $0x2, s1;
	[dreg:$0x9] =	wrdreg s23  }
0xc: {  	s4 =	sor.u32 s1, s4;
	s1 =	smul.u32 $0x138800, s1;
	[dreg:$0xa] =	wrdreg s28  }
0xd: {  	[dreg:$0xb] =	wrdreg s29;
	s9 =	sshrl.u32 s8, $0x1;
	s7 =	sshrl.u32 s7, $0x2  }
0xe: {  	s11 =	smul.u32 $0x2800, s4;
	s13 =	ssub.s32 s8, s9;
	s18 =	sadd.s32 s17, s1  }
0xf: {  	s9 =	sadd.s32 s7, s2;
	[smem:$0x7F3] =	sst s13;
	s20 =	sshrl.u32 s18, $0x3  }
0x10: {  	s7 =	sshrl.u32 s11, $0x3;
	[dreg:$0x4] =	wrdreg s9;
	s16 =	sadd.s32 s19, s20  }
0x11: {  	s30 =	sadd.s32 $0x4F030, s0;
	s14 =	sadd.s32 s14, s7;
	[dreg:$0x6] =	wrdreg s16  }
0x12: {  	s31 =	sadd.s32 $0x4F038, s0;
	s17 =	sadd.s32 s7, s21;
	[dreg:$0xc] =	wrdreg s14  }
0x13: {  	s10 =	sadd.s32 $0x4F040, s0;
	s18 =	sadd.s32 s7, s22;
	[dreg:$0xe] =	wrdreg s17  }
0x14: {  	s12 =	sadd.s32 $0x4F050, s0;
	s20 =	sadd.s32 s7, s23;
	[dreg:$0xf] =	wrdreg s18  }
0x15: {  	s4 =	sadd.s32 $0x4F048, s0;
	s21 =	sadd.s32 s7, s28;
	[dreg:$0x10] =	wrdreg s20  }
0x16: {  	s1 =	sshrl.u32 s1, $0x3;
	s22 =	sadd.s32 s7, s29;
	[dreg:$0x11] =	wrdreg s21  }
0x17: {  	s8 =	sadd.s32 s19, s1;
	s23 =	sadd.s32 s7, s30;
	[dreg:$0x12] =	wrdreg s22  }
0x18: {  	s13 =	sadd.s32 $0x4F068, s0;
	s24 =	sadd.s32 s7, s31;
	[dreg:$0x13] =	wrdreg s23  }
0x19: {  	s19 =	sadd.s32 $0x4F058, s0;
	s16 =	sadd.s32 s15, s7;
	[dreg:$0x14] =	wrdreg s24  }
0x1a: {  	s22 =	smov.u32 s31;
	s31 =	sadd.s32 s7, s10;
	[dreg:$0xd] =	wrdreg s16  }
0x1b: {  	s24 =	smov.u32 s4;
	s4 =	sadd.s32 s7, s4;
	[dreg:$0x15] =	wrdreg s31  }
0x1c: {  	s23 =	smov.u32 s10;
	s10 =	sadd.s32 s7, s12;
	[dreg:$0x16] =	wrdreg s4  }
0x1d: {  	s15 =	smov.u32 s19;
	s19 =	sadd.s32 s7, s19;
	[dreg:$0x17] =	wrdreg s10  }
0x1e: {  	s25 =	sadd.s32 $0x4F070, s0;
	s20 =	sadd.s32 s7, s13;
	[dreg:$0x18] =	wrdreg s19  }
0x1f: {  	s18 =	smov.u32 s25;
	s25 =	sadd.s32 s7, s25;
	[dreg:$0x1a] =	wrdreg s20  }
0x20: {  	s26 =	sadd.s32 $0x4F078, s0;
	s1 =	sadd.s32 $0x4F060, s0;
	[dreg:$0x1b] =	wrdreg s25  }
0x21: {  	s17 =	smov.u32 s13;
	s13 =	sadd.s32 $0xC000, s9;
	s4 =	sld [smem:$0x7F3]  }
0x22: {  	s16 =	smov.u32 s1;
	s1 =	sadd.s32 s7, s1;
	[smem:$0x7FA] =	sst s13  }
0x23: {  	s20 =	smov.u32 s26;
	s26 =	sadd.s32 s7, s26;
	[dreg:$0x19] =	wrdreg s1  }
0x24: {  	s28 =	simm.s32 $0x7;
	s31 =	sadd.s32 $0x24900, s8;
	[dreg:$0x1c] =	wrdreg s26  }
0x25: {  	s29 =	simm.s32 $0x40;
	s7 =	sadd.s32 $0x2000, s9;
	[dreg:$0x1d] =	wrdreg s31  }
0x26: {  	s14 =	smov.u32 s12;
	s8 =	sadd.s32 $0x4000, s9;
	[smem:$0x7F5] =	sst s7  }
0x27: {  	s10 =	stileid.u32;
	s19 =	sadd.s32 $0xE000, s9;
	[smem:$0x7F6] =	sst s8  }
0x28: {  	s25 =	sadd.s32 $0x10000, s9;
	s12 =	smul.u32 $0x4E000, s10;
	[smem:$0x7FB] =	sst s19  }
0x29: {  	p0 =	seq.s32 s10, $0xF;
	s10 =	sadd.s32 $0x6000, s9;
	[smem:$0x7FC] =	sst s25  }
0x2a: {  	s26 =	sor.u32 $0x400, s11;
	s11 =	sadd.s32 $0x8000, s9;
	[smem:$0x7F7] =	sst s10  }
0x2b: {  	s21 =	smov.u32 s30;
	s31 =	sadd.s32 $0x12000, s9;
	[smem:$0x7F8] =	sst s11  }
0x2c: {  	[smem:$0x7FD] =	sst s31;
	s0 =	sshrl.u32 s12, $0x2;
	s1 =	smax.u32 s4, $0x1  }
0x2d: {  	s12 =	sadd.s32 $0xA000, s9;
	[dreg:$0x1e] =	wrdreg s1;
	s1 =	sadd.s32 $0x124800, s2  }
0x2e: {  	s0 =	sadd.s32 s0, s2;
	[smem:$0x7F9] =	sst s12;
	s1 =	sshrl.u32 @p0 s1, $0x3  }
0x2f: {  	s30 =	simm.s32 $0x5800;
	s0 =	sshrl.u32 @!p0 s0, $0x3;
	[dreg:$0x1f] =	wrdreg s1  }
0x30: {  	v0 =	vimm.f32 $0.0e+00;
	s19 =	simm.s32 $0x1800;
	s4 =	simm.s32 $0x0;
	[smem:$0x7F4] =	sst s0  }
.LBB2_1:
0x31: {  	[smem:$0x7F2] =	sst s4;
	s0 =	simm.s32 $0x0;
	s1 =	simm.s32 $0x200  }
.LBB2_2:
0x32: {  	p1 =	sne.s32 s1, $0x7E00;
	[tilespmem:s0+$0x1870] =	vst v0  }
0x33: {  	[tilespmem:s0+$0x1800] =	vst v0  }
0x34: {  	[tilespmem:s0+$0x1810] =	vst v0  }
.Ltmp0:
0x35: {  	[tilespmem:s0+$0x1820] =	vst v0;
	(pc) =	sbr.rel @p1 .LBB2_2-.Ltmp0, $4  }
0x36: {  	[tilespmem:s0+$0x1830] =	vst v0  }
0x37: {  	[tilespmem:s0+$0x1840] =	vst v0  }
0x38: {  	[tilespmem:s0+$0x1850] =	vst v0  }
0x39: {  	[tilespmem:s0+$0x1860] =	vst v0;
	s0 =	sshra.s32 s1, $0x2;
	s1 =	sadd.s32 $0x200, s1  }
0x3a: {  	[tilespmem:s0+$0x1870] =	vst v0  }
0x3b: {  	[tilespmem:s0+$0x1800] =	vst v0  }
0x3c: {  	[tilespmem:s0+$0x1810] =	vst v0  }
0x3d: {  	[tilespmem:s0+$0x1820] =	vst v0  }
0x3e: {  	[tilespmem:s0+$0x1830] =	vst v0  }
0x3f: {  	[tilespmem:s0+$0x1840] =	vst v0  }
0x40: {  	[tilespmem:s0+$0x1850] =	vst v0  }
0x41: {  	[tilespmem:s0+$0x1860] =	vst v0;
	s11 =	rddreg [dreg:$0x4]  }
0x42: {  	[spmem:s11] =	stream.linear.scatter [tilespmem:s19], [sflag:$0x7], $0x2000, $0x38;
	[tilespmem:$0x1D400] =	vst v63  }
0x43: {  	_ =	swait.ge [sflag:s28], $0x2000  }
0x44: {  	s12 =	sld [smem:$0x7F5]  }
0x45: {  	[sflag:s28] =	ssyncset.done $0x0  }
0x46: {  	[sflag:s28] =	ssyncadd.s32 $0xFFFFE000  }
0x47: {  	[spmem:s12] =	stream.linear.scatter [tilespmem:s19], [sflag:$0x7], $0x2000, $0x38;
	[tilespmem:$0x1D400] =	vst v63  }
0x48: {  	_ =	swait.ge [sflag:s28], $0x2000  }
0x49: {  	s13 =	sld [smem:$0x7F6]  }
0x4a: {  	[sflag:s28] =	ssyncset.done $0x0  }
0x4b: {  	[sflag:s28] =	ssyncadd.s32 $0xFFFFE000  }
0x4c: {  	[spmem:s13] =	stream.linear.scatter [tilespmem:s19], [sflag:$0x7], $0x2000, $0x38;
	[tilespmem:$0x1D400] =	vst v63  }
0x4d: {  	_ =	swait.ge [sflag:s28], $0x2000  }
0x4e: {  	s25 =	sld [smem:$0x7F7]  }
0x4f: {  	[sflag:s28] =	ssyncset.done $0x0  }
0x50: {  	[sflag:s28] =	ssyncadd.s32 $0xFFFFE000  }
0x51: {  	[spmem:s25] =	stream.linear.scatter [tilespmem:s19], [sflag:$0x7], $0x2000, $0x38;
	[tilespmem:$0x1D400] =	vst v63  }
0x52: {  	_ =	swait.ge [sflag:s28], $0x2000  }
0x53: {  	s31 =	sld [smem:$0x7F8]  }
0x54: {  	[sflag:s28] =	ssyncset.done $0x0  }
0x55: {  	[sflag:s28] =	ssyncadd.s32 $0xFFFFE000  }
0x56: {  	[spmem:s31] =	stream.linear.scatter [tilespmem:s19], [sflag:$0x7], $0x2000, $0x38;
	[tilespmem:$0x1D400] =	vst v63  }
0x57: {  	_ =	swait.ge [sflag:s28], $0x2000  }
0x58: {  	s1 =	sld [smem:$0x7F9]  }
0x59: {  	[sflag:s28] =	ssyncset.done $0x0  }
0x5a: {  	[sflag:s28] =	ssyncadd.s32 $0xFFFFE000  }
0x5b: {  	[spmem:s1] =	stream.linear.scatter [tilespmem:s19], [sflag:$0x7], $0x2000, $0x38;
	[tilespmem:$0x1D400] =	vst v63  }
0x5c: {  	_ =	swait.ge [sflag:s28], $0x2000  }
0x5d: {  	s4 =	sld [smem:$0x7FA]  }
0x5e: {  	[sflag:s28] =	ssyncset.done $0x0  }
0x5f: {  	[sflag:s28] =	ssyncadd.s32 $0xFFFFE000  }
0x60: {  	[spmem:s4] =	stream.linear.scatter [tilespmem:s19], [sflag:$0x7], $0x2000, $0x38;
	[tilespmem:$0x1D400] =	vst v63  }
0x61: {  	_ =	swait.ge [sflag:s28], $0x2000  }
0x62: {  	s7 =	sld [smem:$0x7FB]  }
0x63: {  	[sflag:s28] =	ssyncset.done $0x0  }
0x64: {  	[sflag:s28] =	ssyncadd.s32 $0xFFFFE000  }
0x65: {  	[spmem:s7] =	stream.linear.scatter [tilespmem:s19], [sflag:$0x7], $0x2000, $0x38;
	[tilespmem:$0x1D400] =	vst v63  }
0x66: {  	_ =	swait.ge [sflag:s28], $0x2000  }
0x67: {  	s8 =	sld [smem:$0x7FC]  }
0x68: {  	[sflag:s28] =	ssyncset.done $0x0  }
0x69: {  	[sflag:s28] =	ssyncadd.s32 $0xFFFFE000  }
0x6a: {  	[spmem:s8] =	stream.linear.scatter [tilespmem:s19], [sflag:$0x7], $0x2000, $0x38;
	[tilespmem:$0x1D400] =	vst v63  }
0x6b: {  	_ =	swait.ge [sflag:s28], $0x2000  }
0x6c: {  	s9 =	sld [smem:$0x7FD]  }
0x6d: {  	[sflag:s28] =	ssyncset.done $0x0  }
0x6e: {  	[sflag:s28] =	ssyncadd.s32 $0xFFFFE000  }
0x6f: {  	[spmem:s9] =	stream.linear.scatter [tilespmem:s19], [sflag:$0x7], $0x1C00, $0x38;
	[tilespmem:$0x1D400] =	vst v63  }
0x70: {  	_ =	swait.ge [sflag:s28], $0x1C00  }
0x71: {  	[sflag:s28] =	ssyncset.done $0x0  }
0x72: {  	[sflag:s28] =	ssyncadd.s32 $0xFFFFE400  }
0x73: {  	[bflag:$0x0] =	sbarrier.arrive $0xFFFF  }
0x74: {  	s0 =	simm.s32 $0x0;
	s4 =	rddreg [dreg:$0xc]  }
0x75: {  	[tilespmem:s0], [sflag:$0x1] =	stream.linear.gather [hbm4b:s4+s0], $0x80, $0x38;
	[tilespmem:$0x1D400] =	vst v63  }
0x76: {  	s7 =	simm.s32 $0x100;
	s1 =	sadd.s32 $0x10, s4  }
0x77: {  	[tilespmem:s7], [sflag:$0x1] =	stream.linear.gather [hbm4b:s1+s0], $0x80, $0x38;
	[tilespmem:$0x1D400] =	vst v63  }
0x78: {  	s11 =	simm.s32 $0x200;
	s10 =	sadd.s32 $0x20, s4  }
0x79: {  	[tilespmem:s11], [sflag:$0x1] =	stream.linear.gather [hbm4b:s10+s0], $0x80, $0x38;
	[tilespmem:$0x1D400] =	vst v63  }
0x7a: {  	s13 =	simm.s32 $0x300;
	s12 =	sadd.s32 $0x30, s4  }
0x7b: {  	[tilespmem:s13], [sflag:$0x1] =	stream.linear.gather [hbm4b:s12+s0], $0x80, $0x38;
	[tilespmem:$0x1D400] =	vst v63  }
0x7c: {  	s31 =	simm.s32 $0x400;
	s25 =	sadd.s32 $0x40, s4  }
0x7d: {  	[tilespmem:s31], [sflag:$0x1] =	stream.linear.gather [hbm4b:s25+s0], $0x80, $0x38;
	[tilespmem:$0x1D400] =	vst v63  }
0x7e: {  	s9 =	simm.s32 $0x500;
	s8 =	sadd.s32 $0x50, s4  }
0x7f: {  	[tilespmem:s9], [sflag:$0x1] =	stream.linear.gather [hbm4b:s8+s0], $0x80, $0x38;
	[tilespmem:$0x1D400] =	vst v63  }
0x80: {  	s10 =	sadd.s32 $0x60, s4;
	s11 =	simm.s32 $0x600  }
0x81: {  	[tilespmem:s11], [sflag:$0x1] =	stream.linear.gather [hbm4b:s10+s0], $0x80, $0x38;
	[tilespmem:$0x1D400] =	vst v63  }
0x82: {  	s12 =	sadd.s32 $0x70, s4;
	s13 =	simm.s32 $0x700  }
0x83: {  	[tilespmem:s13], [sflag:$0x1] =	stream.linear.gather [hbm4b:s12+s0], $0x80, $0x38;
	[tilespmem:$0x1D400] =	vst v63  }
0x84: {  	s25 =	rddreg [dreg:$0xd];
	s31 =	simm.s32 $0x800  }
0x85: {  	[tilespmem:s31], [sflag:$0x1] =	stream.linear.gather [hbm4b:s25+s0], $0x40, $0x38;
	[tilespmem:$0x1D400] =	vst v63  }
0x86: {  	s7 =	simm.s32 $0x880;
	s4 =	rddreg [dreg:$0xe]  }
0x87: {  	[tilespmem:s7], [sflag:$0x1] =	stream.linear.gather [hbm4b:s4+s0], $0x40, $0x38;
	[tilespmem:$0x1D400] =	vst v63  }
0x88: {  	s8 =	rddreg [dreg:$0xf];
	s9 =	simm.s32 $0x900  }
0x89: {  	[tilespmem:s9], [sflag:$0x1] =	stream.linear.gather [hbm4b:s8+s0], $0x40, $0x38;
	[tilespmem:$0x1D400] =	vst v63  }
0x8a: {  	s10 =	rddreg [dreg:$0x10];
	s11 =	simm.s32 $0x980  }
0x8b: {  	[tilespmem:s11], [sflag:$0x1] =	stream.linear.gather [hbm4b:s10+s0], $0x40, $0x38;
	[tilespmem:$0x1D400] =	vst v63  }
0x8c: {  	s12 =	rddreg [dreg:$0x11];
	s13 =	simm.s32 $0xA00  }
0x8d: {  	[tilespmem:s13], [sflag:$0x1] =	stream.linear.gather [hbm4b:s12+s0], $0x40, $0x38;
	[tilespmem:$0x1D400] =	vst v63  }
0x8e: {  	s25 =	rddreg [dreg:$0x12];
	s31 =	simm.s32 $0xA80  }
0x8f: {  	[tilespmem:s31], [sflag:$0x1] =	stream.linear.gather [hbm4b:s25+s0], $0x40, $0x38;
	[tilespmem:$0x1D400] =	vst v63  }
0x90: {  	s4 =	rddreg [dreg:$0x13];
	s7 =	simm.s32 $0xB00  }
0x91: {  	[tilespmem:s7], [sflag:$0x1] =	stream.linear.gather [hbm4b:s4+s0], $0x40, $0x38;
	[tilespmem:$0x1D400] =	vst v63  }
0x92: {  	s8 =	rddreg [dreg:$0x14];
	s9 =	simm.s32 $0xB80  }
0x93: {  	[tilespmem:s9], [sflag:$0x1] =	stream.linear.gather [hbm4b:s8+s0], $0x40, $0x38;
	[tilespmem:$0x1D400] =	vst v63  }
0x94: {  	s10 =	rddreg [dreg:$0x15];
	s11 =	simm.s32 $0xC00  }
0x95: {  	[tilespmem:s11], [sflag:$0x1] =	stream.linear.gather [hbm4b:s10+s0], $0x40, $0x38;
	[tilespmem:$0x1D400] =	vst v63  }
0x96: {  	s12 =	rddreg [dreg:$0x16];
	s13 =	simm.s32 $0xC80  }
0x97: {  	[tilespmem:s13], [sflag:$0x1] =	stream.linear.gather [hbm4b:s12+s0], $0x40, $0x38;
	[tilespmem:$0x1D400] =	vst v63  }
0x98: {  	s25 =	rddreg [dreg:$0x17];
	s31 =	simm.s32 $0xD00  }
0x99: {  	[tilespmem:s31], [sflag:$0x1] =	stream.linear.gather [hbm4b:s25+s0], $0x40, $0x38;
	[tilespmem:$0x1D400] =	vst v63  }
0x9a: {  	s4 =	rddreg [dreg:$0x18];
	s7 =	simm.s32 $0xD80  }
0x9b: {  	[tilespmem:s7], [sflag:$0x1] =	stream.linear.gather [hbm4b:s4+s0], $0x40, $0x38;
	[tilespmem:$0x1D400] =	vst v63  }
0x9c: {  	s8 =	rddreg [dreg:$0x19];
	s9 =	simm.s32 $0xE00  }
0x9d: {  	[tilespmem:s9], [sflag:$0x1] =	stream.linear.gather [hbm4b:s8+s0], $0x40, $0x38;
	[tilespmem:$0x1D400] =	vst v63  }
0x9e: {  	s10 =	rddreg [dreg:$0x1a];
	s11 =	simm.s32 $0xE80  }
0x9f: {  	[tilespmem:s11], [sflag:$0x1] =	stream.linear.gather [hbm4b:s10+s0], $0x40, $0x38;
	[tilespmem:$0x1D400] =	vst v63  }
0xa0: {  	s12 =	rddreg [dreg:$0x1b];
	s13 =	simm.s32 $0xF00  }
0xa1: {  	[tilespmem:s13], [sflag:$0x1] =	stream.linear.gather [hbm4b:s12+s0], $0x40, $0x38;
	[tilespmem:$0x1D400] =	vst v63  }
0xa2: {  	s25 =	rddreg [dreg:$0x1c];
	s31 =	simm.s32 $0xF80  }
0xa3: {  	[tilespmem:s31], [sflag:$0x1] =	stream.linear.gather [hbm4b:s25+s0], $0x40, $0x38;
	[tilespmem:$0x1D400] =	vst v63  }
.LBB2_4:
0xa4: {  	s1 =	sand.u32 $0x1, s0  }
0xa5: {  	s4 =	sadd.s32 $0x1, s1  }
0xa6: {  	_ =	swait.ge [sflag:s4], $0x400  }
0xa7: {  	[sflag:s4] =	ssyncset.done $0x0  }
0xa8: {  	[sflag:s4] =	ssyncadd.s32 $0xFFFFFC00  }
0xa9: {  	_ =	swait.ge [sflag:s4], $0x40  }
0xaa: {  	[sflag:s4] =	ssyncset.done $0x0  }
0xab: {  	[sflag:s4] =	ssyncadd.s32 $0xFFFFFFC0  }
0xac: {  	_ =	swait.ge [sflag:s4], $0x40  }
0xad: {  	[sflag:s4] =	ssyncset.done $0x0  }
0xae: {  	[sflag:s4] =	ssyncadd.s32 $0xFFFFFFC0  }
0xaf: {  	_ =	swait.ge [sflag:s4], $0x40  }
0xb0: {  	[sflag:s4] =	ssyncset.done $0x0  }
0xb1: {  	[sflag:s4] =	ssyncadd.s32 $0xFFFFFFC0  }
0xb2: {  	_ =	swait.ge [sflag:s4], $0x40  }
0xb3: {  	[sflag:s4] =	ssyncset.done $0x0  }
0xb4: {  	[sflag:s4] =	ssyncadd.s32 $0xFFFFFFC0  }
0xb5: {  	_ =	swait.ge [sflag:s4], $0x40  }
0xb6: {  	[sflag:s4] =	ssyncset.done $0x0  }
0xb7: {  	[sflag:s4] =	ssyncadd.s32 $0xFFFFFFC0  }
0xb8: {  	_ =	swait.ge [sflag:s4], $0x40  }
0xb9: {  	[sflag:s4] =	ssyncset.done $0x0  }
0xba: {  	[sflag:s4] =	ssyncadd.s32 $0xFFFFFFC0  }
0xbb: {  	_ =	swait.ge [sflag:s4], $0x40  }
0xbc: {  	[sflag:s4] =	ssyncset.done $0x0  }
0xbd: {  	[sflag:s4] =	ssyncadd.s32 $0xFFFFFFC0  }
0xbe: {  	_ =	swait.ge [sflag:s4], $0x40  }
0xbf: {  	[sflag:s4] =	ssyncset.done $0x0  }
0xc0: {  	[sflag:s4] =	ssyncadd.s32 $0xFFFFFFC0  }
0xc1: {  	_ =	swait.ge [sflag:s4], $0x40  }
0xc2: {  	[sflag:s4] =	ssyncset.done $0x0  }
0xc3: {  	[sflag:s4] =	ssyncadd.s32 $0xFFFFFFC0  }
0xc4: {  	_ =	swait.ge [sflag:s4], $0x40  }
0xc5: {  	[sflag:s4] =	ssyncset.done $0x0  }
0xc6: {  	[sflag:s4] =	ssyncadd.s32 $0xFFFFFFC0  }
0xc7: {  	_ =	swait.ge [sflag:s4], $0x40  }
0xc8: {  	[sflag:s4] =	ssyncset.done $0x0  }
0xc9: {  	[sflag:s4] =	ssyncadd.s32 $0xFFFFFFC0  }
0xca: {  	_ =	swait.ge [sflag:s4], $0x40  }
0xcb: {  	[sflag:s4] =	ssyncset.done $0x0  }
0xcc: {  	[sflag:s4] =	ssyncadd.s32 $0xFFFFFFC0  }
0xcd: {  	_ =	swait.ge [sflag:s4], $0x40  }
0xce: {  	[sflag:s4] =	ssyncset.done $0x0  }
0xcf: {  	[sflag:s4] =	ssyncadd.s32 $0xFFFFFFC0  }
0xd0: {  	_ =	swait.ge [sflag:s4], $0x40  }
0xd1: {  	[sflag:s4] =	ssyncset.done $0x0  }
0xd2: {  	[sflag:s4] =	ssyncadd.s32 $0xFFFFFFC0  }
0xd3: {  	p1 =	seq.s32 s0, $0x9;
	_ =	swait.ge [sflag:s4], $0x40  }
.Ltmp1:
0xd4: {  	[sflag:s4] =	ssyncset.done $0x0;
	(pc) =	sbr.rel @p1 .LBB2_6-.Ltmp1, $4  }
0xd5: {  	[sflag:s4] =	ssyncadd.s32 $0xFFFFFFC0  }
0xd6: {  	_ =	swait.ge [sflag:s4], $0x40  }
0xd7: {  	[sflag:s4] =	ssyncset.done $0x0  }
0xd8: {  	[sflag:s4] =	ssyncadd.s32 $0xFFFFFFC0  }
0xd9: {  	s4 =	sshll.u32 s0, $0xA  }
0xda: {  	s4 =	sadd.s32 s4, s26  }
0xdb: {  	s8 =	sxor.u32 $0x1, s1;
	s9 =	rddreg [dreg:$0x1];
	s7 =	sshrl.u32 s4, $0x3  }
0xdc: {  	s25 =	sshll.u32 s8, $0x7;
	s4 =	sadd.s32 $0x1, s8;
	s31 =	sadd.s32 s9, s7  }
0xdd: {  	[tilespmem:s25], [sflag:s4] =	stream.linear.gather [hbm4b:s31+s3], $0x80, $0x38;
	[tilespmem:$0x1D400] =	vst v63  }
0xde: {  	s10 =	sor.u32 $0x100, s25;
	s9 =	sadd.s32 $0x10, s31  }
0xdf: {  	[tilespmem:s10], [sflag:s4] =	stream.linear.gather [hbm4b:s9+s3], $0x80, $0x38;
	[tilespmem:$0x1D400] =	vst v63  }
0xe0: {  	s11 =	sor.u32 $0x200, s25;
	s10 =	sadd.s32 $0x20, s31  }
0xe1: {  	[tilespmem:s11], [sflag:s4] =	stream.linear.gather [hbm4b:s10+s3], $0x80, $0x38;
	[tilespmem:$0x1D400] =	vst v63  }
0xe2: {  	s13 =	sor.u32 $0x300, s25;
	s12 =	sadd.s32 $0x30, s31  }
0xe3: {  	[tilespmem:s13], [sflag:s4] =	stream.linear.gather [hbm4b:s12+s3], $0x80, $0x38;
	[tilespmem:$0x1D400] =	vst v63  }
0xe4: {  	s10 =	sadd.s32 $0x40, s31;
	s11 =	sor.u32 $0x400, s25  }
0xe5: {  	[tilespmem:s11], [sflag:s4] =	stream.linear.gather [hbm4b:s10+s3], $0x80, $0x38;
	[tilespmem:$0x1D400] =	vst v63  }
0xe6: {  	s12 =	sadd.s32 $0x50, s31;
	s13 =	sor.u32 $0x500, s25  }
0xe7: {  	[tilespmem:s13], [sflag:s4] =	stream.linear.gather [hbm4b:s12+s3], $0x80, $0x38;
	[tilespmem:$0x1D400] =	vst v63  }
0xe8: {  	s8 =	sshll.u32 s8, $0xB;
	s10 =	sadd.s32 $0x60, s31;
	s11 =	sor.u32 $0x600, s25  }
0xe9: {  	[tilespmem:s11], [sflag:s4] =	stream.linear.gather [hbm4b:s10+s3], $0x80, $0x38;
	[tilespmem:$0x1D400] =	vst v63  }
0xea: {  	s12 =	sadd.s32 $0x70, s31;
	s13 =	sor.u32 $0x700, s25;
	s31 =	rddreg [dreg:$0x5]  }
0xeb: {  	[tilespmem:s13], [sflag:s4] =	stream.linear.gather [hbm4b:s12+s3], $0x80, $0x38;
	[tilespmem:$0x1D400] =	vst v63  }
0xec: {  	s25 =	sadd.s32 $0x800, s8;
	s10 =	sadd.s32 s31, s7;
	s12 =	rddreg [dreg:$0x7]  }
0xed: {  	[tilespmem:s25], [sflag:s4] =	stream.linear.gather [hbm4b:s10+s3], $0x40, $0x38;
	[tilespmem:$0x1D400] =	vst v63  }
0xee: {  	s11 =	sadd.s32 $0x880, s8;
	s10 =	sadd.s32 s7, s12;
	s25 =	rddreg [dreg:$0x8]  }
0xef: {  	[tilespmem:s11], [sflag:s4] =	stream.linear.gather [hbm4b:s10+s3], $0x40, $0x38;
	[tilespmem:$0x1D400] =	vst v63  }
0xf0: {  	s13 =	sadd.s32 $0x900, s8;
	s10 =	sadd.s32 s7, s25;
	s11 =	rddreg [dreg:$0x9]  }
0xf1: {  	[tilespmem:s13], [sflag:s4] =	stream.linear.gather [hbm4b:s10+s3], $0x40, $0x38;
	[tilespmem:$0x1D400] =	vst v63  }
0xf2: {  	s31 =	sadd.s32 $0x980, s8;
	s10 =	sadd.s32 s7, s11;
	s13 =	rddreg [dreg:$0xa]  }
0xf3: {  	[tilespmem:s31], [sflag:s4] =	stream.linear.gather [hbm4b:s10+s3], $0x40, $0x38;
	[tilespmem:$0x1D400] =	vst v63  }
0xf4: {  	s12 =	sadd.s32 $0xA00, s8;
	s10 =	sadd.s32 s7, s13;
	s31 =	rddreg [dreg:$0xb]  }
0xf5: {  	[tilespmem:s12], [sflag:s4] =	stream.linear.gather [hbm4b:s10+s3], $0x40, $0x38;
	[tilespmem:$0x1D400] =	vst v63  }
0xf6: {  	s25 =	sadd.s32 $0xA80, s8;
	s10 =	sadd.s32 s7, s31  }
0xf7: {  	[tilespmem:s25], [sflag:s4] =	stream.linear.gather [hbm4b:s10+s3], $0x40, $0x38;
	[tilespmem:$0x1D400] =	vst v63  }
0xf8: {  	s11 =	sadd.s32 s7, s21;
	s10 =	sadd.s32 $0xB00, s8  }
0xf9: {  	[tilespmem:s10], [sflag:s4] =	stream.linear.gather [hbm4b:s11+s3], $0x40, $0x38;
	[tilespmem:$0x1D400] =	vst v63  }
0xfa: {  	s13 =	sadd.s32 s7, s22;
	s12 =	sadd.s32 $0xB80, s8  }
0xfb: {  	[tilespmem:s12], [sflag:s4] =	stream.linear.gather [hbm4b:s13+s3], $0x40, $0x38;
	[tilespmem:$0x1D400] =	vst v63  }
0xfc: {  	s31 =	sadd.s32 s7, s23;
	s25 =	sadd.s32 $0xC00, s8  }
0xfd: {  	[tilespmem:s25], [sflag:s4] =	stream.linear.gather [hbm4b:s31+s3], $0x40, $0x38;
	[tilespmem:$0x1D400] =	vst v63  }
0xfe: {  	s10 =	sadd.s32 $0xC80, s8;
	s11 =	sadd.s32 s7, s24  }
0xff: {  	[tilespmem:s10], [sflag:s4] =	stream.linear.gather [hbm4b:s11+s3], $0x40, $0x38;
	[tilespmem:$0x1D400] =	vst v63  }
0x100: {  	s12 =	sadd.s32 $0xD00, s8;
	s13 =	sadd.s32 s7, s14  }
0x101: {  	[tilespmem:s12], [sflag:s4] =	stream.linear.gather [hbm4b:s13+s3], $0x40, $0x38;
	[tilespmem:$0x1D400] =	vst v63  }
0x102: {  	s25 =	sadd.s32 $0xD80, s8;
	s31 =	sadd.s32 s7, s15  }
0x103: {  	[tilespmem:s25], [sflag:s4] =	stream.linear.gather [hbm4b:s31+s3], $0x40, $0x38;
	[tilespmem:$0x1D400] =	vst v63  }
0x104: {  	s10 =	sadd.s32 $0xE00, s8;
	s11 =	sadd.s32 s7, s16  }
0x105: {  	[tilespmem:s10], [sflag:s4] =	stream.linear.gather [hbm4b:s11+s3], $0x40, $0x38;
	[tilespmem:$0x1D400] =	vst v63  }
0x106: {  	s12 =	sadd.s32 $0xE80, s8;
	s13 =	sadd.s32 s7, s17  }
0x107: {  	[tilespmem:s12], [sflag:s4] =	stream.linear.gather [hbm4b:s13+s3], $0x40, $0x38;
	[tilespmem:$0x1D400] =	vst v63  }
0x108: {  	s25 =	sadd.s32 $0xF00, s8;
	s31 =	sadd.s32 s7, s18  }
0x109: {  	[tilespmem:s25], [sflag:s4] =	stream.linear.gather [hbm4b:s31+s3], $0x40, $0x38;
	[tilespmem:$0x1D400] =	vst v63  }
0x10a: {  	s8 =	sadd.s32 $0xF80, s8;
	s7 =	sadd.s32 s7, s20  }
0x10b: {  	[tilespmem:s8], [sflag:s4] =	stream.linear.gather [hbm4b:s7+s3], $0x40, $0x38;
	[tilespmem:$0x1D400] =	vst v63  }
.LBB2_6:
0x10c: {  	s4 =	sshll.u32 s0, $0x7  }
0x10d: {  	s7 =	sshll.u32 s1, $0xB;
	s8 =	sshll.u32 s1, $0x4;
	s4 =	sand.u32 $0x80, s4  }
0x10e: {  	[tilespmem:s19], [sflag:$0x3] =	stream.indirect.gather [hbm4b:s5+s29], $0x80, s4, s29, $0xb8;
	[tilespmem:$0x1D400] =	vst v63  }
0x10f: {  	s1 =	simm.s32 $0x0;
	p1 =	por $0x0, $0x0;
	s7 =	sadd.s32 $0x800, s7  }
0x110: {  	[tilespmem:s30], [sflag:$0x5] =	stream.indirect.gather [hbm4b:s6+s29], $0x80, s7, s29, $0xb8;
	[tilespmem:$0x1D400] =	vst v63  }
.LBB2_7:
0x111: {  	p2 =	seq.s32 s1, $0xF;
	s7 =	sand.u32 $0x1, s1  }
0x112: {  	s9 =	sadd.s32 @!p2 $0x1, s1;
	s10 =	sxor.u32 @!p2 $0x1, s7  }
0x113: {  	s13 =	simm.s32 @!p2 $0x40;
	s25 =	sshll.u32 @!p2 s9, $0x6;
	s31 =	sshll.u32 @!p2 s9, $0x7  }
0x114: {  	s11 =	sshll.u32 @!p2 s10, $0xD;
	s25 =	sand.u32 @!p2 $0x40, s25;
	s31 =	sand.u32 @!p2 $0xF00, s31  }
0x115: {  	s9 =	sadd.s32 @!p2 s8, s9;
	s12 =	sor.u32 @!p2 $0x1800, s11;
	s25 =	sor.u32 @!p2 s25, s31  }
0x116: {  	s9 =	sshll.u32 @!p2 s9, $0x7;
	s31 =	sadd.s32 @!p2 $0x3, s10;
	s25 =	sadd.s32 @!p2 s4, s25  }
0x117: {  	[tilespmem:s12], [sflag:s31] =	stream.indirect.gather @!p2 [hbm4b:s5+s13], $0x80, s25, s13, $0xb8;
	[tilespmem:$0x1D400] =	vst v63  }
0x118: {  	s11 =	sor.u32 @!p2 $0x5800, s11;
	s9 =	sand.u32 @!p2 $0x3FFFFF80, s9;
	s12 =	simm.s32 $0x1  }
0x119: {  	s10 =	sadd.s32 @!p2 $0x5, s10;
	s9 =	sadd.s32 @!p2 $0x800, s9;
	s12 =	simm.s32 @!p1 $0x0  }
0x11a: {  	[tilespmem:s11], [sflag:s10] =	stream.indirect.gather @!p2 [hbm4b:s6+s13], $0x80, s9, s13, $0xb8;
	[tilespmem:$0x1D400] =	vst v63  }
0x11b: {  	s11 =	sshll.u32 s12, $0xD;
	s12 =	sadd.s32 $0x3, s7  }
0x11c: {  	s13 =	sor.u32 $0x1840, s11;
	_ =	swait.ge [sflag:s12], $0x2000  }
0x11d: {  	s9 =	sor.u32 $0x5870, s11;
	[sflag:s12] =	ssyncset.done $0x0;
	v1 =	vmov s13  }
0x11e: {  	s25 =	sadd.s32 $0x5, s7;
	v2 =	vmov s9;
	[sflag:s12] =	ssyncadd.s32 $0xFFFFE000  }
0x11f: {  	_ =	swait.ge [sflag:s25], $0x2000  }
0x120: {  	[sflag:s25] =	ssyncset.done $0x0  }
0x121: {  	s31 =	simm.s32 $0x0;
	[sflag:s25] =	ssyncadd.s32 $0xFFFFE000  }
0x122: {  	v3 =	vld.idx.msk [tilespmem:v1+s31+$0xFFFFFFC0 ss:$0x1], $0xffff  }
0x123: {  	v4 =	vld.idx.msk [tilespmem:v2+s31+$0xFFFFFF90 ss:$0x1], $0xffff;
	_ =	sdelay $0x4  }
0x124: {  	v3 =	vadd.f32 v4, v3;
	_ =	sdelay $0x1  }
0x125: {  	v3 =	vmax.f32 v3, $0.0e+00  }
0x126: {  	[tilespmem:v1+s31+$0xFFFFFFC0 ss:$0x1] =	vst.idx.msk $0xffff, v3  }
0x127: {  	v3 =	vld.idx.msk [tilespmem:v1+s31+$0xFFFFFFD0 ss:$0x1], $0xffff  }
0x128: {  	v4 =	vld.idx.msk [tilespmem:v2+s31+$0xFFFFFFA0 ss:$0x1], $0xffff;
	_ =	sdelay $0x4  }
0x129: {  	v3 =	vadd.f32 v4, v3;
	_ =	sdelay $0x1  }
0x12a: {  	v3 =	vmax.f32 v3, $0.0e+00  }
0x12b: {  	[tilespmem:v1+s31+$0xFFFFFFD0 ss:$0x1] =	vst.idx.msk $0xffff, v3  }
0x12c: {  	v3 =	vld.idx.msk [tilespmem:v1+s31+$0xFFFFFFE0 ss:$0x1], $0xffff  }
0x12d: {  	v4 =	vld.idx.msk [tilespmem:v2+s31+$0xFFFFFFB0 ss:$0x1], $0xffff;
	_ =	sdelay $0x4  }
0x12e: {  	v3 =	vadd.f32 v4, v3;
	_ =	sdelay $0x1  }
0x12f: {  	v3 =	vmax.f32 v3, $0.0e+00  }
0x130: {  	[tilespmem:v1+s31+$0xFFFFFFE0 ss:$0x1] =	vst.idx.msk $0xffff, v3  }
0x131: {  	v3 =	vld.idx.msk [tilespmem:v1+s31+$0xFFFFFFF0 ss:$0x1], $0xffff  }
0x132: {  	v4 =	vld.idx.msk [tilespmem:v2+s31+$0xFFFFFFC0 ss:$0x1], $0xffff;
	_ =	sdelay $0x4  }
0x133: {  	v3 =	vadd.f32 v4, v3;
	_ =	sdelay $0x1  }
0x134: {  	v3 =	vmax.f32 v3, $0.0e+00  }
0x135: {  	[tilespmem:v1+s31+$0xFFFFFFF0 ss:$0x1] =	vst.idx.msk $0xffff, v3  }
0x136: {  	v3 =	vld.idx.msk [tilespmem:v1+s31+$0x0 ss:$0x1], $0xffff  }
0x137: {  	v4 =	vld.idx.msk [tilespmem:v2+s31+$0xFFFFFFD0 ss:$0x1], $0xffff;
	_ =	sdelay $0x4  }
0x138: {  	v3 =	vadd.f32 v4, v3;
	_ =	sdelay $0x1  }
0x139: {  	v3 =	vmax.f32 v3, $0.0e+00  }
0x13a: {  	[tilespmem:v1+s31+$0x0 ss:$0x1] =	vst.idx.msk $0xffff, v3  }
0x13b: {  	v3 =	vld.idx.msk [tilespmem:v1+s31+$0x10 ss:$0x1], $0xffff  }
0x13c: {  	v4 =	vld.idx.msk [tilespmem:v2+s31+$0xFFFFFFE0 ss:$0x1], $0xffff;
	_ =	sdelay $0x4  }
0x13d: {  	v3 =	vadd.f32 v4, v3;
	_ =	sdelay $0x1  }
0x13e: {  	v3 =	vmax.f32 v3, $0.0e+00  }
0x13f: {  	[tilespmem:v1+s31+$0x10 ss:$0x1] =	vst.idx.msk $0xffff, v3  }
0x140: {  	v3 =	vld.idx.msk [tilespmem:v1+s31+$0x20 ss:$0x1], $0xffff  }
0x141: {  	v4 =	vld.idx.msk [tilespmem:v2+s31+$0xFFFFFFF0 ss:$0x1], $0xffff;
	_ =	sdelay $0x4  }
0x142: {  	v3 =	vadd.f32 v4, v3;
	_ =	sdelay $0x1  }
0x143: {  	v3 =	vmax.f32 v3, $0.0e+00  }
0x144: {  	[tilespmem:v1+s31+$0x20 ss:$0x1] =	vst.idx.msk $0xffff, v3  }
0x145: {  	v3 =	vld.idx.msk [tilespmem:v1+s31+$0x30 ss:$0x1], $0xffff  }
0x146: {  	s25 =	sshll.u32 s7, $0xD;
	s7 =	simm.s32 $0x200;
	v4 =	vld.idx.msk [tilespmem:v2+s31+$0x0 ss:$0x1], $0xffff  }
.LBB2_8:
0x147: {  	p2 =	sne.s32 s7, $0x7E00;
	s9 =	smov.u32 s7;
	s7 =	sadd.s32 $0x200, s7  }
0x148: {  	_ =	sdelay $0x3  }
0x149: {  	v3 =	vadd.f32 v4, v3;
	_ =	sdelay $0x1  }
0x14a: {  	v3 =	vmax.f32 v3, $0.0e+00  }
0x14b: {  	[tilespmem:v1+s31+$0x30 ss:$0x1] =	vst.idx.msk $0xffff, v3;
	s31 =	sshra.s32 s9, $0x2  }
0x14c: {  	v3 =	vld.idx.msk [tilespmem:v1+s31+$0xFFFFFFC0 ss:$0x1], $0xffff  }
0x14d: {  	v4 =	vld.idx.msk [tilespmem:v2+s31+$0xFFFFFF90 ss:$0x1], $0xffff;
	_ =	sdelay $0x5  }
0x14e: {  	v3 =	vadd.f32 v4, v3;
	_ =	sdelay $0x1  }
0x14f: {  	v3 =	vmax.f32 v3, $0.0e+00  }
0x150: {  	[tilespmem:v1+s31+$0xFFFFFFC0 ss:$0x1] =	vst.idx.msk $0xffff, v3  }
0x151: {  	v3 =	vld.idx.msk [tilespmem:v1+s31+$0xFFFFFFD0 ss:$0x1], $0xffff  }
0x152: {  	v4 =	vld.idx.msk [tilespmem:v2+s31+$0xFFFFFFA0 ss:$0x1], $0xffff;
	_ =	sdelay $0x5  }
0x153: {  	v3 =	vadd.f32 v4, v3;
	_ =	sdelay $0x1  }
0x154: {  	v3 =	vmax.f32 v3, $0.0e+00  }
0x155: {  	[tilespmem:v1+s31+$0xFFFFFFD0 ss:$0x1] =	vst.idx.msk $0xffff, v3  }
0x156: {  	v3 =	vld.idx.msk [tilespmem:v1+s31+$0xFFFFFFE0 ss:$0x1], $0xffff  }
0x157: {  	v4 =	vld.idx.msk [tilespmem:v2+s31+$0xFFFFFFB0 ss:$0x1], $0xffff;
	_ =	sdelay $0x5  }
0x158: {  	v3 =	vadd.f32 v4, v3;
	_ =	sdelay $0x1  }
0x159: {  	v3 =	vmax.f32 v3, $0.0e+00  }
0x15a: {  	[tilespmem:v1+s31+$0xFFFFFFE0 ss:$0x1] =	vst.idx.msk $0xffff, v3  }
0x15b: {  	v3 =	vld.idx.msk [tilespmem:v1+s31+$0xFFFFFFF0 ss:$0x1], $0xffff  }
0x15c: {  	v4 =	vld.idx.msk [tilespmem:v2+s31+$0xFFFFFFC0 ss:$0x1], $0xffff;
	_ =	sdelay $0x5  }
0x15d: {  	v3 =	vadd.f32 v4, v3;
	_ =	sdelay $0x1  }
0x15e: {  	v3 =	vmax.f32 v3, $0.0e+00  }
0x15f: {  	[tilespmem:v1+s31+$0xFFFFFFF0 ss:$0x1] =	vst.idx.msk $0xffff, v3  }
0x160: {  	v3 =	vld.idx.msk [tilespmem:v1+s31+$0x0 ss:$0x1], $0xffff  }
0x161: {  	v4 =	vld.idx.msk [tilespmem:v2+s31+$0xFFFFFFD0 ss:$0x1], $0xffff;
	_ =	sdelay $0x5  }
0x162: {  	v3 =	vadd.f32 v4, v3;
	_ =	sdelay $0x1  }
0x163: {  	v3 =	vmax.f32 v3, $0.0e+00  }
0x164: {  	[tilespmem:v1+s31+$0x0 ss:$0x1] =	vst.idx.msk $0xffff, v3  }
0x165: {  	v3 =	vld.idx.msk [tilespmem:v1+s31+$0x10 ss:$0x1], $0xffff  }
0x166: {  	v4 =	vld.idx.msk [tilespmem:v2+s31+$0xFFFFFFE0 ss:$0x1], $0xffff;
	_ =	sdelay $0x5  }
0x167: {  	v3 =	vadd.f32 v4, v3;
	_ =	sdelay $0x1  }
0x168: {  	v3 =	vmax.f32 v3, $0.0e+00  }
0x169: {  	[tilespmem:v1+s31+$0x10 ss:$0x1] =	vst.idx.msk $0xffff, v3  }
0x16a: {  	v3 =	vld.idx.msk [tilespmem:v1+s31+$0x20 ss:$0x1], $0xffff  }
0x16b: {  	v4 =	vld.idx.msk [tilespmem:v2+s31+$0xFFFFFFF0 ss:$0x1], $0xffff;
	_ =	sdelay $0x5  }
0x16c: {  	v3 =	vadd.f32 v4, v3  }
.Ltmp2:
0x16d: {  	(pc) =	sbr.rel @p2 .LBB2_8-.Ltmp2, $4  }
0x16e: {  	v3 =	vmax.f32 v3, $0.0e+00  }
0x16f: {  	[tilespmem:v1+s31+$0x20 ss:$0x1] =	vst.idx.msk $0xffff, v3  }
0x170: {  	v3 =	vld.idx.msk [tilespmem:v1+s31+$0x30 ss:$0x1], $0xffff  }
0x171: {  	v4 =	vld.idx.msk [tilespmem:v2+s31+$0x0 ss:$0x1], $0xffff  }
0x172: {  	_ =	sdelay $0x3  }
0x173: {  	s7 =	sadd.s32 s8, s1;
	v2 =	vadd.f32 v4, v3  }
0x174: {  	s1 =	sadd.s32 $0x1, s1;
	s7 =	sshll.u32 s7, $0x7  }
0x175: {  	p2 =	sne.s32 s1, $0x10;
	s7 =	sand.u32 $0x3FFFFF80, s7;
	v2 =	vmax.f32 v2, $0.0e+00  }
.Ltmp3:
0x176: {  	s9 =	sadd.s32 $0x1800, s25;
	s7 =	sadd.s32 $0x800, s7;
	[tilespmem:v1+s31+$0x30 ss:$0x1] =	vst.idx.msk $0xffff, v2;
	(pc) =	sbr.rel @p2 .LBB2_7-.Ltmp3, $4  }
0x177: {  	[spmem:s2] =	stream.indirect.scatter.add.f32 [tilespmem:s9], [sflag:$0x7], $0x80, s7, s29, $0xb8;
	[tilespmem:$0x1D400] =	vst v63  }
0x178: {  	_ =	swait.ge [sflag:s28], $0x2000  }
0x179: {  	[sflag:s28] =	ssyncset.done $0x0  }
0x17a: {  	p1 =	por !p1, !p1;
	[sflag:s28] =	ssyncadd.s32 $0xFFFFE000  }
0x17b: {  	s0 =	sadd.s32 $0x1, s0  }
0x17c: {  	p1 =	sne.s32 s0, $0xA  }
.Ltmp4:
0x17d: {  	_ = 	snop;
	(pc) =	sbr.rel @p1 .LBB2_4-.Ltmp4, $1  }
0x17e: {  	_ =	sdelay $0x3  }
0x17f: {  	[bflag:$0x0] =	sbarrier.arrive $0xFFFF  }
0x180: {  	s1 =	rddreg [dreg:$0x1d]  }
0x181: {  	s0 =	simm.s32 @p0 $0x1FC7;
	s4 =	rddreg [dreg:$0x1f]  }
0x182: {  	[hbm:s1], [sflag:s0] =	dma.local @p0 [spmem:s4], $0x2800  }
0x183: {  	s0 =	simm.s32 @p0 $0x7  }
0x184: {  	_ =	swait.ge @p0 [sflag:s0], $0x2800  }
0x185: {  	s1 =	stileid.u32;
	s4 =	sld [smem:$0x7F4]  }
0x186: {  	s1 =	sshll.u32 @!p0 s1, $0x6;
	[sflag:s0] =	ssyncset.done @p0 $0x0  }
0x187: {  	[sflag:s0] =	ssyncadd.s32 @p0 $0xFFFFD800;
	s0 =	sor.u32 @!p0 $0x1C07, s1;
	s1 =	rddreg [dreg:$0x6]  }
0x188: {  	[hbm:s1], [sflag:s0] =	dma.local @!p0 [spmem:s4], $0x2700  }
0x189: {  	s0 =	simm.s32 @!p0 $0x7  }
0x18a: {  	_ =	swait.ge @!p0 [sflag:s0], $0x2700  }
0x18b: {  	s25 =	sld [smem:$0x7F2];
	_ =	sdelay $0x2  }
0x18c: {  	s31 =	rddreg [dreg:$0x1e];
	s4 =	sadd.s32 $0x1, s25  }
0x18d: {  	p1 =	sne.s32 s4, s31  }
.Ltmp5:
0x18e: {  	_ = 	snop;
	(pc) =	sbr.rel @p1 .LBB2_1-.Ltmp5, $3  }
0x18f: {  	_ =	sdelay $0x1  }
0x190: {  	[sflag:s0] =	ssyncset.done @!p0 $0x0  }
0x191: {  	[sflag:s0] =	ssyncadd.s32 @!p0 $0xFFFFD900  }
0x192: {  	_ =	sfence.sel $0x180000  }
0x193: {  	[bflag:$0x0] =	sbarrier.arrive $0xFFFF  }
0x194: {  	_ =	strace $0x90000047  }
0x195: {  	s0 =	stileid.u32;
	[bflag:$0x2] =	sbarrier.arrive $0xFFFF  }
0x196: {  	p0 =	sne.s32 s0, $0x0;
	s0 =	rddreg [dreg:$0x3]  }
0x197: {  	s0 =	sadd.s32 @!p0 $0x100000, s0  }
0x198: {  	[sflag:s0] =	ssyncadd.tile.s32 @!p0 $0x1;
	_ =	shalt  }
.Lfunc_end2:
_tile_overlayer_lowered:
.L_overlay_start_2:
0x199: {  	(tag) =	ssettag $0x2  }
0x19a: {  	s0 =	rddreg [dreg:$0x0];
	s2 =	stileid.u32  }
0x19b: {  	s1 =	rddreg [dreg:$0x1];
	p0 =	sne.s32 s2, $0x0  }
0x19c: {  	s3 =	rddreg [dreg:$0x2];
	[bflag:$0x3] =	sbarrier.arrive $0xFFFF;
	s2 =	simm.s32 @!p0 $0x1C07  }
0x19d: {  	[timem:s3], [sflag:s2] =	dma.local @!p0 [hbm:s0], s1  }
0x19e: {  	s0 =	simm.s32 @!p0 $0x7  }
0x19f: {  	_ =	swait.ge @!p0 [sflag:s0], s1  }
0x1a0: {  	s1 =	ssub.s32 @!p0 $0x0, s1;
	[sflag:s0] =	ssyncset.done @!p0 $0x0  }
0x1a1: {  	[sflag:s0] =	ssyncadd.s32 @!p0 s1  }
0x1a2: {  	[bflag:$0x3] =	sbarrier.arrive $0xFFFF  }
0x1a3: {  	_ =	shalt  }

// kernel: kernel.9.cloned.1.call-start
scs
__scs_entry_jumppad:
0x0: {  	(pc) =	sbr.rel $0x88, $3  }
0x1: {  	(tag) =	ssettag $0x0;
	lr =	simm.s32 $0x1  }
0x2: {  	[smem:$0x3F9D] =	sst lr;
	_ =	strace $0xD0000000  }
0x3: {  	_ = 	snop  }
0x4: {  	_ = 	snop  }
0x5: {  	_ = 	snop  }
0x6: {  	_ = 	snop  }
0x7: {  	_ = 	snop  }
__scs_overlays_trampoline_lowered:
0x8: {  	[smem:$0x3FAC] =	sst s0  }
0x9: {  	[smem:$0x3FAD] =	sst s1  }
0xa: {  	[smem:$0x3FAE] =	sst s2  }
0xb: {  	[smem:$0x3FAF] =	sst s3  }
0xc: {  	[smem:$0x3FB0] =	sst s4  }
0xd: {  	[smem:$0x3FB1] =	sst s5  }
0xe: {  	[smem:$0x3FB2] =	sst s6  }
0xf: {  	[smem:$0x3FB3] =	sst s7  }
0x10: {  	[smem:$0x3FB4] =	sst s8  }
0x11: {  	[smem:$0x3FB5] =	sst s9;
	s0 =	simm.s32 @!p0 $0x0  }
0x12: {  	s1 =	sld [smem:$0x3F9B];
	s0 =	simm.s32 @p0 $0x1  }
0x13: {  	[smem:$0x3FB6] =	sst s0;
	s0 =	simm.s32 @!p1 $0x0  }
0x14: {  	s2 =	sld [smem:$0x3F9A];
	s0 =	simm.s32 @p1 $0x1  }
0x15: {  	[smem:$0x3FB7] =	sst s0;
	s0 =	simm.s32 @!p2 $0x0  }
0x16: {  	s3 =	sld [smem:$0x3FDB];
	s0 =	simm.s32 @p2 $0x1  }
0x17: {  	s4 =	simm.s32 $0x1BF5;
	[smem:$0x3FB9] =	sst s0  }
0x18: {  	s0 =	sld [smem:$0x3F9C];
	_ =	swait.ge [sflag:s4], $0x0  }
0x19: {  	s7 =	sld [smem:$0x3F9D]  }
0x1a: {  	s8 =	sadd.s32 $0xFFFFE003, lr  }
0x1b: {  	s9 =	sadd.s32 $0xFFFFFEF7, lr;
	s5 =	simm.s32 $0xFFFFFFFF;
	p2 =	slt.u32 s8, $0xFFFFF086  }
0x1c: {  	p1 =	slt.u32 s9, $0xF7A;
	s5 =	simm.s32 @!p2 $0x0  }
0x1d: {  	s5 =	simm.s32 @p1 $0x1;
	p0 =	seq.s32 s7, s2  }
0x1e: {  	s7 =	smul.u32 @!p0 $0xF7A, s2;
	p2 =	seq.s32 @!p0 s5, $0x0  }
0x1f: {  	s9 =	smul.u32 $0xF7A, s1;
	s8 =	simm.s32 @!p0 $0x1BF5;
	p2 =	por !p2, p0  }
0x20: {  	[sflag:s8] =	ssyncset.s32 @!p0 $0xFFFFF086;
	s6 =	sadd.s32 @!p0 s3, s7;
	s7 =	simm.s32 @!p0 $0x108  }
0x21: {  	s3 =	sadd.s32 s3, s9;
	s6 =	sadd.s32 @!p0 $0x88, s6;
	s7 =	simm.s32 @p2 $0x1082  }
0x22: {  	[simem:s7], [sflag:s8] =	dma.local @!p0 [hbm:s6], $0xF7A  }
0x23: {  	s9 =	sor.u32 $0xD0000000, s2;
	s6 =	simm.s32 $0x108;
	_ =	swait.ge @!p0 [sflag:s8], $0x0  }
0x24: {  	s3 =	sadd.s32 $0x88, s3;
	s6 =	simm.s32 @!p1 $0x1082;
	[sflag:s4] =	ssyncset.s32 $0xFFFFF086  }
0x25: {  	[simem:s6], [sflag:s4] =	dma.local [hbm:s3], $0xF7A  }
0x26: {  	[smem:$0x3F9D] =	sst s1;
	(tag) =	ssettag s2;
	_ =	strace s9  }
0x27: {  	s1 =	sld [smem:$0x3FAD]  }
0x28: {  	s2 =	sld [smem:$0x3FAE]  }
0x29: {  	s4 =	sld [smem:$0x3FB0]  }
0x2a: {  	p0 =	seq.s32 s5, $0x0;
	s5 =	sld [smem:$0x3FB1]  }
0x2b: {  	s6 =	sld [smem:$0x3FB2]  }
0x2c: {  	s7 =	sld [smem:$0x3FB3]  }
0x2d: {  	s3 =	simm.s32 $0x108;
	s8 =	sld [smem:$0x3FB4]  }
0x2e: {  	s3 =	simm.s32 @!p0 $0x1082;
	s9 =	sld [smem:$0x3FB5]  }
0x2f: {  	lr =	sadd.s32 s0, s3;
	s0 =	sld [smem:$0x3FAC]  }
0x30: {  	s3 =	sld [smem:$0x3FAF]  }
0x31: {  	[smem:$0x3FB8] =	sst s10  }
0x32: {  	s10 =	sld [smem:$0x3FB6];
	_ =	sdelay $0x3  }
0x33: {  	p0 =	seq.s32 s10, $0x1;
	s10 =	sld [smem:$0x3FB8];
	_ =	sdelay $0x3  }
0x34: {  	[smem:$0x3FB8] =	sst s10  }
0x35: {  	s10 =	sld [smem:$0x3FB7];
	_ =	sdelay $0x3  }
0x36: {  	p1 =	seq.s32 s10, $0x1;
	s10 =	sld [smem:$0x3FB8];
	_ =	sdelay $0x3  }
0x37: {  	[smem:$0x3FB8] =	sst s10  }
0x38: {  	s10 =	sld [smem:$0x3FB9]  }
0x39: {  	_ = 	snop;
	(pc) =	sbr.ind lr, $3  }
0x3a: {  	_ = 	snop  }
0x3b: {  	_ = 	snop  }
0x3c: {  	p2 =	seq.s32 s10, $0x1;
	s10 =	sld [smem:$0x3FB8]  }
0x3d: {  	_ =	shalt  }
0x3e: {  	_ =	shalt  }
0x3f: {  	_ =	shalt  }
0x40: {  	_ =	shalt  }
0x41: {  	_ =	shalt  }
0x42: {  	_ =	shalt  }
0x43: {  	_ =	shalt  }
0x44: {  	_ =	shalt  }
0x45: {  	_ =	shalt  }
0x46: {  	_ =	shalt  }
0x47: {  	_ =	shalt  }
0x48: {  	_ =	shalt  }
0x49: {  	_ =	shalt  }
0x4a: {  	_ =	shalt  }
0x4b: {  	_ =	shalt  }
0x4c: {  	_ =	shalt  }
0x4d: {  	_ =	shalt  }
0x4e: {  	_ =	shalt  }
0x4f: {  	_ =	shalt  }
0x50: {  	_ =	shalt  }
0x51: {  	_ =	shalt  }
0x52: {  	_ =	shalt  }
0x53: {  	_ =	shalt  }
0x54: {  	_ =	shalt  }
0x55: {  	_ =	shalt  }
0x56: {  	_ =	shalt  }
0x57: {  	_ =	shalt  }
0x58: {  	_ =	shalt  }
0x59: {  	_ =	shalt  }
0x5a: {  	_ =	shalt  }
0x5b: {  	_ =	shalt  }
0x5c: {  	_ =	shalt  }
0x5d: {  	_ =	shalt  }
0x5e: {  	_ =	shalt  }
0x5f: {  	_ =	shalt  }
0x60: {  	_ =	shalt  }
0x61: {  	_ =	shalt  }
0x62: {  	_ =	shalt  }
0x63: {  	_ =	shalt  }
0x64: {  	_ =	shalt  }
0x65: {  	_ =	shalt  }
0x66: {  	_ =	shalt  }
0x67: {  	_ =	shalt  }
0x68: {  	_ =	shalt  }
0x69: {  	_ =	shalt  }
0x6a: {  	_ =	shalt  }
0x6b: {  	_ =	shalt  }
0x6c: {  	_ =	shalt  }
0x6d: {  	_ =	shalt  }
0x6e: {  	_ =	shalt  }
0x6f: {  	_ =	shalt  }
0x70: {  	_ =	shalt  }
0x71: {  	_ =	shalt  }
0x72: {  	_ =	shalt  }
0x73: {  	_ =	shalt  }
0x74: {  	_ =	shalt  }
0x75: {  	_ =	shalt  }
0x76: {  	_ =	shalt  }
0x77: {  	_ =	shalt  }
0x78: {  	_ =	shalt  }
0x79: {  	_ =	shalt  }
0x7a: {  	_ =	shalt  }
0x7b: {  	_ =	shalt  }
0x7c: {  	_ =	shalt  }
0x7d: {  	_ =	shalt  }
0x7e: {  	_ =	shalt  }
0x7f: {  	_ =	shalt  }
0x80: {  	_ =	shalt  }
0x81: {  	_ =	shalt  }
0x82: {  	_ =	shalt  }
0x83: {  	_ =	shalt  }
0x84: {  	_ =	shalt  }
0x85: {  	_ =	shalt  }
0x86: {  	_ =	shalt  }
0x87: {  	_ =	shalt  }
.Lfunc_end0:
.L_simem_size_0:
called_computation.1_lowered:
.L_overlay_start_0:
0x88: {  	s2 =	sld [smem:$0x3FD9]  }
0x89: {  	s3 =	sld [smem:$0x3FFE];
	_ =	sdelay $0x1  }
0x8a: {  	s1 =	srdreg.scid  }
0x8b: {  	s0 =	sand.u32 $0x1, s1  }
0x8c: {  	s17 =	sshll.u32 s0, $0xA;
	s2 =	sadd.s32 s3, s2  }
0x8d: {  	s2 =	sadd.s32 s2, s17  }
0x8e: {  	[smem:$0x3FC4] =	sst s2  }
0x8f: {  	_ = 	snop  }
0x90: {  	(tm) =	ssettm $0x1  }
0x91: {  	s18 =	sld [smem:$0x3FFB];
	_ =	sdelay $0x3  }
0x92: {  	_ =	strace s18  }
0x93: {  	s2 =	sld [smem:$0x3FFC];
	_ =	sdelay $0x3  }
0x94: {  	_ =	strace s2  }
0x95: {  	s2 =	sld [smem:$0x3FFD];
	_ =	sdelay $0x3  }
0x96: {  	_ =	strace s2  }
0x97: {  	_ =	strace $0x8FFFFFFF  }
0x98: {  	s19 =	sld [smem:$0x3FDB];
	_ =	sdelay $0x1  }
0x99: {  	s20 =	simm.s32 $_scs_section_size  }
0x9a: {  	s4 =	simm.s32 $_size__tile_overlayer_lowered;
	s5 =	simm.s32 $_tile_overlayer_lowered  }
0x9b: {  	s6 =	simm.s32 $0x1BFF;
	s21 =	sshll.u32 s5, $0x1;
	s3 =	sadd.s32 s20, s19  }
0x9c: {  	s22 =	simm.s32 $0x0;
	s4 =	sshll.u32 s4, $0x1;
	s5 =	sadd.s32 s21, s3  }
0x9d: {  	[timem:s22], [sflag:s6] =	dma.local [hbm:s5], s4  }
0x9e: {  	_ =	swait.ge [sflag:s6], s4  }
0x9f: {  	s4 =	ssub.s32 $0x0, s4;
	[sflag:s6] =	ssyncset.done $0x0  }
0xa0: {  	[sflag:s6] =	ssyncadd.s32 s4;
	_ =	sdelay $0x1  }
0xa1: {  	s23 =	simm.s32 $0x1B8B  }
0xa2: {  	_ =	swait.ge [sflag:s23], $0x1  }
0xa3: {  	[sflag:s23] =	ssyncset.done $0x0  }
0xa4: {  	[sflag:s23] =	ssyncadd.s32 $0xFFFFFFFF  }
0xa5: {  	s4 =	sld [smem:$0x0]  }
0xa6: {  	s5 =	sand.u32 $0xFFFFFFFE, s1  }
0xa7: {  	p0 =	sne.s32 s1, s5  }
0xa8: {  	s5 =	sshll.u32 @p0 s5, $0xE  }
0xa9: {  	s5 =	sadd.s32 @p0 $0x11B8D, s5;
	s6 =	sshll.u32 @p0 s4, $0x11  }
0xaa: {  	s5 =	sor.u32 @p0 s6, s5  }
0xab: {  	[sflag:s5] =	ssyncadd.remote.s32 @p0 $0x1;
	_ =	sdelay $0x1  }
0xac: {  	s5 =	simm.s32 @p0 $0x1B8D  }
0xad: {  	_ =	swait.eq @p0 [sflag:s5], $0x1  }
0xae: {  	[sflag:s5] =	ssyncadd.s32 @p0 $0xFFFFFFFF  }
0xaf: {  	s6 =	sshll.u32 @!p0 s1, $0xE  }
0xb0: {  	s6 =	sor.u32 @!p0 $0x4000, s6;
	s5 =	simm.s32 @!p0 $0x1B8D  }
0xb1: {  	s4 =	sshll.u32 @!p0 s4, $0x11;
	s6 =	sadd.s32 @!p0 $0x11B8D, s6;
	_ =	swait.eq @!p0 [sflag:s5], $0x1  }
0xb2: {  	s4 =	sor.u32 @!p0 s4, s6;
	[sflag:s5] =	ssyncadd.s32 @!p0 $0xFFFFFFFF  }
0xb3: {  	s25 =	simm.s32 $0x1B8E;
	s24 =	sld [smem:$0x3FFE];
	[sflag:s4] =	ssyncadd.remote.s32 @!p0 $0x1  }
0xb4: {  	s26 =	simm.s32 $execute0_lowered;
	[smem:$0x3FD2] =	sst s25  }
0xb5: {  	s5 =	sshll.u32 s26, $0x1;
	_ =	strace $0x80000049;
	[dreg:$0x1] =	wrdreg $0xFFFFFFFF  }
0xb6: {  	s28 =	simm.s32 $_size_execute0_lowered;
	s3 =	sadd.s32 s3, s5;
	[dreg:$0x0] =	wrdreg $0x0  }
0xb7: {  	s5 =	sshll.u32 s28, $0x1;
	[dreg:$0x2] =	wrdreg s3  }
0xb8: {  	[dreg:$0x3] =	wrdreg s5  }
0xb9: {  	[dreg:$0x4] =	wrdreg $0xC0  }
0xba: {  	_ =	task [dreg:s22], $0x5FFFF  }
0xbb: {  	[dreg:$0x1] =	wrdreg $0xFFFFFFFF  }
0xbc: {  	[dreg:$0x0] =	wrdreg $0x60  }
0xbd: {  	[dreg:$0x2] =	wrdreg s24  }
0xbe: {  	[dreg:$0x3] =	wrdreg $0x30000  }
0xbf: {  	[dreg:$0x4] =	wrdreg $0xA  }
0xc0: {  	_ =	task.clear_ibuf [dreg:s22], $0x5FFFF;
	_ =	strace $0x90000049  }
0xc1: {  	s29 =	simm.s32 $0xA;
	_ =	strace $0x8000004B  }
0xc2: {  	_ =	swait.ge [sflag:s29], $0x1  }
0xc3: {  	[sflag:s29] =	ssyncadd.s32 $0xFFFFFFFF  }
0xc4: {  	_ =	strace $0x9000004B  }
0xc5: {  	_ =	sfence  }
0xc6: {  	s30 =	sld [smem:$0x0];
	_ =	sdelay $0x2  }
0xc7: {  	s31 =	sshll.u32 s1, $0xD;
	s1 =	sshrl.u32 s1, $0x2  }
0xc8: {  	s4 =	sand.u32 $0x4000, s31;
	s1 =	sadd.s32 s1, s30  }
0xc9: {  	s0 =	sor.u32 s4, s0;
	s1 =	sshll.u32 s1, $0x11  }
0xca: {  	s0 =	sor.u32 s1, s0  }
0xcb: {  	s0 =	sadd.s32 $0x8F2B, s0  }
0xcc: {  	[sflag:s0] =	ssyncadd.remote.s32 $0x1  }
0xcd: {  	_ =	sfence.sel $0xFFFF  }
0xce: {  	[dreg:$0x0] =	wrdreg $0xFFFFFFFF;
	(pc) =	sbr.abs _section_cstart, $3  }
0xcf: {  	[dreg:$0x1] =	wrdreg $0xFFFFFFFF  }
0xd0: {  	_ =	task.clear_ibuf [dreg:s22], $0x2FFFF;
	_ =	strace $0x9FFFFFFF  }
0xd1: {  	(tm) =	ssettm $0x7FFFFFFF  }
tec
execute0_lowered:
.L_overlay_start_1:
0x0: {  	(tag) =	ssettag $0x1  }
0x1: {  	s0 =	rddreg [dreg:$0x0]  }
0x2: {  	s2 =	rddreg [dreg:$0x1];
	s10 =	stileid.u32  }
0x3: {  	s3 =	simm.s32 $0x0;
	s1 =	srdreg.scid;
	s4 =	smul.u32 $0x4F000, s10  }
0x4: {  	[smem:$0x7FF] =	sst s3;
	s1 =	sand.u32 $0x1, s1;
	s5 =	sadd.s32 $0x4F000, s0  }
0x5: {  	s0 =	sadd.s32 $0xA7200, s0;
	s17 =	smul.u32 $0x13800, s10;
	s4 =	sshrl.u32 s4, $0x2  }
0x6: {  	s9 =	sshll.u32 s10, $0x1;
	s18 =	smul.u32 $0x5000, s10;
	s4 =	sadd.s32 s4, s2  }
0x7: {  	s24 =	smul.u32 $0x4E000, s10;
	p0 =	seq.s32 s10, $0xF;
	s8 =	sadd.s32 $0x2000, s4  }
0x8: {  	_ =	strace $0x8000004A;
	s11 =	sadd.s32 $0x4000, s4;
	[dreg:$0x4] =	wrdreg s8  }
0x9: {  	s6 =	ssub.s32 $0x2, s1;
	s12 =	sadd.s32 $0x6000, s4;
	[dreg:$0x5] =	wrdreg s11  }
0xa: {  	s16 =	smul.u32 $0x138800, s1;
	s13 =	sadd.s32 $0x8000, s4;
	[dreg:$0x6] =	wrdreg s12  }
0xb: {  	s7 =	sshrl.u32 s6, $0x1;
	s14 =	sadd.s32 $0xA000, s4;
	[dreg:$0x7] =	wrdreg s13  }
0xc: {  	s6 =	ssub.s32 s6, s7;
	s15 =	sadd.s32 $0xC000, s4;
	[dreg:$0x8] =	wrdreg s14  }
0xd: {  	s7 =	sor.u32 s1, s9;
	s9 =	sadd.s32 $0xE000, s4;
	[dreg:$0x9] =	wrdreg s15  }
0xe: {  	s1 =	smul.u32 $0x2800, s1;
	s19 =	sadd.s32 $0x12000, s4;
	[dreg:$0xa] =	wrdreg s9  }
0xf: {  	s7 =	smul.u32 $0x2800, s7;
	s11 =	sadd.s32 $0x10000, s4;
	[dreg:$0xc] =	wrdreg s19  }
0x10: {  	s9 =	sadd.s32 s17, s16;
	s1 =	sadd.s32 s1, s18;
	s8 =	sshrl.u32 s16, $0x3  }
0x11: {  	s7 =	sshrl.u32 s7, $0x3;
	[dreg:$0xb] =	wrdreg s11;
	s9 =	sshrl.u32 s9, $0x3  }
0x12: {  	s1 =	sor.u32 $0x400, s1;
	s13 =	sadd.s32 s5, s7;
	s9 =	sadd.s32 s0, s9  }
0x13: {  	s0 =	sadd.s32 s0, s8;
	s1 =	sshrl.u32 s1, $0x3;
	s7 =	sshrl.u32 s24, $0x2  }
0x14: {  	s8 =	simm.s32 $0x3;
	s20 =	sadd.s32 $0x8, s13;
	[dreg:$0x11] =	wrdreg s9  }
0x15: {  	s21 =	sadd.s32 $0x10, s13;
	s22 =	sadd.s32 $0x18, s13;
	[dreg:$0xd] =	wrdreg s20  }
0x16: {  	s23 =	sadd.s32 $0x20, s13;
	s25 =	sadd.s32 $0x28, s13;
	[dreg:$0xe] =	wrdreg s21  }
0x17: {  	s1 =	sadd.s32 s1, s5;
	s26 =	sadd.s32 $0x30, s13;
	[dreg:$0xf] =	wrdreg s22  }
0x18: {  	s5 =	sadd.s32 s7, s2;
	s28 =	sadd.s32 $0x40, s13;
	[dreg:$0x10] =	wrdreg s23  }
0x19: {  	s29 =	sadd.s32 $0x48, s13;
	s30 =	sadd.s32 $0x50, s13;
	[dreg:$0x12] =	wrdreg s25  }
0x1a: {  	s31 =	sadd.s32 $0x58, s13;
	s7 =	simm.s32 $0x1000;
	[dreg:$0x13] =	wrdreg s26  }
0x1b: {  	s9 =	simm.s32 $0x40;
	s22 =	sadd.s32 $0x24900, s0;
	[dreg:$0x3] =	wrdreg s1  }
0x1c: {  	s0 =	sadd.s32 $0x124800, s2;
	s23 =	smax.u32 s6, $0x1;
	s25 =	sshrl.u32 @!p0 s5, $0x3  }
0x1d: {  	s26 =	sadd.s32 $0x38, s13;
	s1 =	sadd.s32 $0x68, s13;
	s5 =	sadd.s32 $0x70, s13  }
0x1e: {  	v0 =	vimm.f32 $0.0e+00;
	v1 =	vimm.f32 $1.000000000e+00;
	s6 =	sadd.s32 $0x78, s13;
	s24 =	sshrl.u32 @p0 s0, $0x3;
	s0 =	sadd.s32 $0x60, s13  }
.LBB2_1:
0x1f: {  	s10 =	simm.s32 $0x0;
	s11 =	simm.s32 $0x200  }
.LBB2_2:
0x20: {  	p1 =	sne.s32 s11, $0x7E00;
	[tilespmem:s10+$0x1070] =	vst v0  }
0x21: {  	[tilespmem:s10+$0x1000] =	vst v0  }
0x22: {  	[tilespmem:s10+$0x1010] =	vst v0  }
.Ltmp0:
0x23: {  	[tilespmem:s10+$0x1020] =	vst v0;
	(pc) =	sbr.rel @p1 .LBB2_2-.Ltmp0, $4  }
0x24: {  	[tilespmem:s10+$0x1030] =	vst v0  }
0x25: {  	[tilespmem:s10+$0x1040] =	vst v0  }
0x26: {  	[tilespmem:s10+$0x1050] =	vst v0  }
0x27: {  	[tilespmem:s10+$0x1060] =	vst v0;
	s10 =	sshra.s32 s11, $0x2;
	s11 =	sadd.s32 $0x200, s11  }
0x28: {  	[tilespmem:s10+$0x1070] =	vst v0  }
0x29: {  	[tilespmem:s10+$0x1000] =	vst v0  }
0x2a: {  	[tilespmem:s10+$0x1010] =	vst v0  }
0x2b: {  	[tilespmem:s10+$0x1020] =	vst v0  }
0x2c: {  	[tilespmem:s10+$0x1030] =	vst v0  }
0x2d: {  	[tilespmem:s10+$0x1040] =	vst v0  }
0x2e: {  	[tilespmem:s10+$0x1050] =	vst v0  }
0x2f: {  	[tilespmem:s10+$0x1060] =	vst v0  }
0x30: {  	[spmem:s4] =	stream.linear.scatter [tilespmem:s7], [sflag:$0x3], $0x2000, $0x38;
	[tilespmem:$0x16C00] =	vst v63  }
0x31: {  	_ =	swait.ge [sflag:s8], $0x2000  }
0x32: {  	[sflag:s8] =	ssyncset.done $0x0  }
0x33: {  	s12 =	rddreg [dreg:$0x4];
	[sflag:s8] =	ssyncadd.s32 $0xFFFFE000  }
0x34: {  	[spmem:s12] =	stream.linear.scatter [tilespmem:s7], [sflag:$0x3], $0x2000, $0x38;
	[tilespmem:$0x16C00] =	vst v63  }
0x35: {  	_ =	swait.ge [sflag:s8], $0x2000  }
0x36: {  	[sflag:s8] =	ssyncset.done $0x0  }
0x37: {  	s14 =	rddreg [dreg:$0x5];
	[sflag:s8] =	ssyncadd.s32 $0xFFFFE000  }
0x38: {  	[spmem:s14] =	stream.linear.scatter [tilespmem:s7], [sflag:$0x3], $0x2000, $0x38;
	[tilespmem:$0x16C00] =	vst v63  }
0x39: {  	_ =	swait.ge [sflag:s8], $0x2000  }
0x3a: {  	[sflag:s8] =	ssyncset.done $0x0  }
0x3b: {  	s15 =	rddreg [dreg:$0x6];
	[sflag:s8] =	ssyncadd.s32 $0xFFFFE000  }
0x3c: {  	[spmem:s15] =	stream.linear.scatter [tilespmem:s7], [sflag:$0x3], $0x2000, $0x38;
	[tilespmem:$0x16C00] =	vst v63  }
0x3d: {  	_ =	swait.ge [sflag:s8], $0x2000  }
0x3e: {  	[sflag:s8] =	ssyncset.done $0x0  }
0x3f: {  	s16 =	rddreg [dreg:$0x7];
	[sflag:s8] =	ssyncadd.s32 $0xFFFFE000  }
0x40: {  	[spmem:s16] =	stream.linear.scatter [tilespmem:s7], [sflag:$0x3], $0x2000, $0x38;
	[tilespmem:$0x16C00] =	vst v63  }
0x41: {  	_ =	swait.ge [sflag:s8], $0x2000  }
0x42: {  	[sflag:s8] =	ssyncset.done $0x0  }
0x43: {  	s17 =	rddreg [dreg:$0x8];
	[sflag:s8] =	ssyncadd.s32 $0xFFFFE000  }
0x44: {  	[spmem:s17] =	stream.linear.scatter [tilespmem:s7], [sflag:$0x3], $0x2000, $0x38;
	[tilespmem:$0x16C00] =	vst v63  }
0x45: {  	_ =	swait.ge [sflag:s8], $0x2000  }
0x46: {  	[sflag:s8] =	ssyncset.done $0x0  }
0x47: {  	s18 =	rddreg [dreg:$0x9];
	[sflag:s8] =	ssyncadd.s32 $0xFFFFE000  }
0x48: {  	[spmem:s18] =	stream.linear.scatter [tilespmem:s7], [sflag:$0x3], $0x2000, $0x38;
	[tilespmem:$0x16C00] =	vst v63  }
0x49: {  	_ =	swait.ge [sflag:s8], $0x2000  }
0x4a: {  	[sflag:s8] =	ssyncset.done $0x0  }
0x4b: {  	s19 =	rddreg [dreg:$0xa];
	[sflag:s8] =	ssyncadd.s32 $0xFFFFE000  }
0x4c: {  	[spmem:s19] =	stream.linear.scatter [tilespmem:s7], [sflag:$0x3], $0x2000, $0x38;
	[tilespmem:$0x16C00] =	vst v63  }
0x4d: {  	_ =	swait.ge [sflag:s8], $0x2000  }
0x4e: {  	[sflag:s8] =	ssyncset.done $0x0  }
0x4f: {  	s20 =	rddreg [dreg:$0xb];
	[sflag:s8] =	ssyncadd.s32 $0xFFFFE000  }
0x50: {  	[spmem:s20] =	stream.linear.scatter [tilespmem:s7], [sflag:$0x3], $0x2000, $0x38;
	[tilespmem:$0x16C00] =	vst v63  }
0x51: {  	_ =	swait.ge [sflag:s8], $0x2000  }
0x52: {  	[sflag:s8] =	ssyncset.done $0x0  }
0x53: {  	s21 =	rddreg [dreg:$0xc];
	[sflag:s8] =	ssyncadd.s32 $0xFFFFE000  }
0x54: {  	[spmem:s21] =	stream.linear.scatter [tilespmem:s7], [sflag:$0x3], $0x1C00, $0x38;
	[tilespmem:$0x16C00] =	vst v63  }
0x55: {  	_ =	swait.ge [sflag:s8], $0x1C00  }
0x56: {  	[sflag:s8] =	ssyncset.done $0x0  }
0x57: {  	s10 =	simm.s32 $0x200;
	s11 =	simm.s32 $0x0;
	[sflag:s8] =	ssyncadd.s32 $0xFFFFE400  }
.LBB2_4:
0x58: {  	p1 =	sne.s32 s10, $0x7E00;
	[tilespmem:s11+$0x1000] =	vst v1;
	s11 =	smov.u32 s10;
	s10 =	sadd.s32 $0x200, s10  }
.Ltmp1:
0x59: {  	(pc) =	sbr.rel @p1 .LBB2_4-.Ltmp1, $2  }
0x5a: {  	_ =	sdelay $0x2  }
0x5b: {  	s11 =	sshra.s32 s11, $0x2  }
0x5c: {  	[tilespmem:s11+$0x1000] =	vst v1  }
0x5d: {  	s10 =	simm.s32 $0x0;
	[bflag:$0x0] =	sbarrier.arrive $0xFFFF  }
0x5e: {  	[tilespmem:s10], [sflag:$0x1] =	stream.linear.gather [hbm4b:s13+s10], $0x40, $0x38;
	[tilespmem:$0x16C00] =	vst v63  }
0x5f: {  	s12 =	simm.s32 $0x80;
	s15 =	rddreg [dreg:$0xd]  }
0x60: {  	[tilespmem:s12], [sflag:$0x1] =	stream.linear.gather [hbm4b:s15+s10], $0x40, $0x38;
	[tilespmem:$0x16C00] =	vst v63  }
0x61: {  	s17 =	simm.s32 $0x100;
	s16 =	rddreg [dreg:$0xe]  }
0x62: {  	[tilespmem:s17], [sflag:$0x1] =	stream.linear.gather [hbm4b:s16+s10], $0x40, $0x38;
	[tilespmem:$0x16C00] =	vst v63  }
0x63: {  	s19 =	simm.s32 $0x180;
	s18 =	rddreg [dreg:$0xf]  }
0x64: {  	[tilespmem:s19], [sflag:$0x1] =	stream.linear.gather [hbm4b:s18+s10], $0x40, $0x38;
	[tilespmem:$0x16C00] =	vst v63  }
0x65: {  	s21 =	simm.s32 $0x200;
	s20 =	rddreg [dreg:$0x10]  }
0x66: {  	[tilespmem:s21], [sflag:$0x1] =	stream.linear.gather [hbm4b:s20+s10], $0x40, $0x38;
	[tilespmem:$0x16C00] =	vst v63  }
0x67: {  	s14 =	simm.s32 $0x280;
	s12 =	rddreg [dreg:$0x12]  }
0x68: {  	[tilespmem:s14], [sflag:$0x1] =	stream.linear.gather [hbm4b:s12+s10], $0x40, $0x38;
	[tilespmem:$0x16C00] =	vst v63  }
0x69: {  	s15 =	rddreg [dreg:$0x13];
	s16 =	simm.s32 $0x300  }
0x6a: {  	[tilespmem:s16], [sflag:$0x1] =	stream.linear.gather [hbm4b:s15+s10], $0x40, $0x38;
	[tilespmem:$0x16C00] =	vst v63  }
0x6b: {  	s17 =	simm.s32 $0x380  }
0x6c: {  	[tilespmem:s17], [sflag:$0x1] =	stream.linear.gather [hbm4b:s26+s10], $0x40, $0x38;
	[tilespmem:$0x16C00] =	vst v63  }
0x6d: {  	s18 =	simm.s32 $0x400  }
0x6e: {  	[tilespmem:s18], [sflag:$0x1] =	stream.linear.gather [hbm4b:s28+s10], $0x40, $0x38;
	[tilespmem:$0x16C00] =	vst v63  }
0x6f: {  	s19 =	simm.s32 $0x480  }
0x70: {  	[tilespmem:s19], [sflag:$0x1] =	stream.linear.gather [hbm4b:s29+s10], $0x40, $0x38;
	[tilespmem:$0x16C00] =	vst v63  }
0x71: {  	s20 =	simm.s32 $0x500  }
0x72: {  	[tilespmem:s20], [sflag:$0x1] =	stream.linear.gather [hbm4b:s30+s10], $0x40, $0x38;
	[tilespmem:$0x16C00] =	vst v63  }
0x73: {  	s21 =	simm.s32 $0x580  }
0x74: {  	[tilespmem:s21], [sflag:$0x1] =	stream.linear.gather [hbm4b:s31+s10], $0x40, $0x38;
	[tilespmem:$0x16C00] =	vst v63  }
0x75: {  	s12 =	simm.s32 $0x600  }
0x76: {  	[tilespmem:s12], [sflag:$0x1] =	stream.linear.gather [hbm4b:s0+s10], $0x40, $0x38;
	[tilespmem:$0x16C00] =	vst v63  }
0x77: {  	s14 =	simm.s32 $0x680  }
0x78: {  	[tilespmem:s14], [sflag:$0x1] =	stream.linear.gather [hbm4b:s1+s10], $0x40, $0x38;
	[tilespmem:$0x16C00] =	vst v63  }
0x79: {  	s15 =	simm.s32 $0x700  }
0x7a: {  	[tilespmem:s15], [sflag:$0x1] =	stream.linear.gather [hbm4b:s5+s10], $0x40, $0x38;
	[tilespmem:$0x16C00] =	vst v63  }
0x7b: {  	s16 =	simm.s32 $0x780  }
0x7c: {  	[tilespmem:s16], [sflag:$0x1] =	stream.linear.gather [hbm4b:s6+s10], $0x40, $0x38;
	[tilespmem:$0x16C00] =	vst v63  }
0x7d: {  	s10 =	sand.u32 $0x1, s10  }
0x7e: {  	s17 =	sadd.s32 $0x1, s10  }
0x7f: {  	_ =	swait.ge [sflag:s17], $0x40  }
0x80: {  	[sflag:s17] =	ssyncset.done $0x0  }
0x81: {  	[sflag:s17] =	ssyncadd.s32 $0xFFFFFFC0  }
0x82: {  	_ =	swait.ge [sflag:s17], $0x40  }
0x83: {  	[sflag:s17] =	ssyncset.done $0x0  }
0x84: {  	[sflag:s17] =	ssyncadd.s32 $0xFFFFFFC0  }
0x85: {  	_ =	swait.ge [sflag:s17], $0x40  }
0x86: {  	[sflag:s17] =	ssyncset.done $0x0  }
0x87: {  	[sflag:s17] =	ssyncadd.s32 $0xFFFFFFC0  }
0x88: {  	_ =	swait.ge [sflag:s17], $0x40  }
0x89: {  	[sflag:s17] =	ssyncset.done $0x0  }
0x8a: {  	[sflag:s17] =	ssyncadd.s32 $0xFFFFFFC0  }
0x8b: {  	_ =	swait.ge [sflag:s17], $0x40  }
0x8c: {  	[sflag:s17] =	ssyncset.done $0x0  }
0x8d: {  	[sflag:s17] =	ssyncadd.s32 $0xFFFFFFC0  }
0x8e: {  	_ =	swait.ge [sflag:s17], $0x40  }
0x8f: {  	[sflag:s17] =	ssyncset.done $0x0  }
0x90: {  	[sflag:s17] =	ssyncadd.s32 $0xFFFFFFC0  }
0x91: {  	_ =	swait.ge [sflag:s17], $0x40  }
0x92: {  	[sflag:s17] =	ssyncset.done $0x0  }
0x93: {  	[sflag:s17] =	ssyncadd.s32 $0xFFFFFFC0  }
0x94: {  	_ =	swait.ge [sflag:s17], $0x40  }
0x95: {  	[sflag:s17] =	ssyncset.done $0x0  }
0x96: {  	[sflag:s17] =	ssyncadd.s32 $0xFFFFFFC0  }
0x97: {  	_ =	swait.ge [sflag:s17], $0x40  }
0x98: {  	[sflag:s17] =	ssyncset.done $0x0  }
0x99: {  	[sflag:s17] =	ssyncadd.s32 $0xFFFFFFC0  }
0x9a: {  	_ =	swait.ge [sflag:s17], $0x40  }
0x9b: {  	[sflag:s17] =	ssyncset.done $0x0  }
0x9c: {  	[sflag:s17] =	ssyncadd.s32 $0xFFFFFFC0  }
0x9d: {  	_ =	swait.ge [sflag:s17], $0x40  }
0x9e: {  	[sflag:s17] =	ssyncset.done $0x0  }
0x9f: {  	[sflag:s17] =	ssyncadd.s32 $0xFFFFFFC0  }
0xa0: {  	_ =	swait.ge [sflag:s17], $0x40  }
0xa1: {  	[sflag:s17] =	ssyncset.done $0x0  }
0xa2: {  	[sflag:s17] =	ssyncadd.s32 $0xFFFFFFC0  }
0xa3: {  	_ =	swait.ge [sflag:s17], $0x40  }
0xa4: {  	[sflag:s17] =	ssyncset.done $0x0  }
0xa5: {  	[sflag:s17] =	ssyncadd.s32 $0xFFFFFFC0  }
0xa6: {  	_ =	swait.ge [sflag:s17], $0x40  }
0xa7: {  	[sflag:s17] =	ssyncset.done $0x0  }
0xa8: {  	[sflag:s17] =	ssyncadd.s32 $0xFFFFFFC0  }
0xa9: {  	_ =	swait.ge [sflag:s17], $0x40  }
0xaa: {  	p1 =	por $0x0, $0x0;
	[sflag:s17] =	ssyncset.done $0x0  }
0xab: {  	p1 =	por p1, p1;
	[sflag:s17] =	ssyncadd.s32 $0xFFFFFFC0  }
0xac: {  	s16 =	simm.s32 @!p1 $0x0;
	s14 =	sxor.u32 @!p1 $0x1, s10;
	_ =	swait.ge [sflag:s17], $0x40  }
0xad: {  	s15 =	sshll.u32 @!p1 s14, $0xB;
	s12 =	rddreg [dreg:$0x3];
	[sflag:s17] =	ssyncset.done $0x0  }
0xae: {  	s11 =	sadd.s32 @!p1 $0x1, s14;
	[sflag:s17] =	ssyncadd.s32 $0xFFFFFFC0;
	s12 =	sadd.s32 @!p1 $0x0, s12  }
0xaf: {  	[tilespmem:s15], [sflag:s11] =	stream.linear.gather @!p1 [hbm4b:s12+s16], $0x40, $0x38;
	[tilespmem:$0x16C00] =	vst v63  }
0xb0: {  	s14 =	sor.u32 @!p1 $0x80, s15;
	s17 =	sadd.s32 @!p1 $0x8, s12  }
0xb1: {  	[tilespmem:s14], [sflag:s11] =	stream.linear.gather @!p1 [hbm4b:s17+s16], $0x40, $0x38;
	[tilespmem:$0x16C00] =	vst v63  }
0xb2: {  	s14 =	sor.u32 @!p1 $0x100, s15;
	s17 =	sadd.s32 @!p1 $0x10, s12  }
0xb3: {  	[tilespmem:s14], [sflag:s11] =	stream.linear.gather @!p1 [hbm4b:s17+s16], $0x40, $0x38;
	[tilespmem:$0x16C00] =	vst v63  }
0xb4: {  	s14 =	sor.u32 @!p1 $0x180, s15;
	s17 =	sadd.s32 @!p1 $0x18, s12  }
0xb5: {  	[tilespmem:s14], [sflag:s11] =	stream.linear.gather @!p1 [hbm4b:s17+s16], $0x40, $0x38;
	[tilespmem:$0x16C00] =	vst v63  }
0xb6: {  	s14 =	sor.u32 @!p1 $0x200, s15;
	s17 =	sadd.s32 @!p1 $0x20, s12  }
0xb7: {  	[tilespmem:s14], [sflag:s11] =	stream.linear.gather @!p1 [hbm4b:s17+s16], $0x40, $0x38;
	[tilespmem:$0x16C00] =	vst v63  }
0xb8: {  	s14 =	sor.u32 @!p1 $0x280, s15;
	s17 =	sadd.s32 @!p1 $0x28, s12  }
0xb9: {  	[tilespmem:s14], [sflag:s11] =	stream.linear.gather @!p1 [hbm4b:s17+s16], $0x40, $0x38;
	[tilespmem:$0x16C00] =	vst v63  }
0xba: {  	s14 =	sor.u32 @!p1 $0x300, s15;
	s17 =	sadd.s32 @!p1 $0x30, s12  }
0xbb: {  	[tilespmem:s14], [sflag:s11] =	stream.linear.gather @!p1 [hbm4b:s17+s16], $0x40, $0x38;
	[tilespmem:$0x16C00] =	vst v63  }
0xbc: {  	s14 =	sor.u32 @!p1 $0x380, s15;
	s17 =	sadd.s32 @!p1 $0x38, s12  }
0xbd: {  	[tilespmem:s14], [sflag:s11] =	stream.linear.gather @!p1 [hbm4b:s17+s16], $0x40, $0x38;
	[tilespmem:$0x16C00] =	vst v63  }
0xbe: {  	s14 =	sor.u32 @!p1 $0x400, s15;
	s17 =	sadd.s32 @!p1 $0x40, s12  }
0xbf: {  	[tilespmem:s14], [sflag:s11] =	stream.linear.gather @!p1 [hbm4b:s17+s16], $0x40, $0x38;
	[tilespmem:$0x16C00] =	vst v63  }
0xc0: {  	s14 =	sor.u32 @!p1 $0x480, s15;
	s17 =	sadd.s32 @!p1 $0x48, s12  }
0xc1: {  	[tilespmem:s14], [sflag:s11] =	stream.linear.gather @!p1 [hbm4b:s17+s16], $0x40, $0x38;
	[tilespmem:$0x16C00] =	vst v63  }
0xc2: {  	s14 =	sor.u32 @!p1 $0x500, s15;
	s17 =	sadd.s32 @!p1 $0x50, s12  }
0xc3: {  	[tilespmem:s14], [sflag:s11] =	stream.linear.gather @!p1 [hbm4b:s17+s16], $0x40, $0x38;
	[tilespmem:$0x16C00] =	vst v63  }
0xc4: {  	s14 =	sor.u32 @!p1 $0x580, s15;
	s17 =	sadd.s32 @!p1 $0x58, s12  }
0xc5: {  	[tilespmem:s14], [sflag:s11] =	stream.linear.gather @!p1 [hbm4b:s17+s16], $0x40, $0x38;
	[tilespmem:$0x16C00] =	vst v63  }
0xc6: {  	s14 =	sor.u32 @!p1 $0x600, s15;
	s17 =	sadd.s32 @!p1 $0x60, s12  }
0xc7: {  	[tilespmem:s14], [sflag:s11] =	stream.linear.gather @!p1 [hbm4b:s17+s16], $0x40, $0x38;
	[tilespmem:$0x16C00] =	vst v63  }
0xc8: {  	s14 =	sor.u32 @!p1 $0x680, s15;
	s17 =	sadd.s32 @!p1 $0x68, s12  }
0xc9: {  	[tilespmem:s14], [sflag:s11] =	stream.linear.gather @!p1 [hbm4b:s17+s16], $0x40, $0x38;
	[tilespmem:$0x16C00] =	vst v63  }
0xca: {  	s14 =	sor.u32 @!p1 $0x700, s15;
	s17 =	sadd.s32 @!p1 $0x70, s12  }
0xcb: {  	[tilespmem:s14], [sflag:s11] =	stream.linear.gather @!p1 [hbm4b:s17+s16], $0x40, $0x38;
	[tilespmem:$0x16C00] =	vst v63  }
0xcc: {  	s12 =	sadd.s32 @!p1 $0x78, s12;
	s14 =	sor.u32 @!p1 $0x780, s15  }
0xcd: {  	[tilespmem:s14], [sflag:s11] =	stream.linear.gather @!p1 [hbm4b:s12+s16], $0x40, $0x38;
	[tilespmem:$0x16C00] =	vst v63  }
0xce: {  	s11 =	sshll.u32 s10, $0xB  }
0xcf: {  	[spmem:s2] =	stream.indirect.scatter.add.f32 [tilespmem:s7], [sflag:$0x3], $0x80, s11, s9, $0xb8;
	[tilespmem:$0x16C00] =	vst v63  }
0xd0: {  	_ =	swait.ge [sflag:s8], $0x2000  }
0xd1: {  	[sflag:s8] =	ssyncset.done $0x0  }
0xd2: {  	s10 =	sor.u32 $0x80, s11;
	[sflag:s8] =	ssyncadd.s32 $0xFFFFE000  }
0xd3: {  	[spmem:s2] =	stream.indirect.scatter.add.f32 [tilespmem:s7], [sflag:$0x3], $0x80, s10, s9, $0xb8;
	[tilespmem:$0x16C00] =	vst v63  }
0xd4: {  	_ =	swait.ge [sflag:s8], $0x2000  }
0xd5: {  	[sflag:s8] =	ssyncset.done $0x0  }
0xd6: {  	s18 =	sor.u32 $0x100, s11;
	[sflag:s8] =	ssyncadd.s32 $0xFFFFE000  }
0xd7: {  	[spmem:s2] =	stream.indirect.scatter.add.f32 [tilespmem:s7], [sflag:$0x3], $0x80, s18, s9, $0xb8;
	[tilespmem:$0x16C00] =	vst v63  }
0xd8: {  	_ =	swait.ge [sflag:s8], $0x2000  }
0xd9: {  	[sflag:s8] =	ssyncset.done $0x0  }
0xda: {  	s19 =	sor.u32 $0x180, s11;
	[sflag:s8] =	ssyncadd.s32 $0xFFFFE000  }
0xdb: {  	[spmem:s2] =	stream.indirect.scatter.add.f32 [tilespmem:s7], [sflag:$0x3], $0x80, s19, s9, $0xb8;
	[tilespmem:$0x16C00] =	vst v63  }
0xdc: {  	_ =	swait.ge [sflag:s8], $0x2000  }
0xdd: {  	[sflag:s8] =	ssyncset.done $0x0  }
0xde: {  	s20 =	sor.u32 $0x200, s11;
	[sflag:s8] =	ssyncadd.s32 $0xFFFFE000  }
0xdf: {  	[spmem:s2] =	stream.indirect.scatter.add.f32 [tilespmem:s7], [sflag:$0x3], $0x80, s20, s9, $0xb8;
	[tilespmem:$0x16C00] =	vst v63  }
0xe0: {  	_ =	swait.ge [sflag:s8], $0x2000  }
0xe1: {  	[sflag:s8] =	ssyncset.done $0x0  }
0xe2: {  	s21 =	sor.u32 $0x280, s11;
	[sflag:s8] =	ssyncadd.s32 $0xFFFFE000  }
0xe3: {  	[spmem:s2] =	stream.indirect.scatter.add.f32 [tilespmem:s7], [sflag:$0x3], $0x80, s21, s9, $0xb8;
	[tilespmem:$0x16C00] =	vst v63  }
0xe4: {  	_ =	swait.ge [sflag:s8], $0x2000  }
0xe5: {  	[sflag:s8] =	ssyncset.done $0x0  }
0xe6: {  	s12 =	sor.u32 $0x300, s11;
	[sflag:s8] =	ssyncadd.s32 $0xFFFFE000  }
0xe7: {  	[spmem:s2] =	stream.indirect.scatter.add.f32 [tilespmem:s7], [sflag:$0x3], $0x80, s12, s9, $0xb8;
	[tilespmem:$0x16C00] =	vst v63  }
0xe8: {  	_ =	swait.ge [sflag:s8], $0x2000  }
0xe9: {  	[sflag:s8] =	ssyncset.done $0x0  }
0xea: {  	s14 =	sor.u32 $0x380, s11;
	[sflag:s8] =	ssyncadd.s32 $0xFFFFE000  }
0xeb: {  	[spmem:s2] =	stream.indirect.scatter.add.f32 [tilespmem:s7], [sflag:$0x3], $0x80, s14, s9, $0xb8;
	[tilespmem:$0x16C00] =	vst v63  }
0xec: {  	_ =	swait.ge [sflag:s8], $0x2000  }
0xed: {  	[sflag:s8] =	ssyncset.done $0x0  }
0xee: {  	s15 =	sor.u32 $0x400, s11;
	[sflag:s8] =	ssyncadd.s32 $0xFFFFE000  }
0xef: {  	[spmem:s2] =	stream.indirect.scatter.add.f32 [tilespmem:s7], [sflag:$0x3], $0x80, s15, s9, $0xb8;
	[tilespmem:$0x16C00] =	vst v63  }
0xf0: {  	_ =	swait.ge [sflag:s8], $0x2000  }
0xf1: {  	[sflag:s8] =	ssyncset.done $0x0  }
0xf2: {  	s16 =	sor.u32 $0x480, s11;
	[sflag:s8] =	ssyncadd.s32 $0xFFFFE000  }
0xf3: {  	[spmem:s2] =	stream.indirect.scatter.add.f32 [tilespmem:s7], [sflag:$0x3], $0x80, s16, s9, $0xb8;
	[tilespmem:$0x16C00] =	vst v63  }
0xf4: {  	_ =	swait.ge [sflag:s8], $0x2000  }
0xf5: {  	[sflag:s8] =	ssyncset.done $0x0  }
0xf6: {  	s17 =	sor.u32 $0x500, s11;
	[sflag:s8] =	ssyncadd.s32 $0xFFFFE000  }
0xf7: {  	[spmem:s2] =	stream.indirect.scatter.add.f32 [tilespmem:s7], [sflag:$0x3], $0x80, s17, s9, $0xb8;
	[tilespmem:$0x16C00] =	vst v63  }
0xf8: {  	_ =	swait.ge [sflag:s8], $0x2000  }
0xf9: {  	[sflag:s8] =	ssyncset.done $0x0  }
0xfa: {  	s18 =	sor.u32 $0x580, s11;
	[sflag:s8] =	ssyncadd.s32 $0xFFFFE000  }
0xfb: {  	[spmem:s2] =	stream.indirect.scatter.add.f32 [tilespmem:s7], [sflag:$0x3], $0x80, s18, s9, $0xb8;
	[tilespmem:$0x16C00] =	vst v63  }
0xfc: {  	_ =	swait.ge [sflag:s8], $0x2000  }
0xfd: {  	[sflag:s8] =	ssyncset.done $0x0  }
0xfe: {  	s19 =	sor.u32 $0x600, s11;
	[sflag:s8] =	ssyncadd.s32 $0xFFFFE000  }
0xff: {  	[spmem:s2] =	stream.indirect.scatter.add.f32 [tilespmem:s7], [sflag:$0x3], $0x80, s19, s9, $0xb8;
	[tilespmem:$0x16C00] =	vst v63  }
0x100: {  	_ =	swait.ge [sflag:s8], $0x2000  }
0x101: {  	[sflag:s8] =	ssyncset.done $0x0  }
0x102: {  	s20 =	sor.u32 $0x680, s11;
	[sflag:s8] =	ssyncadd.s32 $0xFFFFE000  }
0x103: {  	[spmem:s2] =	stream.indirect.scatter.add.f32 [tilespmem:s7], [sflag:$0x3], $0x80, s20, s9, $0xb8;
	[tilespmem:$0x16C00] =	vst v63  }
0x104: {  	_ =	swait.ge [sflag:s8], $0x2000  }
0x105: {  	[sflag:s8] =	ssyncset.done $0x0  }
0x106: {  	s21 =	sor.u32 $0x700, s11;
	[sflag:s8] =	ssyncadd.s32 $0xFFFFE000  }
0x107: {  	[spmem:s2] =	stream.indirect.scatter.add.f32 [tilespmem:s7], [sflag:$0x3], $0x80, s21, s9, $0xb8;
	[tilespmem:$0x16C00] =	vst v63  }
0x108: {  	_ =	swait.ge [sflag:s8], $0x2000  }
0x109: {  	[sflag:s8] =	ssyncset.done $0x0  }
0x10a: {  	p6 =	por $0x0, $0x0;
	s11 =	sor.u32 $0x780, s11;
	[sflag:s8] =	ssyncadd.s32 $0xFFFFE000  }
0x10b: {  	[spmem:s2] =	stream.indirect.scatter.add.f32 [tilespmem:s7], [sflag:$0x3], $0x80, s11, s9, $0xb8;
	[tilespmem:$0x16C00] =	vst v63  }
0x10c: {  	p1 =	por p6, p6;
	s10 =	simm.s32 $0x80;
	_ =	swait.ge [sflag:s8], $0x2000  }
0x10d: {  	s12 =	simm.s32 $0x1;
	s11 =	simm.s32 $0x100;
	[sflag:s8] =	ssyncset.done $0x0  }
.LBB2_6:
0x10e: {  	s14 =	sand.u32 $0x1, s12  }
0x10f: {  	[sflag:s8] =	ssyncadd.s32 $0xFFFFE000;
	s16 =	sadd.s32 $0x1, s14  }
0x110: {  	_ =	swait.ge [sflag:s16], $0x40  }
0x111: {  	[sflag:s16] =	ssyncset.done $0x0  }
0x112: {  	[sflag:s16] =	ssyncadd.s32 $0xFFFFFFC0  }
0x113: {  	_ =	swait.ge [sflag:s16], $0x40  }
0x114: {  	[sflag:s16] =	ssyncset.done $0x0  }
0x115: {  	[sflag:s16] =	ssyncadd.s32 $0xFFFFFFC0  }
0x116: {  	_ =	swait.ge [sflag:s16], $0x40  }
0x117: {  	[sflag:s16] =	ssyncset.done $0x0  }
0x118: {  	[sflag:s16] =	ssyncadd.s32 $0xFFFFFFC0  }
0x119: {  	_ =	swait.ge [sflag:s16], $0x40  }
0x11a: {  	[sflag:s16] =	ssyncset.done $0x0  }
0x11b: {  	[sflag:s16] =	ssyncadd.s32 $0xFFFFFFC0  }
0x11c: {  	_ =	swait.ge [sflag:s16], $0x40  }
0x11d: {  	[sflag:s16] =	ssyncset.done $0x0  }
0x11e: {  	[sflag:s16] =	ssyncadd.s32 $0xFFFFFFC0  }
0x11f: {  	_ =	swait.ge [sflag:s16], $0x40  }
0x120: {  	[sflag:s16] =	ssyncset.done $0x0  }
0x121: {  	[sflag:s16] =	ssyncadd.s32 $0xFFFFFFC0  }
0x122: {  	_ =	swait.ge [sflag:s16], $0x40  }
0x123: {  	[sflag:s16] =	ssyncset.done $0x0  }
0x124: {  	[sflag:s16] =	ssyncadd.s32 $0xFFFFFFC0  }
0x125: {  	_ =	swait.ge [sflag:s16], $0x40  }
0x126: {  	[sflag:s16] =	ssyncset.done $0x0  }
0x127: {  	[sflag:s16] =	ssyncadd.s32 $0xFFFFFFC0  }
0x128: {  	_ =	swait.ge [sflag:s16], $0x40  }
0x129: {  	[sflag:s16] =	ssyncset.done $0x0  }
0x12a: {  	[sflag:s16] =	ssyncadd.s32 $0xFFFFFFC0  }
0x12b: {  	_ =	swait.ge [sflag:s16], $0x40  }
0x12c: {  	[sflag:s16] =	ssyncset.done $0x0  }
0x12d: {  	[sflag:s16] =	ssyncadd.s32 $0xFFFFFFC0  }
0x12e: {  	_ =	swait.ge [sflag:s16], $0x40  }
0x12f: {  	[sflag:s16] =	ssyncset.done $0x0  }
0x130: {  	[sflag:s16] =	ssyncadd.s32 $0xFFFFFFC0  }
0x131: {  	_ =	swait.ge [sflag:s16], $0x40  }
0x132: {  	[sflag:s16] =	ssyncset.done $0x0  }
0x133: {  	[sflag:s16] =	ssyncadd.s32 $0xFFFFFFC0  }
0x134: {  	_ =	swait.ge [sflag:s16], $0x40  }
0x135: {  	[sflag:s16] =	ssyncset.done $0x0  }
0x136: {  	[sflag:s16] =	ssyncadd.s32 $0xFFFFFFC0  }
0x137: {  	_ =	swait.ge [sflag:s16], $0x40  }
0x138: {  	[sflag:s16] =	ssyncset.done $0x0  }
0x139: {  	[sflag:s16] =	ssyncadd.s32 $0xFFFFFFC0  }
0x13a: {  	_ =	swait.ge [sflag:s16], $0x40  }
0x13b: {  	[sflag:s16] =	ssyncset.done $0x0  }
0x13c: {  	[sflag:s16] =	ssyncadd.s32 $0xFFFFFFC0  }
0x13d: {  	s18 =	simm.s32 @!p1 $0x0;
	s17 =	sxor.u32 @!p1 $0x1, s14;
	_ =	swait.ge [sflag:s16], $0x40  }
0x13e: {  	s19 =	sshll.u32 @!p1 s17, $0xB;
	s20 =	rddreg [dreg:$0x3];
	[sflag:s16] =	ssyncset.done $0x0  }
0x13f: {  	[sflag:s16] =	ssyncadd.s32 $0xFFFFFFC0;
	s16 =	sadd.s32 @!p1 $0x1, s17;
	s17 =	sadd.s32 @!p1 s10, s20  }
0x140: {  	[tilespmem:s19], [sflag:s16] =	stream.linear.gather @!p1 [hbm4b:s17+s18], $0x40, $0x38;
	[tilespmem:$0x16C00] =	vst v63  }
0x141: {  	s15 =	smov.u32 s11;
	s20 =	sor.u32 @!p1 $0x80, s19;
	s21 =	sadd.s32 @!p1 $0x8, s17  }
0x142: {  	[tilespmem:s20], [sflag:s16] =	stream.linear.gather @!p1 [hbm4b:s21+s18], $0x40, $0x38;
	[tilespmem:$0x16C00] =	vst v63  }
0x143: {  	s10 =	smov.u32 s15;
	s15 =	sor.u32 @!p1 $0x100, s19;
	s20 =	sadd.s32 @!p1 $0x10, s17  }
0x144: {  	[tilespmem:s15], [sflag:s16] =	stream.linear.gather @!p1 [hbm4b:s20+s18], $0x40, $0x38;
	[tilespmem:$0x16C00] =	vst v63  }
0x145: {  	s15 =	sor.u32 @!p1 $0x180, s19;
	s20 =	sadd.s32 @!p1 $0x18, s17  }
0x146: {  	[tilespmem:s15], [sflag:s16] =	stream.linear.gather @!p1 [hbm4b:s20+s18], $0x40, $0x38;
	[tilespmem:$0x16C00] =	vst v63  }
0x147: {  	s15 =	sor.u32 @!p1 $0x200, s19;
	s20 =	sadd.s32 @!p1 $0x20, s17  }
0x148: {  	[tilespmem:s15], [sflag:s16] =	stream.linear.gather @!p1 [hbm4b:s20+s18], $0x40, $0x38;
	[tilespmem:$0x16C00] =	vst v63  }
0x149: {  	s15 =	sor.u32 @!p1 $0x280, s19;
	s20 =	sadd.s32 @!p1 $0x28, s17  }
0x14a: {  	[tilespmem:s15], [sflag:s16] =	stream.linear.gather @!p1 [hbm4b:s20+s18], $0x40, $0x38;
	[tilespmem:$0x16C00] =	vst v63  }
0x14b: {  	s15 =	sor.u32 @!p1 $0x300, s19;
	s20 =	sadd.s32 @!p1 $0x30, s17  }
0x14c: {  	[tilespmem:s15], [sflag:s16] =	stream.linear.gather @!p1 [hbm4b:s20+s18], $0x40, $0x38;
	[tilespmem:$0x16C00] =	vst v63  }
0x14d: {  	s15 =	sor.u32 @!p1 $0x380, s19;
	s20 =	sadd.s32 @!p1 $0x38, s17  }
0x14e: {  	[tilespmem:s15], [sflag:s16] =	stream.linear.gather @!p1 [hbm4b:s20+s18], $0x40, $0x38;
	[tilespmem:$0x16C00] =	vst v63  }
0x14f: {  	s15 =	sor.u32 @!p1 $0x400, s19;
	s20 =	sadd.s32 @!p1 $0x40, s17  }
0x150: {  	[tilespmem:s15], [sflag:s16] =	stream.linear.gather @!p1 [hbm4b:s20+s18], $0x40, $0x38;
	[tilespmem:$0x16C00] =	vst v63  }
0x151: {  	s15 =	sor.u32 @!p1 $0x480, s19;
	s20 =	sadd.s32 @!p1 $0x48, s17  }
0x152: {  	[tilespmem:s15], [sflag:s16] =	stream.linear.gather @!p1 [hbm4b:s20+s18], $0x40, $0x38;
	[tilespmem:$0x16C00] =	vst v63  }
0x153: {  	s15 =	sor.u32 @!p1 $0x500, s19;
	s20 =	sadd.s32 @!p1 $0x50, s17  }
0x154: {  	[tilespmem:s15], [sflag:s16] =	stream.linear.gather @!p1 [hbm4b:s20+s18], $0x40, $0x38;
	[tilespmem:$0x16C00] =	vst v63  }
0x155: {  	s15 =	sor.u32 @!p1 $0x580, s19;
	s20 =	sadd.s32 @!p1 $0x58, s17  }
0x156: {  	[tilespmem:s15], [sflag:s16] =	stream.linear.gather @!p1 [hbm4b:s20+s18], $0x40, $0x38;
	[tilespmem:$0x16C00] =	vst v63  }
0x157: {  	s15 =	sor.u32 @!p1 $0x600, s19;
	s20 =	sadd.s32 @!p1 $0x60, s17  }
0x158: {  	[tilespmem:s15], [sflag:s16] =	stream.linear.gather @!p1 [hbm4b:s20+s18], $0x40, $0x38;
	[tilespmem:$0x16C00] =	vst v63  }
0x159: {  	s15 =	sor.u32 @!p1 $0x680, s19;
	s20 =	sadd.s32 @!p1 $0x68, s17  }
0x15a: {  	[tilespmem:s15], [sflag:s16] =	stream.linear.gather @!p1 [hbm4b:s20+s18], $0x40, $0x38;
	[tilespmem:$0x16C00] =	vst v63  }
0x15b: {  	s15 =	sor.u32 @!p1 $0x700, s19;
	s20 =	sadd.s32 @!p1 $0x70, s17  }
0x15c: {  	[tilespmem:s15], [sflag:s16] =	stream.linear.gather @!p1 [hbm4b:s20+s18], $0x40, $0x38;
	[tilespmem:$0x16C00] =	vst v63  }
0x15d: {  	s17 =	sadd.s32 @!p1 $0x78, s17;
	s15 =	sor.u32 @!p1 $0x780, s19  }
0x15e: {  	[tilespmem:s15], [sflag:s16] =	stream.linear.gather @!p1 [hbm4b:s17+s18], $0x40, $0x38;
	[tilespmem:$0x16C00] =	vst v63  }
0x15f: {  	s14 =	sshll.u32 s14, $0xB  }
0x160: {  	[spmem:s2] =	stream.indirect.scatter.add.f32 [tilespmem:s7], [sflag:$0x3], $0x80, s14, s9, $0xb8;
	[tilespmem:$0x16C00] =	vst v63  }
0x161: {  	_ =	swait.ge [sflag:s8], $0x2000  }
0x162: {  	[sflag:s8] =	ssyncset.done $0x0  }
0x163: {  	s20 =	sor.u32 $0x80, s14;
	[sflag:s8] =	ssyncadd.s32 $0xFFFFE000  }
0x164: {  	[spmem:s2] =	stream.indirect.scatter.add.f32 [tilespmem:s7], [sflag:$0x3], $0x80, s20, s9, $0xb8;
	[tilespmem:$0x16C00] =	vst v63  }
0x165: {  	_ =	swait.ge [sflag:s8], $0x2000  }
0x166: {  	[sflag:s8] =	ssyncset.done $0x0  }
0x167: {  	s21 =	sor.u32 $0x100, s14;
	[sflag:s8] =	ssyncadd.s32 $0xFFFFE000  }
0x168: {  	[spmem:s2] =	stream.indirect.scatter.add.f32 [tilespmem:s7], [sflag:$0x3], $0x80, s21, s9, $0xb8;
	[tilespmem:$0x16C00] =	vst v63  }
0x169: {  	_ =	swait.ge [sflag:s8], $0x2000  }
0x16a: {  	[sflag:s8] =	ssyncset.done $0x0  }
0x16b: {  	s16 =	sor.u32 $0x180, s14;
	[sflag:s8] =	ssyncadd.s32 $0xFFFFE000  }
0x16c: {  	[spmem:s2] =	stream.indirect.scatter.add.f32 [tilespmem:s7], [sflag:$0x3], $0x80, s16, s9, $0xb8;
	[tilespmem:$0x16C00] =	vst v63  }
0x16d: {  	_ =	swait.ge [sflag:s8], $0x2000  }
0x16e: {  	[sflag:s8] =	ssyncset.done $0x0  }
0x16f: {  	s17 =	sor.u32 $0x200, s14;
	[sflag:s8] =	ssyncadd.s32 $0xFFFFE000  }
0x170: {  	[spmem:s2] =	stream.indirect.scatter.add.f32 [tilespmem:s7], [sflag:$0x3], $0x80, s17, s9, $0xb8;
	[tilespmem:$0x16C00] =	vst v63  }
0x171: {  	_ =	swait.ge [sflag:s8], $0x2000  }
0x172: {  	[sflag:s8] =	ssyncset.done $0x0  }
0x173: {  	s18 =	sor.u32 $0x280, s14;
	[sflag:s8] =	ssyncadd.s32 $0xFFFFE000  }
0x174: {  	[spmem:s2] =	stream.indirect.scatter.add.f32 [tilespmem:s7], [sflag:$0x3], $0x80, s18, s9, $0xb8;
	[tilespmem:$0x16C00] =	vst v63  }
0x175: {  	_ =	swait.ge [sflag:s8], $0x2000  }
0x176: {  	[sflag:s8] =	ssyncset.done $0x0  }
0x177: {  	s19 =	sor.u32 $0x300, s14;
	[sflag:s8] =	ssyncadd.s32 $0xFFFFE000  }
0x178: {  	[spmem:s2] =	stream.indirect.scatter.add.f32 [tilespmem:s7], [sflag:$0x3], $0x80, s19, s9, $0xb8;
	[tilespmem:$0x16C00] =	vst v63  }
0x179: {  	_ =	swait.ge [sflag:s8], $0x2000  }
0x17a: {  	[sflag:s8] =	ssyncset.done $0x0  }
0x17b: {  	s20 =	sor.u32 $0x380, s14;
	[sflag:s8] =	ssyncadd.s32 $0xFFFFE000  }
0x17c: {  	[spmem:s2] =	stream.indirect.scatter.add.f32 [tilespmem:s7], [sflag:$0x3], $0x80, s20, s9, $0xb8;
	[tilespmem:$0x16C00] =	vst v63  }
0x17d: {  	_ =	swait.ge [sflag:s8], $0x2000  }
0x17e: {  	[sflag:s8] =	ssyncset.done $0x0  }
0x17f: {  	s21 =	sor.u32 $0x400, s14;
	[sflag:s8] =	ssyncadd.s32 $0xFFFFE000  }
0x180: {  	[spmem:s2] =	stream.indirect.scatter.add.f32 [tilespmem:s7], [sflag:$0x3], $0x80, s21, s9, $0xb8;
	[tilespmem:$0x16C00] =	vst v63  }
0x181: {  	_ =	swait.ge [sflag:s8], $0x2000  }
0x182: {  	[sflag:s8] =	ssyncset.done $0x0  }
0x183: {  	s16 =	sor.u32 $0x480, s14;
	[sflag:s8] =	ssyncadd.s32 $0xFFFFE000  }
0x184: {  	[spmem:s2] =	stream.indirect.scatter.add.f32 [tilespmem:s7], [sflag:$0x3], $0x80, s16, s9, $0xb8;
	[tilespmem:$0x16C00] =	vst v63  }
0x185: {  	_ =	swait.ge [sflag:s8], $0x2000  }
0x186: {  	[sflag:s8] =	ssyncset.done $0x0  }
0x187: {  	s17 =	sor.u32 $0x500, s14;
	[sflag:s8] =	ssyncadd.s32 $0xFFFFE000  }
0x188: {  	[spmem:s2] =	stream.indirect.scatter.add.f32 [tilespmem:s7], [sflag:$0x3], $0x80, s17, s9, $0xb8;
	[tilespmem:$0x16C00] =	vst v63  }
0x189: {  	_ =	swait.ge [sflag:s8], $0x2000  }
0x18a: {  	[sflag:s8] =	ssyncset.done $0x0  }
0x18b: {  	s18 =	sor.u32 $0x580, s14;
	[sflag:s8] =	ssyncadd.s32 $0xFFFFE000  }
0x18c: {  	[spmem:s2] =	stream.indirect.scatter.add.f32 [tilespmem:s7], [sflag:$0x3], $0x80, s18, s9, $0xb8;
	[tilespmem:$0x16C00] =	vst v63  }
0x18d: {  	_ =	swait.ge [sflag:s8], $0x2000  }
0x18e: {  	[sflag:s8] =	ssyncset.done $0x0  }
0x18f: {  	s19 =	sor.u32 $0x600, s14;
	[sflag:s8] =	ssyncadd.s32 $0xFFFFE000  }
0x190: {  	[spmem:s2] =	stream.indirect.scatter.add.f32 [tilespmem:s7], [sflag:$0x3], $0x80, s19, s9, $0xb8;
	[tilespmem:$0x16C00] =	vst v63  }
0x191: {  	_ =	swait.ge [sflag:s8], $0x2000  }
0x192: {  	[sflag:s8] =	ssyncset.done $0x0  }
0x193: {  	s20 =	sor.u32 $0x680, s14;
	[sflag:s8] =	ssyncadd.s32 $0xFFFFE000  }
0x194: {  	[spmem:s2] =	stream.indirect.scatter.add.f32 [tilespmem:s7], [sflag:$0x3], $0x80, s20, s9, $0xb8;
	[tilespmem:$0x16C00] =	vst v63  }
0x195: {  	_ =	swait.ge [sflag:s8], $0x2000  }
0x196: {  	p3 =	seq.s32 s11, $0x480;
	[sflag:s8] =	ssyncset.done $0x0  }
0x197: {  	s11 =	sadd.s32 $0x80, s11;
	s21 =	sor.u32 $0x700, s14;
	[sflag:s8] =	ssyncadd.s32 $0xFFFFE000  }
0x198: {  	[spmem:s2] =	stream.indirect.scatter.add.f32 [tilespmem:s7], [sflag:$0x3], $0x80, s21, s9, $0xb8;
	[tilespmem:$0x16C00] =	vst v63  }
0x199: {  	p2 =	sne.s32 s11, $0x500;
	_ =	swait.ge [sflag:s8], $0x2000  }
.Ltmp2:
0x19a: {  	[sflag:s8] =	ssyncset.done $0x0;
	(pc) =	sbr.rel @p2 .LBB2_6-.Ltmp2, $4  }
0x19b: {  	s14 =	sor.u32 $0x780, s14;
	[sflag:s8] =	ssyncadd.s32 $0xFFFFE000  }
0x19c: {  	[spmem:s2] =	stream.indirect.scatter.add.f32 [tilespmem:s7], [sflag:$0x3], $0x80, s14, s9, $0xb8;
	[tilespmem:$0x16C00] =	vst v63  }
0x19d: {  	_ =	swait.ge [sflag:s8], $0x2000  }
0x19e: {  	s12 =	sadd.s32 $0x1, s12;
	p1 =	por p3, p3;
	[sflag:s8] =	ssyncset.done $0x0  }
0x19f: {  	s11 =	sand.u32 $0x1, s12  }
0x1a0: {  	[sflag:s8] =	ssyncadd.s32 $0xFFFFE000;
	s12 =	sadd.s32 $0x1, s11  }
0x1a1: {  	_ =	swait.ge [sflag:s12], $0x40  }
0x1a2: {  	[sflag:s12] =	ssyncset.done $0x0  }
0x1a3: {  	[sflag:s12] =	ssyncadd.s32 $0xFFFFFFC0  }
0x1a4: {  	_ =	swait.ge [sflag:s12], $0x40  }
0x1a5: {  	[sflag:s12] =	ssyncset.done $0x0  }
0x1a6: {  	[sflag:s12] =	ssyncadd.s32 $0xFFFFFFC0  }
0x1a7: {  	_ =	swait.ge [sflag:s12], $0x40  }
0x1a8: {  	[sflag:s12] =	ssyncset.done $0x0  }
0x1a9: {  	[sflag:s12] =	ssyncadd.s32 $0xFFFFFFC0  }
0x1aa: {  	_ =	swait.ge [sflag:s12], $0x40  }
0x1ab: {  	[sflag:s12] =	ssyncset.done $0x0  }
0x1ac: {  	[sflag:s12] =	ssyncadd.s32 $0xFFFFFFC0  }
0x1ad: {  	_ =	swait.ge [sflag:s12], $0x40  }
0x1ae: {  	[sflag:s12] =	ssyncset.done $0x0  }
0x1af: {  	[sflag:s12] =	ssyncadd.s32 $0xFFFFFFC0  }
0x1b0: {  	_ =	swait.ge [sflag:s12], $0x40  }
0x1b1: {  	[sflag:s12] =	ssyncset.done $0x0  }
0x1b2: {  	[sflag:s12] =	ssyncadd.s32 $0xFFFFFFC0  }
0x1b3: {  	_ =	swait.ge [sflag:s12], $0x40  }
0x1b4: {  	[sflag:s12] =	ssyncset.done $0x0  }
0x1b5: {  	[sflag:s12] =	ssyncadd.s32 $0xFFFFFFC0  }
0x1b6: {  	_ =	swait.ge [sflag:s12], $0x40  }
0x1b7: {  	[sflag:s12] =	ssyncset.done $0x0  }
0x1b8: {  	[sflag:s12] =	ssyncadd.s32 $0xFFFFFFC0  }
0x1b9: {  	_ =	swait.ge [sflag:s12], $0x40  }
0x1ba: {  	[sflag:s12] =	ssyncset.done $0x0  }
0x1bb: {  	[sflag:s12] =	ssyncadd.s32 $0xFFFFFFC0  }
0x1bc: {  	_ =	swait.ge [sflag:s12], $0x40  }
0x1bd: {  	[sflag:s12] =	ssyncset.done $0x0  }
0x1be: {  	[sflag:s12] =	ssyncadd.s32 $0xFFFFFFC0  }
0x1bf: {  	_ =	swait.ge [sflag:s12], $0x40  }
0x1c0: {  	[sflag:s12] =	ssyncset.done $0x0  }
0x1c1: {  	[sflag:s12] =	ssyncadd.s32 $0xFFFFFFC0  }
0x1c2: {  	_ =	swait.ge [sflag:s12], $0x40  }
0x1c3: {  	[sflag:s12] =	ssyncset.done $0x0  }
0x1c4: {  	[sflag:s12] =	ssyncadd.s32 $0xFFFFFFC0  }
0x1c5: {  	_ =	swait.ge [sflag:s12], $0x40  }
0x1c6: {  	[sflag:s12] =	ssyncset.done $0x0  }
0x1c7: {  	[sflag:s12] =	ssyncadd.s32 $0xFFFFFFC0  }
0x1c8: {  	_ =	swait.ge [sflag:s12], $0x40  }
0x1c9: {  	[sflag:s12] =	ssyncset.done $0x0  }
0x1ca: {  	[sflag:s12] =	ssyncadd.s32 $0xFFFFFFC0  }
0x1cb: {  	_ =	swait.ge [sflag:s12], $0x40  }
0x1cc: {  	[sflag:s12] =	ssyncset.done $0x0  }
0x1cd: {  	[sflag:s12] =	ssyncadd.s32 $0xFFFFFFC0  }
0x1ce: {  	s17 =	simm.s32 @!p1 $0x0;
	s15 =	sxor.u32 @!p1 $0x1, s11;
	_ =	swait.ge [sflag:s12], $0x40  }
0x1cf: {  	s16 =	sshll.u32 @!p1 s15, $0xB;
	s14 =	rddreg [dreg:$0x3];
	[sflag:s12] =	ssyncset.done $0x0  }
0x1d0: {  	[sflag:s12] =	ssyncadd.s32 $0xFFFFFFC0;
	s12 =	sadd.s32 @!p1 $0x1, s15;
	s10 =	sadd.s32 @!p1 s10, s14  }
0x1d1: {  	[tilespmem:s16], [sflag:s12] =	stream.linear.gather @!p1 [hbm4b:s10+s17], $0x40, $0x38;
	[tilespmem:$0x16C00] =	vst v63  }
0x1d2: {  	s14 =	sor.u32 @!p1 $0x80, s16;
	s15 =	sadd.s32 @!p1 $0x8, s10  }
0x1d3: {  	[tilespmem:s14], [sflag:s12] =	stream.linear.gather @!p1 [hbm4b:s15+s17], $0x40, $0x38;
	[tilespmem:$0x16C00] =	vst v63  }
0x1d4: {  	s14 =	sor.u32 @!p1 $0x100, s16;
	s15 =	sadd.s32 @!p1 $0x10, s10  }
0x1d5: {  	[tilespmem:s14], [sflag:s12] =	stream.linear.gather @!p1 [hbm4b:s15+s17], $0x40, $0x38;
	[tilespmem:$0x16C00] =	vst v63  }
0x1d6: {  	s14 =	sor.u32 @!p1 $0x180, s16;
	s15 =	sadd.s32 @!p1 $0x18, s10  }
0x1d7: {  	[tilespmem:s14], [sflag:s12] =	stream.linear.gather @!p1 [hbm4b:s15+s17], $0x40, $0x38;
	[tilespmem:$0x16C00] =	vst v63  }
0x1d8: {  	s14 =	sor.u32 @!p1 $0x200, s16;
	s15 =	sadd.s32 @!p1 $0x20, s10  }
0x1d9: {  	[tilespmem:s14], [sflag:s12] =	stream.linear.gather @!p1 [hbm4b:s15+s17], $0x40, $0x38;
	[tilespmem:$0x16C00] =	vst v63  }
0x1da: {  	s14 =	sor.u32 @!p1 $0x280, s16;
	s15 =	sadd.s32 @!p1 $0x28, s10  }
0x1db: {  	[tilespmem:s14], [sflag:s12] =	stream.linear.gather @!p1 [hbm4b:s15+s17], $0x40, $0x38;
	[tilespmem:$0x16C00] =	vst v63  }
0x1dc: {  	s14 =	sor.u32 @!p1 $0x300, s16;
	s15 =	sadd.s32 @!p1 $0x30, s10  }
0x1dd: {  	[tilespmem:s14], [sflag:s12] =	stream.linear.gather @!p1 [hbm4b:s15+s17], $0x40, $0x38;
	[tilespmem:$0x16C00] =	vst v63  }
0x1de: {  	s14 =	sor.u32 @!p1 $0x380, s16;
	s15 =	sadd.s32 @!p1 $0x38, s10  }
0x1df: {  	[tilespmem:s14], [sflag:s12] =	stream.linear.gather @!p1 [hbm4b:s15+s17], $0x40, $0x38;
	[tilespmem:$0x16C00] =	vst v63  }
0x1e0: {  	s14 =	sor.u32 @!p1 $0x400, s16;
	s15 =	sadd.s32 @!p1 $0x40, s10  }
0x1e1: {  	[tilespmem:s14], [sflag:s12] =	stream.linear.gather @!p1 [hbm4b:s15+s17], $0x40, $0x38;
	[tilespmem:$0x16C00] =	vst v63  }
0x1e2: {  	s14 =	sor.u32 @!p1 $0x480, s16;
	s15 =	sadd.s32 @!p1 $0x48, s10  }
0x1e3: {  	[tilespmem:s14], [sflag:s12] =	stream.linear.gather @!p1 [hbm4b:s15+s17], $0x40, $0x38;
	[tilespmem:$0x16C00] =	vst v63  }
0x1e4: {  	s14 =	sor.u32 @!p1 $0x500, s16;
	s15 =	sadd.s32 @!p1 $0x50, s10  }
0x1e5: {  	[tilespmem:s14], [sflag:s12] =	stream.linear.gather @!p1 [hbm4b:s15+s17], $0x40, $0x38;
	[tilespmem:$0x16C00] =	vst v63  }
0x1e6: {  	s14 =	sor.u32 @!p1 $0x580, s16;
	s15 =	sadd.s32 @!p1 $0x58, s10  }
0x1e7: {  	[tilespmem:s14], [sflag:s12] =	stream.linear.gather @!p1 [hbm4b:s15+s17], $0x40, $0x38;
	[tilespmem:$0x16C00] =	vst v63  }
0x1e8: {  	s14 =	sor.u32 @!p1 $0x600, s16;
	s15 =	sadd.s32 @!p1 $0x60, s10  }
0x1e9: {  	[tilespmem:s14], [sflag:s12] =	stream.linear.gather @!p1 [hbm4b:s15+s17], $0x40, $0x38;
	[tilespmem:$0x16C00] =	vst v63  }
0x1ea: {  	s14 =	sor.u32 @!p1 $0x680, s16;
	s15 =	sadd.s32 @!p1 $0x68, s10  }
0x1eb: {  	[tilespmem:s14], [sflag:s12] =	stream.linear.gather @!p1 [hbm4b:s15+s17], $0x40, $0x38;
	[tilespmem:$0x16C00] =	vst v63  }
0x1ec: {  	s14 =	sor.u32 @!p1 $0x700, s16;
	s15 =	sadd.s32 @!p1 $0x70, s10  }
0x1ed: {  	[tilespmem:s14], [sflag:s12] =	stream.linear.gather @!p1 [hbm4b:s15+s17], $0x40, $0x38;
	[tilespmem:$0x16C00] =	vst v63  }
0x1ee: {  	s10 =	sadd.s32 @!p1 $0x78, s10;
	s14 =	sor.u32 @!p1 $0x780, s16  }
0x1ef: {  	[tilespmem:s14], [sflag:s12] =	stream.linear.gather @!p1 [hbm4b:s10+s17], $0x40, $0x38;
	[tilespmem:$0x16C00] =	vst v63  }
0x1f0: {  	s10 =	sshll.u32 s11, $0xB  }
0x1f1: {  	[spmem:s2] =	stream.indirect.scatter.add.f32 [tilespmem:s7], [sflag:$0x3], $0x80, s10, s9, $0xb8;
	[tilespmem:$0x16C00] =	vst v63  }
0x1f2: {  	_ =	swait.ge [sflag:s8], $0x2000  }
0x1f3: {  	[sflag:s8] =	ssyncset.done $0x0  }
0x1f4: {  	s11 =	sor.u32 $0x80, s10;
	[sflag:s8] =	ssyncadd.s32 $0xFFFFE000  }
0x1f5: {  	[spmem:s2] =	stream.indirect.scatter.add.f32 [tilespmem:s7], [sflag:$0x3], $0x80, s11, s9, $0xb8;
	[tilespmem:$0x16C00] =	vst v63  }
0x1f6: {  	_ =	swait.ge [sflag:s8], $0x2000  }
0x1f7: {  	[sflag:s8] =	ssyncset.done $0x0  }
0x1f8: {  	s18 =	sor.u32 $0x100, s10;
	[sflag:s8] =	ssyncadd.s32 $0xFFFFE000  }
0x1f9: {  	[spmem:s2] =	stream.indirect.scatter.add.f32 [tilespmem:s7], [sflag:$0x3], $0x80, s18, s9, $0xb8;
	[tilespmem:$0x16C00] =	vst v63  }
0x1fa: {  	_ =	swait.ge [sflag:s8], $0x2000  }
0x1fb: {  	[sflag:s8] =	ssyncset.done $0x0  }
0x1fc: {  	s19 =	sor.u32 $0x180, s10;
	[sflag:s8] =	ssyncadd.s32 $0xFFFFE000  }
0x1fd: {  	[spmem:s2] =	stream.indirect.scatter.add.f32 [tilespmem:s7], [sflag:$0x3], $0x80, s19, s9, $0xb8;
	[tilespmem:$0x16C00] =	vst v63  }
0x1fe: {  	_ =	swait.ge [sflag:s8], $0x2000  }
0x1ff: {  	[sflag:s8] =	ssyncset.done $0x0  }
0x200: {  	s20 =	sor.u32 $0x200, s10;
	[sflag:s8] =	ssyncadd.s32 $0xFFFFE000  }
0x201: {  	[spmem:s2] =	stream.indirect.scatter.add.f32 [tilespmem:s7], [sflag:$0x3], $0x80, s20, s9, $0xb8;
	[tilespmem:$0x16C00] =	vst v63  }
0x202: {  	_ =	swait.ge [sflag:s8], $0x2000  }
0x203: {  	[sflag:s8] =	ssyncset.done $0x0  }
0x204: {  	s21 =	sor.u32 $0x280, s10;
	[sflag:s8] =	ssyncadd.s32 $0xFFFFE000  }
0x205: {  	[spmem:s2] =	stream.indirect.scatter.add.f32 [tilespmem:s7], [sflag:$0x3], $0x80, s21, s9, $0xb8;
	[tilespmem:$0x16C00] =	vst v63  }
0x206: {  	_ =	swait.ge [sflag:s8], $0x2000  }
0x207: {  	[sflag:s8] =	ssyncset.done $0x0  }
0x208: {  	s12 =	sor.u32 $0x300, s10;
	[sflag:s8] =	ssyncadd.s32 $0xFFFFE000  }
0x209: {  	[spmem:s2] =	stream.indirect.scatter.add.f32 [tilespmem:s7], [sflag:$0x3], $0x80, s12, s9, $0xb8;
	[tilespmem:$0x16C00] =	vst v63  }
0x20a: {  	_ =	swait.ge [sflag:s8], $0x2000  }
0x20b: {  	[sflag:s8] =	ssyncset.done $0x0  }
0x20c: {  	s14 =	sor.u32 $0x380, s10;
	[sflag:s8] =	ssyncadd.s32 $0xFFFFE000  }
0x20d: {  	[spmem:s2] =	stream.indirect.scatter.add.f32 [tilespmem:s7], [sflag:$0x3], $0x80, s14, s9, $0xb8;
	[tilespmem:$0x16C00] =	vst v63  }
0x20e: {  	_ =	swait.ge [sflag:s8], $0x2000  }
0x20f: {  	[sflag:s8] =	ssyncset.done $0x0  }
0x210: {  	s15 =	sor.u32 $0x400, s10;
	[sflag:s8] =	ssyncadd.s32 $0xFFFFE000  }
0x211: {  	[spmem:s2] =	stream.indirect.scatter.add.f32 [tilespmem:s7], [sflag:$0x3], $0x80, s15, s9, $0xb8;
	[tilespmem:$0x16C00] =	vst v63  }
0x212: {  	_ =	swait.ge [sflag:s8], $0x2000  }
0x213: {  	[sflag:s8] =	ssyncset.done $0x0  }
0x214: {  	s16 =	sor.u32 $0x480, s10;
	[sflag:s8] =	ssyncadd.s32 $0xFFFFE000  }
0x215: {  	[spmem:s2] =	stream.indirect.scatter.add.f32 [tilespmem:s7], [sflag:$0x3], $0x80, s16, s9, $0xb8;
	[tilespmem:$0x16C00] =	vst v63  }
0x216: {  	_ =	swait.ge [sflag:s8], $0x2000  }
0x217: {  	[sflag:s8] =	ssyncset.done $0x0  }
0x218: {  	s17 =	sor.u32 $0x500, s10;
	[sflag:s8] =	ssyncadd.s32 $0xFFFFE000  }
0x219: {  	[spmem:s2] =	stream.indirect.scatter.add.f32 [tilespmem:s7], [sflag:$0x3], $0x80, s17, s9, $0xb8;
	[tilespmem:$0x16C00] =	vst v63  }
0x21a: {  	_ =	swait.ge [sflag:s8], $0x2000  }
0x21b: {  	[sflag:s8] =	ssyncset.done $0x0  }
0x21c: {  	s18 =	sor.u32 $0x580, s10;
	[sflag:s8] =	ssyncadd.s32 $0xFFFFE000  }
0x21d: {  	[spmem:s2] =	stream.indirect.scatter.add.f32 [tilespmem:s7], [sflag:$0x3], $0x80, s18, s9, $0xb8;
	[tilespmem:$0x16C00] =	vst v63  }
0x21e: {  	_ =	swait.ge [sflag:s8], $0x2000  }
0x21f: {  	[sflag:s8] =	ssyncset.done $0x0  }
0x220: {  	s19 =	sor.u32 $0x600, s10;
	[sflag:s8] =	ssyncadd.s32 $0xFFFFE000  }
0x221: {  	[spmem:s2] =	stream.indirect.scatter.add.f32 [tilespmem:s7], [sflag:$0x3], $0x80, s19, s9, $0xb8;
	[tilespmem:$0x16C00] =	vst v63  }
0x222: {  	_ =	swait.ge [sflag:s8], $0x2000  }
0x223: {  	[sflag:s8] =	ssyncset.done $0x0  }
0x224: {  	s20 =	sor.u32 $0x680, s10;
	[sflag:s8] =	ssyncadd.s32 $0xFFFFE000  }
0x225: {  	[spmem:s2] =	stream.indirect.scatter.add.f32 [tilespmem:s7], [sflag:$0x3], $0x80, s20, s9, $0xb8;
	[tilespmem:$0x16C00] =	vst v63  }
0x226: {  	_ =	swait.ge [sflag:s8], $0x2000  }
0x227: {  	[sflag:s8] =	ssyncset.done $0x0  }
0x228: {  	s21 =	sor.u32 $0x700, s10;
	[sflag:s8] =	ssyncadd.s32 $0xFFFFE000  }
0x229: {  	[spmem:s2] =	stream.indirect.scatter.add.f32 [tilespmem:s7], [sflag:$0x3], $0x80, s21, s9, $0xb8;
	[tilespmem:$0x16C00] =	vst v63  }
0x22a: {  	_ =	swait.ge [sflag:s8], $0x2000  }
0x22b: {  	[sflag:s8] =	ssyncset.done $0x0  }
0x22c: {  	s10 =	sor.u32 $0x780, s10;
	[sflag:s8] =	ssyncadd.s32 $0xFFFFE000  }
0x22d: {  	[spmem:s2] =	stream.indirect.scatter.add.f32 [tilespmem:s7], [sflag:$0x3], $0x80, s10, s9, $0xb8;
	[tilespmem:$0x16C00] =	vst v63  }
0x22e: {  	_ =	swait.ge [sflag:s8], $0x2000  }
0x22f: {  	[sflag:s8] =	ssyncset.done $0x0  }
0x230: {  	[sflag:s8] =	ssyncadd.s32 $0xFFFFE000  }
0x231: {  	s10 =	simm.s32 @p0 $0x1FC3;
	[bflag:$0x0] =	sbarrier.arrive $0xFFFF  }
0x232: {  	[hbm:s22], [sflag:s10] =	dma.local @p0 [spmem:s24], $0x2800  }
0x233: {  	s10 =	simm.s32 @p0 $0x3  }
0x234: {  	s3 =	sadd.s32 $0x1, s3;
	s11 =	stileid.u32;
	_ =	swait.ge @p0 [sflag:s10], $0x2800  }
0x235: {  	p1 =	sne.s32 s3, s23;
	s11 =	sshll.u32 @!p0 s11, $0x6;
	[sflag:s10] =	ssyncset.done @p0 $0x0  }
0x236: {  	[sflag:s10] =	ssyncadd.s32 @p0 $0xFFFFD800;
	s10 =	sor.u32 @!p0 $0x1C03, s11;
	s11 =	rddreg [dreg:$0x11]  }
0x237: {  	[hbm:s11], [sflag:s10] =	dma.local @!p0 [spmem:s25], $0x2700  }
.Ltmp3:
0x238: {  	_ = 	snop;
	(pc) =	sbr.rel @p1 .LBB2_1-.Ltmp3, $4  }
0x239: {  	s10 =	simm.s32 @!p0 $0x3  }
0x23a: {  	_ =	swait.ge @!p0 [sflag:s10], $0x2700  }
0x23b: {  	[sflag:s10] =	ssyncset.done @!p0 $0x0  }
0x23c: {  	[sflag:s10] =	ssyncadd.s32 @!p0 $0xFFFFD900  }
0x23d: {  	_ =	sfence.sel $0x180000  }
0x23e: {  	[bflag:$0x0] =	sbarrier.arrive $0xFFFF  }
0x23f: {  	_ =	strace $0x9000004A  }
0x240: {  	s0 =	stileid.u32;
	[bflag:$0x2] =	sbarrier.arrive $0xFFFF  }
0x241: {  	p0 =	sne.s32 s0, $0x0;
	s0 =	rddreg [dreg:$0x2]  }
0x242: {  	s0 =	sadd.s32 @!p0 $0x100000, s0  }
0x243: {  	[sflag:s0] =	ssyncadd.tile.s32 @!p0 $0x1;
	_ =	shalt  }
.Lfunc_end2:
_tile_overlayer_lowered:
.L_overlay_start_2:
0x244: {  	(tag) =	ssettag $0x2  }
0x245: {  	s0 =	rddreg [dreg:$0x0];
	s2 =	stileid.u32  }
0x246: {  	s1 =	rddreg [dreg:$0x1];
	p0 =	sne.s32 s2, $0x0  }
0x247: {  	s3 =	rddreg [dreg:$0x2];
	[bflag:$0x3] =	sbarrier.arrive $0xFFFF;
	s2 =	simm.s32 @!p0 $0x1C03  }
0x248: {  	[timem:s3], [sflag:s2] =	dma.local @!p0 [hbm:s0], s1  }
0x249: {  	s0 =	simm.s32 @!p0 $0x3  }
0x24a: {  	_ =	swait.ge @!p0 [sflag:s0], s1  }
0x24b: {  	s1 =	ssub.s32 @!p0 $0x0, s1;
	[sflag:s0] =	ssyncset.done @!p0 $0x0  }
0x24c: {  	[sflag:s0] =	ssyncadd.s32 @!p0 s1  }
0x24d: {  	[bflag:$0x3] =	sbarrier.arrive $0xFFFF  }
0x24e: {  	_ =	shalt  }

</sc_bundles>
